<compile_context>
chip_gen: v7x
topology: tpu7x:2x2x1
jax: 0.10.2.dev20260603
libtpu: 0.0.44.dev20260713+nightly
codegen_flags: <defaults>
</compile_context>

<pallas_src>
import functools

import jax
import jax.numpy as jnp
from jax import lax
from jax.experimental import pallas as pl
from jax.experimental.pallas import tpu as pltpu
from jax.experimental.pallas import tpu_sc as plsc

L = 16
IDX_W = 128


def _make_transpose_pair(N, D):
    BI = 28672
    grid = (N + BI - 1) // BI

    def body(s_t_ref, out_ref):
        x = s_t_ref[...]
        k2 = lax.broadcasted_iota(jnp.int32, (128, 256), 0)
        j2 = lax.broadcasted_iota(jnp.int32, (128, 256), 1)
        pe = (j2 == 2 * k2).astype(jnp.float32)
        po = (j2 == 2 * k2 + 1).astype(jnp.float32)
        for c in range(BI // 256):
            xc = x[:, c * 256:(c + 1) * 256]
            xte = jax.lax.dot_general(
                pe, xc, dimension_numbers=(((1,), (1,)), ((), ())),
                preferred_element_type=jnp.float32)
            xto = jax.lax.dot_general(
                po, xc, dimension_numbers=(((1,), (1,)), ((), ())),
                preferred_element_type=jnp.float32)
            out_ref[pl.ds(c * 128, 128), 0:D] = xte
            out_ref[pl.ds(c * 128, 128), D:2 * D] = xto

    return pl.pallas_call(
        body,
        grid=(grid,),
        in_specs=[pl.BlockSpec((D, BI), lambda j: (0, j))],
        out_specs=pl.BlockSpec((BI // 2, 2 * D), lambda j: (j, 0)),
        out_shape=jax.ShapeDtypeStruct((N // 2, 2 * D), jnp.float32),
    )


def _make_composer(B, N, D):
    info = plsc.get_sparse_core_info()
    nc, ns = info.num_cores, info.num_subcores
    nw = nc * ns
    chunk = B // nw
    n_gather = chunk // IDX_W
    W = D + D + 2

    mesh = plsc.VectorSubcoreMesh(core_axis_name="c", subcore_axis_name="s")

    @functools.partial(
        pl.kernel,
        mesh=mesh,
        compiler_params=pltpu.CompilerParams(use_tc_tiling_on_sc=False,
                                             needs_layout_passes=False),
        out_type=jax.ShapeDtypeStruct((B, W), jnp.float32),
        scratch_types=[
            pltpu.VMEM((n_gather, IDX_W), jnp.int32),
            pltpu.VMEM((n_gather, IDX_W), jnp.int32),
            pltpu.VMEM((n_gather, IDX_W), jnp.int32),
            pltpu.VMEM((2, IDX_W, D), jnp.float32),
            pltpu.VMEM((2, IDX_W, D), jnp.float32),
            pltpu.VMEM((chunk, W), jnp.float32),
            pltpu.SemaphoreType.DMA,
            pltpu.SemaphoreType.DMA,
            pltpu.SemaphoreType.DMA,
            pltpu.SemaphoreType.DMA,
        ],
    )
    def composer(batch_hbm, s_hbm, out_hbm, idx_obj, idx_nb, tv,
                 st_obj, st_nb, rows_v, sem_o0, sem_o1, sem_n0, sem_n1):
        sem_o = (sem_o0, sem_o1)
        sem_n = (sem_n0, sem_n1)
        cid = lax.axis_index("c")
        sid = lax.axis_index("s")
        wid = cid * ns + sid
        base = wid * chunk

        for g in range(n_gather):
            blk = pl.ds(base + g * IDX_W, IDX_W)
            pltpu.sync_copy(batch_hbm.at[0, blk], idx_obj.at[g])
            pltpu.sync_copy(batch_hbm.at[1, blk], idx_nb.at[g])
            pltpu.sync_copy(batch_hbm.at[2, blk], tv.at[g])

        iota = lax.iota(jnp.int32, L)
        ct = jnp.full((L,), 2 * D, jnp.int32)
        co = jnp.full((L,), 2 * D + 1, jnp.int32)

        for j in range(chunk // L):
            r = iota + j * L
            g, w = j // (IDX_W // L), (j % (IDX_W // L)) * L
            o = idx_obj[g, pl.ds(w, L)]
            t = tv[g, pl.ds(w, L)]
            plsc.store_scatter(rows_v, [r, ct], t.astype(jnp.float32))
            plsc.store_scatter(rows_v, [r, co], o.astype(jnp.float32))

        def fire(g):
            ho = pltpu.async_copy(s_hbm.at[idx_obj.at[g]],
                                  st_obj.at[g % 2], sem_o[g % 2])
            hn = pltpu.async_copy(s_hbm.at[idx_nb.at[g]],
                                  st_nb.at[g % 2], sem_n[g % 2])
            return ho, hn

        pend = fire(0)
        for g in range(n_gather):
            ho, hn = pend
            if g + 1 < n_gather:
                nxt = fire(g + 1)
            ho.wait()
            hn.wait()
            b = g % 2
            grow = g * IDX_W

            def body(r, carry):
                for c in range(D // L):
                    rows_v[grow + r, pl.ds(c * L, L)] = (
                        st_obj[b, r, pl.ds(c * L, L)])
                for c in range(D // L):
                    rows_v[grow + r, pl.ds(D + c * L, L)] = (
                        st_nb[b, r, pl.ds(c * L, L)])
                return carry

            lax.fori_loop(0, IDX_W, body, 0)
            if g + 1 < n_gather:
                pend = nxt

        pltpu.sync_copy(rows_v, out_hbm.at[pl.ds(base, chunk)])

    return composer


def kernel(batch, S):
    B = batch.shape[0]
    N, D = S.shape
    s_pairs = _make_transpose_pair(N, D)(S.T)
    s_lin = s_pairs.reshape(N, D)
    return _make_composer(B, N, D)(batch.T, s_lin)

# --- scband reference (transcript-rebuilt; emitter-appended) ---
"""Pipeline reference for scband-raw-message-composer-45681272160571 (READ-ONLY COPY).

The authoritative reference and input builder live on the scoring server;
editing this copy changes nothing except your own understanding.
"""

import jax, jax.numpy as jnp
import numpy as np

B = 16384
N = 1000000
D = 64

def setup_inputs(seed: int = 0) -> dict:
    key = jax.random.key(seed)
    k1, k2 = jax.random.split(key)
    batch = jax.random.randint(k1, (B, 3), 0, N, dtype=jnp.int32)
    S = jax.random.normal(k2, (N, D), dtype=jnp.float32)
    return {"batch": batch, "S": S}

def reference(batch, S):
    # Faithful translation of RawMessageComposer.forward with source=True
    t = batch[:, 2]
    obj_nodes = batch[:, 0]
    nb_nodes = batch[:, 1]
    rmsgs = jnp.concatenate([
        jnp.take(S, obj_nodes, axis=0),
        jnp.take(S, nb_nodes, axis=0),
        t[:, None].astype(S.dtype),
        obj_nodes[:, None].astype(S.dtype),
    ], axis=1)
    return rmsgs

if __name__ == "__main__":
    import jax
    _d = setup_inputs()
    print(jax.jit(kernel)(*tuple(_d.values())))

</pallas_src>

<mosaic_0001>
#map = affine_map<(d0, d1) -> (0, 0)>
module attributes {stable_mosaic.version = 14 : i64} {
  func.func @composer(%arg0: i32, %arg1: i32, %arg2: memref<3x16384xi32, #tpu.memory_space<hbm>>, %arg3: memref<1000000x64xf32, #tpu.memory_space<hbm>>, %arg4: memref<16384x130xf32, #tpu.memory_space<hbm>>, %arg5: memref<4x128xi32, #tpu.memory_space<vmem>>, %arg6: memref<4x128xi32, #tpu.memory_space<vmem>>, %arg7: memref<4x128xi32, #tpu.memory_space<vmem>>, %arg8: memref<2x128x64xf32, #tpu.memory_space<vmem>>, %arg9: memref<2x128x64xf32, #tpu.memory_space<vmem>>, %arg10: memref<512x130xf32, #tpu.memory_space<vmem>>, %arg11: memref<!tpu.dma_semaphore, #tpu.memory_space<semaphore_mem>>, %arg12: memref<!tpu.dma_semaphore, #tpu.memory_space<semaphore_mem>>, %arg13: memref<!tpu.dma_semaphore, #tpu.memory_space<semaphore_mem>>, %arg14: memref<!tpu.dma_semaphore, #tpu.memory_space<semaphore_mem>>) attributes {dimension_semantics = [#tpu.dimension_semantics<core_parallel>, #tpu.dimension_semantics<subcore_parallel>], iteration_bounds = array<i64: 2, 16>, scalar_prefetch = 0 : i64, scratch_operands = 10 : i64, tpu.core_type = #tpu.core_type<sc_vector_subcore>, window_params = [{transform_indices = #map}, {transform_indices = #map}, {transform_indices = #map}]} {
    %mul3A = arith.constant 16 : i32
    %mul3A_0 = arith.muli %arg0, %mul3A : i32
    %add3A = arith.addi %mul3A_0, %arg1 : i32
    %mul3A_1 = arith.constant 512 : i32
    %mul3A_2 = arith.muli %add3A, %mul3A_1 : i32
    %add3A_3 = arith.constant 0 : i32
    %add3A_4 = arith.addi %mul3A_2, %add3A_3 : i32
    %run_scoped3A = arith.constant 0 : i32
    %run_scoped3A_5 = arith.constant 0 : i32
    "tpu.region"() ({
      %run_scoped3A_664 = tpu.sem_alloc : memref<!tpu.dma_semaphore, #tpu.memory_space<semaphore_mem>>
      %dma_start3A_665 = arith.constant 0 : i32
      %dma_start3A_666 = tpu.memref_slice %arg5[%run_scoped3A_5, %dma_start3A_665] : memref<4x128xi32, #tpu.memory_space<vmem>> -> memref<1x128xi32, #tpu.memory_space<vmem>>
      %dma_start3A_667 = tpu.memref_squeeze %dma_start3A_666 : memref<1x128xi32, #tpu.memory_space<vmem>> -> memref<128xi32, #tpu.memory_space<vmem>>
      %dma_start3A_668 = tpu.memref_slice %arg2[%run_scoped3A, %add3A_4] : memref<3x16384xi32, #tpu.memory_space<hbm>> -> memref<1x128xi32, #tpu.memory_space<hbm>>
      %dma_start3A_669 = tpu.memref_squeeze %dma_start3A_668 : memref<1x128xi32, #tpu.memory_space<hbm>> -> memref<128xi32, #tpu.memory_space<hbm>>
      %dma_start3A_670 = arith.constant 0 : i32
      %dma_start3A_671 = tpu.memref_slice %arg5[%run_scoped3A_5, %dma_start3A_670] : memref<4x128xi32, #tpu.memory_space<vmem>> -> memref<1x128xi32, #tpu.memory_space<vmem>>
      %dma_start3A_672 = tpu.memref_squeeze %dma_start3A_671 : memref<1x128xi32, #tpu.memory_space<vmem>> -> memref<128xi32, #tpu.memory_space<vmem>>
      %dma_start3A_673 = tpu.memref_slice %arg2[%run_scoped3A, %add3A_4] : memref<3x16384xi32, #tpu.memory_space<hbm>> -> memref<1x128xi32, #tpu.memory_space<hbm>>
      %dma_start3A_674 = tpu.memref_squeeze %dma_start3A_673 : memref<1x128xi32, #tpu.memory_space<hbm>> -> memref<128xi32, #tpu.memory_space<hbm>>
      tpu.enqueue_dma source(%dma_start3A_674 : memref<128xi32, #tpu.memory_space<hbm>>) target(%dma_start3A_672 : memref<128xi32, #tpu.memory_space<vmem>>) target_semaphore(%run_scoped3A_664 : memref<!tpu.dma_semaphore, #tpu.memory_space<semaphore_mem>>)
      %dma_wait3A_675 = arith.constant 0 : i32
      %dma_wait3A_676 = tpu.memref_slice %arg5[%run_scoped3A_5, %dma_wait3A_675] : memref<4x128xi32, #tpu.memory_space<vmem>> -> memref<1x128xi32, #tpu.memory_space<vmem>>
      %dma_wait3A_677 = tpu.memref_squeeze %dma_wait3A_676 : memref<1x128xi32, #tpu.memory_space<vmem>> -> memref<128xi32, #tpu.memory_space<vmem>>
      %dma_wait3A_678 = tpu.memref_slice %arg2[%run_scoped3A, %add3A_4] : memref<3x16384xi32, #tpu.memory_space<hbm>> -> memref<1x128xi32, #tpu.memory_space<hbm>>
      %dma_wait3A_679 = tpu.memref_squeeze %dma_wait3A_678 : memref<1x128xi32, #tpu.memory_space<hbm>> -> memref<128xi32, #tpu.memory_space<hbm>>
      %dma_wait3A_680 = arith.constant 0 : i32
      %dma_wait3A_681 = tpu.memref_slice %arg5[%run_scoped3A_5, %dma_wait3A_680] : memref<4x128xi32, #tpu.memory_space<vmem>> -> memref<1x128xi32, #tpu.memory_space<vmem>>
      %dma_wait3A_682 = tpu.memref_squeeze %dma_wait3A_681 : memref<1x128xi32, #tpu.memory_space<vmem>> -> memref<128xi32, #tpu.memory_space<vmem>>
      %dma_wait3A_683 = tpu.memref_slice %arg2[%run_scoped3A, %add3A_4] : memref<3x16384xi32, #tpu.memory_space<hbm>> -> memref<1x128xi32, #tpu.memory_space<hbm>>
      %dma_wait3A_684 = tpu.memref_squeeze %dma_wait3A_683 : memref<1x128xi32, #tpu.memory_space<hbm>> -> memref<128xi32, #tpu.memory_space<hbm>>
      tpu.wait_dma2 semaphore(%run_scoped3A_664 : memref<!tpu.dma_semaphore, #tpu.memory_space<semaphore_mem>>) src(%dma_wait3A_684 : memref<128xi32, #tpu.memory_space<hbm>>) dst(%dma_wait3A_682 : memref<128xi32, #tpu.memory_space<vmem>>)
      tpu.yield
    }) : () -> ()
    %run_scoped3A_6 = arith.constant 1 : i32
    %run_scoped3A_7 = arith.constant 0 : i32
    "tpu.region"() ({
      %run_scoped3A_664 = tpu.sem_alloc : memref<!tpu.dma_semaphore, #tpu.memory_space<semaphore_mem>>
      %dma_start3A_665 = arith.constant 0 : i32
      %dma_start3A_666 = tpu.memref_slice %arg6[%run_scoped3A_7, %dma_start3A_665] : memref<4x128xi32, #tpu.memory_space<vmem>> -> memref<1x128xi32, #tpu.memory_space<vmem>>
      %dma_start3A_667 = tpu.memref_squeeze %dma_start3A_666 : memref<1x128xi32, #tpu.memory_space<vmem>> -> memref<128xi32, #tpu.memory_space<vmem>>
      %dma_start3A_668 = tpu.memref_slice %arg2[%run_scoped3A_6, %add3A_4] : memref<3x16384xi32, #tpu.memory_space<hbm>> -> memref<1x128xi32, #tpu.memory_space<hbm>>
      %dma_start3A_669 = tpu.memref_squeeze %dma_start3A_668 : memref<1x128xi32, #tpu.memory_space<hbm>> -> memref<128xi32, #tpu.memory_space<hbm>>
      %dma_start3A_670 = arith.constant 0 : i32
      %dma_start3A_671 = tpu.memref_slice %arg6[%run_scoped3A_7, %dma_start3A_670] : memref<4x128xi32, #tpu.memory_space<vmem>> -> memref<1x128xi32, #tpu.memory_space<vmem>>
      %dma_start3A_672 = tpu.memref_squeeze %dma_start3A_671 : memref<1x128xi32, #tpu.memory_space<vmem>> -> memref<128xi32, #tpu.memory_space<vmem>>
      %dma_start3A_673 = tpu.memref_slice %arg2[%run_scoped3A_6, %add3A_4] : memref<3x16384xi32, #tpu.memory_space<hbm>> -> memref<1x128xi32, #tpu.memory_space<hbm>>
      %dma_start3A_674 = tpu.memref_squeeze %dma_start3A_673 : memref<1x128xi32, #tpu.memory_space<hbm>> -> memref<128xi32, #tpu.memory_space<hbm>>
      tpu.enqueue_dma source(%dma_start3A_674 : memref<128xi32, #tpu.memory_space<hbm>>) target(%dma_start3A_672 : memref<128xi32, #tpu.memory_space<vmem>>) target_semaphore(%run_scoped3A_664 : memref<!tpu.dma_semaphore, #tpu.memory_space<semaphore_mem>>)
      %dma_wait3A_675 = arith.constant 0 : i32
      %dma_wait3A_676 = tpu.memref_slice %arg6[%run_scoped3A_7, %dma_wait3A_675] : memref<4x128xi32, #tpu.memory_space<vmem>> -> memref<1x128xi32, #tpu.memory_space<vmem>>
      %dma_wait3A_677 = tpu.memref_squeeze %dma_wait3A_676 : memref<1x128xi32, #tpu.memory_space<vmem>> -> memref<128xi32, #tpu.memory_space<vmem>>
      %dma_wait3A_678 = tpu.memref_slice %arg2[%run_scoped3A_6, %add3A_4] : memref<3x16384xi32, #tpu.memory_space<hbm>> -> memref<1x128xi32, #tpu.memory_space<hbm>>
      %dma_wait3A_679 = tpu.memref_squeeze %dma_wait3A_678 : memref<1x128xi32, #tpu.memory_space<hbm>> -> memref<128xi32, #tpu.memory_space<hbm>>
      %dma_wait3A_680 = arith.constant 0 : i32
      %dma_wait3A_681 = tpu.memref_slice %arg6[%run_scoped3A_7, %dma_wait3A_680] : memref<4x128xi32, #tpu.memory_space<vmem>> -> memref<1x128xi32, #tpu.memory_space<vmem>>
      %dma_wait3A_682 = tpu.memref_squeeze %dma_wait3A_681 : memref<1x128xi32, #tpu.memory_space<vmem>> -> memref<128xi32, #tpu.memory_space<vmem>>
      %dma_wait3A_683 = tpu.memref_slice %arg2[%run_scoped3A_6, %add3A_4] : memref<3x16384xi32, #tpu.memory_space<hbm>> -> memref<1x128xi32, #tpu.memory_space<hbm>>
      %dma_wait3A_684 = tpu.memref_squeeze %dma_wait3A_683 : memref<1x128xi32, #tpu.memory_space<hbm>> -> memref<128xi32, #tpu.memory_space<hbm>>
      tpu.wait_dma2 semaphore(%run_scoped3A_664 : memref<!tpu.dma_semaphore, #tpu.memory_space<semaphore_mem>>) src(%dma_wait3A_684 : memref<128xi32, #tpu.memory_space<hbm>>) dst(%dma_wait3A_682 : memref<128xi32, #tpu.memory_space<vmem>>)
      tpu.yield
    }) : () -> ()
    %run_scoped3A_8 = arith.constant 2 : i32
    %run_scoped3A_9 = arith.constant 0 : i32
    "tpu.region"() ({
      %run_scoped3A_664 = tpu.sem_alloc : memref<!tpu.dma_semaphore, #tpu.memory_space<semaphore_mem>>
      %dma_start3A_665 = arith.constant 0 : i32
      %dma_start3A_666 = tpu.memref_slice %arg7[%run_scoped3A_9, %dma_start3A_665] : memref<4x128xi32, #tpu.memory_space<vmem>> -> memref<1x128xi32, #tpu.memory_space<vmem>>
      %dma_start3A_667 = tpu.memref_squeeze %dma_start3A_666 : memref<1x128xi32, #tpu.memory_space<vmem>> -> memref<128xi32, #tpu.memory_space<vmem>>
      %dma_start3A_668 = tpu.memref_slice %arg2[%run_scoped3A_8, %add3A_4] : memref<3x16384xi32, #tpu.memory_space<hbm>> -> memref<1x128xi32, #tpu.memory_space<hbm>>
      %dma_start3A_669 = tpu.memref_squeeze %dma_start3A_668 : memref<1x128xi32, #tpu.memory_space<hbm>> -> memref<128xi32, #tpu.memory_space<hbm>>
      %dma_start3A_670 = arith.constant 0 : i32
      %dma_start3A_671 = tpu.memref_slice %arg7[%run_scoped3A_9, %dma_start3A_670] : memref<4x128xi32, #tpu.memory_space<vmem>> -> memref<1x128xi32, #tpu.memory_space<vmem>>
      %dma_start3A_672 = tpu.memref_squeeze %dma_start3A_671 : memref<1x128xi32, #tpu.memory_space<vmem>> -> memref<128xi32, #tpu.memory_space<vmem>>
      %dma_start3A_673 = tpu.memref_slice %arg2[%run_scoped3A_8, %add3A_4] : memref<3x16384xi32, #tpu.memory_space<hbm>> -> memref<1x128xi32, #tpu.memory_space<hbm>>
      %dma_start3A_674 = tpu.memref_squeeze %dma_start3A_673 : memref<1x128xi32, #tpu.memory_space<hbm>> -> memref<128xi32, #tpu.memory_space<hbm>>
      tpu.enqueue_dma source(%dma_start3A_674 : memref<128xi32, #tpu.memory_space<hbm>>) target(%dma_start3A_672 : memref<128xi32, #tpu.memory_space<vmem>>) target_semaphore(%run_scoped3A_664 : memref<!tpu.dma_semaphore, #tpu.memory_space<semaphore_mem>>)
      %dma_wait3A_675 = arith.constant 0 : i32
      %dma_wait3A_676 = tpu.memref_slice %arg7[%run_scoped3A_9, %dma_wait3A_675] : memref<4x128xi32, #tpu.memory_space<vmem>> -> memref<1x128xi32, #tpu.memory_space<vmem>>
      %dma_wait3A_677 = tpu.memref_squeeze %dma_wait3A_676 : memref<1x128xi32, #tpu.memory_space<vmem>> -> memref<128xi32, #tpu.memory_space<vmem>>
      %dma_wait3A_678 = tpu.memref_slice %arg2[%run_scoped3A_8, %add3A_4] : memref<3x16384xi32, #tpu.memory_space<hbm>> -> memref<1x128xi32, #tpu.memory_space<hbm>>
      %dma_wait3A_679 = tpu.memref_squeeze %dma_wait3A_678 : memref<1x128xi32, #tpu.memory_space<hbm>> -> memref<128xi32, #tpu.memory_space<hbm>>
      %dma_wait3A_680 = arith.constant 0 : i32
      %dma_wait3A_681 = tpu.memref_slice %arg7[%run_scoped3A_9, %dma_wait3A_680] : memref<4x128xi32, #tpu.memory_space<vmem>> -> memref<1x128xi32, #tpu.memory_space<vmem>>
      %dma_wait3A_682 = tpu.memref_squeeze %dma_wait3A_681 : memref<1x128xi32, #tpu.memory_space<vmem>> -> memref<128xi32, #tpu.memory_space<vmem>>
      %dma_wait3A_683 = tpu.memref_slice %arg2[%run_scoped3A_8, %add3A_4] : memref<3x16384xi32, #tpu.memory_space<hbm>> -> memref<1x128xi32, #tpu.memory_space<hbm>>
      %dma_wait3A_684 = tpu.memref_squeeze %dma_wait3A_683 : memref<1x128xi32, #tpu.memory_space<hbm>> -> memref<128xi32, #tpu.memory_space<hbm>>
      tpu.wait_dma2 semaphore(%run_scoped3A_664 : memref<!tpu.dma_semaphore, #tpu.memory_space<semaphore_mem>>) src(%dma_wait3A_684 : memref<128xi32, #tpu.memory_space<hbm>>) dst(%dma_wait3A_682 : memref<128xi32, #tpu.memory_space<vmem>>)
      tpu.yield
    }) : () -> ()
    %add3A_10 = arith.constant 128 : i32
    %add3A_11 = arith.addi %mul3A_2, %add3A_10 : i32
    %run_scoped3A_12 = arith.constant 0 : i32
    %run_scoped3A_13 = arith.constant 1 : i32
    "tpu.region"() ({
      %run_scoped3A_664 = tpu.sem_alloc : memref<!tpu.dma_semaphore, #tpu.memory_space<semaphore_mem>>
      %dma_start3A_665 = arith.constant 0 : i32
      %dma_start3A_666 = tpu.memref_slice %arg5[%run_scoped3A_13, %dma_start3A_665] : memref<4x128xi32, #tpu.memory_space<vmem>> -> memref<1x128xi32, #tpu.memory_space<vmem>>
      %dma_start3A_667 = tpu.memref_squeeze %dma_start3A_666 : memref<1x128xi32, #tpu.memory_space<vmem>> -> memref<128xi32, #tpu.memory_space<vmem>>
      %dma_start3A_668 = tpu.memref_slice %arg2[%run_scoped3A_12, %add3A_11] : memref<3x16384xi32, #tpu.memory_space<hbm>> -> memref<1x128xi32, #tpu.memory_space<hbm>>
      %dma_start3A_669 = tpu.memref_squeeze %dma_start3A_668 : memref<1x128xi32, #tpu.memory_space<hbm>> -> memref<128xi32, #tpu.memory_space<hbm>>
      %dma_start3A_670 = arith.constant 0 : i32
      %dma_start3A_671 = tpu.memref_slice %arg5[%run_scoped3A_13, %dma_start3A_670] : memref<4x128xi32, #tpu.memory_space<vmem>> -> memref<1x128xi32, #tpu.memory_space<vmem>>
      %dma_start3A_672 = tpu.memref_squeeze %dma_start3A_671 : memref<1x128xi32, #tpu.memory_space<vmem>> -> memref<128xi32, #tpu.memory_space<vmem>>
      %dma_start3A_673 = tpu.memref_slice %arg2[%run_scoped3A_12, %add3A_11] : memref<3x16384xi32, #tpu.memory_space<hbm>> -> memref<1x128xi32, #tpu.memory_space<hbm>>
      %dma_start3A_674 = tpu.memref_squeeze %dma_start3A_673 : memref<1x128xi32, #tpu.memory_space<hbm>> -> memref<128xi32, #tpu.memory_space<hbm>>
      tpu.enqueue_dma source(%dma_start3A_674 : memref<128xi32, #tpu.memory_space<hbm>>) target(%dma_start3A_672 : memref<128xi32, #tpu.memory_space<vmem>>) target_semaphore(%run_scoped3A_664 : memref<!tpu.dma_semaphore, #tpu.memory_space<semaphore_mem>>)
      %dma_wait3A_675 = arith.constant 0 : i32
      %dma_wait3A_676 = tpu.memref_slice %arg5[%run_scoped3A_13, %dma_wait3A_675] : memref<4x128xi32, #tpu.memory_space<vmem>> -> memref<1x128xi32, #tpu.memory_space<vmem>>
      %dma_wait3A_677 = tpu.memref_squeeze %dma_wait3A_676 : memref<1x128xi32, #tpu.memory_space<vmem>> -> memref<128xi32, #tpu.memory_space<vmem>>
      %dma_wait3A_678 = tpu.memref_slice %arg2[%run_scoped3A_12, %add3A_11] : memref<3x16384xi32, #tpu.memory_space<hbm>> -> memref<1x128xi32, #tpu.memory_space<hbm>>
      %dma_wait3A_679 = tpu.memref_squeeze %dma_wait3A_678 : memref<1x128xi32, #tpu.memory_space<hbm>> -> memref<128xi32, #tpu.memory_space<hbm>>
      %dma_wait3A_680 = arith.constant 0 : i32
      %dma_wait3A_681 = tpu.memref_slice %arg5[%run_scoped3A_13, %dma_wait3A_680] : memref<4x128xi32, #tpu.memory_space<vmem>> -> memref<1x128xi32, #tpu.memory_space<vmem>>
      %dma_wait3A_682 = tpu.memref_squeeze %dma_wait3A_681 : memref<1x128xi32, #tpu.memory_space<vmem>> -> memref<128xi32, #tpu.memory_space<vmem>>
      %dma_wait3A_683 = tpu.memref_slice %arg2[%run_scoped3A_12, %add3A_11] : memref<3x16384xi32, #tpu.memory_space<hbm>> -> memref<1x128xi32, #tpu.memory_space<hbm>>
      %dma_wait3A_684 = tpu.memref_squeeze %dma_wait3A_683 : memref<1x128xi32, #tpu.memory_space<hbm>> -> memref<128xi32, #tpu.memory_space<hbm>>
      tpu.wait_dma2 semaphore(%run_scoped3A_664 : memref<!tpu.dma_semaphore, #tpu.memory_space<semaphore_mem>>) src(%dma_wait3A_684 : memref<128xi32, #tpu.memory_space<hbm>>) dst(%dma_wait3A_682 : memref<128xi32, #tpu.memory_space<vmem>>)
      tpu.yield
    }) : () -> ()
    %run_scoped3A_14 = arith.constant 1 : i32
    %run_scoped3A_15 = arith.constant 1 : i32
    "tpu.region"() ({
      %run_scoped3A_664 = tpu.sem_alloc : memref<!tpu.dma_semaphore, #tpu.memory_space<semaphore_mem>>
      %dma_start3A_665 = arith.constant 0 : i32
      %dma_start3A_666 = tpu.memref_slice %arg6[%run_scoped3A_15, %dma_start3A_665] : memref<4x128xi32, #tpu.memory_space<vmem>> -> memref<1x128xi32, #tpu.memory_space<vmem>>
      %dma_start3A_667 = tpu.memref_squeeze %dma_start3A_666 : memref<1x128xi32, #tpu.memory_space<vmem>> -> memref<128xi32, #tpu.memory_space<vmem>>
      %dma_start3A_668 = tpu.memref_slice %arg2[%run_scoped3A_14, %add3A_11] : memref<3x16384xi32, #tpu.memory_space<hbm>> -> memref<1x128xi32, #tpu.memory_space<hbm>>
      %dma_start3A_669 = tpu.memref_squeeze %dma_start3A_668 : memref<1x128xi32, #tpu.memory_space<hbm>> -> memref<128xi32, #tpu.memory_space<hbm>>
      %dma_start3A_670 = arith.constant 0 : i32
      %dma_start3A_671 = tpu.memref_slice %arg6[%run_scoped3A_15, %dma_start3A_670] : memref<4x128xi32, #tpu.memory_space<vmem>> -> memref<1x128xi32, #tpu.memory_space<vmem>>
      %dma_start3A_672 = tpu.memref_squeeze %dma_start3A_671 : memref<1x128xi32, #tpu.memory_space<vmem>> -> memref<128xi32, #tpu.memory_space<vmem>>
      %dma_start3A_673 = tpu.memref_slice %arg2[%run_scoped3A_14, %add3A_11] : memref<3x16384xi32, #tpu.memory_space<hbm>> -> memref<1x128xi32, #tpu.memory_space<hbm>>
      %dma_start3A_674 = tpu.memref_squeeze %dma_start3A_673 : memref<1x128xi32, #tpu.memory_space<hbm>> -> memref<128xi32, #tpu.memory_space<hbm>>
      tpu.enqueue_dma source(%dma_start3A_674 : memref<128xi32, #tpu.memory_space<hbm>>) target(%dma_start3A_672 : memref<128xi32, #tpu.memory_space<vmem>>) target_semaphore(%run_scoped3A_664 : memref<!tpu.dma_semaphore, #tpu.memory_space<semaphore_mem>>)
      %dma_wait3A_675 = arith.constant 0 : i32
      %dma_wait3A_676 = tpu.memref_slice %arg6[%run_scoped3A_15, %dma_wait3A_675] : memref<4x128xi32, #tpu.memory_space<vmem>> -> memref<1x128xi32, #tpu.memory_space<vmem>>
      %dma_wait3A_677 = tpu.memref_squeeze %dma_wait3A_676 : memref<1x128xi32, #tpu.memory_space<vmem>> -> memref<128xi32, #tpu.memory_space<vmem>>
      %dma_wait3A_678 = tpu.memref_slice %arg2[%run_scoped3A_14, %add3A_11] : memref<3x16384xi32, #tpu.memory_space<hbm>> -> memref<1x128xi32, #tpu.memory_space<hbm>>
      %dma_wait3A_679 = tpu.memref_squeeze %dma_wait3A_678 : memref<1x128xi32, #tpu.memory_space<hbm>> -> memref<128xi32, #tpu.memory_space<hbm>>
      %dma_wait3A_680 = arith.constant 0 : i32
      %dma_wait3A_681 = tpu.memref_slice %arg6[%run_scoped3A_15, %dma_wait3A_680] : memref<4x128xi32, #tpu.memory_space<vmem>> -> memref<1x128xi32, #tpu.memory_space<vmem>>
      %dma_wait3A_682 = tpu.memref_squeeze %dma_wait3A_681 : memref<1x128xi32, #tpu.memory_space<vmem>> -> memref<128xi32, #tpu.memory_space<vmem>>
      %dma_wait3A_683 = tpu.memref_slice %arg2[%run_scoped3A_14, %add3A_11] : memref<3x16384xi32, #tpu.memory_space<hbm>> -> memref<1x128xi32, #tpu.memory_space<hbm>>
      %dma_wait3A_684 = tpu.memref_squeeze %dma_wait3A_683 : memref<1x128xi32, #tpu.memory_space<hbm>> -> memref<128xi32, #tpu.memory_space<hbm>>
      tpu.wait_dma2 semaphore(%run_scoped3A_664 : memref<!tpu.dma_semaphore, #tpu.memory_space<semaphore_mem>>) src(%dma_wait3A_684 : memref<128xi32, #tpu.memory_space<hbm>>) dst(%dma_wait3A_682 : memref<128xi32, #tpu.memory_space<vmem>>)
      tpu.yield
    }) : () -> ()
    %run_scoped3A_16 = arith.constant 2 : i32
    %run_scoped3A_17 = arith.constant 1 : i32
    "tpu.region"() ({
      %run_scoped3A_664 = tpu.sem_alloc : memref<!tpu.dma_semaphore, #tpu.memory_space<semaphore_mem>>
      %dma_start3A_665 = arith.constant 0 : i32
      %dma_start3A_666 = tpu.memref_slice %arg7[%run_scoped3A_17, %dma_start3A_665] : memref<4x128xi32, #tpu.memory_space<vmem>> -> memref<1x128xi32, #tpu.memory_space<vmem>>
      %dma_start3A_667 = tpu.memref_squeeze %dma_start3A_666 : memref<1x128xi32, #tpu.memory_space<vmem>> -> memref<128xi32, #tpu.memory_space<vmem>>
      %dma_start3A_668 = tpu.memref_slice %arg2[%run_scoped3A_16, %add3A_11] : memref<3x16384xi32, #tpu.memory_space<hbm>> -> memref<1x128xi32, #tpu.memory_space<hbm>>
      %dma_start3A_669 = tpu.memref_squeeze %dma_start3A_668 : memref<1x128xi32, #tpu.memory_space<hbm>> -> memref<128xi32, #tpu.memory_space<hbm>>
      %dma_start3A_670 = arith.constant 0 : i32
      %dma_start3A_671 = tpu.memref_slice %arg7[%run_scoped3A_17, %dma_start3A_670] : memref<4x128xi32, #tpu.memory_space<vmem>> -> memref<1x128xi32, #tpu.memory_space<vmem>>
      %dma_start3A_672 = tpu.memref_squeeze %dma_start3A_671 : memref<1x128xi32, #tpu.memory_space<vmem>> -> memref<128xi32, #tpu.memory_space<vmem>>
      %dma_start3A_673 = tpu.memref_slice %arg2[%run_scoped3A_16, %add3A_11] : memref<3x16384xi32, #tpu.memory_space<hbm>> -> memref<1x128xi32, #tpu.memory_space<hbm>>
      %dma_start3A_674 = tpu.memref_squeeze %dma_start3A_673 : memref<1x128xi32, #tpu.memory_space<hbm>> -> memref<128xi32, #tpu.memory_space<hbm>>
      tpu.enqueue_dma source(%dma_start3A_674 : memref<128xi32, #tpu.memory_space<hbm>>) target(%dma_start3A_672 : memref<128xi32, #tpu.memory_space<vmem>>) target_semaphore(%run_scoped3A_664 : memref<!tpu.dma_semaphore, #tpu.memory_space<semaphore_mem>>)
      %dma_wait3A_675 = arith.constant 0 : i32
      %dma_wait3A_676 = tpu.memref_slice %arg7[%run_scoped3A_17, %dma_wait3A_675] : memref<4x128xi32, #tpu.memory_space<vmem>> -> memref<1x128xi32, #tpu.memory_space<vmem>>
      %dma_wait3A_677 = tpu.memref_squeeze %dma_wait3A_676 : memref<1x128xi32, #tpu.memory_space<vmem>> -> memref<128xi32, #tpu.memory_space<vmem>>
      %dma_wait3A_678 = tpu.memref_slice %arg2[%run_scoped3A_16, %add3A_11] : memref<3x16384xi32, #tpu.memory_space<hbm>> -> memref<1x128xi32, #tpu.memory_space<hbm>>
      %dma_wait3A_679 = tpu.memref_squeeze %dma_wait3A_678 : memref<1x128xi32, #tpu.memory_space<hbm>> -> memref<128xi32, #tpu.memory_space<hbm>>
      %dma_wait3A_680 = arith.constant 0 : i32
      %dma_wait3A_681 = tpu.memref_slice %arg7[%run_scoped3A_17, %dma_wait3A_680] : memref<4x128xi32, #tpu.memory_space<vmem>> -> memref<1x128xi32, #tpu.memory_space<vmem>>
      %dma_wait3A_682 = tpu.memref_squeeze %dma_wait3A_681 : memref<1x128xi32, #tpu.memory_space<vmem>> -> memref<128xi32, #tpu.memory_space<vmem>>
      %dma_wait3A_683 = tpu.memref_slice %arg2[%run_scoped3A_16, %add3A_11] : memref<3x16384xi32, #tpu.memory_space<hbm>> -> memref<1x128xi32, #tpu.memory_space<hbm>>
      %dma_wait3A_684 = tpu.memref_squeeze %dma_wait3A_683 : memref<1x128xi32, #tpu.memory_space<hbm>> -> memref<128xi32, #tpu.memory_space<hbm>>
      tpu.wait_dma2 semaphore(%run_scoped3A_664 : memref<!tpu.dma_semaphore, #tpu.memory_space<semaphore_mem>>) src(%dma_wait3A_684 : memref<128xi32, #tpu.memory_space<hbm>>) dst(%dma_wait3A_682 : memref<128xi32, #tpu.memory_space<vmem>>)
      tpu.yield
    }) : () -> ()
    %add3A_18 = arith.constant 256 : i32
    %add3A_19 = arith.addi %mul3A_2, %add3A_18 : i32
    %run_scoped3A_20 = arith.constant 0 : i32
    %run_scoped3A_21 = arith.constant 2 : i32
    "tpu.region"() ({
      %run_scoped3A_664 = tpu.sem_alloc : memref<!tpu.dma_semaphore, #tpu.memory_space<semaphore_mem>>
      %dma_start3A_665 = arith.constant 0 : i32
      %dma_start3A_666 = tpu.memref_slice %arg5[%run_scoped3A_21, %dma_start3A_665] : memref<4x128xi32, #tpu.memory_space<vmem>> -> memref<1x128xi32, #tpu.memory_space<vmem>>
      %dma_start3A_667 = tpu.memref_squeeze %dma_start3A_666 : memref<1x128xi32, #tpu.memory_space<vmem>> -> memref<128xi32, #tpu.memory_space<vmem>>
      %dma_start3A_668 = tpu.memref_slice %arg2[%run_scoped3A_20, %add3A_19] : memref<3x16384xi32, #tpu.memory_space<hbm>> -> memref<1x128xi32, #tpu.memory_space<hbm>>
      %dma_start3A_669 = tpu.memref_squeeze %dma_start3A_668 : memref<1x128xi32, #tpu.memory_space<hbm>> -> memref<128xi32, #tpu.memory_space<hbm>>
      %dma_start3A_670 = arith.constant 0 : i32
      %dma_start3A_671 = tpu.memref_slice %arg5[%run_scoped3A_21, %dma_start3A_670] : memref<4x128xi32, #tpu.memory_space<vmem>> -> memref<1x128xi32, #tpu.memory_space<vmem>>
      %dma_start3A_672 = tpu.memref_squeeze %dma_start3A_671 : memref<1x128xi32, #tpu.memory_space<vmem>> -> memref<128xi32, #tpu.memory_space<vmem>>
      %dma_start3A_673 = tpu.memref_slice %arg2[%run_scoped3A_20, %add3A_19] : memref<3x16384xi32, #tpu.memory_space<hbm>> -> memref<1x128xi32, #tpu.memory_space<hbm>>
      %dma_start3A_674 = tpu.memref_squeeze %dma_start3A_673 : memref<1x128xi32, #tpu.memory_space<hbm>> -> memref<128xi32, #tpu.memory_space<hbm>>
      tpu.enqueue_dma source(%dma_start3A_674 : memref<128xi32, #tpu.memory_space<hbm>>) target(%dma_start3A_672 : memref<128xi32, #tpu.memory_space<vmem>>) target_semaphore(%run_scoped3A_664 : memref<!tpu.dma_semaphore, #tpu.memory_space<semaphore_mem>>)
      %dma_wait3A_675 = arith.constant 0 : i32
      %dma_wait3A_676 = tpu.memref_slice %arg5[%run_scoped3A_21, %dma_wait3A_675] : memref<4x128xi32, #tpu.memory_space<vmem>> -> memref<1x128xi32, #tpu.memory_space<vmem>>
      %dma_wait3A_677 = tpu.memref_squeeze %dma_wait3A_676 : memref<1x128xi32, #tpu.memory_space<vmem>> -> memref<128xi32, #tpu.memory_space<vmem>>
      %dma_wait3A_678 = tpu.memref_slice %arg2[%run_scoped3A_20, %add3A_19] : memref<3x16384xi32, #tpu.memory_space<hbm>> -> memref<1x128xi32, #tpu.memory_space<hbm>>
      %dma_wait3A_679 = tpu.memref_squeeze %dma_wait3A_678 : memref<1x128xi32, #tpu.memory_space<hbm>> -> memref<128xi32, #tpu.memory_space<hbm>>
      %dma_wait3A_680 = arith.constant 0 : i32
      %dma_wait3A_681 = tpu.memref_slice %arg5[%run_scoped3A_21, %dma_wait3A_680] : memref<4x128xi32, #tpu.memory_space<vmem>> -> memref<1x128xi32, #tpu.memory_space<vmem>>
      %dma_wait3A_682 = tpu.memref_squeeze %dma_wait3A_681 : memref<1x128xi32, #tpu.memory_space<vmem>> -> memref<128xi32, #tpu.memory_space<vmem>>
      %dma_wait3A_683 = tpu.memref_slice %arg2[%run_scoped3A_20, %add3A_19] : memref<3x16384xi32, #tpu.memory_space<hbm>> -> memref<1x128xi32, #tpu.memory_space<hbm>>
      %dma_wait3A_684 = tpu.memref_squeeze %dma_wait3A_683 : memref<1x128xi32, #tpu.memory_space<hbm>> -> memref<128xi32, #tpu.memory_space<hbm>>
      tpu.wait_dma2 semaphore(%run_scoped3A_664 : memref<!tpu.dma_semaphore, #tpu.memory_space<semaphore_mem>>) src(%dma_wait3A_684 : memref<128xi32, #tpu.memory_space<hbm>>) dst(%dma_wait3A_682 : memref<128xi32, #tpu.memory_space<vmem>>)
      tpu.yield
    }) : () -> ()
    %run_scoped3A_22 = arith.constant 1 : i32
    %run_scoped3A_23 = arith.constant 2 : i32
    "tpu.region"() ({
      %run_scoped3A_664 = tpu.sem_alloc : memref<!tpu.dma_semaphore, #tpu.memory_space<semaphore_mem>>
      %dma_start3A_665 = arith.constant 0 : i32
      %dma_start3A_666 = tpu.memref_slice %arg6[%run_scoped3A_23, %dma_start3A_665] : memref<4x128xi32, #tpu.memory_space<vmem>> -> memref<1x128xi32, #tpu.memory_space<vmem>>
      %dma_start3A_667 = tpu.memref_squeeze %dma_start3A_666 : memref<1x128xi32, #tpu.memory_space<vmem>> -> memref<128xi32, #tpu.memory_space<vmem>>
      %dma_start3A_668 = tpu.memref_slice %arg2[%run_scoped3A_22, %add3A_19] : memref<3x16384xi32, #tpu.memory_space<hbm>> -> memref<1x128xi32, #tpu.memory_space<hbm>>
      %dma_start3A_669 = tpu.memref_squeeze %dma_start3A_668 : memref<1x128xi32, #tpu.memory_space<hbm>> -> memref<128xi32, #tpu.memory_space<hbm>>
      %dma_start3A_670 = arith.constant 0 : i32
      %dma_start3A_671 = tpu.memref_slice %arg6[%run_scoped3A_23, %dma_start3A_670] : memref<4x128xi32, #tpu.memory_space<vmem>> -> memref<1x128xi32, #tpu.memory_space<vmem>>
      %dma_start3A_672 = tpu.memref_squeeze %dma_start3A_671 : memref<1x128xi32, #tpu.memory_space<vmem>> -> memref<128xi32, #tpu.memory_space<vmem>>
      %dma_start3A_673 = tpu.memref_slice %arg2[%run_scoped3A_22, %add3A_19] : memref<3x16384xi32, #tpu.memory_space<hbm>> -> memref<1x128xi32, #tpu.memory_space<hbm>>
      %dma_start3A_674 = tpu.memref_squeeze %dma_start3A_673 : memref<1x128xi32, #tpu.memory_space<hbm>> -> memref<128xi32, #tpu.memory_space<hbm>>
      tpu.enqueue_dma source(%dma_start3A_674 : memref<128xi32, #tpu.memory_space<hbm>>) target(%dma_start3A_672 : memref<128xi32, #tpu.memory_space<vmem>>) target_semaphore(%run_scoped3A_664 : memref<!tpu.dma_semaphore, #tpu.memory_space<semaphore_mem>>)
      %dma_wait3A_675 = arith.constant 0 : i32
      %dma_wait3A_676 = tpu.memref_slice %arg6[%run_scoped3A_23, %dma_wait3A_675] : memref<4x128xi32, #tpu.memory_space<vmem>> -> memref<1x128xi32, #tpu.memory_space<vmem>>
      %dma_wait3A_677 = tpu.memref_squeeze %dma_wait3A_676 : memref<1x128xi32, #tpu.memory_space<vmem>> -> memref<128xi32, #tpu.memory_space<vmem>>
      %dma_wait3A_678 = tpu.memref_slice %arg2[%run_scoped3A_22, %add3A_19] : memref<3x16384xi32, #tpu.memory_space<hbm>> -> memref<1x128xi32, #tpu.memory_space<hbm>>
      %dma_wait3A_679 = tpu.memref_squeeze %dma_wait3A_678 : memref<1x128xi32, #tpu.memory_space<hbm>> -> memref<128xi32, #tpu.memory_space<hbm>>
      %dma_wait3A_680 = arith.constant 0 : i32
      %dma_wait3A_681 = tpu.memref_slice %arg6[%run_scoped3A_23, %dma_wait3A_680] : memref<4x128xi32, #tpu.memory_space<vmem>> -> memref<1x128xi32, #tpu.memory_space<vmem>>
      %dma_wait3A_682 = tpu.memref_squeeze %dma_wait3A_681 : memref<1x128xi32, #tpu.memory_space<vmem>> -> memref<128xi32, #tpu.memory_space<vmem>>
      %dma_wait3A_683 = tpu.memref_slice %arg2[%run_scoped3A_22, %add3A_19] : memref<3x16384xi32, #tpu.memory_space<hbm>> -> memref<1x128xi32, #tpu.memory_space<hbm>>
      %dma_wait3A_684 = tpu.memref_squeeze %dma_wait3A_683 : memref<1x128xi32, #tpu.memory_space<hbm>> -> memref<128xi32, #tpu.memory_space<hbm>>
      tpu.wait_dma2 semaphore(%run_scoped3A_664 : memref<!tpu.dma_semaphore, #tpu.memory_space<semaphore_mem>>) src(%dma_wait3A_684 : memref<128xi32, #tpu.memory_space<hbm>>) dst(%dma_wait3A_682 : memref<128xi32, #tpu.memory_space<vmem>>)
      tpu.yield
    }) : () -> ()
    %run_scoped3A_24 = arith.constant 2 : i32
    %run_scoped3A_25 = arith.constant 2 : i32
    "tpu.region"() ({
      %run_scoped3A_664 = tpu.sem_alloc : memref<!tpu.dma_semaphore, #tpu.memory_space<semaphore_mem>>
      %dma_start3A_665 = arith.constant 0 : i32
      %dma_start3A_666 = tpu.memref_slice %arg7[%run_scoped3A_25, %dma_start3A_665] : memref<4x128xi32, #tpu.memory_space<vmem>> -> memref<1x128xi32, #tpu.memory_space<vmem>>
      %dma_start3A_667 = tpu.memref_squeeze %dma_start3A_666 : memref<1x128xi32, #tpu.memory_space<vmem>> -> memref<128xi32, #tpu.memory_space<vmem>>
      %dma_start3A_668 = tpu.memref_slice %arg2[%run_scoped3A_24, %add3A_19] : memref<3x16384xi32, #tpu.memory_space<hbm>> -> memref<1x128xi32, #tpu.memory_space<hbm>>
      %dma_start3A_669 = tpu.memref_squeeze %dma_start3A_668 : memref<1x128xi32, #tpu.memory_space<hbm>> -> memref<128xi32, #tpu.memory_space<hbm>>
      %dma_start3A_670 = arith.constant 0 : i32
      %dma_start3A_671 = tpu.memref_slice %arg7[%run_scoped3A_25, %dma_start3A_670] : memref<4x128xi32, #tpu.memory_space<vmem>> -> memref<1x128xi32, #tpu.memory_space<vmem>>
      %dma_start3A_672 = tpu.memref_squeeze %dma_start3A_671 : memref<1x128xi32, #tpu.memory_space<vmem>> -> memref<128xi32, #tpu.memory_space<vmem>>
      %dma_start3A_673 = tpu.memref_slice %arg2[%run_scoped3A_24, %add3A_19] : memref<3x16384xi32, #tpu.memory_space<hbm>> -> memref<1x128xi32, #tpu.memory_space<hbm>>
      %dma_start3A_674 = tpu.memref_squeeze %dma_start3A_673 : memref<1x128xi32, #tpu.memory_space<hbm>> -> memref<128xi32, #tpu.memory_space<hbm>>
      tpu.enqueue_dma source(%dma_start3A_674 : memref<128xi32, #tpu.memory_space<hbm>>) target(%dma_start3A_672 : memref<128xi32, #tpu.memory_space<vmem>>) target_semaphore(%run_scoped3A_664 : memref<!tpu.dma_semaphore, #tpu.memory_space<semaphore_mem>>)
      %dma_wait3A_675 = arith.constant 0 : i32
      %dma_wait3A_676 = tpu.memref_slice %arg7[%run_scoped3A_25, %dma_wait3A_675] : memref<4x128xi32, #tpu.memory_space<vmem>> -> memref<1x128xi32, #tpu.memory_space<vmem>>
      %dma_wait3A_677 = tpu.memref_squeeze %dma_wait3A_676 : memref<1x128xi32, #tpu.memory_space<vmem>> -> memref<128xi32, #tpu.memory_space<vmem>>
      %dma_wait3A_678 = tpu.memref_slice %arg2[%run_scoped3A_24, %add3A_19] : memref<3x16384xi32, #tpu.memory_space<hbm>> -> memref<1x128xi32, #tpu.memory_space<hbm>>
      %dma_wait3A_679 = tpu.memref_squeeze %dma_wait3A_678 : memref<1x128xi32, #tpu.memory_space<hbm>> -> memref<128xi32, #tpu.memory_space<hbm>>
      %dma_wait3A_680 = arith.constant 0 : i32
      %dma_wait3A_681 = tpu.memref_slice %arg7[%run_scoped3A_25, %dma_wait3A_680] : memref<4x128xi32, #tpu.memory_space<vmem>> -> memref<1x128xi32, #tpu.memory_space<vmem>>
      %dma_wait3A_682 = tpu.memref_squeeze %dma_wait3A_681 : memref<1x128xi32, #tpu.memory_space<vmem>> -> memref<128xi32, #tpu.memory_space<vmem>>
      %dma_wait3A_683 = tpu.memref_slice %arg2[%run_scoped3A_24, %add3A_19] : memref<3x16384xi32, #tpu.memory_space<hbm>> -> memref<1x128xi32, #tpu.memory_space<hbm>>
      %dma_wait3A_684 = tpu.memref_squeeze %dma_wait3A_683 : memref<1x128xi32, #tpu.memory_space<hbm>> -> memref<128xi32, #tpu.memory_space<hbm>>
      tpu.wait_dma2 semaphore(%run_scoped3A_664 : memref<!tpu.dma_semaphore, #tpu.memory_space<semaphore_mem>>) src(%dma_wait3A_684 : memref<128xi32, #tpu.memory_space<hbm>>) dst(%dma_wait3A_682 : memref<128xi32, #tpu.memory_space<vmem>>)
      tpu.yield
    }) : () -> ()
    %add3A_26 = arith.constant 384 : i32
    %add3A_27 = arith.addi %mul3A_2, %add3A_26 : i32
    %run_scoped3A_28 = arith.constant 0 : i32
    %run_scoped3A_29 = arith.constant 3 : i32
    "tpu.region"() ({
      %run_scoped3A_664 = tpu.sem_alloc : memref<!tpu.dma_semaphore, #tpu.memory_space<semaphore_mem>>
      %dma_start3A_665 = arith.constant 0 : i32
      %dma_start3A_666 = tpu.memref_slice %arg5[%run_scoped3A_29, %dma_start3A_665] : memref<4x128xi32, #tpu.memory_space<vmem>> -> memref<1x128xi32, #tpu.memory_space<vmem>>
      %dma_start3A_667 = tpu.memref_squeeze %dma_start3A_666 : memref<1x128xi32, #tpu.memory_space<vmem>> -> memref<128xi32, #tpu.memory_space<vmem>>
      %dma_start3A_668 = tpu.memref_slice %arg2[%run_scoped3A_28, %add3A_27] : memref<3x16384xi32, #tpu.memory_space<hbm>> -> memref<1x128xi32, #tpu.memory_space<hbm>>
      %dma_start3A_669 = tpu.memref_squeeze %dma_start3A_668 : memref<1x128xi32, #tpu.memory_space<hbm>> -> memref<128xi32, #tpu.memory_space<hbm>>
      %dma_start3A_670 = arith.constant 0 : i32
      %dma_start3A_671 = tpu.memref_slice %arg5[%run_scoped3A_29, %dma_start3A_670] : memref<4x128xi32, #tpu.memory_space<vmem>> -> memref<1x128xi32, #tpu.memory_space<vmem>>
      %dma_start3A_672 = tpu.memref_squeeze %dma_start3A_671 : memref<1x128xi32, #tpu.memory_space<vmem>> -> memref<128xi32, #tpu.memory_space<vmem>>
      %dma_start3A_673 = tpu.memref_slice %arg2[%run_scoped3A_28, %add3A_27] : memref<3x16384xi32, #tpu.memory_space<hbm>> -> memref<1x128xi32, #tpu.memory_space<hbm>>
      %dma_start3A_674 = tpu.memref_squeeze %dma_start3A_673 : memref<1x128xi32, #tpu.memory_space<hbm>> -> memref<128xi32, #tpu.memory_space<hbm>>
      tpu.enqueue_dma source(%dma_start3A_674 : memref<128xi32, #tpu.memory_space<hbm>>) target(%dma_start3A_672 : memref<128xi32, #tpu.memory_space<vmem>>) target_semaphore(%run_scoped3A_664 : memref<!tpu.dma_semaphore, #tpu.memory_space<semaphore_mem>>)
      %dma_wait3A_675 = arith.constant 0 : i32
      %dma_wait3A_676 = tpu.memref_slice %arg5[%run_scoped3A_29, %dma_wait3A_675] : memref<4x128xi32, #tpu.memory_space<vmem>> -> memref<1x128xi32, #tpu.memory_space<vmem>>
      %dma_wait3A_677 = tpu.memref_squeeze %dma_wait3A_676 : memref<1x128xi32, #tpu.memory_space<vmem>> -> memref<128xi32, #tpu.memory_space<vmem>>
      %dma_wait3A_678 = tpu.memref_slice %arg2[%run_scoped3A_28, %add3A_27] : memref<3x16384xi32, #tpu.memory_space<hbm>> -> memref<1x128xi32, #tpu.memory_space<hbm>>
      %dma_wait3A_679 = tpu.memref_squeeze %dma_wait3A_678 : memref<1x128xi32, #tpu.memory_space<hbm>> -> memref<128xi32, #tpu.memory_space<hbm>>
      %dma_wait3A_680 = arith.constant 0 : i32
      %dma_wait3A_681 = tpu.memref_slice %arg5[%run_scoped3A_29, %dma_wait3A_680] : memref<4x128xi32, #tpu.memory_space<vmem>> -> memref<1x128xi32, #tpu.memory_space<vmem>>
      %dma_wait3A_682 = tpu.memref_squeeze %dma_wait3A_681 : memref<1x128xi32, #tpu.memory_space<vmem>> -> memref<128xi32, #tpu.memory_space<vmem>>
      %dma_wait3A_683 = tpu.memref_slice %arg2[%run_scoped3A_28, %add3A_27] : memref<3x16384xi32, #tpu.memory_space<hbm>> -> memref<1x128xi32, #tpu.memory_space<hbm>>
      %dma_wait3A_684 = tpu.memref_squeeze %dma_wait3A_683 : memref<1x128xi32, #tpu.memory_space<hbm>> -> memref<128xi32, #tpu.memory_space<hbm>>
      tpu.wait_dma2 semaphore(%run_scoped3A_664 : memref<!tpu.dma_semaphore, #tpu.memory_space<semaphore_mem>>) src(%dma_wait3A_684 : memref<128xi32, #tpu.memory_space<hbm>>) dst(%dma_wait3A_682 : memref<128xi32, #tpu.memory_space<vmem>>)
      tpu.yield
    }) : () -> ()
    %run_scoped3A_30 = arith.constant 1 : i32
    %run_scoped3A_31 = arith.constant 3 : i32
    "tpu.region"() ({
      %run_scoped3A_664 = tpu.sem_alloc : memref<!tpu.dma_semaphore, #tpu.memory_space<semaphore_mem>>
      %dma_start3A_665 = arith.constant 0 : i32
      %dma_start3A_666 = tpu.memref_slice %arg6[%run_scoped3A_31, %dma_start3A_665] : memref<4x128xi32, #tpu.memory_space<vmem>> -> memref<1x128xi32, #tpu.memory_space<vmem>>
      %dma_start3A_667 = tpu.memref_squeeze %dma_start3A_666 : memref<1x128xi32, #tpu.memory_space<vmem>> -> memref<128xi32, #tpu.memory_space<vmem>>
      %dma_start3A_668 = tpu.memref_slice %arg2[%run_scoped3A_30, %add3A_27] : memref<3x16384xi32, #tpu.memory_space<hbm>> -> memref<1x128xi32, #tpu.memory_space<hbm>>
      %dma_start3A_669 = tpu.memref_squeeze %dma_start3A_668 : memref<1x128xi32, #tpu.memory_space<hbm>> -> memref<128xi32, #tpu.memory_space<hbm>>
      %dma_start3A_670 = arith.constant 0 : i32
      %dma_start3A_671 = tpu.memref_slice %arg6[%run_scoped3A_31, %dma_start3A_670] : memref<4x128xi32, #tpu.memory_space<vmem>> -> memref<1x128xi32, #tpu.memory_space<vmem>>
      %dma_start3A_672 = tpu.memref_squeeze %dma_start3A_671 : memref<1x128xi32, #tpu.memory_space<vmem>> -> memref<128xi32, #tpu.memory_space<vmem>>
      %dma_start3A_673 = tpu.memref_slice %arg2[%run_scoped3A_30, %add3A_27] : memref<3x16384xi32, #tpu.memory_space<hbm>> -> memref<1x128xi32, #tpu.memory_space<hbm>>
      %dma_start3A_674 = tpu.memref_squeeze %dma_start3A_673 : memref<1x128xi32, #tpu.memory_space<hbm>> -> memref<128xi32, #tpu.memory_space<hbm>>
      tpu.enqueue_dma source(%dma_start3A_674 : memref<128xi32, #tpu.memory_space<hbm>>) target(%dma_start3A_672 : memref<128xi32, #tpu.memory_space<vmem>>) target_semaphore(%run_scoped3A_664 : memref<!tpu.dma_semaphore, #tpu.memory_space<semaphore_mem>>)
      %dma_wait3A_675 = arith.constant 0 : i32
      %dma_wait3A_676 = tpu.memref_slice %arg6[%run_scoped3A_31, %dma_wait3A_675] : memref<4x128xi32, #tpu.memory_space<vmem>> -> memref<1x128xi32, #tpu.memory_space<vmem>>
      %dma_wait3A_677 = tpu.memref_squeeze %dma_wait3A_676 : memref<1x128xi32, #tpu.memory_space<vmem>> -> memref<128xi32, #tpu.memory_space<vmem>>
      %dma_wait3A_678 = tpu.memref_slice %arg2[%run_scoped3A_30, %add3A_27] : memref<3x16384xi32, #tpu.memory_space<hbm>> -> memref<1x128xi32, #tpu.memory_space<hbm>>
      %dma_wait3A_679 = tpu.memref_squeeze %dma_wait3A_678 : memref<1x128xi32, #tpu.memory_space<hbm>> -> memref<128xi32, #tpu.memory_space<hbm>>
      %dma_wait3A_680 = arith.constant 0 : i32
      %dma_wait3A_681 = tpu.memref_slice %arg6[%run_scoped3A_31, %dma_wait3A_680] : memref<4x128xi32, #tpu.memory_space<vmem>> -> memref<1x128xi32, #tpu.memory_space<vmem>>
      %dma_wait3A_682 = tpu.memref_squeeze %dma_wait3A_681 : memref<1x128xi32, #tpu.memory_space<vmem>> -> memref<128xi32, #tpu.memory_space<vmem>>
      %dma_wait3A_683 = tpu.memref_slice %arg2[%run_scoped3A_30, %add3A_27] : memref<3x16384xi32, #tpu.memory_space<hbm>> -> memref<1x128xi32, #tpu.memory_space<hbm>>
      %dma_wait3A_684 = tpu.memref_squeeze %dma_wait3A_683 : memref<1x128xi32, #tpu.memory_space<hbm>> -> memref<128xi32, #tpu.memory_space<hbm>>
      tpu.wait_dma2 semaphore(%run_scoped3A_664 : memref<!tpu.dma_semaphore, #tpu.memory_space<semaphore_mem>>) src(%dma_wait3A_684 : memref<128xi32, #tpu.memory_space<hbm>>) dst(%dma_wait3A_682 : memref<128xi32, #tpu.memory_space<vmem>>)
      tpu.yield
    }) : () -> ()
    %run_scoped3A_32 = arith.constant 2 : i32
    %run_scoped3A_33 = arith.constant 3 : i32
    "tpu.region"() ({
      %run_scoped3A_664 = tpu.sem_alloc : memref<!tpu.dma_semaphore, #tpu.memory_space<semaphore_mem>>
      %dma_start3A_665 = arith.constant 0 : i32
      %dma_start3A_666 = tpu.memref_slice %arg7[%run_scoped3A_33, %dma_start3A_665] : memref<4x128xi32, #tpu.memory_space<vmem>> -> memref<1x128xi32, #tpu.memory_space<vmem>>
      %dma_start3A_667 = tpu.memref_squeeze %dma_start3A_666 : memref<1x128xi32, #tpu.memory_space<vmem>> -> memref<128xi32, #tpu.memory_space<vmem>>
      %dma_start3A_668 = tpu.memref_slice %arg2[%run_scoped3A_32, %add3A_27] : memref<3x16384xi32, #tpu.memory_space<hbm>> -> memref<1x128xi32, #tpu.memory_space<hbm>>
      %dma_start3A_669 = tpu.memref_squeeze %dma_start3A_668 : memref<1x128xi32, #tpu.memory_space<hbm>> -> memref<128xi32, #tpu.memory_space<hbm>>
      %dma_start3A_670 = arith.constant 0 : i32
      %dma_start3A_671 = tpu.memref_slice %arg7[%run_scoped3A_33, %dma_start3A_670] : memref<4x128xi32, #tpu.memory_space<vmem>> -> memref<1x128xi32, #tpu.memory_space<vmem>>
      %dma_start3A_672 = tpu.memref_squeeze %dma_start3A_671 : memref<1x128xi32, #tpu.memory_space<vmem>> -> memref<128xi32, #tpu.memory_space<vmem>>
      %dma_start3A_673 = tpu.memref_slice %arg2[%run_scoped3A_32, %add3A_27] : memref<3x16384xi32, #tpu.memory_space<hbm>> -> memref<1x128xi32, #tpu.memory_space<hbm>>
      %dma_start3A_674 = tpu.memref_squeeze %dma_start3A_673 : memref<1x128xi32, #tpu.memory_space<hbm>> -> memref<128xi32, #tpu.memory_space<hbm>>
      tpu.enqueue_dma source(%dma_start3A_674 : memref<128xi32, #tpu.memory_space<hbm>>) target(%dma_start3A_672 : memref<128xi32, #tpu.memory_space<vmem>>) target_semaphore(%run_scoped3A_664 : memref<!tpu.dma_semaphore, #tpu.memory_space<semaphore_mem>>)
      %dma_wait3A_675 = arith.constant 0 : i32
      %dma_wait3A_676 = tpu.memref_slice %arg7[%run_scoped3A_33, %dma_wait3A_675] : memref<4x128xi32, #tpu.memory_space<vmem>> -> memref<1x128xi32, #tpu.memory_space<vmem>>
      %dma_wait3A_677 = tpu.memref_squeeze %dma_wait3A_676 : memref<1x128xi32, #tpu.memory_space<vmem>> -> memref<128xi32, #tpu.memory_space<vmem>>
      %dma_wait3A_678 = tpu.memref_slice %arg2[%run_scoped3A_32, %add3A_27] : memref<3x16384xi32, #tpu.memory_space<hbm>> -> memref<1x128xi32, #tpu.memory_space<hbm>>
      %dma_wait3A_679 = tpu.memref_squeeze %dma_wait3A_678 : memref<1x128xi32, #tpu.memory_space<hbm>> -> memref<128xi32, #tpu.memory_space<hbm>>
      %dma_wait3A_680 = arith.constant 0 : i32
      %dma_wait3A_681 = tpu.memref_slice %arg7[%run_scoped3A_33, %dma_wait3A_680] : memref<4x128xi32, #tpu.memory_space<vmem>> -> memref<1x128xi32, #tpu.memory_space<vmem>>
      %dma_wait3A_682 = tpu.memref_squeeze %dma_wait3A_681 : memref<1x128xi32, #tpu.memory_space<vmem>> -> memref<128xi32, #tpu.memory_space<vmem>>
      %dma_wait3A_683 = tpu.memref_slice %arg2[%run_scoped3A_32, %add3A_27] : memref<3x16384xi32, #tpu.memory_space<hbm>> -> memref<1x128xi32, #tpu.memory_space<hbm>>
      %dma_wait3A_684 = tpu.memref_squeeze %dma_wait3A_683 : memref<1x128xi32, #tpu.memory_space<hbm>> -> memref<128xi32, #tpu.memory_space<hbm>>
      tpu.wait_dma2 semaphore(%run_scoped3A_664 : memref<!tpu.dma_semaphore, #tpu.memory_space<semaphore_mem>>) src(%dma_wait3A_684 : memref<128xi32, #tpu.memory_space<hbm>>) dst(%dma_wait3A_682 : memref<128xi32, #tpu.memory_space<vmem>>)
      tpu.yield
    }) : () -> ()
    %iota3A = tpu.iota {dimensions = array<i32: 0>} : vector<16xi32>
    %broadcast_in_dim3A = arith.constant 128 : i32
    %broadcast_in_dim3A_34 = vector.broadcast %broadcast_in_dim3A : i32 to vector<16xi32>
    %broadcast_in_dim3A_35 = arith.constant 129 : i32
    %broadcast_in_dim3A_36 = vector.broadcast %broadcast_in_dim3A_35 : i32 to vector<16xi32>
    %add3A_37 = arith.constant 0 : i32
    %add3A_38 = vector.broadcast %add3A_37 : i32 to vector<16xi32>
    %add3A_39 = arith.addi %iota3A, %add3A_38 : vector<16xi32>
    %get3A = arith.constant 0 : i32
    %get3A_40 = arith.index_cast %get3A : i32 to index
    %get3A_41 = arith.constant 0 : index
    %get3A_42 = tpu.vector_load %arg5[%get3A_40, %get3A_41] {strides = array<i32>} : memref<4x128xi32, #tpu.memory_space<vmem>>, vector<16xi32>,
    %get3A_43 = arith.constant 0 : i32
    %get3A_44 = arith.index_cast %get3A_43 : i32 to index
    %get3A_45 = arith.constant 0 : index
    %get3A_46 = tpu.vector_load %arg7[%get3A_44, %get3A_45] {strides = array<i32>} : memref<4x128xi32, #tpu.memory_space<vmem>>, vector<16xi32>,
    %convert_element_type3A = arith.sitofp %get3A_46 : vector<16xi32> to vector<16xf32>
    tpu.vector_store_idx %arg10[%add3A_39, %broadcast_in_dim3A_34], %convert_element_type3A : memref<512x130xf32, #tpu.memory_space<vmem>>[vector<16xi32>, vector<16xi32>], vector<16xf32>,
    %convert_element_type3A_47 = arith.sitofp %get3A_42 : vector<16xi32> to vector<16xf32>
    tpu.vector_store_idx %arg10[%add3A_39, %broadcast_in_dim3A_36], %convert_element_type3A_47 : memref<512x130xf32, #tpu.memory_space<vmem>>[vector<16xi32>, vector<16xi32>], vector<16xf32>,
    %add3A_48 = arith.constant 16 : i32
    %add3A_49 = vector.broadcast %add3A_48 : i32 to vector<16xi32>
    %add3A_50 = arith.addi %iota3A, %add3A_49 : vector<16xi32>
    %get3A_51 = arith.constant 0 : i32
    %get3A_52 = arith.index_cast %get3A_51 : i32 to index
    %get3A_53 = arith.constant 16 : index
    %get3A_54 = tpu.vector_load %arg5[%get3A_52, %get3A_53] {strides = array<i32>} : memref<4x128xi32, #tpu.memory_space<vmem>>, vector<16xi32>,
    %get3A_55 = arith.constant 0 : i32
    %get3A_56 = arith.index_cast %get3A_55 : i32 to index
    %get3A_57 = arith.constant 16 : index
    %get3A_58 = tpu.vector_load %arg7[%get3A_56, %get3A_57] {strides = array<i32>} : memref<4x128xi32, #tpu.memory_space<vmem>>, vector<16xi32>,
    %convert_element_type3A_59 = arith.sitofp %get3A_58 : vector<16xi32> to vector<16xf32>
    tpu.vector_store_idx %arg10[%add3A_50, %broadcast_in_dim3A_34], %convert_element_type3A_59 : memref<512x130xf32, #tpu.memory_space<vmem>>[vector<16xi32>, vector<16xi32>], vector<16xf32>,
    %convert_element_type3A_60 = arith.sitofp %get3A_54 : vector<16xi32> to vector<16xf32>
    tpu.vector_store_idx %arg10[%add3A_50, %broadcast_in_dim3A_36], %convert_element_type3A_60 : memref<512x130xf32, #tpu.memory_space<vmem>>[vector<16xi32>, vector<16xi32>], vector<16xf32>,
    %add3A_61 = arith.constant 32 : i32
    %add3A_62 = vector.broadcast %add3A_61 : i32 to vector<16xi32>
    %add3A_63 = arith.addi %iota3A, %add3A_62 : vector<16xi32>
    %get3A_64 = arith.constant 0 : i32
    %get3A_65 = arith.index_cast %get3A_64 : i32 to index
    %get3A_66 = arith.constant 32 : index
    %get3A_67 = tpu.vector_load %arg5[%get3A_65, %get3A_66] {strides = array<i32>} : memref<4x128xi32, #tpu.memory_space<vmem>>, vector<16xi32>,
    %get3A_68 = arith.constant 0 : i32
    %get3A_69 = arith.index_cast %get3A_68 : i32 to index
    %get3A_70 = arith.constant 32 : index
    %get3A_71 = tpu.vector_load %arg7[%get3A_69, %get3A_70] {strides = array<i32>} : memref<4x128xi32, #tpu.memory_space<vmem>>, vector<16xi32>,
    %convert_element_type3A_72 = arith.sitofp %get3A_71 : vector<16xi32> to vector<16xf32>
    tpu.vector_store_idx %arg10[%add3A_63, %broadcast_in_dim3A_34], %convert_element_type3A_72 : memref<512x130xf32, #tpu.memory_space<vmem>>[vector<16xi32>, vector<16xi32>], vector<16xf32>,
    %convert_element_type3A_73 = arith.sitofp %get3A_67 : vector<16xi32> to vector<16xf32>
    tpu.vector_store_idx %arg10[%add3A_63, %broadcast_in_dim3A_36], %convert_element_type3A_73 : memref<512x130xf32, #tpu.memory_space<vmem>>[vector<16xi32>, vector<16xi32>], vector<16xf32>,
    %add3A_74 = arith.constant 48 : i32
    %add3A_75 = vector.broadcast %add3A_74 : i32 to vector<16xi32>
    %add3A_76 = arith.addi %iota3A, %add3A_75 : vector<16xi32>
    %get3A_77 = arith.constant 0 : i32
    %get3A_78 = arith.index_cast %get3A_77 : i32 to index
    %get3A_79 = arith.constant 48 : index
    %get3A_80 = tpu.vector_load %arg5[%get3A_78, %get3A_79] {strides = array<i32>} : memref<4x128xi32, #tpu.memory_space<vmem>>, vector<16xi32>,
    %get3A_81 = arith.constant 0 : i32
    %get3A_82 = arith.index_cast %get3A_81 : i32 to index
    %get3A_83 = arith.constant 48 : index
    %get3A_84 = tpu.vector_load %arg7[%get3A_82, %get3A_83] {strides = array<i32>} : memref<4x128xi32, #tpu.memory_space<vmem>>, vector<16xi32>,
    %convert_element_type3A_85 = arith.sitofp %get3A_84 : vector<16xi32> to vector<16xf32>
    tpu.vector_store_idx %arg10[%add3A_76, %broadcast_in_dim3A_34], %convert_element_type3A_85 : memref<512x130xf32, #tpu.memory_space<vmem>>[vector<16xi32>, vector<16xi32>], vector<16xf32>,
    %convert_element_type3A_86 = arith.sitofp %get3A_80 : vector<16xi32> to vector<16xf32>
    tpu.vector_store_idx %arg10[%add3A_76, %broadcast_in_dim3A_36], %convert_element_type3A_86 : memref<512x130xf32, #tpu.memory_space<vmem>>[vector<16xi32>, vector<16xi32>], vector<16xf32>,
    %add3A_87 = arith.constant 64 : i32
    %add3A_88 = vector.broadcast %add3A_87 : i32 to vector<16xi32>
    %add3A_89 = arith.addi %iota3A, %add3A_88 : vector<16xi32>
    %get3A_90 = arith.constant 0 : i32
    %get3A_91 = arith.index_cast %get3A_90 : i32 to index
    %get3A_92 = arith.constant 64 : index
    %get3A_93 = tpu.vector_load %arg5[%get3A_91, %get3A_92] {strides = array<i32>} : memref<4x128xi32, #tpu.memory_space<vmem>>, vector<16xi32>,
    %get3A_94 = arith.constant 0 : i32
    %get3A_95 = arith.index_cast %get3A_94 : i32 to index
    %get3A_96 = arith.constant 64 : index
    %get3A_97 = tpu.vector_load %arg7[%get3A_95, %get3A_96] {strides = array<i32>} : memref<4x128xi32, #tpu.memory_space<vmem>>, vector<16xi32>,
    %convert_element_type3A_98 = arith.sitofp %get3A_97 : vector<16xi32> to vector<16xf32>
    tpu.vector_store_idx %arg10[%add3A_89, %broadcast_in_dim3A_34], %convert_element_type3A_98 : memref<512x130xf32, #tpu.memory_space<vmem>>[vector<16xi32>, vector<16xi32>], vector<16xf32>,
    %convert_element_type3A_99 = arith.sitofp %get3A_93 : vector<16xi32> to vector<16xf32>
    tpu.vector_store_idx %arg10[%add3A_89, %broadcast_in_dim3A_36], %convert_element_type3A_99 : memref<512x130xf32, #tpu.memory_space<vmem>>[vector<16xi32>, vector<16xi32>], vector<16xf32>,
    %add3A_100 = arith.constant 80 : i32
    %add3A_101 = vector.broadcast %add3A_100 : i32 to vector<16xi32>
    %add3A_102 = arith.addi %iota3A, %add3A_101 : vector<16xi32>
    %get3A_103 = arith.constant 0 : i32
    %get3A_104 = arith.index_cast %get3A_103 : i32 to index
    %get3A_105 = arith.constant 80 : index
    %get3A_106 = tpu.vector_load %arg5[%get3A_104, %get3A_105] {strides = array<i32>} : memref<4x128xi32, #tpu.memory_space<vmem>>, vector<16xi32>,
    %get3A_107 = arith.constant 0 : i32
    %get3A_108 = arith.index_cast %get3A_107 : i32 to index
    %get3A_109 = arith.constant 80 : index
    %get3A_110 = tpu.vector_load %arg7[%get3A_108, %get3A_109] {strides = array<i32>} : memref<4x128xi32, #tpu.memory_space<vmem>>, vector<16xi32>,
    %convert_element_type3A_111 = arith.sitofp %get3A_110 : vector<16xi32> to vector<16xf32>
    tpu.vector_store_idx %arg10[%add3A_102, %broadcast_in_dim3A_34], %convert_element_type3A_111 : memref<512x130xf32, #tpu.memory_space<vmem>>[vector<16xi32>, vector<16xi32>], vector<16xf32>,
    %convert_element_type3A_112 = arith.sitofp %get3A_106 : vector<16xi32> to vector<16xf32>
    tpu.vector_store_idx %arg10[%add3A_102, %broadcast_in_dim3A_36], %convert_element_type3A_112 : memref<512x130xf32, #tpu.memory_space<vmem>>[vector<16xi32>, vector<16xi32>], vector<16xf32>,
    %add3A_113 = arith.constant 96 : i32
    %add3A_114 = vector.broadcast %add3A_113 : i32 to vector<16xi32>
    %add3A_115 = arith.addi %iota3A, %add3A_114 : vector<16xi32>
    %get3A_116 = arith.constant 0 : i32
    %get3A_117 = arith.index_cast %get3A_116 : i32 to index
    %get3A_118 = arith.constant 96 : index
    %get3A_119 = tpu.vector_load %arg5[%get3A_117, %get3A_118] {strides = array<i32>} : memref<4x128xi32, #tpu.memory_space<vmem>>, vector<16xi32>,
    %get3A_120 = arith.constant 0 : i32
    %get3A_121 = arith.index_cast %get3A_120 : i32 to index
    %get3A_122 = arith.constant 96 : index
    %get3A_123 = tpu.vector_load %arg7[%get3A_121, %get3A_122] {strides = array<i32>} : memref<4x128xi32, #tpu.memory_space<vmem>>, vector<16xi32>,
    %convert_element_type3A_124 = arith.sitofp %get3A_123 : vector<16xi32> to vector<16xf32>
    tpu.vector_store_idx %arg10[%add3A_115, %broadcast_in_dim3A_34], %convert_element_type3A_124 : memref<512x130xf32, #tpu.memory_space<vmem>>[vector<16xi32>, vector<16xi32>], vector<16xf32>,
    %convert_element_type3A_125 = arith.sitofp %get3A_119 : vector<16xi32> to vector<16xf32>
    tpu.vector_store_idx %arg10[%add3A_115, %broadcast_in_dim3A_36], %convert_element_type3A_125 : memref<512x130xf32, #tpu.memory_space<vmem>>[vector<16xi32>, vector<16xi32>], vector<16xf32>,
    %add3A_126 = arith.constant 112 : i32
    %add3A_127 = vector.broadcast %add3A_126 : i32 to vector<16xi32>
    %add3A_128 = arith.addi %iota3A, %add3A_127 : vector<16xi32>
    %get3A_129 = arith.constant 0 : i32
    %get3A_130 = arith.index_cast %get3A_129 : i32 to index
    %get3A_131 = arith.constant 112 : index
    %get3A_132 = tpu.vector_load %arg5[%get3A_130, %get3A_131] {strides = array<i32>} : memref<4x128xi32, #tpu.memory_space<vmem>>, vector<16xi32>,
    %get3A_133 = arith.constant 0 : i32
    %get3A_134 = arith.index_cast %get3A_133 : i32 to index
    %get3A_135 = arith.constant 112 : index
    %get3A_136 = tpu.vector_load %arg7[%get3A_134, %get3A_135] {strides = array<i32>} : memref<4x128xi32, #tpu.memory_space<vmem>>, vector<16xi32>,
    %convert_element_type3A_137 = arith.sitofp %get3A_136 : vector<16xi32> to vector<16xf32>
    tpu.vector_store_idx %arg10[%add3A_128, %broadcast_in_dim3A_34], %convert_element_type3A_137 : memref<512x130xf32, #tpu.memory_space<vmem>>[vector<16xi32>, vector<16xi32>], vector<16xf32>,
    %convert_element_type3A_138 = arith.sitofp %get3A_132 : vector<16xi32> to vector<16xf32>
    tpu.vector_store_idx %arg10[%add3A_128, %broadcast_in_dim3A_36], %convert_element_type3A_138 : memref<512x130xf32, #tpu.memory_space<vmem>>[vector<16xi32>, vector<16xi32>], vector<16xf32>,
    %add3A_139 = arith.constant 128 : i32
    %add3A_140 = vector.broadcast %add3A_139 : i32 to vector<16xi32>
    %add3A_141 = arith.addi %iota3A, %add3A_140 : vector<16xi32>
    %get3A_142 = arith.constant 1 : i32
    %get3A_143 = arith.index_cast %get3A_142 : i32 to index
    %get3A_144 = arith.constant 0 : index
    %get3A_145 = tpu.vector_load %arg5[%get3A_143, %get3A_144] {strides = array<i32>} : memref<4x128xi32, #tpu.memory_space<vmem>>, vector<16xi32>,
    %get3A_146 = arith.constant 1 : i32
    %get3A_147 = arith.index_cast %get3A_146 : i32 to index
    %get3A_148 = arith.constant 0 : index
    %get3A_149 = tpu.vector_load %arg7[%get3A_147, %get3A_148] {strides = array<i32>} : memref<4x128xi32, #tpu.memory_space<vmem>>, vector<16xi32>,
    %convert_element_type3A_150 = arith.sitofp %get3A_149 : vector<16xi32> to vector<16xf32>
    tpu.vector_store_idx %arg10[%add3A_141, %broadcast_in_dim3A_34], %convert_element_type3A_150 : memref<512x130xf32, #tpu.memory_space<vmem>>[vector<16xi32>, vector<16xi32>], vector<16xf32>,
    %convert_element_type3A_151 = arith.sitofp %get3A_145 : vector<16xi32> to vector<16xf32>
    tpu.vector_store_idx %arg10[%add3A_141, %broadcast_in_dim3A_36], %convert_element_type3A_151 : memref<512x130xf32, #tpu.memory_space<vmem>>[vector<16xi32>, vector<16xi32>], vector<16xf32>,
    %add3A_152 = arith.constant 144 : i32
    %add3A_153 = vector.broadcast %add3A_152 : i32 to vector<16xi32>
    %add3A_154 = arith.addi %iota3A, %add3A_153 : vector<16xi32>
    %get3A_155 = arith.constant 1 : i32
    %get3A_156 = arith.index_cast %get3A_155 : i32 to index
    %get3A_157 = arith.constant 16 : index
    %get3A_158 = tpu.vector_load %arg5[%get3A_156, %get3A_157] {strides = array<i32>} : memref<4x128xi32, #tpu.memory_space<vmem>>, vector<16xi32>,
    %get3A_159 = arith.constant 1 : i32
    %get3A_160 = arith.index_cast %get3A_159 : i32 to index
    %get3A_161 = arith.constant 16 : index
    %get3A_162 = tpu.vector_load %arg7[%get3A_160, %get3A_161] {strides = array<i32>} : memref<4x128xi32, #tpu.memory_space<vmem>>, vector<16xi32>,
    %convert_element_type3A_163 = arith.sitofp %get3A_162 : vector<16xi32> to vector<16xf32>
    tpu.vector_store_idx %arg10[%add3A_154, %broadcast_in_dim3A_34], %convert_element_type3A_163 : memref<512x130xf32, #tpu.memory_space<vmem>>[vector<16xi32>, vector<16xi32>], vector<16xf32>,
    %convert_element_type3A_164 = arith.sitofp %get3A_158 : vector<16xi32> to vector<16xf32>
    tpu.vector_store_idx %arg10[%add3A_154, %broadcast_in_dim3A_36], %convert_element_type3A_164 : memref<512x130xf32, #tpu.memory_space<vmem>>[vector<16xi32>, vector<16xi32>], vector<16xf32>,
    %add3A_165 = arith.constant 160 : i32
    %add3A_166 = vector.broadcast %add3A_165 : i32 to vector<16xi32>
    %add3A_167 = arith.addi %iota3A, %add3A_166 : vector<16xi32>
    %get3A_168 = arith.constant 1 : i32
    %get3A_169 = arith.index_cast %get3A_168 : i32 to index
    %get3A_170 = arith.constant 32 : index
    %get3A_171 = tpu.vector_load %arg5[%get3A_169, %get3A_170] {strides = array<i32>} : memref<4x128xi32, #tpu.memory_space<vmem>>, vector<16xi32>,
    %get3A_172 = arith.constant 1 : i32
    %get3A_173 = arith.index_cast %get3A_172 : i32 to index
    %get3A_174 = arith.constant 32 : index
    %get3A_175 = tpu.vector_load %arg7[%get3A_173, %get3A_174] {strides = array<i32>} : memref<4x128xi32, #tpu.memory_space<vmem>>, vector<16xi32>,
    %convert_element_type3A_176 = arith.sitofp %get3A_175 : vector<16xi32> to vector<16xf32>
    tpu.vector_store_idx %arg10[%add3A_167, %broadcast_in_dim3A_34], %convert_element_type3A_176 : memref<512x130xf32, #tpu.memory_space<vmem>>[vector<16xi32>, vector<16xi32>], vector<16xf32>,
    %convert_element_type3A_177 = arith.sitofp %get3A_171 : vector<16xi32> to vector<16xf32>
    tpu.vector_store_idx %arg10[%add3A_167, %broadcast_in_dim3A_36], %convert_element_type3A_177 : memref<512x130xf32, #tpu.memory_space<vmem>>[vector<16xi32>, vector<16xi32>], vector<16xf32>,
    %add3A_178 = arith.constant 176 : i32
    %add3A_179 = vector.broadcast %add3A_178 : i32 to vector<16xi32>
    %add3A_180 = arith.addi %iota3A, %add3A_179 : vector<16xi32>
    %get3A_181 = arith.constant 1 : i32
    %get3A_182 = arith.index_cast %get3A_181 : i32 to index
    %get3A_183 = arith.constant 48 : index
    %get3A_184 = tpu.vector_load %arg5[%get3A_182, %get3A_183] {strides = array<i32>} : memref<4x128xi32, #tpu.memory_space<vmem>>, vector<16xi32>,
    %get3A_185 = arith.constant 1 : i32
    %get3A_186 = arith.index_cast %get3A_185 : i32 to index
    %get3A_187 = arith.constant 48 : index
    %get3A_188 = tpu.vector_load %arg7[%get3A_186, %get3A_187] {strides = array<i32>} : memref<4x128xi32, #tpu.memory_space<vmem>>, vector<16xi32>,
    %convert_element_type3A_189 = arith.sitofp %get3A_188 : vector<16xi32> to vector<16xf32>
    tpu.vector_store_idx %arg10[%add3A_180, %broadcast_in_dim3A_34], %convert_element_type3A_189 : memref<512x130xf32, #tpu.memory_space<vmem>>[vector<16xi32>, vector<16xi32>], vector<16xf32>,
    %convert_element_type3A_190 = arith.sitofp %get3A_184 : vector<16xi32> to vector<16xf32>
    tpu.vector_store_idx %arg10[%add3A_180, %broadcast_in_dim3A_36], %convert_element_type3A_190 : memref<512x130xf32, #tpu.memory_space<vmem>>[vector<16xi32>, vector<16xi32>], vector<16xf32>,
    %add3A_191 = arith.constant 192 : i32
    %add3A_192 = vector.broadcast %add3A_191 : i32 to vector<16xi32>
    %add3A_193 = arith.addi %iota3A, %add3A_192 : vector<16xi32>
    %get3A_194 = arith.constant 1 : i32
    %get3A_195 = arith.index_cast %get3A_194 : i32 to index
    %get3A_196 = arith.constant 64 : index
    %get3A_197 = tpu.vector_load %arg5[%get3A_195, %get3A_196] {strides = array<i32>} : memref<4x128xi32, #tpu.memory_space<vmem>>, vector<16xi32>,
    %get3A_198 = arith.constant 1 : i32
    %get3A_199 = arith.index_cast %get3A_198 : i32 to index
    %get3A_200 = arith.constant 64 : index
    %get3A_201 = tpu.vector_load %arg7[%get3A_199, %get3A_200] {strides = array<i32>} : memref<4x128xi32, #tpu.memory_space<vmem>>, vector<16xi32>,
    %convert_element_type3A_202 = arith.sitofp %get3A_201 : vector<16xi32> to vector<16xf32>
    tpu.vector_store_idx %arg10[%add3A_193, %broadcast_in_dim3A_34], %convert_element_type3A_202 : memref<512x130xf32, #tpu.memory_space<vmem>>[vector<16xi32>, vector<16xi32>], vector<16xf32>,
    %convert_element_type3A_203 = arith.sitofp %get3A_197 : vector<16xi32> to vector<16xf32>
    tpu.vector_store_idx %arg10[%add3A_193, %broadcast_in_dim3A_36], %convert_element_type3A_203 : memref<512x130xf32, #tpu.memory_space<vmem>>[vector<16xi32>, vector<16xi32>], vector<16xf32>,
    %add3A_204 = arith.constant 208 : i32
    %add3A_205 = vector.broadcast %add3A_204 : i32 to vector<16xi32>
    %add3A_206 = arith.addi %iota3A, %add3A_205 : vector<16xi32>
    %get3A_207 = arith.constant 1 : i32
    %get3A_208 = arith.index_cast %get3A_207 : i32 to index
    %get3A_209 = arith.constant 80 : index
    %get3A_210 = tpu.vector_load %arg5[%get3A_208, %get3A_209] {strides = array<i32>} : memref<4x128xi32, #tpu.memory_space<vmem>>, vector<16xi32>,
    %get3A_211 = arith.constant 1 : i32
    %get3A_212 = arith.index_cast %get3A_211 : i32 to index
    %get3A_213 = arith.constant 80 : index
    %get3A_214 = tpu.vector_load %arg7[%get3A_212, %get3A_213] {strides = array<i32>} : memref<4x128xi32, #tpu.memory_space<vmem>>, vector<16xi32>,
    %convert_element_type3A_215 = arith.sitofp %get3A_214 : vector<16xi32> to vector<16xf32>
    tpu.vector_store_idx %arg10[%add3A_206, %broadcast_in_dim3A_34], %convert_element_type3A_215 : memref<512x130xf32, #tpu.memory_space<vmem>>[vector<16xi32>, vector<16xi32>], vector<16xf32>,
    %convert_element_type3A_216 = arith.sitofp %get3A_210 : vector<16xi32> to vector<16xf32>
    tpu.vector_store_idx %arg10[%add3A_206, %broadcast_in_dim3A_36], %convert_element_type3A_216 : memref<512x130xf32, #tpu.memory_space<vmem>>[vector<16xi32>, vector<16xi32>], vector<16xf32>,
    %add3A_217 = arith.constant 224 : i32
    %add3A_218 = vector.broadcast %add3A_217 : i32 to vector<16xi32>
    %add3A_219 = arith.addi %iota3A, %add3A_218 : vector<16xi32>
    %get3A_220 = arith.constant 1 : i32
    %get3A_221 = arith.index_cast %get3A_220 : i32 to index
    %get3A_222 = arith.constant 96 : index
    %get3A_223 = tpu.vector_load %arg5[%get3A_221, %get3A_222] {strides = array<i32>} : memref<4x128xi32, #tpu.memory_space<vmem>>, vector<16xi32>,
    %get3A_224 = arith.constant 1 : i32
    %get3A_225 = arith.index_cast %get3A_224 : i32 to index
    %get3A_226 = arith.constant 96 : index
    %get3A_227 = tpu.vector_load %arg7[%get3A_225, %get3A_226] {strides = array<i32>} : memref<4x128xi32, #tpu.memory_space<vmem>>, vector<16xi32>,
    %convert_element_type3A_228 = arith.sitofp %get3A_227 : vector<16xi32> to vector<16xf32>
    tpu.vector_store_idx %arg10[%add3A_219, %broadcast_in_dim3A_34], %convert_element_type3A_228 : memref<512x130xf32, #tpu.memory_space<vmem>>[vector<16xi32>, vector<16xi32>], vector<16xf32>,
    %convert_element_type3A_229 = arith.sitofp %get3A_223 : vector<16xi32> to vector<16xf32>
    tpu.vector_store_idx %arg10[%add3A_219, %broadcast_in_dim3A_36], %convert_element_type3A_229 : memref<512x130xf32, #tpu.memory_space<vmem>>[vector<16xi32>, vector<16xi32>], vector<16xf32>,
    %add3A_230 = arith.constant 240 : i32
    %add3A_231 = vector.broadcast %add3A_230 : i32 to vector<16xi32>
    %add3A_232 = arith.addi %iota3A, %add3A_231 : vector<16xi32>
    %get3A_233 = arith.constant 1 : i32
    %get3A_234 = arith.index_cast %get3A_233 : i32 to index
    %get3A_235 = arith.constant 112 : index
    %get3A_236 = tpu.vector_load %arg5[%get3A_234, %get3A_235] {strides = array<i32>} : memref<4x128xi32, #tpu.memory_space<vmem>>, vector<16xi32>,
    %get3A_237 = arith.constant 1 : i32
    %get3A_238 = arith.index_cast %get3A_237 : i32 to index
    %get3A_239 = arith.constant 112 : index
    %get3A_240 = tpu.vector_load %arg7[%get3A_238, %get3A_239] {strides = array<i32>} : memref<4x128xi32, #tpu.memory_space<vmem>>, vector<16xi32>,
    %convert_element_type3A_241 = arith.sitofp %get3A_240 : vector<16xi32> to vector<16xf32>
    tpu.vector_store_idx %arg10[%add3A_232, %broadcast_in_dim3A_34], %convert_element_type3A_241 : memref<512x130xf32, #tpu.memory_space<vmem>>[vector<16xi32>, vector<16xi32>], vector<16xf32>,
    %convert_element_type3A_242 = arith.sitofp %get3A_236 : vector<16xi32> to vector<16xf32>
    tpu.vector_store_idx %arg10[%add3A_232, %broadcast_in_dim3A_36], %convert_element_type3A_242 : memref<512x130xf32, #tpu.memory_space<vmem>>[vector<16xi32>, vector<16xi32>], vector<16xf32>,
    %add3A_243 = arith.constant 256 : i32
    %add3A_244 = vector.broadcast %add3A_243 : i32 to vector<16xi32>
    %add3A_245 = arith.addi %iota3A, %add3A_244 : vector<16xi32>
    %get3A_246 = arith.constant 2 : i32
    %get3A_247 = arith.index_cast %get3A_246 : i32 to index
    %get3A_248 = arith.constant 0 : index
    %get3A_249 = tpu.vector_load %arg5[%get3A_247, %get3A_248] {strides = array<i32>} : memref<4x128xi32, #tpu.memory_space<vmem>>, vector<16xi32>,
    %get3A_250 = arith.constant 2 : i32
    %get3A_251 = arith.index_cast %get3A_250 : i32 to index
    %get3A_252 = arith.constant 0 : index
    %get3A_253 = tpu.vector_load %arg7[%get3A_251, %get3A_252] {strides = array<i32>} : memref<4x128xi32, #tpu.memory_space<vmem>>, vector<16xi32>,
    %convert_element_type3A_254 = arith.sitofp %get3A_253 : vector<16xi32> to vector<16xf32>
    tpu.vector_store_idx %arg10[%add3A_245, %broadcast_in_dim3A_34], %convert_element_type3A_254 : memref<512x130xf32, #tpu.memory_space<vmem>>[vector<16xi32>, vector<16xi32>], vector<16xf32>,
    %convert_element_type3A_255 = arith.sitofp %get3A_249 : vector<16xi32> to vector<16xf32>
    tpu.vector_store_idx %arg10[%add3A_245, %broadcast_in_dim3A_36], %convert_element_type3A_255 : memref<512x130xf32, #tpu.memory_space<vmem>>[vector<16xi32>, vector<16xi32>], vector<16xf32>,
    %add3A_256 = arith.constant 272 : i32
    %add3A_257 = vector.broadcast %add3A_256 : i32 to vector<16xi32>
    %add3A_258 = arith.addi %iota3A, %add3A_257 : vector<16xi32>
    %get3A_259 = arith.constant 2 : i32
    %get3A_260 = arith.index_cast %get3A_259 : i32 to index
    %get3A_261 = arith.constant 16 : index
    %get3A_262 = tpu.vector_load %arg5[%get3A_260, %get3A_261] {strides = array<i32>} : memref<4x128xi32, #tpu.memory_space<vmem>>, vector<16xi32>,
    %get3A_263 = arith.constant 2 : i32
    %get3A_264 = arith.index_cast %get3A_263 : i32 to index
    %get3A_265 = arith.constant 16 : index
    %get3A_266 = tpu.vector_load %arg7[%get3A_264, %get3A_265] {strides = array<i32>} : memref<4x128xi32, #tpu.memory_space<vmem>>, vector<16xi32>,
    %convert_element_type3A_267 = arith.sitofp %get3A_266 : vector<16xi32> to vector<16xf32>
    tpu.vector_store_idx %arg10[%add3A_258, %broadcast_in_dim3A_34], %convert_element_type3A_267 : memref<512x130xf32, #tpu.memory_space<vmem>>[vector<16xi32>, vector<16xi32>], vector<16xf32>,
    %convert_element_type3A_268 = arith.sitofp %get3A_262 : vector<16xi32> to vector<16xf32>
    tpu.vector_store_idx %arg10[%add3A_258, %broadcast_in_dim3A_36], %convert_element_type3A_268 : memref<512x130xf32, #tpu.memory_space<vmem>>[vector<16xi32>, vector<16xi32>], vector<16xf32>,
    %add3A_269 = arith.constant 288 : i32
    %add3A_270 = vector.broadcast %add3A_269 : i32 to vector<16xi32>
    %add3A_271 = arith.addi %iota3A, %add3A_270 : vector<16xi32>
    %get3A_272 = arith.constant 2 : i32
    %get3A_273 = arith.index_cast %get3A_272 : i32 to index
    %get3A_274 = arith.constant 32 : index
    %get3A_275 = tpu.vector_load %arg5[%get3A_273, %get3A_274] {strides = array<i32>} : memref<4x128xi32, #tpu.memory_space<vmem>>, vector<16xi32>,
    %get3A_276 = arith.constant 2 : i32
    %get3A_277 = arith.index_cast %get3A_276 : i32 to index
    %get3A_278 = arith.constant 32 : index
    %get3A_279 = tpu.vector_load %arg7[%get3A_277, %get3A_278] {strides = array<i32>} : memref<4x128xi32, #tpu.memory_space<vmem>>, vector<16xi32>,
    %convert_element_type3A_280 = arith.sitofp %get3A_279 : vector<16xi32> to vector<16xf32>
    tpu.vector_store_idx %arg10[%add3A_271, %broadcast_in_dim3A_34], %convert_element_type3A_280 : memref<512x130xf32, #tpu.memory_space<vmem>>[vector<16xi32>, vector<16xi32>], vector<16xf32>,
    %convert_element_type3A_281 = arith.sitofp %get3A_275 : vector<16xi32> to vector<16xf32>
    tpu.vector_store_idx %arg10[%add3A_271, %broadcast_in_dim3A_36], %convert_element_type3A_281 : memref<512x130xf32, #tpu.memory_space<vmem>>[vector<16xi32>, vector<16xi32>], vector<16xf32>,
    %add3A_282 = arith.constant 304 : i32
    %add3A_283 = vector.broadcast %add3A_282 : i32 to vector<16xi32>
    %add3A_284 = arith.addi %iota3A, %add3A_283 : vector<16xi32>
    %get3A_285 = arith.constant 2 : i32
    %get3A_286 = arith.index_cast %get3A_285 : i32 to index
    %get3A_287 = arith.constant 48 : index
    %get3A_288 = tpu.vector_load %arg5[%get3A_286, %get3A_287] {strides = array<i32>} : memref<4x128xi32, #tpu.memory_space<vmem>>, vector<16xi32>,
    %get3A_289 = arith.constant 2 : i32
    %get3A_290 = arith.index_cast %get3A_289 : i32 to index
    %get3A_291 = arith.constant 48 : index
    %get3A_292 = tpu.vector_load %arg7[%get3A_290, %get3A_291] {strides = array<i32>} : memref<4x128xi32, #tpu.memory_space<vmem>>, vector<16xi32>,
    %convert_element_type3A_293 = arith.sitofp %get3A_292 : vector<16xi32> to vector<16xf32>
    tpu.vector_store_idx %arg10[%add3A_284, %broadcast_in_dim3A_34], %convert_element_type3A_293 : memref<512x130xf32, #tpu.memory_space<vmem>>[vector<16xi32>, vector<16xi32>], vector<16xf32>,
    %convert_element_type3A_294 = arith.sitofp %get3A_288 : vector<16xi32> to vector<16xf32>
    tpu.vector_store_idx %arg10[%add3A_284, %broadcast_in_dim3A_36], %convert_element_type3A_294 : memref<512x130xf32, #tpu.memory_space<vmem>>[vector<16xi32>, vector<16xi32>], vector<16xf32>,
    %add3A_295 = arith.constant 320 : i32
    %add3A_296 = vector.broadcast %add3A_295 : i32 to vector<16xi32>
    %add3A_297 = arith.addi %iota3A, %add3A_296 : vector<16xi32>
    %get3A_298 = arith.constant 2 : i32
    %get3A_299 = arith.index_cast %get3A_298 : i32 to index
    %get3A_300 = arith.constant 64 : index
    %get3A_301 = tpu.vector_load %arg5[%get3A_299, %get3A_300] {strides = array<i32>} : memref<4x128xi32, #tpu.memory_space<vmem>>, vector<16xi32>,
    %get3A_302 = arith.constant 2 : i32
    %get3A_303 = arith.index_cast %get3A_302 : i32 to index
    %get3A_304 = arith.constant 64 : index
    %get3A_305 = tpu.vector_load %arg7[%get3A_303, %get3A_304] {strides = array<i32>} : memref<4x128xi32, #tpu.memory_space<vmem>>, vector<16xi32>,
    %convert_element_type3A_306 = arith.sitofp %get3A_305 : vector<16xi32> to vector<16xf32>
    tpu.vector_store_idx %arg10[%add3A_297, %broadcast_in_dim3A_34], %convert_element_type3A_306 : memref<512x130xf32, #tpu.memory_space<vmem>>[vector<16xi32>, vector<16xi32>], vector<16xf32>,
    %convert_element_type3A_307 = arith.sitofp %get3A_301 : vector<16xi32> to vector<16xf32>
    tpu.vector_store_idx %arg10[%add3A_297, %broadcast_in_dim3A_36], %convert_element_type3A_307 : memref<512x130xf32, #tpu.memory_space<vmem>>[vector<16xi32>, vector<16xi32>], vector<16xf32>,
    %add3A_308 = arith.constant 336 : i32
    %add3A_309 = vector.broadcast %add3A_308 : i32 to vector<16xi32>
    %add3A_310 = arith.addi %iota3A, %add3A_309 : vector<16xi32>
    %get3A_311 = arith.constant 2 : i32
    %get3A_312 = arith.index_cast %get3A_311 : i32 to index
    %get3A_313 = arith.constant 80 : index
    %get3A_314 = tpu.vector_load %arg5[%get3A_312, %get3A_313] {strides = array<i32>} : memref<4x128xi32, #tpu.memory_space<vmem>>, vector<16xi32>,
    %get3A_315 = arith.constant 2 : i32
    %get3A_316 = arith.index_cast %get3A_315 : i32 to index
    %get3A_317 = arith.constant 80 : index
    %get3A_318 = tpu.vector_load %arg7[%get3A_316, %get3A_317] {strides = array<i32>} : memref<4x128xi32, #tpu.memory_space<vmem>>, vector<16xi32>,
    %convert_element_type3A_319 = arith.sitofp %get3A_318 : vector<16xi32> to vector<16xf32>
    tpu.vector_store_idx %arg10[%add3A_310, %broadcast_in_dim3A_34], %convert_element_type3A_319 : memref<512x130xf32, #tpu.memory_space<vmem>>[vector<16xi32>, vector<16xi32>], vector<16xf32>,
    %convert_element_type3A_320 = arith.sitofp %get3A_314 : vector<16xi32> to vector<16xf32>
    tpu.vector_store_idx %arg10[%add3A_310, %broadcast_in_dim3A_36], %convert_element_type3A_320 : memref<512x130xf32, #tpu.memory_space<vmem>>[vector<16xi32>, vector<16xi32>], vector<16xf32>,
    %add3A_321 = arith.constant 352 : i32
    %add3A_322 = vector.broadcast %add3A_321 : i32 to vector<16xi32>
    %add3A_323 = arith.addi %iota3A, %add3A_322 : vector<16xi32>
    %get3A_324 = arith.constant 2 : i32
    %get3A_325 = arith.index_cast %get3A_324 : i32 to index
    %get3A_326 = arith.constant 96 : index
    %get3A_327 = tpu.vector_load %arg5[%get3A_325, %get3A_326] {strides = array<i32>} : memref<4x128xi32, #tpu.memory_space<vmem>>, vector<16xi32>,
    %get3A_328 = arith.constant 2 : i32
    %get3A_329 = arith.index_cast %get3A_328 : i32 to index
    %get3A_330 = arith.constant 96 : index
    %get3A_331 = tpu.vector_load %arg7[%get3A_329, %get3A_330] {strides = array<i32>} : memref<4x128xi32, #tpu.memory_space<vmem>>, vector<16xi32>,
    %convert_element_type3A_332 = arith.sitofp %get3A_331 : vector<16xi32> to vector<16xf32>
    tpu.vector_store_idx %arg10[%add3A_323, %broadcast_in_dim3A_34], %convert_element_type3A_332 : memref<512x130xf32, #tpu.memory_space<vmem>>[vector<16xi32>, vector<16xi32>], vector<16xf32>,
    %convert_element_type3A_333 = arith.sitofp %get3A_327 : vector<16xi32> to vector<16xf32>
    tpu.vector_store_idx %arg10[%add3A_323, %broadcast_in_dim3A_36], %convert_element_type3A_333 : memref<512x130xf32, #tpu.memory_space<vmem>>[vector<16xi32>, vector<16xi32>], vector<16xf32>,
    %add3A_334 = arith.constant 368 : i32
    %add3A_335 = vector.broadcast %add3A_334 : i32 to vector<16xi32>
    %add3A_336 = arith.addi %iota3A, %add3A_335 : vector<16xi32>
    %get3A_337 = arith.constant 2 : i32
    %get3A_338 = arith.index_cast %get3A_337 : i32 to index
    %get3A_339 = arith.constant 112 : index
    %get3A_340 = tpu.vector_load %arg5[%get3A_338, %get3A_339] {strides = array<i32>} : memref<4x128xi32, #tpu.memory_space<vmem>>, vector<16xi32>,
    %get3A_341 = arith.constant 2 : i32
    %get3A_342 = arith.index_cast %get3A_341 : i32 to index
    %get3A_343 = arith.constant 112 : index
    %get3A_344 = tpu.vector_load %arg7[%get3A_342, %get3A_343] {strides = array<i32>} : memref<4x128xi32, #tpu.memory_space<vmem>>, vector<16xi32>,
    %convert_element_type3A_345 = arith.sitofp %get3A_344 : vector<16xi32> to vector<16xf32>
    tpu.vector_store_idx %arg10[%add3A_336, %broadcast_in_dim3A_34], %convert_element_type3A_345 : memref<512x130xf32, #tpu.memory_space<vmem>>[vector<16xi32>, vector<16xi32>], vector<16xf32>,
    %convert_element_type3A_346 = arith.sitofp %get3A_340 : vector<16xi32> to vector<16xf32>
    tpu.vector_store_idx %arg10[%add3A_336, %broadcast_in_dim3A_36], %convert_element_type3A_346 : memref<512x130xf32, #tpu.memory_space<vmem>>[vector<16xi32>, vector<16xi32>], vector<16xf32>,
    %add3A_347 = arith.constant 384 : i32
    %add3A_348 = vector.broadcast %add3A_347 : i32 to vector<16xi32>
    %add3A_349 = arith.addi %iota3A, %add3A_348 : vector<16xi32>
    %get3A_350 = arith.constant 3 : i32
    %get3A_351 = arith.index_cast %get3A_350 : i32 to index
    %get3A_352 = arith.constant 0 : index
    %get3A_353 = tpu.vector_load %arg5[%get3A_351, %get3A_352] {strides = array<i32>} : memref<4x128xi32, #tpu.memory_space<vmem>>, vector<16xi32>,
    %get3A_354 = arith.constant 3 : i32
    %get3A_355 = arith.index_cast %get3A_354 : i32 to index
    %get3A_356 = arith.constant 0 : index
    %get3A_357 = tpu.vector_load %arg7[%get3A_355, %get3A_356] {strides = array<i32>} : memref<4x128xi32, #tpu.memory_space<vmem>>, vector<16xi32>,
    %convert_element_type3A_358 = arith.sitofp %get3A_357 : vector<16xi32> to vector<16xf32>
    tpu.vector_store_idx %arg10[%add3A_349, %broadcast_in_dim3A_34], %convert_element_type3A_358 : memref<512x130xf32, #tpu.memory_space<vmem>>[vector<16xi32>, vector<16xi32>], vector<16xf32>,
    %convert_element_type3A_359 = arith.sitofp %get3A_353 : vector<16xi32> to vector<16xf32>
    tpu.vector_store_idx %arg10[%add3A_349, %broadcast_in_dim3A_36], %convert_element_type3A_359 : memref<512x130xf32, #tpu.memory_space<vmem>>[vector<16xi32>, vector<16xi32>], vector<16xf32>,
    %add3A_360 = arith.constant 400 : i32
    %add3A_361 = vector.broadcast %add3A_360 : i32 to vector<16xi32>
    %add3A_362 = arith.addi %iota3A, %add3A_361 : vector<16xi32>
    %get3A_363 = arith.constant 3 : i32
    %get3A_364 = arith.index_cast %get3A_363 : i32 to index
    %get3A_365 = arith.constant 16 : index
    %get3A_366 = tpu.vector_load %arg5[%get3A_364, %get3A_365] {strides = array<i32>} : memref<4x128xi32, #tpu.memory_space<vmem>>, vector<16xi32>,
    %get3A_367 = arith.constant 3 : i32
    %get3A_368 = arith.index_cast %get3A_367 : i32 to index
    %get3A_369 = arith.constant 16 : index
    %get3A_370 = tpu.vector_load %arg7[%get3A_368, %get3A_369] {strides = array<i32>} : memref<4x128xi32, #tpu.memory_space<vmem>>, vector<16xi32>,
    %convert_element_type3A_371 = arith.sitofp %get3A_370 : vector<16xi32> to vector<16xf32>
    tpu.vector_store_idx %arg10[%add3A_362, %broadcast_in_dim3A_34], %convert_element_type3A_371 : memref<512x130xf32, #tpu.memory_space<vmem>>[vector<16xi32>, vector<16xi32>], vector<16xf32>,
    %convert_element_type3A_372 = arith.sitofp %get3A_366 : vector<16xi32> to vector<16xf32>
    tpu.vector_store_idx %arg10[%add3A_362, %broadcast_in_dim3A_36], %convert_element_type3A_372 : memref<512x130xf32, #tpu.memory_space<vmem>>[vector<16xi32>, vector<16xi32>], vector<16xf32>,
    %add3A_373 = arith.constant 416 : i32
    %add3A_374 = vector.broadcast %add3A_373 : i32 to vector<16xi32>
    %add3A_375 = arith.addi %iota3A, %add3A_374 : vector<16xi32>
    %get3A_376 = arith.constant 3 : i32
    %get3A_377 = arith.index_cast %get3A_376 : i32 to index
    %get3A_378 = arith.constant 32 : index
    %get3A_379 = tpu.vector_load %arg5[%get3A_377, %get3A_378] {strides = array<i32>} : memref<4x128xi32, #tpu.memory_space<vmem>>, vector<16xi32>,
    %get3A_380 = arith.constant 3 : i32
    %get3A_381 = arith.index_cast %get3A_380 : i32 to index
    %get3A_382 = arith.constant 32 : index
    %get3A_383 = tpu.vector_load %arg7[%get3A_381, %get3A_382] {strides = array<i32>} : memref<4x128xi32, #tpu.memory_space<vmem>>, vector<16xi32>,
    %convert_element_type3A_384 = arith.sitofp %get3A_383 : vector<16xi32> to vector<16xf32>
    tpu.vector_store_idx %arg10[%add3A_375, %broadcast_in_dim3A_34], %convert_element_type3A_384 : memref<512x130xf32, #tpu.memory_space<vmem>>[vector<16xi32>, vector<16xi32>], vector<16xf32>,
    %convert_element_type3A_385 = arith.sitofp %get3A_379 : vector<16xi32> to vector<16xf32>
    tpu.vector_store_idx %arg10[%add3A_375, %broadcast_in_dim3A_36], %convert_element_type3A_385 : memref<512x130xf32, #tpu.memory_space<vmem>>[vector<16xi32>, vector<16xi32>], vector<16xf32>,
    %add3A_386 = arith.constant 432 : i32
    %add3A_387 = vector.broadcast %add3A_386 : i32 to vector<16xi32>
    %add3A_388 = arith.addi %iota3A, %add3A_387 : vector<16xi32>
    %get3A_389 = arith.constant 3 : i32
    %get3A_390 = arith.index_cast %get3A_389 : i32 to index
    %get3A_391 = arith.constant 48 : index
    %get3A_392 = tpu.vector_load %arg5[%get3A_390, %get3A_391] {strides = array<i32>} : memref<4x128xi32, #tpu.memory_space<vmem>>, vector<16xi32>,
    %get3A_393 = arith.constant 3 : i32
    %get3A_394 = arith.index_cast %get3A_393 : i32 to index
    %get3A_395 = arith.constant 48 : index
    %get3A_396 = tpu.vector_load %arg7[%get3A_394, %get3A_395] {strides = array<i32>} : memref<4x128xi32, #tpu.memory_space<vmem>>, vector<16xi32>,
    %convert_element_type3A_397 = arith.sitofp %get3A_396 : vector<16xi32> to vector<16xf32>
    tpu.vector_store_idx %arg10[%add3A_388, %broadcast_in_dim3A_34], %convert_element_type3A_397 : memref<512x130xf32, #tpu.memory_space<vmem>>[vector<16xi32>, vector<16xi32>], vector<16xf32>,
    %convert_element_type3A_398 = arith.sitofp %get3A_392 : vector<16xi32> to vector<16xf32>
    tpu.vector_store_idx %arg10[%add3A_388, %broadcast_in_dim3A_36], %convert_element_type3A_398 : memref<512x130xf32, #tpu.memory_space<vmem>>[vector<16xi32>, vector<16xi32>], vector<16xf32>,
    %add3A_399 = arith.constant 448 : i32
    %add3A_400 = vector.broadcast %add3A_399 : i32 to vector<16xi32>
    %add3A_401 = arith.addi %iota3A, %add3A_400 : vector<16xi32>
    %get3A_402 = arith.constant 3 : i32
    %get3A_403 = arith.index_cast %get3A_402 : i32 to index
    %get3A_404 = arith.constant 64 : index
    %get3A_405 = tpu.vector_load %arg5[%get3A_403, %get3A_404] {strides = array<i32>} : memref<4x128xi32, #tpu.memory_space<vmem>>, vector<16xi32>,
    %get3A_406 = arith.constant 3 : i32
    %get3A_407 = arith.index_cast %get3A_406 : i32 to index
    %get3A_408 = arith.constant 64 : index
    %get3A_409 = tpu.vector_load %arg7[%get3A_407, %get3A_408] {strides = array<i32>} : memref<4x128xi32, #tpu.memory_space<vmem>>, vector<16xi32>,
    %convert_element_type3A_410 = arith.sitofp %get3A_409 : vector<16xi32> to vector<16xf32>
    tpu.vector_store_idx %arg10[%add3A_401, %broadcast_in_dim3A_34], %convert_element_type3A_410 : memref<512x130xf32, #tpu.memory_space<vmem>>[vector<16xi32>, vector<16xi32>], vector<16xf32>,
    %convert_element_type3A_411 = arith.sitofp %get3A_405 : vector<16xi32> to vector<16xf32>
    tpu.vector_store_idx %arg10[%add3A_401, %broadcast_in_dim3A_36], %convert_element_type3A_411 : memref<512x130xf32, #tpu.memory_space<vmem>>[vector<16xi32>, vector<16xi32>], vector<16xf32>,
    %add3A_412 = arith.constant 464 : i32
    %add3A_413 = vector.broadcast %add3A_412 : i32 to vector<16xi32>
    %add3A_414 = arith.addi %iota3A, %add3A_413 : vector<16xi32>
    %get3A_415 = arith.constant 3 : i32
    %get3A_416 = arith.index_cast %get3A_415 : i32 to index
    %get3A_417 = arith.constant 80 : index
    %get3A_418 = tpu.vector_load %arg5[%get3A_416, %get3A_417] {strides = array<i32>} : memref<4x128xi32, #tpu.memory_space<vmem>>, vector<16xi32>,
    %get3A_419 = arith.constant 3 : i32
    %get3A_420 = arith.index_cast %get3A_419 : i32 to index
    %get3A_421 = arith.constant 80 : index
    %get3A_422 = tpu.vector_load %arg7[%get3A_420, %get3A_421] {strides = array<i32>} : memref<4x128xi32, #tpu.memory_space<vmem>>, vector<16xi32>,
    %convert_element_type3A_423 = arith.sitofp %get3A_422 : vector<16xi32> to vector<16xf32>
    tpu.vector_store_idx %arg10[%add3A_414, %broadcast_in_dim3A_34], %convert_element_type3A_423 : memref<512x130xf32, #tpu.memory_space<vmem>>[vector<16xi32>, vector<16xi32>], vector<16xf32>,
    %convert_element_type3A_424 = arith.sitofp %get3A_418 : vector<16xi32> to vector<16xf32>
    tpu.vector_store_idx %arg10[%add3A_414, %broadcast_in_dim3A_36], %convert_element_type3A_424 : memref<512x130xf32, #tpu.memory_space<vmem>>[vector<16xi32>, vector<16xi32>], vector<16xf32>,
    %add3A_425 = arith.constant 480 : i32
    %add3A_426 = vector.broadcast %add3A_425 : i32 to vector<16xi32>
    %add3A_427 = arith.addi %iota3A, %add3A_426 : vector<16xi32>
    %get3A_428 = arith.constant 3 : i32
    %get3A_429 = arith.index_cast %get3A_428 : i32 to index
    %get3A_430 = arith.constant 96 : index
    %get3A_431 = tpu.vector_load %arg5[%get3A_429, %get3A_430] {strides = array<i32>} : memref<4x128xi32, #tpu.memory_space<vmem>>, vector<16xi32>,
    %get3A_432 = arith.constant 3 : i32
    %get3A_433 = arith.index_cast %get3A_432 : i32 to index
    %get3A_434 = arith.constant 96 : index
    %get3A_435 = tpu.vector_load %arg7[%get3A_433, %get3A_434] {strides = array<i32>} : memref<4x128xi32, #tpu.memory_space<vmem>>, vector<16xi32>,
    %convert_element_type3A_436 = arith.sitofp %get3A_435 : vector<16xi32> to vector<16xf32>
    tpu.vector_store_idx %arg10[%add3A_427, %broadcast_in_dim3A_34], %convert_element_type3A_436 : memref<512x130xf32, #tpu.memory_space<vmem>>[vector<16xi32>, vector<16xi32>], vector<16xf32>,
    %convert_element_type3A_437 = arith.sitofp %get3A_431 : vector<16xi32> to vector<16xf32>
    tpu.vector_store_idx %arg10[%add3A_427, %broadcast_in_dim3A_36], %convert_element_type3A_437 : memref<512x130xf32, #tpu.memory_space<vmem>>[vector<16xi32>, vector<16xi32>], vector<16xf32>,
    %add3A_438 = arith.constant 496 : i32
    %add3A_439 = vector.broadcast %add3A_438 : i32 to vector<16xi32>
    %add3A_440 = arith.addi %iota3A, %add3A_439 : vector<16xi32>
    %get3A_441 = arith.constant 3 : i32
    %get3A_442 = arith.index_cast %get3A_441 : i32 to index
    %get3A_443 = arith.constant 112 : index
    %get3A_444 = tpu.vector_load %arg5[%get3A_442, %get3A_443] {strides = array<i32>} : memref<4x128xi32, #tpu.memory_space<vmem>>, vector<16xi32>,
    %get3A_445 = arith.constant 3 : i32
    %get3A_446 = arith.index_cast %get3A_445 : i32 to index
    %get3A_447 = arith.constant 112 : index
    %get3A_448 = tpu.vector_load %arg7[%get3A_446, %get3A_447] {strides = array<i32>} : memref<4x128xi32, #tpu.memory_space<vmem>>, vector<16xi32>,
    %convert_element_type3A_449 = arith.sitofp %get3A_448 : vector<16xi32> to vector<16xf32>
    tpu.vector_store_idx %arg10[%add3A_440, %broadcast_in_dim3A_34], %convert_element_type3A_449 : memref<512x130xf32, #tpu.memory_space<vmem>>[vector<16xi32>, vector<16xi32>], vector<16xf32>,
    %convert_element_type3A_450 = arith.sitofp %get3A_444 : vector<16xi32> to vector<16xf32>
    tpu.vector_store_idx %arg10[%add3A_440, %broadcast_in_dim3A_36], %convert_element_type3A_450 : memref<512x130xf32, #tpu.memory_space<vmem>>[vector<16xi32>, vector<16xi32>], vector<16xf32>,
    %dma_start3A = arith.constant 0 : i32
    %dma_start3A_451 = arith.constant 0 : i32
    %dma_start3A_452 = arith.constant 0 : i32
    %dma_start3A_453 = arith.constant 0 : i32
    %dma_start3A_454 = tpu.memref_slice %arg8[%dma_start3A_451, %dma_start3A_452, %dma_start3A_453] : memref<2x128x64xf32, #tpu.memory_space<vmem>> -> memref<1x128x64xf32, #tpu.memory_space<vmem>>
    %dma_start3A_455 = tpu.memref_squeeze %dma_start3A_454 : memref<1x128x64xf32, #tpu.memory_space<vmem>> -> memref<128x64xf32, #tpu.memory_space<vmem>>
    %dma_start3A_456 = arith.constant 0 : i32
    %dma_start3A_457 = tpu.memref_slice %arg5[%dma_start3A, %dma_start3A_456] : memref<4x128xi32, #tpu.memory_space<vmem>> -> memref<1x128xi32, #tpu.memory_space<vmem>>
    %dma_start3A_458 = tpu.memref_squeeze %dma_start3A_457 : memref<1x128xi32, #tpu.memory_space<vmem>> -> memref<128xi32, #tpu.memory_space<vmem>>
    %dma_start3A_459 = arith.constant 0 : i32
    %dma_start3A_460 = arith.constant 0 : i32
    %dma_start3A_461 = tpu.memref_slice %arg3[%dma_start3A_459, %dma_start3A_460] : memref<1000000x64xf32, #tpu.memory_space<hbm>> -> memref<1000000x64xf32, #tpu.memory_space<hbm>>
    tpu.enqueue_indirect_dma source(%dma_start3A_461 : memref<1000000x64xf32, #tpu.memory_space<hbm>>) target(%dma_start3A_455 : memref<128x64xf32, #tpu.memory_space<vmem>>) offsets(%dma_start3A_458 : memref<128xi32, #tpu.memory_space<vmem>>) semaphore(%arg11 : memref<!tpu.dma_semaphore, #tpu.memory_space<semaphore_mem>>)
    %dma_start3A_462 = arith.constant 0 : i32
    %dma_start3A_463 = arith.constant 0 : i32
    %dma_start3A_464 = arith.constant 0 : i32
    %dma_start3A_465 = arith.constant 0 : i32
    %dma_start3A_466 = tpu.memref_slice %arg9[%dma_start3A_463, %dma_start3A_464, %dma_start3A_465] : memref<2x128x64xf32, #tpu.memory_space<vmem>> -> memref<1x128x64xf32, #tpu.memory_space<vmem>>
    %dma_start3A_467 = tpu.memref_squeeze %dma_start3A_466 : memref<1x128x64xf32, #tpu.memory_space<vmem>> -> memref<128x64xf32, #tpu.memory_space<vmem>>
    %dma_start3A_468 = arith.constant 0 : i32
    %dma_start3A_469 = tpu.memref_slice %arg6[%dma_start3A_462, %dma_start3A_468] : memref<4x128xi32, #tpu.memory_space<vmem>> -> memref<1x128xi32, #tpu.memory_space<vmem>>
    %dma_start3A_470 = tpu.memref_squeeze %dma_start3A_469 : memref<1x128xi32, #tpu.memory_space<vmem>> -> memref<128xi32, #tpu.memory_space<vmem>>
    %dma_start3A_471 = arith.constant 0 : i32
    %dma_start3A_472 = arith.constant 0 : i32
    %dma_start3A_473 = tpu.memref_slice %arg3[%dma_start3A_471, %dma_start3A_472] : memref<1000000x64xf32, #tpu.memory_space<hbm>> -> memref<1000000x64xf32, #tpu.memory_space<hbm>>
    tpu.enqueue_indirect_dma source(%dma_start3A_473 : memref<1000000x64xf32, #tpu.memory_space<hbm>>) target(%dma_start3A_467 : memref<128x64xf32, #tpu.memory_space<vmem>>) offsets(%dma_start3A_470 : memref<128xi32, #tpu.memory_space<vmem>>) semaphore(%arg13 : memref<!tpu.dma_semaphore, #tpu.memory_space<semaphore_mem>>)
    %dma_start3A_474 = arith.constant 1 : i32
    %dma_start3A_475 = arith.constant 1 : i32
    %dma_start3A_476 = arith.constant 0 : i32
    %dma_start3A_477 = arith.constant 0 : i32
    %dma_start3A_478 = tpu.memref_slice %arg8[%dma_start3A_475, %dma_start3A_476, %dma_start3A_477] : memref<2x128x64xf32, #tpu.memory_space<vmem>> -> memref<1x128x64xf32, #tpu.memory_space<vmem>>
    %dma_start3A_479 = tpu.memref_squeeze %dma_start3A_478 : memref<1x128x64xf32, #tpu.memory_space<vmem>> -> memref<128x64xf32, #tpu.memory_space<vmem>>
    %dma_start3A_480 = arith.constant 0 : i32
    %dma_start3A_481 = tpu.memref_slice %arg5[%dma_start3A_474, %dma_start3A_480] : memref<4x128xi32, #tpu.memory_space<vmem>> -> memref<1x128xi32, #tpu.memory_space<vmem>>
    %dma_start3A_482 = tpu.memref_squeeze %dma_start3A_481 : memref<1x128xi32, #tpu.memory_space<vmem>> -> memref<128xi32, #tpu.memory_space<vmem>>
    %dma_start3A_483 = arith.constant 0 : i32
    %dma_start3A_484 = arith.constant 0 : i32
    %dma_start3A_485 = tpu.memref_slice %arg3[%dma_start3A_483, %dma_start3A_484] : memref<1000000x64xf32, #tpu.memory_space<hbm>> -> memref<1000000x64xf32, #tpu.memory_space<hbm>>
    tpu.enqueue_indirect_dma source(%dma_start3A_485 : memref<1000000x64xf32, #tpu.memory_space<hbm>>) target(%dma_start3A_479 : memref<128x64xf32, #tpu.memory_space<vmem>>) offsets(%dma_start3A_482 : memref<128xi32, #tpu.memory_space<vmem>>) semaphore(%arg12 : memref<!tpu.dma_semaphore, #tpu.memory_space<semaphore_mem>>)
    %dma_start3A_486 = arith.constant 1 : i32
    %dma_start3A_487 = arith.constant 1 : i32
    %dma_start3A_488 = arith.constant 0 : i32
    %dma_start3A_489 = arith.constant 0 : i32
    %dma_start3A_490 = tpu.memref_slice %arg9[%dma_start3A_487, %dma_start3A_488, %dma_start3A_489] : memref<2x128x64xf32, #tpu.memory_space<vmem>> -> memref<1x128x64xf32, #tpu.memory_space<vmem>>
    %dma_start3A_491 = tpu.memref_squeeze %dma_start3A_490 : memref<1x128x64xf32, #tpu.memory_space<vmem>> -> memref<128x64xf32, #tpu.memory_space<vmem>>
    %dma_start3A_492 = arith.constant 0 : i32
    %dma_start3A_493 = tpu.memref_slice %arg6[%dma_start3A_486, %dma_start3A_492] : memref<4x128xi32, #tpu.memory_space<vmem>> -> memref<1x128xi32, #tpu.memory_space<vmem>>
    %dma_start3A_494 = tpu.memref_squeeze %dma_start3A_493 : memref<1x128xi32, #tpu.memory_space<vmem>> -> memref<128xi32, #tpu.memory_space<vmem>>
    %dma_start3A_495 = arith.constant 0 : i32
    %dma_start3A_496 = arith.constant 0 : i32
    %dma_start3A_497 = tpu.memref_slice %arg3[%dma_start3A_495, %dma_start3A_496] : memref<1000000x64xf32, #tpu.memory_space<hbm>> -> memref<1000000x64xf32, #tpu.memory_space<hbm>>
    tpu.enqueue_indirect_dma source(%dma_start3A_497 : memref<1000000x64xf32, #tpu.memory_space<hbm>>) target(%dma_start3A_491 : memref<128x64xf32, #tpu.memory_space<vmem>>) offsets(%dma_start3A_494 : memref<128xi32, #tpu.memory_space<vmem>>) semaphore(%arg14 : memref<!tpu.dma_semaphore, #tpu.memory_space<semaphore_mem>>)
    %dma_wait3A = arith.constant 0 : i32
    %dma_wait3A_498 = arith.constant 0 : i32
    %dma_wait3A_499 = arith.constant 0 : i32
    %dma_wait3A_500 = arith.constant 0 : i32
    %dma_wait3A_501 = tpu.memref_slice %arg8[%dma_wait3A_498, %dma_wait3A_499, %dma_wait3A_500] : memref<2x128x64xf32, #tpu.memory_space<vmem>> -> memref<1x128x64xf32, #tpu.memory_space<vmem>>
    %dma_wait3A_502 = tpu.memref_squeeze %dma_wait3A_501 : memref<1x128x64xf32, #tpu.memory_space<vmem>> -> memref<128x64xf32, #tpu.memory_space<vmem>>
    %dma_wait3A_503 = arith.constant 0 : i32
    %dma_wait3A_504 = tpu.memref_slice %arg5[%dma_wait3A, %dma_wait3A_503] : memref<4x128xi32, #tpu.memory_space<vmem>> -> memref<1x128xi32, #tpu.memory_space<vmem>>
    %dma_wait3A_505 = tpu.memref_squeeze %dma_wait3A_504 : memref<1x128xi32, #tpu.memory_space<vmem>> -> memref<128xi32, #tpu.memory_space<vmem>>
    %dma_wait3A_506 = arith.constant 0 : i32
    %dma_wait3A_507 = arith.constant 0 : i32
    %dma_wait3A_508 = tpu.memref_slice %arg3[%dma_wait3A_506, %dma_wait3A_507] : memref<1000000x64xf32, #tpu.memory_space<hbm>> -> memref<1000000x64xf32, #tpu.memory_space<hbm>>
    tpu.wait_indirect_dma semaphore(%arg11 : memref<!tpu.dma_semaphore, #tpu.memory_space<semaphore_mem>>) src(%dma_wait3A_508 : memref<1000000x64xf32, #tpu.memory_space<hbm>>) dst(%dma_wait3A_502 : memref<128x64xf32, #tpu.memory_space<vmem>>)
    %dma_wait3A_509 = arith.constant 0 : i32
    %dma_wait3A_510 = arith.constant 0 : i32
    %dma_wait3A_511 = arith.constant 0 : i32
    %dma_wait3A_512 = arith.constant 0 : i32
    %dma_wait3A_513 = tpu.memref_slice %arg9[%dma_wait3A_510, %dma_wait3A_511, %dma_wait3A_512] : memref<2x128x64xf32, #tpu.memory_space<vmem>> -> memref<1x128x64xf32, #tpu.memory_space<vmem>>
    %dma_wait3A_514 = tpu.memref_squeeze %dma_wait3A_513 : memref<1x128x64xf32, #tpu.memory_space<vmem>> -> memref<128x64xf32, #tpu.memory_space<vmem>>
    %dma_wait3A_515 = arith.constant 0 : i32
    %dma_wait3A_516 = tpu.memref_slice %arg6[%dma_wait3A_509, %dma_wait3A_515] : memref<4x128xi32, #tpu.memory_space<vmem>> -> memref<1x128xi32, #tpu.memory_space<vmem>>
    %dma_wait3A_517 = tpu.memref_squeeze %dma_wait3A_516 : memref<1x128xi32, #tpu.memory_space<vmem>> -> memref<128xi32, #tpu.memory_space<vmem>>
    %dma_wait3A_518 = arith.constant 0 : i32
    %dma_wait3A_519 = arith.constant 0 : i32
    %dma_wait3A_520 = tpu.memref_slice %arg3[%dma_wait3A_518, %dma_wait3A_519] : memref<1000000x64xf32, #tpu.memory_space<hbm>> -> memref<1000000x64xf32, #tpu.memory_space<hbm>>
    tpu.wait_indirect_dma semaphore(%arg13 : memref<!tpu.dma_semaphore, #tpu.memory_space<semaphore_mem>>) src(%dma_wait3A_520 : memref<1000000x64xf32, #tpu.memory_space<hbm>>) dst(%dma_wait3A_514 : memref<128x64xf32, #tpu.memory_space<vmem>>)
    %scan3A = arith.constant 0 : i32
    %scan3A_521 = arith.constant 0 : i32
    %scan3A_522 = arith.constant 128 : i32
    %scan3A_523 = arith.addi %scan3A_521, %scan3A_522 : i32
    %scan3A_524 = arith.constant 1 : i32
    scf.for %scan3A_664 = %scan3A_521 to %scan3A_523 step %scan3A_524  : i32 {
      %get3A_665 = arith.constant 0 : i32
      %get3A_666 = arith.index_cast %get3A_665 : i32 to index
      %get3A_667 = arith.index_cast %scan3A_664 : i32 to index
      %get3A_668 = arith.constant 0 : index
      %get3A_669 = tpu.vector_load %arg8[%get3A_666, %get3A_667, %get3A_668] {strides = array<i32>} : memref<2x128x64xf32, #tpu.memory_space<vmem>>, vector<16xf32>,
      %add3A_670 = arith.constant 0 : i32
      %add3A_671 = arith.addi %add3A_670, %scan3A_664 : i32
      %swap3A = arith.index_cast %add3A_671 : i32 to index
      %swap3A_672 = arith.constant 0 : index
      %swap3A_673 = tpu.vector_load %arg10[%swap3A, %swap3A_672] {strides = array<i32>} : memref<512x130xf32, #tpu.memory_space<vmem>>, vector<16xf32>,
      tpu.vector_store %arg10[%swap3A, %swap3A_672], %get3A_669 {strides = array<i32>} : memref<512x130xf32, #tpu.memory_space<vmem>>, vector<16xf32>,
      %get3A_674 = arith.constant 0 : i32
      %get3A_675 = arith.index_cast %get3A_674 : i32 to index
      %get3A_676 = arith.index_cast %scan3A_664 : i32 to index
      %get3A_677 = arith.constant 16 : index
      %get3A_678 = tpu.vector_load %arg8[%get3A_675, %get3A_676, %get3A_677] {strides = array<i32>} : memref<2x128x64xf32, #tpu.memory_space<vmem>>, vector<16xf32>,
      %add3A_679 = arith.constant 0 : i32
      %add3A_680 = arith.addi %add3A_679, %scan3A_664 : i32
      %swap3A_681 = arith.index_cast %add3A_680 : i32 to index
      %swap3A_682 = arith.constant 16 : index
      %swap3A_683 = tpu.vector_load %arg10[%swap3A_681, %swap3A_682] {strides = array<i32>} : memref<512x130xf32, #tpu.memory_space<vmem>>, vector<16xf32>,
      tpu.vector_store %arg10[%swap3A_681, %swap3A_682], %get3A_678 {strides = array<i32>} : memref<512x130xf32, #tpu.memory_space<vmem>>, vector<16xf32>,
      %get3A_684 = arith.constant 0 : i32
      %get3A_685 = arith.index_cast %get3A_684 : i32 to index
      %get3A_686 = arith.index_cast %scan3A_664 : i32 to index
      %get3A_687 = arith.constant 32 : index
      %get3A_688 = tpu.vector_load %arg8[%get3A_685, %get3A_686, %get3A_687] {strides = array<i32>} : memref<2x128x64xf32, #tpu.memory_space<vmem>>, vector<16xf32>,
      %add3A_689 = arith.constant 0 : i32
      %add3A_690 = arith.addi %add3A_689, %scan3A_664 : i32
      %swap3A_691 = arith.index_cast %add3A_690 : i32 to index
      %swap3A_692 = arith.constant 32 : index
      %swap3A_693 = tpu.vector_load %arg10[%swap3A_691, %swap3A_692] {strides = array<i32>} : memref<512x130xf32, #tpu.memory_space<vmem>>, vector<16xf32>,
      tpu.vector_store %arg10[%swap3A_691, %swap3A_692], %get3A_688 {strides = array<i32>} : memref<512x130xf32, #tpu.memory_space<vmem>>, vector<16xf32>,
      %get3A_694 = arith.constant 0 : i32
      %get3A_695 = arith.index_cast %get3A_694 : i32 to index
      %get3A_696 = arith.index_cast %scan3A_664 : i32 to index
      %get3A_697 = arith.constant 48 : index
      %get3A_698 = tpu.vector_load %arg8[%get3A_695, %get3A_696, %get3A_697] {strides = array<i32>} : memref<2x128x64xf32, #tpu.memory_space<vmem>>, vector<16xf32>,
      %add3A_699 = arith.constant 0 : i32
      %add3A_700 = arith.addi %add3A_699, %scan3A_664 : i32
      %swap3A_701 = arith.index_cast %add3A_700 : i32 to index
      %swap3A_702 = arith.constant 48 : index
      %swap3A_703 = tpu.vector_load %arg10[%swap3A_701, %swap3A_702] {strides = array<i32>} : memref<512x130xf32, #tpu.memory_space<vmem>>, vector<16xf32>,
      tpu.vector_store %arg10[%swap3A_701, %swap3A_702], %get3A_698 {strides = array<i32>} : memref<512x130xf32, #tpu.memory_space<vmem>>, vector<16xf32>,
      %get3A_704 = arith.constant 0 : i32
      %get3A_705 = arith.index_cast %get3A_704 : i32 to index
      %get3A_706 = arith.index_cast %scan3A_664 : i32 to index
      %get3A_707 = arith.constant 0 : index
      %get3A_708 = tpu.vector_load %arg9[%get3A_705, %get3A_706, %get3A_707] {strides = array<i32>} : memref<2x128x64xf32, #tpu.memory_space<vmem>>, vector<16xf32>,
      %add3A_709 = arith.constant 0 : i32
      %add3A_710 = arith.addi %add3A_709, %scan3A_664 : i32
      %swap3A_711 = arith.index_cast %add3A_710 : i32 to index
      %swap3A_712 = arith.constant 64 : index
      %swap3A_713 = tpu.vector_load %arg10[%swap3A_711, %swap3A_712] {strides = array<i32>} : memref<512x130xf32, #tpu.memory_space<vmem>>, vector<16xf32>,
      tpu.vector_store %arg10[%swap3A_711, %swap3A_712], %get3A_708 {strides = array<i32>} : memref<512x130xf32, #tpu.memory_space<vmem>>, vector<16xf32>,
      %get3A_714 = arith.constant 0 : i32
      %get3A_715 = arith.index_cast %get3A_714 : i32 to index
      %get3A_716 = arith.index_cast %scan3A_664 : i32 to index
      %get3A_717 = arith.constant 16 : index
      %get3A_718 = tpu.vector_load %arg9[%get3A_715, %get3A_716, %get3A_717] {strides = array<i32>} : memref<2x128x64xf32, #tpu.memory_space<vmem>>, vector<16xf32>,
      %add3A_719 = arith.constant 0 : i32
      %add3A_720 = arith.addi %add3A_719, %scan3A_664 : i32
      %swap3A_721 = arith.index_cast %add3A_720 : i32 to index
      %swap3A_722 = arith.constant 80 : index
      %swap3A_723 = tpu.vector_load %arg10[%swap3A_721, %swap3A_722] {strides = array<i32>} : memref<512x130xf32, #tpu.memory_space<vmem>>, vector<16xf32>,
      tpu.vector_store %arg10[%swap3A_721, %swap3A_722], %get3A_718 {strides = array<i32>} : memref<512x130xf32, #tpu.memory_space<vmem>>, vector<16xf32>,
      %get3A_724 = arith.constant 0 : i32
      %get3A_725 = arith.index_cast %get3A_724 : i32 to index
      %get3A_726 = arith.index_cast %scan3A_664 : i32 to index
      %get3A_727 = arith.constant 32 : index
      %get3A_728 = tpu.vector_load %arg9[%get3A_725, %get3A_726, %get3A_727] {strides = array<i32>} : memref<2x128x64xf32, #tpu.memory_space<vmem>>, vector<16xf32>,
      %add3A_729 = arith.constant 0 : i32
      %add3A_730 = arith.addi %add3A_729, %scan3A_664 : i32
      %swap3A_731 = arith.index_cast %add3A_730 : i32 to index
      %swap3A_732 = arith.constant 96 : index
      %swap3A_733 = tpu.vector_load %arg10[%swap3A_731, %swap3A_732] {strides = array<i32>} : memref<512x130xf32, #tpu.memory_space<vmem>>, vector<16xf32>,
      tpu.vector_store %arg10[%swap3A_731, %swap3A_732], %get3A_728 {strides = array<i32>} : memref<512x130xf32, #tpu.memory_space<vmem>>, vector<16xf32>,
      %get3A_734 = arith.constant 0 : i32
      %get3A_735 = arith.index_cast %get3A_734 : i32 to index
      %get3A_736 = arith.index_cast %scan3A_664 : i32 to index
      %get3A_737 = arith.constant 48 : index
      %get3A_738 = tpu.vector_load %arg9[%get3A_735, %get3A_736, %get3A_737] {strides = array<i32>} : memref<2x128x64xf32, #tpu.memory_space<vmem>>, vector<16xf32>,
      %add3A_739 = arith.constant 0 : i32
      %add3A_740 = arith.addi %add3A_739, %scan3A_664 : i32
      %swap3A_741 = arith.index_cast %add3A_740 : i32 to index
      %swap3A_742 = arith.constant 112 : index
      %swap3A_743 = tpu.vector_load %arg10[%swap3A_741, %swap3A_742] {strides = array<i32>} : memref<512x130xf32, #tpu.memory_space<vmem>>, vector<16xf32>,
      tpu.vector_store %arg10[%swap3A_741, %swap3A_742], %get3A_738 {strides = array<i32>} : memref<512x130xf32, #tpu.memory_space<vmem>>, vector<16xf32>,
    }
    %scan3A_525 = arith.constant 128 : i32
    %dma_start3A_526 = arith.constant 2 : i32
    %dma_start3A_527 = arith.constant 0 : i32
    %dma_start3A_528 = arith.constant 0 : i32
    %dma_start3A_529 = arith.constant 0 : i32
    %dma_start3A_530 = tpu.memref_slice %arg8[%dma_start3A_527, %dma_start3A_528, %dma_start3A_529] : memref<2x128x64xf32, #tpu.memory_space<vmem>> -> memref<1x128x64xf32, #tpu.memory_space<vmem>>
    %dma_start3A_531 = tpu.memref_squeeze %dma_start3A_530 : memref<1x128x64xf32, #tpu.memory_space<vmem>> -> memref<128x64xf32, #tpu.memory_space<vmem>>
    %dma_start3A_532 = arith.constant 0 : i32
    %dma_start3A_533 = tpu.memref_slice %arg5[%dma_start3A_526, %dma_start3A_532] : memref<4x128xi32, #tpu.memory_space<vmem>> -> memref<1x128xi32, #tpu.memory_space<vmem>>
    %dma_start3A_534 = tpu.memref_squeeze %dma_start3A_533 : memref<1x128xi32, #tpu.memory_space<vmem>> -> memref<128xi32, #tpu.memory_space<vmem>>
    %dma_start3A_535 = arith.constant 0 : i32
    %dma_start3A_536 = arith.constant 0 : i32
    %dma_start3A_537 = tpu.memref_slice %arg3[%dma_start3A_535, %dma_start3A_536] : memref<1000000x64xf32, #tpu.memory_space<hbm>> -> memref<1000000x64xf32, #tpu.memory_space<hbm>>
    tpu.enqueue_indirect_dma source(%dma_start3A_537 : memref<1000000x64xf32, #tpu.memory_space<hbm>>) target(%dma_start3A_531 : memref<128x64xf32, #tpu.memory_space<vmem>>) offsets(%dma_start3A_534 : memref<128xi32, #tpu.memory_space<vmem>>) semaphore(%arg11 : memref<!tpu.dma_semaphore, #tpu.memory_space<semaphore_mem>>)
    %dma_start3A_538 = arith.constant 2 : i32
    %dma_start3A_539 = arith.constant 0 : i32
    %dma_start3A_540 = arith.constant 0 : i32
    %dma_start3A_541 = arith.constant 0 : i32
    %dma_start3A_542 = tpu.memref_slice %arg9[%dma_start3A_539, %dma_start3A_540, %dma_start3A_541] : memref<2x128x64xf32, #tpu.memory_space<vmem>> -> memref<1x128x64xf32, #tpu.memory_space<vmem>>
    %dma_start3A_543 = tpu.memref_squeeze %dma_start3A_542 : memref<1x128x64xf32, #tpu.memory_space<vmem>> -> memref<128x64xf32, #tpu.memory_space<vmem>>
    %dma_start3A_544 = arith.constant 0 : i32
    %dma_start3A_545 = tpu.memref_slice %arg6[%dma_start3A_538, %dma_start3A_544] : memref<4x128xi32, #tpu.memory_space<vmem>> -> memref<1x128xi32, #tpu.memory_space<vmem>>
    %dma_start3A_546 = tpu.memref_squeeze %dma_start3A_545 : memref<1x128xi32, #tpu.memory_space<vmem>> -> memref<128xi32, #tpu.memory_space<vmem>>
    %dma_start3A_547 = arith.constant 0 : i32
    %dma_start3A_548 = arith.constant 0 : i32
    %dma_start3A_549 = tpu.memref_slice %arg3[%dma_start3A_547, %dma_start3A_548] : memref<1000000x64xf32, #tpu.memory_space<hbm>> -> memref<1000000x64xf32, #tpu.memory_space<hbm>>
    tpu.enqueue_indirect_dma source(%dma_start3A_549 : memref<1000000x64xf32, #tpu.memory_space<hbm>>) target(%dma_start3A_543 : memref<128x64xf32, #tpu.memory_space<vmem>>) offsets(%dma_start3A_546 : memref<128xi32, #tpu.memory_space<vmem>>) semaphore(%arg13 : memref<!tpu.dma_semaphore, #tpu.memory_space<semaphore_mem>>)
    %dma_wait3A_550 = arith.constant 1 : i32
    %dma_wait3A_551 = arith.constant 1 : i32
    %dma_wait3A_552 = arith.constant 0 : i32
    %dma_wait3A_553 = arith.constant 0 : i32
    %dma_wait3A_554 = tpu.memref_slice %arg8[%dma_wait3A_551, %dma_wait3A_552, %dma_wait3A_553] : memref<2x128x64xf32, #tpu.memory_space<vmem>> -> memref<1x128x64xf32, #tpu.memory_space<vmem>>
    %dma_wait3A_555 = tpu.memref_squeeze %dma_wait3A_554 : memref<1x128x64xf32, #tpu.memory_space<vmem>> -> memref<128x64xf32, #tpu.memory_space<vmem>>
    %dma_wait3A_556 = arith.constant 0 : i32
    %dma_wait3A_557 = tpu.memref_slice %arg5[%dma_wait3A_550, %dma_wait3A_556] : memref<4x128xi32, #tpu.memory_space<vmem>> -> memref<1x128xi32, #tpu.memory_space<vmem>>
    %dma_wait3A_558 = tpu.memref_squeeze %dma_wait3A_557 : memref<1x128xi32, #tpu.memory_space<vmem>> -> memref<128xi32, #tpu.memory_space<vmem>>
    %dma_wait3A_559 = arith.constant 0 : i32
    %dma_wait3A_560 = arith.constant 0 : i32
    %dma_wait3A_561 = tpu.memref_slice %arg3[%dma_wait3A_559, %dma_wait3A_560] : memref<1000000x64xf32, #tpu.memory_space<hbm>> -> memref<1000000x64xf32, #tpu.memory_space<hbm>>
    tpu.wait_indirect_dma semaphore(%arg12 : memref<!tpu.dma_semaphore, #tpu.memory_space<semaphore_mem>>) src(%dma_wait3A_561 : memref<1000000x64xf32, #tpu.memory_space<hbm>>) dst(%dma_wait3A_555 : memref<128x64xf32, #tpu.memory_space<vmem>>)
    %dma_wait3A_562 = arith.constant 1 : i32
    %dma_wait3A_563 = arith.constant 1 : i32
    %dma_wait3A_564 = arith.constant 0 : i32
    %dma_wait3A_565 = arith.constant 0 : i32
    %dma_wait3A_566 = tpu.memref_slice %arg9[%dma_wait3A_563, %dma_wait3A_564, %dma_wait3A_565] : memref<2x128x64xf32, #tpu.memory_space<vmem>> -> memref<1x128x64xf32, #tpu.memory_space<vmem>>
    %dma_wait3A_567 = tpu.memref_squeeze %dma_wait3A_566 : memref<1x128x64xf32, #tpu.memory_space<vmem>> -> memref<128x64xf32, #tpu.memory_space<vmem>>
    %dma_wait3A_568 = arith.constant 0 : i32
    %dma_wait3A_569 = tpu.memref_slice %arg6[%dma_wait3A_562, %dma_wait3A_568] : memref<4x128xi32, #tpu.memory_space<vmem>> -> memref<1x128xi32, #tpu.memory_space<vmem>>
    %dma_wait3A_570 = tpu.memref_squeeze %dma_wait3A_569 : memref<1x128xi32, #tpu.memory_space<vmem>> -> memref<128xi32, #tpu.memory_space<vmem>>
    %dma_wait3A_571 = arith.constant 0 : i32
    %dma_wait3A_572 = arith.constant 0 : i32
    %dma_wait3A_573 = tpu.memref_slice %arg3[%dma_wait3A_571, %dma_wait3A_572] : memref<1000000x64xf32, #tpu.memory_space<hbm>> -> memref<1000000x64xf32, #tpu.memory_space<hbm>>
    tpu.wait_indirect_dma semaphore(%arg14 : memref<!tpu.dma_semaphore, #tpu.memory_space<semaphore_mem>>) src(%dma_wait3A_573 : memref<1000000x64xf32, #tpu.memory_space<hbm>>) dst(%dma_wait3A_567 : memref<128x64xf32, #tpu.memory_space<vmem>>)
    %scan3A_574 = arith.constant 0 : i32
    %scan3A_575 = arith.constant 0 : i32
    %scan3A_576 = arith.constant 128 : i32
    %scan3A_577 = arith.addi %scan3A_575, %scan3A_576 : i32
    %scan3A_578 = arith.constant 1 : i32
    scf.for %scan3A_664 = %scan3A_575 to %scan3A_577 step %scan3A_578  : i32 {
      %get3A_665 = arith.constant 1 : i32
      %get3A_666 = arith.index_cast %get3A_665 : i32 to index
      %get3A_667 = arith.index_cast %scan3A_664 : i32 to index
      %get3A_668 = arith.constant 0 : index
      %get3A_669 = tpu.vector_load %arg8[%get3A_666, %get3A_667, %get3A_668] {strides = array<i32>} : memref<2x128x64xf32, #tpu.memory_space<vmem>>, vector<16xf32>,
      %add3A_670 = arith.constant 128 : i32
      %add3A_671 = arith.addi %add3A_670, %scan3A_664 : i32
      %swap3A = arith.index_cast %add3A_671 : i32 to index
      %swap3A_672 = arith.constant 0 : index
      %swap3A_673 = tpu.vector_load %arg10[%swap3A, %swap3A_672] {strides = array<i32>} : memref<512x130xf32, #tpu.memory_space<vmem>>, vector<16xf32>,
      tpu.vector_store %arg10[%swap3A, %swap3A_672], %get3A_669 {strides = array<i32>} : memref<512x130xf32, #tpu.memory_space<vmem>>, vector<16xf32>,
      %get3A_674 = arith.constant 1 : i32
      %get3A_675 = arith.index_cast %get3A_674 : i32 to index
      %get3A_676 = arith.index_cast %scan3A_664 : i32 to index
      %get3A_677 = arith.constant 16 : index
      %get3A_678 = tpu.vector_load %arg8[%get3A_675, %get3A_676, %get3A_677] {strides = array<i32>} : memref<2x128x64xf32, #tpu.memory_space<vmem>>, vector<16xf32>,
      %add3A_679 = arith.constant 128 : i32
      %add3A_680 = arith.addi %add3A_679, %scan3A_664 : i32
      %swap3A_681 = arith.index_cast %add3A_680 : i32 to index
      %swap3A_682 = arith.constant 16 : index
      %swap3A_683 = tpu.vector_load %arg10[%swap3A_681, %swap3A_682] {strides = array<i32>} : memref<512x130xf32, #tpu.memory_space<vmem>>, vector<16xf32>,
      tpu.vector_store %arg10[%swap3A_681, %swap3A_682], %get3A_678 {strides = array<i32>} : memref<512x130xf32, #tpu.memory_space<vmem>>, vector<16xf32>,
      %get3A_684 = arith.constant 1 : i32
      %get3A_685 = arith.index_cast %get3A_684 : i32 to index
      %get3A_686 = arith.index_cast %scan3A_664 : i32 to index
      %get3A_687 = arith.constant 32 : index
      %get3A_688 = tpu.vector_load %arg8[%get3A_685, %get3A_686, %get3A_687] {strides = array<i32>} : memref<2x128x64xf32, #tpu.memory_space<vmem>>, vector<16xf32>,
      %add3A_689 = arith.constant 128 : i32
      %add3A_690 = arith.addi %add3A_689, %scan3A_664 : i32
      %swap3A_691 = arith.index_cast %add3A_690 : i32 to index
      %swap3A_692 = arith.constant 32 : index
      %swap3A_693 = tpu.vector_load %arg10[%swap3A_691, %swap3A_692] {strides = array<i32>} : memref<512x130xf32, #tpu.memory_space<vmem>>, vector<16xf32>,
      tpu.vector_store %arg10[%swap3A_691, %swap3A_692], %get3A_688 {strides = array<i32>} : memref<512x130xf32, #tpu.memory_space<vmem>>, vector<16xf32>,
      %get3A_694 = arith.constant 1 : i32
      %get3A_695 = arith.index_cast %get3A_694 : i32 to index
      %get3A_696 = arith.index_cast %scan3A_664 : i32 to index
      %get3A_697 = arith.constant 48 : index
      %get3A_698 = tpu.vector_load %arg8[%get3A_695, %get3A_696, %get3A_697] {strides = array<i32>} : memref<2x128x64xf32, #tpu.memory_space<vmem>>, vector<16xf32>,
      %add3A_699 = arith.constant 128 : i32
      %add3A_700 = arith.addi %add3A_699, %scan3A_664 : i32
      %swap3A_701 = arith.index_cast %add3A_700 : i32 to index
      %swap3A_702 = arith.constant 48 : index
      %swap3A_703 = tpu.vector_load %arg10[%swap3A_701, %swap3A_702] {strides = array<i32>} : memref<512x130xf32, #tpu.memory_space<vmem>>, vector<16xf32>,
      tpu.vector_store %arg10[%swap3A_701, %swap3A_702], %get3A_698 {strides = array<i32>} : memref<512x130xf32, #tpu.memory_space<vmem>>, vector<16xf32>,
      %get3A_704 = arith.constant 1 : i32
      %get3A_705 = arith.index_cast %get3A_704 : i32 to index
      %get3A_706 = arith.index_cast %scan3A_664 : i32 to index
      %get3A_707 = arith.constant 0 : index
      %get3A_708 = tpu.vector_load %arg9[%get3A_705, %get3A_706, %get3A_707] {strides = array<i32>} : memref<2x128x64xf32, #tpu.memory_space<vmem>>, vector<16xf32>,
      %add3A_709 = arith.constant 128 : i32
      %add3A_710 = arith.addi %add3A_709, %scan3A_664 : i32
      %swap3A_711 = arith.index_cast %add3A_710 : i32 to index
      %swap3A_712 = arith.constant 64 : index
      %swap3A_713 = tpu.vector_load %arg10[%swap3A_711, %swap3A_712] {strides = array<i32>} : memref<512x130xf32, #tpu.memory_space<vmem>>, vector<16xf32>,
      tpu.vector_store %arg10[%swap3A_711, %swap3A_712], %get3A_708 {strides = array<i32>} : memref<512x130xf32, #tpu.memory_space<vmem>>, vector<16xf32>,
      %get3A_714 = arith.constant 1 : i32
      %get3A_715 = arith.index_cast %get3A_714 : i32 to index
      %get3A_716 = arith.index_cast %scan3A_664 : i32 to index
      %get3A_717 = arith.constant 16 : index
      %get3A_718 = tpu.vector_load %arg9[%get3A_715, %get3A_716, %get3A_717] {strides = array<i32>} : memref<2x128x64xf32, #tpu.memory_space<vmem>>, vector<16xf32>,
      %add3A_719 = arith.constant 128 : i32
      %add3A_720 = arith.addi %add3A_719, %scan3A_664 : i32
      %swap3A_721 = arith.index_cast %add3A_720 : i32 to index
      %swap3A_722 = arith.constant 80 : index
      %swap3A_723 = tpu.vector_load %arg10[%swap3A_721, %swap3A_722] {strides = array<i32>} : memref<512x130xf32, #tpu.memory_space<vmem>>, vector<16xf32>,
      tpu.vector_store %arg10[%swap3A_721, %swap3A_722], %get3A_718 {strides = array<i32>} : memref<512x130xf32, #tpu.memory_space<vmem>>, vector<16xf32>,
      %get3A_724 = arith.constant 1 : i32
      %get3A_725 = arith.index_cast %get3A_724 : i32 to index
      %get3A_726 = arith.index_cast %scan3A_664 : i32 to index
      %get3A_727 = arith.constant 32 : index
      %get3A_728 = tpu.vector_load %arg9[%get3A_725, %get3A_726, %get3A_727] {strides = array<i32>} : memref<2x128x64xf32, #tpu.memory_space<vmem>>, vector<16xf32>,
      %add3A_729 = arith.constant 128 : i32
      %add3A_730 = arith.addi %add3A_729, %scan3A_664 : i32
      %swap3A_731 = arith.index_cast %add3A_730 : i32 to index
      %swap3A_732 = arith.constant 96 : index
      %swap3A_733 = tpu.vector_load %arg10[%swap3A_731, %swap3A_732] {strides = array<i32>} : memref<512x130xf32, #tpu.memory_space<vmem>>, vector<16xf32>,
      tpu.vector_store %arg10[%swap3A_731, %swap3A_732], %get3A_728 {strides = array<i32>} : memref<512x130xf32, #tpu.memory_space<vmem>>, vector<16xf32>,
      %get3A_734 = arith.constant 1 : i32
      %get3A_735 = arith.index_cast %get3A_734 : i32 to index
      %get3A_736 = arith.index_cast %scan3A_664 : i32 to index
      %get3A_737 = arith.constant 48 : index
      %get3A_738 = tpu.vector_load %arg9[%get3A_735, %get3A_736, %get3A_737] {strides = array<i32>} : memref<2x128x64xf32, #tpu.memory_space<vmem>>, vector<16xf32>,
      %add3A_739 = arith.constant 128 : i32
      %add3A_740 = arith.addi %add3A_739, %scan3A_664 : i32
      %swap3A_741 = arith.index_cast %add3A_740 : i32 to index
      %swap3A_742 = arith.constant 112 : index
      %swap3A_743 = tpu.vector_load %arg10[%swap3A_741, %swap3A_742] {strides = array<i32>} : memref<512x130xf32, #tpu.memory_space<vmem>>, vector<16xf32>,
      tpu.vector_store %arg10[%swap3A_741, %swap3A_742], %get3A_738 {strides = array<i32>} : memref<512x130xf32, #tpu.memory_space<vmem>>, vector<16xf32>,
    }
    %scan3A_579 = arith.constant 128 : i32
    %dma_start3A_580 = arith.constant 3 : i32
    %dma_start3A_581 = arith.constant 1 : i32
    %dma_start3A_582 = arith.constant 0 : i32
    %dma_start3A_583 = arith.constant 0 : i32
    %dma_start3A_584 = tpu.memref_slice %arg8[%dma_start3A_581, %dma_start3A_582, %dma_start3A_583] : memref<2x128x64xf32, #tpu.memory_space<vmem>> -> memref<1x128x64xf32, #tpu.memory_space<vmem>>
    %dma_start3A_585 = tpu.memref_squeeze %dma_start3A_584 : memref<1x128x64xf32, #tpu.memory_space<vmem>> -> memref<128x64xf32, #tpu.memory_space<vmem>>
    %dma_start3A_586 = arith.constant 0 : i32
    %dma_start3A_587 = tpu.memref_slice %arg5[%dma_start3A_580, %dma_start3A_586] : memref<4x128xi32, #tpu.memory_space<vmem>> -> memref<1x128xi32, #tpu.memory_space<vmem>>
    %dma_start3A_588 = tpu.memref_squeeze %dma_start3A_587 : memref<1x128xi32, #tpu.memory_space<vmem>> -> memref<128xi32, #tpu.memory_space<vmem>>
    %dma_start3A_589 = arith.constant 0 : i32
    %dma_start3A_590 = arith.constant 0 : i32
    %dma_start3A_591 = tpu.memref_slice %arg3[%dma_start3A_589, %dma_start3A_590] : memref<1000000x64xf32, #tpu.memory_space<hbm>> -> memref<1000000x64xf32, #tpu.memory_space<hbm>>
    tpu.enqueue_indirect_dma source(%dma_start3A_591 : memref<1000000x64xf32, #tpu.memory_space<hbm>>) target(%dma_start3A_585 : memref<128x64xf32, #tpu.memory_space<vmem>>) offsets(%dma_start3A_588 : memref<128xi32, #tpu.memory_space<vmem>>) semaphore(%arg12 : memref<!tpu.dma_semaphore, #tpu.memory_space<semaphore_mem>>)
    %dma_start3A_592 = arith.constant 3 : i32
    %dma_start3A_593 = arith.constant 1 : i32
    %dma_start3A_594 = arith.constant 0 : i32
    %dma_start3A_595 = arith.constant 0 : i32
    %dma_start3A_596 = tpu.memref_slice %arg9[%dma_start3A_593, %dma_start3A_594, %dma_start3A_595] : memref<2x128x64xf32, #tpu.memory_space<vmem>> -> memref<1x128x64xf32, #tpu.memory_space<vmem>>
    %dma_start3A_597 = tpu.memref_squeeze %dma_start3A_596 : memref<1x128x64xf32, #tpu.memory_space<vmem>> -> memref<128x64xf32, #tpu.memory_space<vmem>>
    %dma_start3A_598 = arith.constant 0 : i32
    %dma_start3A_599 = tpu.memref_slice %arg6[%dma_start3A_592, %dma_start3A_598] : memref<4x128xi32, #tpu.memory_space<vmem>> -> memref<1x128xi32, #tpu.memory_space<vmem>>
    %dma_start3A_600 = tpu.memref_squeeze %dma_start3A_599 : memref<1x128xi32, #tpu.memory_space<vmem>> -> memref<128xi32, #tpu.memory_space<vmem>>
    %dma_start3A_601 = arith.constant 0 : i32
    %dma_start3A_602 = arith.constant 0 : i32
    %dma_start3A_603 = tpu.memref_slice %arg3[%dma_start3A_601, %dma_start3A_602] : memref<1000000x64xf32, #tpu.memory_space<hbm>> -> memref<1000000x64xf32, #tpu.memory_space<hbm>>
    tpu.enqueue_indirect_dma source(%dma_start3A_603 : memref<1000000x64xf32, #tpu.memory_space<hbm>>) target(%dma_start3A_597 : memref<128x64xf32, #tpu.memory_space<vmem>>) offsets(%dma_start3A_600 : memref<128xi32, #tpu.memory_space<vmem>>) semaphore(%arg14 : memref<!tpu.dma_semaphore, #tpu.memory_space<semaphore_mem>>)
    %dma_wait3A_604 = arith.constant 2 : i32
    %dma_wait3A_605 = arith.constant 0 : i32
    %dma_wait3A_606 = arith.constant 0 : i32
    %dma_wait3A_607 = arith.constant 0 : i32
    %dma_wait3A_608 = tpu.memref_slice %arg8[%dma_wait3A_605, %dma_wait3A_606, %dma_wait3A_607] : memref<2x128x64xf32, #tpu.memory_space<vmem>> -> memref<1x128x64xf32, #tpu.memory_space<vmem>>
    %dma_wait3A_609 = tpu.memref_squeeze %dma_wait3A_608 : memref<1x128x64xf32, #tpu.memory_space<vmem>> -> memref<128x64xf32, #tpu.memory_space<vmem>>
    %dma_wait3A_610 = arith.constant 0 : i32
    %dma_wait3A_611 = tpu.memref_slice %arg5[%dma_wait3A_604, %dma_wait3A_610] : memref<4x128xi32, #tpu.memory_space<vmem>> -> memref<1x128xi32, #tpu.memory_space<vmem>>
    %dma_wait3A_612 = tpu.memref_squeeze %dma_wait3A_611 : memref<1x128xi32, #tpu.memory_space<vmem>> -> memref<128xi32, #tpu.memory_space<vmem>>
    %dma_wait3A_613 = arith.constant 0 : i32
    %dma_wait3A_614 = arith.constant 0 : i32
    %dma_wait3A_615 = tpu.memref_slice %arg3[%dma_wait3A_613, %dma_wait3A_614] : memref<1000000x64xf32, #tpu.memory_space<hbm>> -> memref<1000000x64xf32, #tpu.memory_space<hbm>>
    tpu.wait_indirect_dma semaphore(%arg11 : memref<!tpu.dma_semaphore, #tpu.memory_space<semaphore_mem>>) src(%dma_wait3A_615 : memref<1000000x64xf32, #tpu.memory_space<hbm>>) dst(%dma_wait3A_609 : memref<128x64xf32, #tpu.memory_space<vmem>>)
    %dma_wait3A_616 = arith.constant 2 : i32
    %dma_wait3A_617 = arith.constant 0 : i32
    %dma_wait3A_618 = arith.constant 0 : i32
    %dma_wait3A_619 = arith.constant 0 : i32
    %dma_wait3A_620 = tpu.memref_slice %arg9[%dma_wait3A_617, %dma_wait3A_618, %dma_wait3A_619] : memref<2x128x64xf32, #tpu.memory_space<vmem>> -> memref<1x128x64xf32, #tpu.memory_space<vmem>>
    %dma_wait3A_621 = tpu.memref_squeeze %dma_wait3A_620 : memref<1x128x64xf32, #tpu.memory_space<vmem>> -> memref<128x64xf32, #tpu.memory_space<vmem>>
    %dma_wait3A_622 = arith.constant 0 : i32
    %dma_wait3A_623 = tpu.memref_slice %arg6[%dma_wait3A_616, %dma_wait3A_622] : memref<4x128xi32, #tpu.memory_space<vmem>> -> memref<1x128xi32, #tpu.memory_space<vmem>>
    %dma_wait3A_624 = tpu.memref_squeeze %dma_wait3A_623 : memref<1x128xi32, #tpu.memory_space<vmem>> -> memref<128xi32, #tpu.memory_space<vmem>>
    %dma_wait3A_625 = arith.constant 0 : i32
    %dma_wait3A_626 = arith.constant 0 : i32
    %dma_wait3A_627 = tpu.memref_slice %arg3[%dma_wait3A_625, %dma_wait3A_626] : memref<1000000x64xf32, #tpu.memory_space<hbm>> -> memref<1000000x64xf32, #tpu.memory_space<hbm>>
    tpu.wait_indirect_dma semaphore(%arg13 : memref<!tpu.dma_semaphore, #tpu.memory_space<semaphore_mem>>) src(%dma_wait3A_627 : memref<1000000x64xf32, #tpu.memory_space<hbm>>) dst(%dma_wait3A_621 : memref<128x64xf32, #tpu.memory_space<vmem>>)
    %scan3A_628 = arith.constant 0 : i32
    %scan3A_629 = arith.constant 0 : i32
    %scan3A_630 = arith.constant 128 : i32
    %scan3A_631 = arith.addi %scan3A_629, %scan3A_630 : i32
    %scan3A_632 = arith.constant 1 : i32
    scf.for %scan3A_664 = %scan3A_629 to %scan3A_631 step %scan3A_632  : i32 {
      %get3A_665 = arith.constant 0 : i32
      %get3A_666 = arith.index_cast %get3A_665 : i32 to index
      %get3A_667 = arith.index_cast %scan3A_664 : i32 to index
      %get3A_668 = arith.constant 0 : index
      %get3A_669 = tpu.vector_load %arg8[%get3A_666, %get3A_667, %get3A_668] {strides = array<i32>} : memref<2x128x64xf32, #tpu.memory_space<vmem>>, vector<16xf32>,
      %add3A_670 = arith.constant 256 : i32
      %add3A_671 = arith.addi %add3A_670, %scan3A_664 : i32
      %swap3A = arith.index_cast %add3A_671 : i32 to index
      %swap3A_672 = arith.constant 0 : index
      %swap3A_673 = tpu.vector_load %arg10[%swap3A, %swap3A_672] {strides = array<i32>} : memref<512x130xf32, #tpu.memory_space<vmem>>, vector<16xf32>,
      tpu.vector_store %arg10[%swap3A, %swap3A_672], %get3A_669 {strides = array<i32>} : memref<512x130xf32, #tpu.memory_space<vmem>>, vector<16xf32>,
      %get3A_674 = arith.constant 0 : i32
      %get3A_675 = arith.index_cast %get3A_674 : i32 to index
      %get3A_676 = arith.index_cast %scan3A_664 : i32 to index
      %get3A_677 = arith.constant 16 : index
      %get3A_678 = tpu.vector_load %arg8[%get3A_675, %get3A_676, %get3A_677] {strides = array<i32>} : memref<2x128x64xf32, #tpu.memory_space<vmem>>, vector<16xf32>,
      %add3A_679 = arith.constant 256 : i32
      %add3A_680 = arith.addi %add3A_679, %scan3A_664 : i32
      %swap3A_681 = arith.index_cast %add3A_680 : i32 to index
      %swap3A_682 = arith.constant 16 : index
      %swap3A_683 = tpu.vector_load %arg10[%swap3A_681, %swap3A_682] {strides = array<i32>} : memref<512x130xf32, #tpu.memory_space<vmem>>, vector<16xf32>,
      tpu.vector_store %arg10[%swap3A_681, %swap3A_682], %get3A_678 {strides = array<i32>} : memref<512x130xf32, #tpu.memory_space<vmem>>, vector<16xf32>,
      %get3A_684 = arith.constant 0 : i32
      %get3A_685 = arith.index_cast %get3A_684 : i32 to index
      %get3A_686 = arith.index_cast %scan3A_664 : i32 to index
      %get3A_687 = arith.constant 32 : index
      %get3A_688 = tpu.vector_load %arg8[%get3A_685, %get3A_686, %get3A_687] {strides = array<i32>} : memref<2x128x64xf32, #tpu.memory_space<vmem>>, vector<16xf32>,
      %add3A_689 = arith.constant 256 : i32
      %add3A_690 = arith.addi %add3A_689, %scan3A_664 : i32
      %swap3A_691 = arith.index_cast %add3A_690 : i32 to index
      %swap3A_692 = arith.constant 32 : index
      %swap3A_693 = tpu.vector_load %arg10[%swap3A_691, %swap3A_692] {strides = array<i32>} : memref<512x130xf32, #tpu.memory_space<vmem>>, vector<16xf32>,
      tpu.vector_store %arg10[%swap3A_691, %swap3A_692], %get3A_688 {strides = array<i32>} : memref<512x130xf32, #tpu.memory_space<vmem>>, vector<16xf32>,
      %get3A_694 = arith.constant 0 : i32
      %get3A_695 = arith.index_cast %get3A_694 : i32 to index
      %get3A_696 = arith.index_cast %scan3A_664 : i32 to index
      %get3A_697 = arith.constant 48 : index
      %get3A_698 = tpu.vector_load %arg8[%get3A_695, %get3A_696, %get3A_697] {strides = array<i32>} : memref<2x128x64xf32, #tpu.memory_space<vmem>>, vector<16xf32>,
      %add3A_699 = arith.constant 256 : i32
      %add3A_700 = arith.addi %add3A_699, %scan3A_664 : i32
      %swap3A_701 = arith.index_cast %add3A_700 : i32 to index
      %swap3A_702 = arith.constant 48 : index
      %swap3A_703 = tpu.vector_load %arg10[%swap3A_701, %swap3A_702] {strides = array<i32>} : memref<512x130xf32, #tpu.memory_space<vmem>>, vector<16xf32>,
      tpu.vector_store %arg10[%swap3A_701, %swap3A_702], %get3A_698 {strides = array<i32>} : memref<512x130xf32, #tpu.memory_space<vmem>>, vector<16xf32>,
      %get3A_704 = arith.constant 0 : i32
      %get3A_705 = arith.index_cast %get3A_704 : i32 to index
      %get3A_706 = arith.index_cast %scan3A_664 : i32 to index
      %get3A_707 = arith.constant 0 : index
      %get3A_708 = tpu.vector_load %arg9[%get3A_705, %get3A_706, %get3A_707] {strides = array<i32>} : memref<2x128x64xf32, #tpu.memory_space<vmem>>, vector<16xf32>,
      %add3A_709 = arith.constant 256 : i32
      %add3A_710 = arith.addi %add3A_709, %scan3A_664 : i32
      %swap3A_711 = arith.index_cast %add3A_710 : i32 to index
      %swap3A_712 = arith.constant 64 : index
      %swap3A_713 = tpu.vector_load %arg10[%swap3A_711, %swap3A_712] {strides = array<i32>} : memref<512x130xf32, #tpu.memory_space<vmem>>, vector<16xf32>,
      tpu.vector_store %arg10[%swap3A_711, %swap3A_712], %get3A_708 {strides = array<i32>} : memref<512x130xf32, #tpu.memory_space<vmem>>, vector<16xf32>,
      %get3A_714 = arith.constant 0 : i32
      %get3A_715 = arith.index_cast %get3A_714 : i32 to index
      %get3A_716 = arith.index_cast %scan3A_664 : i32 to index
      %get3A_717 = arith.constant 16 : index
      %get3A_718 = tpu.vector_load %arg9[%get3A_715, %get3A_716, %get3A_717] {strides = array<i32>} : memref<2x128x64xf32, #tpu.memory_space<vmem>>, vector<16xf32>,
      %add3A_719 = arith.constant 256 : i32
      %add3A_720 = arith.addi %add3A_719, %scan3A_664 : i32
      %swap3A_721 = arith.index_cast %add3A_720 : i32 to index
      %swap3A_722 = arith.constant 80 : index
      %swap3A_723 = tpu.vector_load %arg10[%swap3A_721, %swap3A_722] {strides = array<i32>} : memref<512x130xf32, #tpu.memory_space<vmem>>, vector<16xf32>,
      tpu.vector_store %arg10[%swap3A_721, %swap3A_722], %get3A_718 {strides = array<i32>} : memref<512x130xf32, #tpu.memory_space<vmem>>, vector<16xf32>,
      %get3A_724 = arith.constant 0 : i32
      %get3A_725 = arith.index_cast %get3A_724 : i32 to index
      %get3A_726 = arith.index_cast %scan3A_664 : i32 to index
      %get3A_727 = arith.constant 32 : index
      %get3A_728 = tpu.vector_load %arg9[%get3A_725, %get3A_726, %get3A_727] {strides = array<i32>} : memref<2x128x64xf32, #tpu.memory_space<vmem>>, vector<16xf32>,
      %add3A_729 = arith.constant 256 : i32
      %add3A_730 = arith.addi %add3A_729, %scan3A_664 : i32
      %swap3A_731 = arith.index_cast %add3A_730 : i32 to index
      %swap3A_732 = arith.constant 96 : index
      %swap3A_733 = tpu.vector_load %arg10[%swap3A_731, %swap3A_732] {strides = array<i32>} : memref<512x130xf32, #tpu.memory_space<vmem>>, vector<16xf32>,
      tpu.vector_store %arg10[%swap3A_731, %swap3A_732], %get3A_728 {strides = array<i32>} : memref<512x130xf32, #tpu.memory_space<vmem>>, vector<16xf32>,
      %get3A_734 = arith.constant 0 : i32
      %get3A_735 = arith.index_cast %get3A_734 : i32 to index
      %get3A_736 = arith.index_cast %scan3A_664 : i32 to index
      %get3A_737 = arith.constant 48 : index
      %get3A_738 = tpu.vector_load %arg9[%get3A_735, %get3A_736, %get3A_737] {strides = array<i32>} : memref<2x128x64xf32, #tpu.memory_space<vmem>>, vector<16xf32>,
      %add3A_739 = arith.constant 256 : i32
      %add3A_740 = arith.addi %add3A_739, %scan3A_664 : i32
      %swap3A_741 = arith.index_cast %add3A_740 : i32 to index
      %swap3A_742 = arith.constant 112 : index
      %swap3A_743 = tpu.vector_load %arg10[%swap3A_741, %swap3A_742] {strides = array<i32>} : memref<512x130xf32, #tpu.memory_space<vmem>>, vector<16xf32>,
      tpu.vector_store %arg10[%swap3A_741, %swap3A_742], %get3A_738 {strides = array<i32>} : memref<512x130xf32, #tpu.memory_space<vmem>>, vector<16xf32>,
    }
    %scan3A_633 = arith.constant 128 : i32
    %dma_wait3A_634 = arith.constant 3 : i32
    %dma_wait3A_635 = arith.constant 1 : i32
    %dma_wait3A_636 = arith.constant 0 : i32
    %dma_wait3A_637 = arith.constant 0 : i32
    %dma_wait3A_638 = tpu.memref_slice %arg8[%dma_wait3A_635, %dma_wait3A_636, %dma_wait3A_637] : memref<2x128x64xf32, #tpu.memory_space<vmem>> -> memref<1x128x64xf32, #tpu.memory_space<vmem>>
    %dma_wait3A_639 = tpu.memref_squeeze %dma_wait3A_638 : memref<1x128x64xf32, #tpu.memory_space<vmem>> -> memref<128x64xf32, #tpu.memory_space<vmem>>
    %dma_wait3A_640 = arith.constant 0 : i32
    %dma_wait3A_641 = tpu.memref_slice %arg5[%dma_wait3A_634, %dma_wait3A_640] : memref<4x128xi32, #tpu.memory_space<vmem>> -> memref<1x128xi32, #tpu.memory_space<vmem>>
    %dma_wait3A_642 = tpu.memref_squeeze %dma_wait3A_641 : memref<1x128xi32, #tpu.memory_space<vmem>> -> memref<128xi32, #tpu.memory_space<vmem>>
    %dma_wait3A_643 = arith.constant 0 : i32
    %dma_wait3A_644 = arith.constant 0 : i32
    %dma_wait3A_645 = tpu.memref_slice %arg3[%dma_wait3A_643, %dma_wait3A_644] : memref<1000000x64xf32, #tpu.memory_space<hbm>> -> memref<1000000x64xf32, #tpu.memory_space<hbm>>
    tpu.wait_indirect_dma semaphore(%arg12 : memref<!tpu.dma_semaphore, #tpu.memory_space<semaphore_mem>>) src(%dma_wait3A_645 : memref<1000000x64xf32, #tpu.memory_space<hbm>>) dst(%dma_wait3A_639 : memref<128x64xf32, #tpu.memory_space<vmem>>)
    %dma_wait3A_646 = arith.constant 3 : i32
    %dma_wait3A_647 = arith.constant 1 : i32
    %dma_wait3A_648 = arith.constant 0 : i32
    %dma_wait3A_649 = arith.constant 0 : i32
    %dma_wait3A_650 = tpu.memref_slice %arg9[%dma_wait3A_647, %dma_wait3A_648, %dma_wait3A_649] : memref<2x128x64xf32, #tpu.memory_space<vmem>> -> memref<1x128x64xf32, #tpu.memory_space<vmem>>
    %dma_wait3A_651 = tpu.memref_squeeze %dma_wait3A_650 : memref<1x128x64xf32, #tpu.memory_space<vmem>> -> memref<128x64xf32, #tpu.memory_space<vmem>>
    %dma_wait3A_652 = arith.constant 0 : i32
    %dma_wait3A_653 = tpu.memref_slice %arg6[%dma_wait3A_646, %dma_wait3A_652] : memref<4x128xi32, #tpu.memory_space<vmem>> -> memref<1x128xi32, #tpu.memory_space<vmem>>
    %dma_wait3A_654 = tpu.memref_squeeze %dma_wait3A_653 : memref<1x128xi32, #tpu.memory_space<vmem>> -> memref<128xi32, #tpu.memory_space<vmem>>
    %dma_wait3A_655 = arith.constant 0 : i32
    %dma_wait3A_656 = arith.constant 0 : i32
    %dma_wait3A_657 = tpu.memref_slice %arg3[%dma_wait3A_655, %dma_wait3A_656] : memref<1000000x64xf32, #tpu.memory_space<hbm>> -> memref<1000000x64xf32, #tpu.memory_space<hbm>>
    tpu.wait_indirect_dma semaphore(%arg14 : memref<!tpu.dma_semaphore, #tpu.memory_space<semaphore_mem>>) src(%dma_wait3A_657 : memref<1000000x64xf32, #tpu.memory_space<hbm>>) dst(%dma_wait3A_651 : memref<128x64xf32, #tpu.memory_space<vmem>>)
    %scan3A_658 = arith.constant 0 : i32
    %scan3A_659 = arith.constant 0 : i32
    %scan3A_660 = arith.constant 128 : i32
    %scan3A_661 = arith.addi %scan3A_659, %scan3A_660 : i32
    %scan3A_662 = arith.constant 1 : i32
    scf.for %scan3A_664 = %scan3A_659 to %scan3A_661 step %scan3A_662  : i32 {
      %get3A_665 = arith.constant 1 : i32
      %get3A_666 = arith.index_cast %get3A_665 : i32 to index
      %get3A_667 = arith.index_cast %scan3A_664 : i32 to index
      %get3A_668 = arith.constant 0 : index
      %get3A_669 = tpu.vector_load %arg8[%get3A_666, %get3A_667, %get3A_668] {strides = array<i32>} : memref<2x128x64xf32, #tpu.memory_space<vmem>>, vector<16xf32>,
      %add3A_670 = arith.constant 384 : i32
      %add3A_671 = arith.addi %add3A_670, %scan3A_664 : i32
      %swap3A = arith.index_cast %add3A_671 : i32 to index
      %swap3A_672 = arith.constant 0 : index
      %swap3A_673 = tpu.vector_load %arg10[%swap3A, %swap3A_672] {strides = array<i32>} : memref<512x130xf32, #tpu.memory_space<vmem>>, vector<16xf32>,
      tpu.vector_store %arg10[%swap3A, %swap3A_672], %get3A_669 {strides = array<i32>} : memref<512x130xf32, #tpu.memory_space<vmem>>, vector<16xf32>,
      %get3A_674 = arith.constant 1 : i32
      %get3A_675 = arith.index_cast %get3A_674 : i32 to index
      %get3A_676 = arith.index_cast %scan3A_664 : i32 to index
      %get3A_677 = arith.constant 16 : index
      %get3A_678 = tpu.vector_load %arg8[%get3A_675, %get3A_676, %get3A_677] {strides = array<i32>} : memref<2x128x64xf32, #tpu.memory_space<vmem>>, vector<16xf32>,
      %add3A_679 = arith.constant 384 : i32
      %add3A_680 = arith.addi %add3A_679, %scan3A_664 : i32
      %swap3A_681 = arith.index_cast %add3A_680 : i32 to index
      %swap3A_682 = arith.constant 16 : index
      %swap3A_683 = tpu.vector_load %arg10[%swap3A_681, %swap3A_682] {strides = array<i32>} : memref<512x130xf32, #tpu.memory_space<vmem>>, vector<16xf32>,
      tpu.vector_store %arg10[%swap3A_681, %swap3A_682], %get3A_678 {strides = array<i32>} : memref<512x130xf32, #tpu.memory_space<vmem>>, vector<16xf32>,
      %get3A_684 = arith.constant 1 : i32
      %get3A_685 = arith.index_cast %get3A_684 : i32 to index
      %get3A_686 = arith.index_cast %scan3A_664 : i32 to index
      %get3A_687 = arith.constant 32 : index
      %get3A_688 = tpu.vector_load %arg8[%get3A_685, %get3A_686, %get3A_687] {strides = array<i32>} : memref<2x128x64xf32, #tpu.memory_space<vmem>>, vector<16xf32>,
      %add3A_689 = arith.constant 384 : i32
      %add3A_690 = arith.addi %add3A_689, %scan3A_664 : i32
      %swap3A_691 = arith.index_cast %add3A_690 : i32 to index
      %swap3A_692 = arith.constant 32 : index
      %swap3A_693 = tpu.vector_load %arg10[%swap3A_691, %swap3A_692] {strides = array<i32>} : memref<512x130xf32, #tpu.memory_space<vmem>>, vector<16xf32>,
      tpu.vector_store %arg10[%swap3A_691, %swap3A_692], %get3A_688 {strides = array<i32>} : memref<512x130xf32, #tpu.memory_space<vmem>>, vector<16xf32>,
      %get3A_694 = arith.constant 1 : i32
      %get3A_695 = arith.index_cast %get3A_694 : i32 to index
      %get3A_696 = arith.index_cast %scan3A_664 : i32 to index
      %get3A_697 = arith.constant 48 : index
      %get3A_698 = tpu.vector_load %arg8[%get3A_695, %get3A_696, %get3A_697] {strides = array<i32>} : memref<2x128x64xf32, #tpu.memory_space<vmem>>, vector<16xf32>,
      %add3A_699 = arith.constant 384 : i32
      %add3A_700 = arith.addi %add3A_699, %scan3A_664 : i32
      %swap3A_701 = arith.index_cast %add3A_700 : i32 to index
      %swap3A_702 = arith.constant 48 : index
      %swap3A_703 = tpu.vector_load %arg10[%swap3A_701, %swap3A_702] {strides = array<i32>} : memref<512x130xf32, #tpu.memory_space<vmem>>, vector<16xf32>,
      tpu.vector_store %arg10[%swap3A_701, %swap3A_702], %get3A_698 {strides = array<i32>} : memref<512x130xf32, #tpu.memory_space<vmem>>, vector<16xf32>,
      %get3A_704 = arith.constant 1 : i32
      %get3A_705 = arith.index_cast %get3A_704 : i32 to index
      %get3A_706 = arith.index_cast %scan3A_664 : i32 to index
      %get3A_707 = arith.constant 0 : index
      %get3A_708 = tpu.vector_load %arg9[%get3A_705, %get3A_706, %get3A_707] {strides = array<i32>} : memref<2x128x64xf32, #tpu.memory_space<vmem>>, vector<16xf32>,
      %add3A_709 = arith.constant 384 : i32
      %add3A_710 = arith.addi %add3A_709, %scan3A_664 : i32
      %swap3A_711 = arith.index_cast %add3A_710 : i32 to index
      %swap3A_712 = arith.constant 64 : index
      %swap3A_713 = tpu.vector_load %arg10[%swap3A_711, %swap3A_712] {strides = array<i32>} : memref<512x130xf32, #tpu.memory_space<vmem>>, vector<16xf32>,
      tpu.vector_store %arg10[%swap3A_711, %swap3A_712], %get3A_708 {strides = array<i32>} : memref<512x130xf32, #tpu.memory_space<vmem>>, vector<16xf32>,
      %get3A_714 = arith.constant 1 : i32
      %get3A_715 = arith.index_cast %get3A_714 : i32 to index
      %get3A_716 = arith.index_cast %scan3A_664 : i32 to index
      %get3A_717 = arith.constant 16 : index
      %get3A_718 = tpu.vector_load %arg9[%get3A_715, %get3A_716, %get3A_717] {strides = array<i32>} : memref<2x128x64xf32, #tpu.memory_space<vmem>>, vector<16xf32>,
      %add3A_719 = arith.constant 384 : i32
      %add3A_720 = arith.addi %add3A_719, %scan3A_664 : i32
      %swap3A_721 = arith.index_cast %add3A_720 : i32 to index
      %swap3A_722 = arith.constant 80 : index
      %swap3A_723 = tpu.vector_load %arg10[%swap3A_721, %swap3A_722] {strides = array<i32>} : memref<512x130xf32, #tpu.memory_space<vmem>>, vector<16xf32>,
      tpu.vector_store %arg10[%swap3A_721, %swap3A_722], %get3A_718 {strides = array<i32>} : memref<512x130xf32, #tpu.memory_space<vmem>>, vector<16xf32>,
      %get3A_724 = arith.constant 1 : i32
      %get3A_725 = arith.index_cast %get3A_724 : i32 to index
      %get3A_726 = arith.index_cast %scan3A_664 : i32 to index
      %get3A_727 = arith.constant 32 : index
      %get3A_728 = tpu.vector_load %arg9[%get3A_725, %get3A_726, %get3A_727] {strides = array<i32>} : memref<2x128x64xf32, #tpu.memory_space<vmem>>, vector<16xf32>,
      %add3A_729 = arith.constant 384 : i32
      %add3A_730 = arith.addi %add3A_729, %scan3A_664 : i32
      %swap3A_731 = arith.index_cast %add3A_730 : i32 to index
      %swap3A_732 = arith.constant 96 : index
      %swap3A_733 = tpu.vector_load %arg10[%swap3A_731, %swap3A_732] {strides = array<i32>} : memref<512x130xf32, #tpu.memory_space<vmem>>, vector<16xf32>,
      tpu.vector_store %arg10[%swap3A_731, %swap3A_732], %get3A_728 {strides = array<i32>} : memref<512x130xf32, #tpu.memory_space<vmem>>, vector<16xf32>,
      %get3A_734 = arith.constant 1 : i32
      %get3A_735 = arith.index_cast %get3A_734 : i32 to index
      %get3A_736 = arith.index_cast %scan3A_664 : i32 to index
      %get3A_737 = arith.constant 48 : index
      %get3A_738 = tpu.vector_load %arg9[%get3A_735, %get3A_736, %get3A_737] {strides = array<i32>} : memref<2x128x64xf32, #tpu.memory_space<vmem>>, vector<16xf32>,
      %add3A_739 = arith.constant 384 : i32
      %add3A_740 = arith.addi %add3A_739, %scan3A_664 : i32
      %swap3A_741 = arith.index_cast %add3A_740 : i32 to index
      %swap3A_742 = arith.constant 112 : index
      %swap3A_743 = tpu.vector_load %arg10[%swap3A_741, %swap3A_742] {strides = array<i32>} : memref<512x130xf32, #tpu.memory_space<vmem>>, vector<16xf32>,
      tpu.vector_store %arg10[%swap3A_741, %swap3A_742], %get3A_738 {strides = array<i32>} : memref<512x130xf32, #tpu.memory_space<vmem>>, vector<16xf32>,
    }
    %scan3A_663 = arith.constant 128 : i32
    "tpu.region"() ({
      %run_scoped3A_664 = tpu.sem_alloc : memref<!tpu.dma_semaphore, #tpu.memory_space<semaphore_mem>>
      %dma_start3A_665 = arith.constant 0 : i32
      %dma_start3A_666 = tpu.memref_slice %arg4[%mul3A_2, %dma_start3A_665] : memref<16384x130xf32, #tpu.memory_space<hbm>> -> memref<512x130xf32, #tpu.memory_space<hbm>>
      %dma_start3A_667 = arith.constant 0 : i32
      %dma_start3A_668 = tpu.memref_slice %arg4[%mul3A_2, %dma_start3A_667] : memref<16384x130xf32, #tpu.memory_space<hbm>> -> memref<512x130xf32, #tpu.memory_space<hbm>>
      tpu.enqueue_dma source(%arg10 : memref<512x130xf32, #tpu.memory_space<vmem>>) target(%dma_start3A_668 : memref<512x130xf32, #tpu.memory_space<hbm>>) target_semaphore(%run_scoped3A_664 : memref<!tpu.dma_semaphore, #tpu.memory_space<semaphore_mem>>)
      %dma_wait3A_669 = arith.constant 0 : i32
      %dma_wait3A_670 = tpu.memref_slice %arg4[%mul3A_2, %dma_wait3A_669] : memref<16384x130xf32, #tpu.memory_space<hbm>> -> memref<512x130xf32, #tpu.memory_space<hbm>>
      %dma_wait3A_671 = arith.constant 0 : i32
      %dma_wait3A_672 = tpu.memref_slice %arg4[%mul3A_2, %dma_wait3A_671] : memref<16384x130xf32, #tpu.memory_space<hbm>> -> memref<512x130xf32, #tpu.memory_space<hbm>>
      tpu.wait_dma2 semaphore(%run_scoped3A_664 : memref<!tpu.dma_semaphore, #tpu.memory_space<semaphore_mem>>) src(%arg10 : memref<512x130xf32, #tpu.memory_space<vmem>>) dst(%dma_wait3A_672 : memref<512x130xf32, #tpu.memory_space<hbm>>)
      tpu.yield
    }) : () -> ()
    return
  }
}

module attributes {stable_mosaic.version = 14 : i64} {
  func.func @body(%arg0: i32, %arg1: memref<64x28672xf32, #tpu.memory_space<vmem>>, %arg2: memref<14336x128xf32, #tpu.memory_space<vmem>>) attributes {dimension_semantics = [#tpu.dimension_semantics<arbitrary>], iteration_bounds = array<i64: 35>, scalar_prefetch = 0 : i64, scratch_operands = 0 : i64, tpu.core_type = #tpu.core_type<tc>, window_params = [{transform_indices = @transform_0, window_bounds = array<i64: 64, 28672>}, {transform_indices = @transform_1, window_bounds = array<i64: 14336, 128>}]} {
    %get3A = arith.constant 0 : index
    %get3A_0 = arith.constant 0 : index
    %get3A_1 = vector.load %arg1[%get3A, %get3A_0] : memref<64x28672xf32, #tpu.memory_space<vmem>>, vector<64x28672xf32>
    %iota3A = tpu.iota {dimensions = array<i32: 0>} : vector<128x256xi32>
    %iota3A_2 = tpu.iota {dimensions = array<i32: 1>} : vector<128x256xi32>
    %mul3A = arith.constant 2 : i32
    %mul3A_3 = vector.broadcast %mul3A : i32 to vector<128x256xi32>
    %mul3A_4 = arith.muli %mul3A_3, %iota3A : vector<128x256xi32>
    %eq3A = arith.cmpi eq, %iota3A_2, %mul3A_4 : vector<128x256xi32>
    %convert_element_type3A = arith.extui %eq3A : vector<128x256xi1> to vector<128x256xi32>
    %convert_element_type3A_5 = arith.sitofp %convert_element_type3A : vector<128x256xi32> to vector<128x256xf32>
    %mul3A_6 = arith.constant 2 : i32
    %mul3A_7 = vector.broadcast %mul3A_6 : i32 to vector<128x256xi32>
    %mul3A_8 = arith.muli %mul3A_7, %iota3A : vector<128x256xi32>
    %add3A = arith.constant 1 : i32
    %add3A_9 = vector.broadcast %add3A : i32 to vector<128x256xi32>
    %add3A_10 = arith.addi %mul3A_8, %add3A_9 : vector<128x256xi32>
    %eq3A_11 = arith.cmpi eq, %iota3A_2, %add3A_10 : vector<128x256xi32>
    %convert_element_type3A_12 = arith.extui %eq3A_11 : vector<128x256xi1> to vector<128x256xi32>
    %convert_element_type3A_13 = arith.sitofp %convert_element_type3A_12 : vector<128x256xi32> to vector<128x256xf32>
    %slice3A = vector.extract_strided_slice %get3A_1 {offsets = [0, 0], sizes = [64, 256], strides = [1, 1]} : vector<64x28672xf32> to vector<64x256xf32>
    %dot_general3A = arith.constant dense<0.000000e+00> : vector<128x64xf32>
    %dot_general3A_14 = tpu.matmul %convert_element_type3A_5, %slice3A, %dot_general3A {dimension_numbers = #tpu.dot_dimension_numbers<[1], [1], [0], [0], [0, 0, 1, 0], [], []>, transpose_lhs_hint = false} : vector<128x256xf32>, vector<64x256xf32>, vector<128x64xf32> -> vector<128x64xf32>
    %dot_general3A_15 = arith.constant dense<0.000000e+00> : vector<128x64xf32>
    %dot_general3A_16 = tpu.matmul %convert_element_type3A_13, %slice3A, %dot_general3A_15 {dimension_numbers = #tpu.dot_dimension_numbers<[1], [1], [0], [0], [0, 0, 1, 0], [], []>, transpose_lhs_hint = false} : vector<128x256xf32>, vector<64x256xf32>, vector<128x64xf32> -> vector<128x64xf32>
    %swap3A = arith.constant 0 : index
    %swap3A_17 = arith.constant 0 : index
    %swap3A_18 = vector.load %arg2[%swap3A, %swap3A_17] : memref<14336x128xf32, #tpu.memory_space<vmem>>, vector<128x64xf32>
    tpu.vector_store %arg2[%swap3A, %swap3A_17], %dot_general3A_14 {strides = array<i32>} : memref<14336x128xf32, #tpu.memory_space<vmem>>, vector<128x64xf32>,
    %swap3A_19 = arith.constant 0 : index
    %swap3A_20 = arith.constant 64 : index
    %swap3A_21 = vector.load %arg2[%swap3A_19, %swap3A_20] : memref<14336x128xf32, #tpu.memory_space<vmem>>, vector<128x64xf32>
    tpu.vector_store %arg2[%swap3A_19, %swap3A_20], %dot_general3A_16 {strides = array<i32>} : memref<14336x128xf32, #tpu.memory_space<vmem>>, vector<128x64xf32>,
    %slice3A_22 = vector.extract_strided_slice %get3A_1 {offsets = [0, 256], sizes = [64, 256], strides = [1, 1]} : vector<64x28672xf32> to vector<64x256xf32>
    %dot_general3A_23 = arith.constant dense<0.000000e+00> : vector<128x64xf32>
    %dot_general3A_24 = tpu.matmul %convert_element_type3A_5, %slice3A_22, %dot_general3A_23 {dimension_numbers = #tpu.dot_dimension_numbers<[1], [1], [0], [0], [0, 0, 1, 0], [], []>, transpose_lhs_hint = false} : vector<128x256xf32>, vector<64x256xf32>, vector<128x64xf32> -> vector<128x64xf32>
    %dot_general3A_25 = arith.constant dense<0.000000e+00> : vector<128x64xf32>
    %dot_general3A_26 = tpu.matmul %convert_element_type3A_13, %slice3A_22, %dot_general3A_25 {dimension_numbers = #tpu.dot_dimension_numbers<[1], [1], [0], [0], [0, 0, 1, 0], [], []>, transpose_lhs_hint = false} : vector<128x256xf32>, vector<64x256xf32>, vector<128x64xf32> -> vector<128x64xf32>
    %swap3A_27 = arith.constant 128 : index
    %swap3A_28 = arith.constant 0 : index
    %swap3A_29 = vector.load %arg2[%swap3A_27, %swap3A_28] : memref<14336x128xf32, #tpu.memory_space<vmem>>, vector<128x64xf32>
    tpu.vector_store %arg2[%swap3A_27, %swap3A_28], %dot_general3A_24 {strides = array<i32>} : memref<14336x128xf32, #tpu.memory_space<vmem>>, vector<128x64xf32>,
    %swap3A_30 = arith.constant 128 : index
    %swap3A_31 = arith.constant 64 : index
    %swap3A_32 = vector.load %arg2[%swap3A_30, %swap3A_31] : memref<14336x128xf32, #tpu.memory_space<vmem>>, vector<128x64xf32>
    tpu.vector_store %arg2[%swap3A_30, %swap3A_31], %dot_general3A_26 {strides = array<i32>} : memref<14336x128xf32, #tpu.memory_space<vmem>>, vector<128x64xf32>,
    %slice3A_33 = vector.extract_strided_slice %get3A_1 {offsets = [0, 512], sizes = [64, 256], strides = [1, 1]} : vector<64x28672xf32> to vector<64x256xf32>
    %dot_general3A_34 = arith.constant dense<0.000000e+00> : vector<128x64xf32>
    %dot_general3A_35 = tpu.matmul %convert_element_type3A_5, %slice3A_33, %dot_general3A_34 {dimension_numbers = #tpu.dot_dimension_numbers<[1], [1], [0], [0], [0, 0, 1, 0], [], []>, transpose_lhs_hint = false} : vector<128x256xf32>, vector<64x256xf32>, vector<128x64xf32> -> vector<128x64xf32>
    %dot_general3A_36 = arith.constant dense<0.000000e+00> : vector<128x64xf32>
    %dot_general3A_37 = tpu.matmul %convert_element_type3A_13, %slice3A_33, %dot_general3A_36 {dimension_numbers = #tpu.dot_dimension_numbers<[1], [1], [0], [0], [0, 0, 1, 0], [], []>, transpose_lhs_hint = false} : vector<128x256xf32>, vector<64x256xf32>, vector<128x64xf32> -> vector<128x64xf32>
    %swap3A_38 = arith.constant 256 : index
    %swap3A_39 = arith.constant 0 : index
    %swap3A_40 = vector.load %arg2[%swap3A_38, %swap3A_39] : memref<14336x128xf32, #tpu.memory_space<vmem>>, vector<128x64xf32>
    tpu.vector_store %arg2[%swap3A_38, %swap3A_39], %dot_general3A_35 {strides = array<i32>} : memref<14336x128xf32, #tpu.memory_space<vmem>>, vector<128x64xf32>,
    %swap3A_41 = arith.constant 256 : index
    %swap3A_42 = arith.constant 64 : index
    %swap3A_43 = vector.load %arg2[%swap3A_41, %swap3A_42] : memref<14336x128xf32, #tpu.memory_space<vmem>>, vector<128x64xf32>
    tpu.vector_store %arg2[%swap3A_41, %swap3A_42], %dot_general3A_37 {strides = array<i32>} : memref<14336x128xf32, #tpu.memory_space<vmem>>, vector<128x64xf32>,
    %slice3A_44 = vector.extract_strided_slice %get3A_1 {offsets = [0, 768], sizes = [64, 256], strides = [1, 1]} : vector<64x28672xf32> to vector<64x256xf32>
    %dot_general3A_45 = arith.constant dense<0.000000e+00> : vector<128x64xf32>
    %dot_general3A_46 = tpu.matmul %convert_element_type3A_5, %slice3A_44, %dot_general3A_45 {dimension_numbers = #tpu.dot_dimension_numbers<[1], [1], [0], [0], [0, 0, 1, 0], [], []>, transpose_lhs_hint = false} : vector<128x256xf32>, vector<64x256xf32>, vector<128x64xf32> -> vector<128x64xf32>
    %dot_general3A_47 = arith.constant dense<0.000000e+00> : vector<128x64xf32>
    %dot_general3A_48 = tpu.matmul %convert_element_type3A_13, %slice3A_44, %dot_general3A_47 {dimension_numbers = #tpu.dot_dimension_numbers<[1], [1], [0], [0], [0, 0, 1, 0], [], []>, transpose_lhs_hint = false} : vector<128x256xf32>, vector<64x256xf32>, vector<128x64xf32> -> vector<128x64xf32>
    %swap3A_49 = arith.constant 384 : index
    %swap3A_50 = arith.constant 0 : index
    %swap3A_51 = vector.load %arg2[%swap3A_49, %swap3A_50] : memref<14336x128xf32, #tpu.memory_space<vmem>>, vector<128x64xf32>
    tpu.vector_store %arg2[%swap3A_49, %swap3A_50], %dot_general3A_46 {strides = array<i32>} : memref<14336x128xf32, #tpu.memory_space<vmem>>, vector<128x64xf32>,
    %swap3A_52 = arith.constant 384 : index
    %swap3A_53 = arith.constant 64 : index
    %swap3A_54 = vector.load %arg2[%swap3A_52, %swap3A_53] : memref<14336x128xf32, #tpu.memory_space<vmem>>, vector<128x64xf32>
    tpu.vector_store %arg2[%swap3A_52, %swap3A_53], %dot_general3A_48 {strides = array<i32>} : memref<14336x128xf32, #tpu.memory_space<vmem>>, vector<128x64xf32>,
    %slice3A_55 = vector.extract_strided_slice %get3A_1 {offsets = [0, 1024], sizes = [64, 256], strides = [1, 1]} : vector<64x28672xf32> to vector<64x256xf32>
    %dot_general3A_56 = arith.constant dense<0.000000e+00> : vector<128x64xf32>
    %dot_general3A_57 = tpu.matmul %convert_element_type3A_5, %slice3A_55, %dot_general3A_56 {dimension_numbers = #tpu.dot_dimension_numbers<[1], [1], [0], [0], [0, 0, 1, 0], [], []>, transpose_lhs_hint = false} : vector<128x256xf32>, vector<64x256xf32>, vector<128x64xf32> -> vector<128x64xf32>
    %dot_general3A_58 = arith.constant dense<0.000000e+00> : vector<128x64xf32>
    %dot_general3A_59 = tpu.matmul %convert_element_type3A_13, %slice3A_55, %dot_general3A_58 {dimension_numbers = #tpu.dot_dimension_numbers<[1], [1], [0], [0], [0, 0, 1, 0], [], []>, transpose_lhs_hint = false} : vector<128x256xf32>, vector<64x256xf32>, vector<128x64xf32> -> vector<128x64xf32>
    %swap3A_60 = arith.constant 512 : index
    %swap3A_61 = arith.constant 0 : index
    %swap3A_62 = vector.load %arg2[%swap3A_60, %swap3A_61] : memref<14336x128xf32, #tpu.memory_space<vmem>>, vector<128x64xf32>
    tpu.vector_store %arg2[%swap3A_60, %swap3A_61], %dot_general3A_57 {strides = array<i32>} : memref<14336x128xf32, #tpu.memory_space<vmem>>, vector<128x64xf32>,
    %swap3A_63 = arith.constant 512 : index
    %swap3A_64 = arith.constant 64 : index
    %swap3A_65 = vector.load %arg2[%swap3A_63, %swap3A_64] : memref<14336x128xf32, #tpu.memory_space<vmem>>, vector<128x64xf32>
    tpu.vector_store %arg2[%swap3A_63, %swap3A_64], %dot_general3A_59 {strides = array<i32>} : memref<14336x128xf32, #tpu.memory_space<vmem>>, vector<128x64xf32>,
    %slice3A_66 = vector.extract_strided_slice %get3A_1 {offsets = [0, 1280], sizes = [64, 256], strides = [1, 1]} : vector<64x28672xf32> to vector<64x256xf32>
    %dot_general3A_67 = arith.constant dense<0.000000e+00> : vector<128x64xf32>
    %dot_general3A_68 = tpu.matmul %convert_element_type3A_5, %slice3A_66, %dot_general3A_67 {dimension_numbers = #tpu.dot_dimension_numbers<[1], [1], [0], [0], [0, 0, 1, 0], [], []>, transpose_lhs_hint = false} : vector<128x256xf32>, vector<64x256xf32>, vector<128x64xf32> -> vector<128x64xf32>
    %dot_general3A_69 = arith.constant dense<0.000000e+00> : vector<128x64xf32>
    %dot_general3A_70 = tpu.matmul %convert_element_type3A_13, %slice3A_66, %dot_general3A_69 {dimension_numbers = #tpu.dot_dimension_numbers<[1], [1], [0], [0], [0, 0, 1, 0], [], []>, transpose_lhs_hint = false} : vector<128x256xf32>, vector<64x256xf32>, vector<128x64xf32> -> vector<128x64xf32>
    %swap3A_71 = arith.constant 640 : index
    %swap3A_72 = arith.constant 0 : index
    %swap3A_73 = vector.load %arg2[%swap3A_71, %swap3A_72] : memref<14336x128xf32, #tpu.memory_space<vmem>>, vector<128x64xf32>
    tpu.vector_store %arg2[%swap3A_71, %swap3A_72], %dot_general3A_68 {strides = array<i32>} : memref<14336x128xf32, #tpu.memory_space<vmem>>, vector<128x64xf32>,
    %swap3A_74 = arith.constant 640 : index
    %swap3A_75 = arith.constant 64 : index
    %swap3A_76 = vector.load %arg2[%swap3A_74, %swap3A_75] : memref<14336x128xf32, #tpu.memory_space<vmem>>, vector<128x64xf32>
    tpu.vector_store %arg2[%swap3A_74, %swap3A_75], %dot_general3A_70 {strides = array<i32>} : memref<14336x128xf32, #tpu.memory_space<vmem>>, vector<128x64xf32>,
    %slice3A_77 = vector.extract_strided_slice %get3A_1 {offsets = [0, 1536], sizes = [64, 256], strides = [1, 1]} : vector<64x28672xf32> to vector<64x256xf32>
    %dot_general3A_78 = arith.constant dense<0.000000e+00> : vector<128x64xf32>
    %dot_general3A_79 = tpu.matmul %convert_element_type3A_5, %slice3A_77, %dot_general3A_78 {dimension_numbers = #tpu.dot_dimension_numbers<[1], [1], [0], [0], [0, 0, 1, 0], [], []>, transpose_lhs_hint = false} : vector<128x256xf32>, vector<64x256xf32>, vector<128x64xf32> -> vector<128x64xf32>
    %dot_general3A_80 = arith.constant dense<0.000000e+00> : vector<128x64xf32>
    %dot_general3A_81 = tpu.matmul %convert_element_type3A_13, %slice3A_77, %dot_general3A_80 {dimension_numbers = #tpu.dot_dimension_numbers<[1], [1], [0], [0], [0, 0, 1, 0], [], []>, transpose_lhs_hint = false} : vector<128x256xf32>, vector<64x256xf32>, vector<128x64xf32> -> vector<128x64xf32>
    %swap3A_82 = arith.constant 768 : index
    %swap3A_83 = arith.constant 0 : index
    %swap3A_84 = vector.load %arg2[%swap3A_82, %swap3A_83] : memref<14336x128xf32, #tpu.memory_space<vmem>>, vector<128x64xf32>
    tpu.vector_store %arg2[%swap3A_82, %swap3A_83], %dot_general3A_79 {strides = array<i32>} : memref<14336x128xf32, #tpu.memory_space<vmem>>, vector<128x64xf32>,
    %swap3A_85 = arith.constant 768 : index
    %swap3A_86 = arith.constant 64 : index
    %swap3A_87 = vector.load %arg2[%swap3A_85, %swap3A_86] : memref<14336x128xf32, #tpu.memory_space<vmem>>, vector<128x64xf32>
    tpu.vector_store %arg2[%swap3A_85, %swap3A_86], %dot_general3A_81 {strides = array<i32>} : memref<14336x128xf32, #tpu.memory_space<vmem>>, vector<128x64xf32>,
    %slice3A_88 = vector.extract_strided_slice %get3A_1 {offsets = [0, 1792], sizes = [64, 256], strides = [1, 1]} : vector<64x28672xf32> to vector<64x256xf32>
    %dot_general3A_89 = arith.constant dense<0.000000e+00> : vector<128x64xf32>
    %dot_general3A_90 = tpu.matmul %convert_element_type3A_5, %slice3A_88, %dot_general3A_89 {dimension_numbers = #tpu.dot_dimension_numbers<[1], [1], [0], [0], [0, 0, 1, 0], [], []>, transpose_lhs_hint = false} : vector<128x256xf32>, vector<64x256xf32>, vector<128x64xf32> -> vector<128x64xf32>
    %dot_general3A_91 = arith.constant dense<0.000000e+00> : vector<128x64xf32>
    %dot_general3A_92 = tpu.matmul %convert_element_type3A_13, %slice3A_88, %dot_general3A_91 {dimension_numbers = #tpu.dot_dimension_numbers<[1], [1], [0], [0], [0, 0, 1, 0], [], []>, transpose_lhs_hint = false} : vector<128x256xf32>, vector<64x256xf32>, vector<128x64xf32> -> vector<128x64xf32>
    %swap3A_93 = arith.constant 896 : index
    %swap3A_94 = arith.constant 0 : index
    %swap3A_95 = vector.load %arg2[%swap3A_93, %swap3A_94] : memref<14336x128xf32, #tpu.memory_space<vmem>>, vector<128x64xf32>
    tpu.vector_store %arg2[%swap3A_93, %swap3A_94], %dot_general3A_90 {strides = array<i32>} : memref<14336x128xf32, #tpu.memory_space<vmem>>, vector<128x64xf32>,
    %swap3A_96 = arith.constant 896 : index
    %swap3A_97 = arith.constant 64 : index
    %swap3A_98 = vector.load %arg2[%swap3A_96, %swap3A_97] : memref<14336x128xf32, #tpu.memory_space<vmem>>, vector<128x64xf32>
    tpu.vector_store %arg2[%swap3A_96, %swap3A_97], %dot_general3A_92 {strides = array<i32>} : memref<14336x128xf32, #tpu.memory_space<vmem>>, vector<128x64xf32>,
    %slice3A_99 = vector.extract_strided_slice %get3A_1 {offsets = [0, 2048], sizes = [64, 256], strides = [1, 1]} : vector<64x28672xf32> to vector<64x256xf32>
    %dot_general3A_100 = arith.constant dense<0.000000e+00> : vector<128x64xf32>
    %dot_general3A_101 = tpu.matmul %convert_element_type3A_5, %slice3A_99, %dot_general3A_100 {dimension_numbers = #tpu.dot_dimension_numbers<[1], [1], [0], [0], [0, 0, 1, 0], [], []>, transpose_lhs_hint = false} : vector<128x256xf32>, vector<64x256xf32>, vector<128x64xf32> -> vector<128x64xf32>
    %dot_general3A_102 = arith.constant dense<0.000000e+00> : vector<128x64xf32>
    %dot_general3A_103 = tpu.matmul %convert_element_type3A_13, %slice3A_99, %dot_general3A_102 {dimension_numbers = #tpu.dot_dimension_numbers<[1], [1], [0], [0], [0, 0, 1, 0], [], []>, transpose_lhs_hint = false} : vector<128x256xf32>, vector<64x256xf32>, vector<128x64xf32> -> vector<128x64xf32>
    %swap3A_104 = arith.constant 1024 : index
    %swap3A_105 = arith.constant 0 : index
    %swap3A_106 = vector.load %arg2[%swap3A_104, %swap3A_105] : memref<14336x128xf32, #tpu.memory_space<vmem>>, vector<128x64xf32>
    tpu.vector_store %arg2[%swap3A_104, %swap3A_105], %dot_general3A_101 {strides = array<i32>} : memref<14336x128xf32, #tpu.memory_space<vmem>>, vector<128x64xf32>,
    %swap3A_107 = arith.constant 1024 : index
    %swap3A_108 = arith.constant 64 : index
    %swap3A_109 = vector.load %arg2[%swap3A_107, %swap3A_108] : memref<14336x128xf32, #tpu.memory_space<vmem>>, vector<128x64xf32>
    tpu.vector_store %arg2[%swap3A_107, %swap3A_108], %dot_general3A_103 {strides = array<i32>} : memref<14336x128xf32, #tpu.memory_space<vmem>>, vector<128x64xf32>,
    %slice3A_110 = vector.extract_strided_slice %get3A_1 {offsets = [0, 2304], sizes = [64, 256], strides = [1, 1]} : vector<64x28672xf32> to vector<64x256xf32>
    %dot_general3A_111 = arith.constant dense<0.000000e+00> : vector<128x64xf32>
    %dot_general3A_112 = tpu.matmul %convert_element_type3A_5, %slice3A_110, %dot_general3A_111 {dimension_numbers = #tpu.dot_dimension_numbers<[1], [1], [0], [0], [0, 0, 1, 0], [], []>, transpose_lhs_hint = false} : vector<128x256xf32>, vector<64x256xf32>, vector<128x64xf32> -> vector<128x64xf32>
    %dot_general3A_113 = arith.constant dense<0.000000e+00> : vector<128x64xf32>
    %dot_general3A_114 = tpu.matmul %convert_element_type3A_13, %slice3A_110, %dot_general3A_113 {dimension_numbers = #tpu.dot_dimension_numbers<[1], [1], [0], [0], [0, 0, 1, 0], [], []>, transpose_lhs_hint = false} : vector<128x256xf32>, vector<64x256xf32>, vector<128x64xf32> -> vector<128x64xf32>
    %swap3A_115 = arith.constant 1152 : index
    %swap3A_116 = arith.constant 0 : index
    %swap3A_117 = vector.load %arg2[%swap3A_115, %swap3A_116] : memref<14336x128xf32, #tpu.memory_space<vmem>>, vector<128x64xf32>
    tpu.vector_store %arg2[%swap3A_115, %swap3A_116], %dot_general3A_112 {strides = array<i32>} : memref<14336x128xf32, #tpu.memory_space<vmem>>, vector<128x64xf32>,
    %swap3A_118 = arith.constant 1152 : index
    %swap3A_119 = arith.constant 64 : index
    %swap3A_120 = vector.load %arg2[%swap3A_118, %swap3A_119] : memref<14336x128xf32, #tpu.memory_space<vmem>>, vector<128x64xf32>
    tpu.vector_store %arg2[%swap3A_118, %swap3A_119], %dot_general3A_114 {strides = array<i32>} : memref<14336x128xf32, #tpu.memory_space<vmem>>, vector<128x64xf32>,
    %slice3A_121 = vector.extract_strided_slice %get3A_1 {offsets = [0, 2560], sizes = [64, 256], strides = [1, 1]} : vector<64x28672xf32> to vector<64x256xf32>
    %dot_general3A_122 = arith.constant dense<0.000000e+00> : vector<128x64xf32>
    %dot_general3A_123 = tpu.matmul %convert_element_type3A_5, %slice3A_121, %dot_general3A_122 {dimension_numbers = #tpu.dot_dimension_numbers<[1], [1], [0], [0], [0, 0, 1, 0], [], []>, transpose_lhs_hint = false} : vector<128x256xf32>, vector<64x256xf32>, vector<128x64xf32> -> vector<128x64xf32>
    %dot_general3A_124 = arith.constant dense<0.000000e+00> : vector<128x64xf32>
    %dot_general3A_125 = tpu.matmul %convert_element_type3A_13, %slice3A_121, %dot_general3A_124 {dimension_numbers = #tpu.dot_dimension_numbers<[1], [1], [0], [0], [0, 0, 1, 0], [], []>, transpose_lhs_hint = false} : vector<128x256xf32>, vector<64x256xf32>, vector<128x64xf32> -> vector<128x64xf32>
    %swap3A_126 = arith.constant 1280 : index
    %swap3A_127 = arith.constant 0 : index
    %swap3A_128 = vector.load %arg2[%swap3A_126, %swap3A_127] : memref<14336x128xf32, #tpu.memory_space<vmem>>, vector<128x64xf32>
    tpu.vector_store %arg2[%swap3A_126, %swap3A_127], %dot_general3A_123 {strides = array<i32>} : memref<14336x128xf32, #tpu.memory_space<vmem>>, vector<128x64xf32>,
    %swap3A_129 = arith.constant 1280 : index
    %swap3A_130 = arith.constant 64 : index
    %swap3A_131 = vector.load %arg2[%swap3A_129, %swap3A_130] : memref<14336x128xf32, #tpu.memory_space<vmem>>, vector<128x64xf32>
    tpu.vector_store %arg2[%swap3A_129, %swap3A_130], %dot_general3A_125 {strides = array<i32>} : memref<14336x128xf32, #tpu.memory_space<vmem>>, vector<128x64xf32>,
    %slice3A_132 = vector.extract_strided_slice %get3A_1 {offsets = [0, 2816], sizes = [64, 256], strides = [1, 1]} : vector<64x28672xf32> to vector<64x256xf32>
    %dot_general3A_133 = arith.constant dense<0.000000e+00> : vector<128x64xf32>
    %dot_general3A_134 = tpu.matmul %convert_element_type3A_5, %slice3A_132, %dot_general3A_133 {dimension_numbers = #tpu.dot_dimension_numbers<[1], [1], [0], [0], [0, 0, 1, 0], [], []>, transpose_lhs_hint = false} : vector<128x256xf32>, vector<64x256xf32>, vector<128x64xf32> -> vector<128x64xf32>
    %dot_general3A_135 = arith.constant dense<0.000000e+00> : vector<128x64xf32>
    %dot_general3A_136 = tpu.matmul %convert_element_type3A_13, %slice3A_132, %dot_general3A_135 {dimension_numbers = #tpu.dot_dimension_numbers<[1], [1], [0], [0], [0, 0, 1, 0], [], []>, transpose_lhs_hint = false} : vector<128x256xf32>, vector<64x256xf32>, vector<128x64xf32> -> vector<128x64xf32>
    %swap3A_137 = arith.constant 1408 : index
    %swap3A_138 = arith.constant 0 : index
    %swap3A_139 = vector.load %arg2[%swap3A_137, %swap3A_138] : memref<14336x128xf32, #tpu.memory_space<vmem>>, vector<128x64xf32>
    tpu.vector_store %arg2[%swap3A_137, %swap3A_138], %dot_general3A_134 {strides = array<i32>} : memref<14336x128xf32, #tpu.memory_space<vmem>>, vector<128x64xf32>,
    %swap3A_140 = arith.constant 1408 : index
    %swap3A_141 = arith.constant 64 : index
    %swap3A_142 = vector.load %arg2[%swap3A_140, %swap3A_141] : memref<14336x128xf32, #tpu.memory_space<vmem>>, vector<128x64xf32>
    tpu.vector_store %arg2[%swap3A_140, %swap3A_141], %dot_general3A_136 {strides = array<i32>} : memref<14336x128xf32, #tpu.memory_space<vmem>>, vector<128x64xf32>,
    %slice3A_143 = vector.extract_strided_slice %get3A_1 {offsets = [0, 3072], sizes = [64, 256], strides = [1, 1]} : vector<64x28672xf32> to vector<64x256xf32>
    %dot_general3A_144 = arith.constant dense<0.000000e+00> : vector<128x64xf32>
    %dot_general3A_145 = tpu.matmul %convert_element_type3A_5, %slice3A_143, %dot_general3A_144 {dimension_numbers = #tpu.dot_dimension_numbers<[1], [1], [0], [0], [0, 0, 1, 0], [], []>, transpose_lhs_hint = false} : vector<128x256xf32>, vector<64x256xf32>, vector<128x64xf32> -> vector<128x64xf32>
    %dot_general3A_146 = arith.constant dense<0.000000e+00> : vector<128x64xf32>
    %dot_general3A_147 = tpu.matmul %convert_element_type3A_13, %slice3A_143, %dot_general3A_146 {dimension_numbers = #tpu.dot_dimension_numbers<[1], [1], [0], [0], [0, 0, 1, 0], [], []>, transpose_lhs_hint = false} : vector<128x256xf32>, vector<64x256xf32>, vector<128x64xf32> -> vector<128x64xf32>
    %swap3A_148 = arith.constant 1536 : index
    %swap3A_149 = arith.constant 0 : index
    %swap3A_150 = vector.load %arg2[%swap3A_148, %swap3A_149] : memref<14336x128xf32, #tpu.memory_space<vmem>>, vector<128x64xf32>
    tpu.vector_store %arg2[%swap3A_148, %swap3A_149], %dot_general3A_145 {strides = array<i32>} : memref<14336x128xf32, #tpu.memory_space<vmem>>, vector<128x64xf32>,
    %swap3A_151 = arith.constant 1536 : index
    %swap3A_152 = arith.constant 64 : index
    %swap3A_153 = vector.load %arg2[%swap3A_151, %swap3A_152] : memref<14336x128xf32, #tpu.memory_space<vmem>>, vector<128x64xf32>
    tpu.vector_store %arg2[%swap3A_151, %swap3A_152], %dot_general3A_147 {strides = array<i32>} : memref<14336x128xf32, #tpu.memory_space<vmem>>, vector<128x64xf32>,
    %slice3A_154 = vector.extract_strided_slice %get3A_1 {offsets = [0, 3328], sizes = [64, 256], strides = [1, 1]} : vector<64x28672xf32> to vector<64x256xf32>
    %dot_general3A_155 = arith.constant dense<0.000000e+00> : vector<128x64xf32>
    %dot_general3A_156 = tpu.matmul %convert_element_type3A_5, %slice3A_154, %dot_general3A_155 {dimension_numbers = #tpu.dot_dimension_numbers<[1], [1], [0], [0], [0, 0, 1, 0], [], []>, transpose_lhs_hint = false} : vector<128x256xf32>, vector<64x256xf32>, vector<128x64xf32> -> vector<128x64xf32>
    %dot_general3A_157 = arith.constant dense<0.000000e+00> : vector<128x64xf32>
    %dot_general3A_158 = tpu.matmul %convert_element_type3A_13, %slice3A_154, %dot_general3A_157 {dimension_numbers = #tpu.dot_dimension_numbers<[1], [1], [0], [0], [0, 0, 1, 0], [], []>, transpose_lhs_hint = false} : vector<128x256xf32>, vector<64x256xf32>, vector<128x64xf32> -> vector<128x64xf32>
    %swap3A_159 = arith.constant 1664 : index
    %swap3A_160 = arith.constant 0 : index
    %swap3A_161 = vector.load %arg2[%swap3A_159, %swap3A_160] : memref<14336x128xf32, #tpu.memory_space<vmem>>, vector<128x64xf32>
    tpu.vector_store %arg2[%swap3A_159, %swap3A_160], %dot_general3A_156 {strides = array<i32>} : memref<14336x128xf32, #tpu.memory_space<vmem>>, vector<128x64xf32>,
    %swap3A_162 = arith.constant 1664 : index
    %swap3A_163 = arith.constant 64 : index
    %swap3A_164 = vector.load %arg2[%swap3A_162, %swap3A_163] : memref<14336x128xf32, #tpu.memory_space<vmem>>, vector<128x64xf32>
    tpu.vector_store %arg2[%swap3A_162, %swap3A_163], %dot_general3A_158 {strides = array<i32>} : memref<14336x128xf32, #tpu.memory_space<vmem>>, vector<128x64xf32>,
    %slice3A_165 = vector.extract_strided_slice %get3A_1 {offsets = [0, 3584], sizes = [64, 256], strides = [1, 1]} : vector<64x28672xf32> to vector<64x256xf32>
    %dot_general3A_166 = arith.constant dense<0.000000e+00> : vector<128x64xf32>
    %dot_general3A_167 = tpu.matmul %convert_element_type3A_5, %slice3A_165, %dot_general3A_166 {dimension_numbers = #tpu.dot_dimension_numbers<[1], [1], [0], [0], [0, 0, 1, 0], [], []>, transpose_lhs_hint = false} : vector<128x256xf32>, vector<64x256xf32>, vector<128x64xf32> -> vector<128x64xf32>
    %dot_general3A_168 = arith.constant dense<0.000000e+00> : vector<128x64xf32>
    %dot_general3A_169 = tpu.matmul %convert_element_type3A_13, %slice3A_165, %dot_general3A_168 {dimension_numbers = #tpu.dot_dimension_numbers<[1], [1], [0], [0], [0, 0, 1, 0], [], []>, transpose_lhs_hint = false} : vector<128x256xf32>, vector<64x256xf32>, vector<128x64xf32> -> vector<128x64xf32>
    %swap3A_170 = arith.constant 1792 : index
    %swap3A_171 = arith.constant 0 : index
    %swap3A_172 = vector.load %arg2[%swap3A_170, %swap3A_171] : memref<14336x128xf32, #tpu.memory_space<vmem>>, vector<128x64xf32>
    tpu.vector_store %arg2[%swap3A_170, %swap3A_171], %dot_general3A_167 {strides = array<i32>} : memref<14336x128xf32, #tpu.memory_space<vmem>>, vector<128x64xf32>,
    %swap3A_173 = arith.constant 1792 : index
    %swap3A_174 = arith.constant 64 : index
    %swap3A_175 = vector.load %arg2[%swap3A_173, %swap3A_174] : memref<14336x128xf32, #tpu.memory_space<vmem>>, vector<128x64xf32>
    tpu.vector_store %arg2[%swap3A_173, %swap3A_174], %dot_general3A_169 {strides = array<i32>} : memref<14336x128xf32, #tpu.memory_space<vmem>>, vector<128x64xf32>,
    %slice3A_176 = vector.extract_strided_slice %get3A_1 {offsets = [0, 3840], sizes = [64, 256], strides = [1, 1]} : vector<64x28672xf32> to vector<64x256xf32>
    %dot_general3A_177 = arith.constant dense<0.000000e+00> : vector<128x64xf32>
    %dot_general3A_178 = tpu.matmul %convert_element_type3A_5, %slice3A_176, %dot_general3A_177 {dimension_numbers = #tpu.dot_dimension_numbers<[1], [1], [0], [0], [0, 0, 1, 0], [], []>, transpose_lhs_hint = false} : vector<128x256xf32>, vector<64x256xf32>, vector<128x64xf32> -> vector<128x64xf32>
    %dot_general3A_179 = arith.constant dense<0.000000e+00> : vector<128x64xf32>
    %dot_general3A_180 = tpu.matmul %convert_element_type3A_13, %slice3A_176, %dot_general3A_179 {dimension_numbers = #tpu.dot_dimension_numbers<[1], [1], [0], [0], [0, 0, 1, 0], [], []>, transpose_lhs_hint = false} : vector<128x256xf32>, vector<64x256xf32>, vector<128x64xf32> -> vector<128x64xf32>
    %swap3A_181 = arith.constant 1920 : index
    %swap3A_182 = arith.constant 0 : index
    %swap3A_183 = vector.load %arg2[%swap3A_181, %swap3A_182] : memref<14336x128xf32, #tpu.memory_space<vmem>>, vector<128x64xf32>
    tpu.vector_store %arg2[%swap3A_181, %swap3A_182], %dot_general3A_178 {strides = array<i32>} : memref<14336x128xf32, #tpu.memory_space<vmem>>, vector<128x64xf32>,
    %swap3A_184 = arith.constant 1920 : index
    %swap3A_185 = arith.constant 64 : index
    %swap3A_186 = vector.load %arg2[%swap3A_184, %swap3A_185] : memref<14336x128xf32, #tpu.memory_space<vmem>>, vector<128x64xf32>
    tpu.vector_store %arg2[%swap3A_184, %swap3A_185], %dot_general3A_180 {strides = array<i32>} : memref<14336x128xf32, #tpu.memory_space<vmem>>, vector<128x64xf32>,
    %slice3A_187 = vector.extract_strided_slice %get3A_1 {offsets = [0, 4096], sizes = [64, 256], strides = [1, 1]} : vector<64x28672xf32> to vector<64x256xf32>
    %dot_general3A_188 = arith.constant dense<0.000000e+00> : vector<128x64xf32>
    %dot_general3A_189 = tpu.matmul %convert_element_type3A_5, %slice3A_187, %dot_general3A_188 {dimension_numbers = #tpu.dot_dimension_numbers<[1], [1], [0], [0], [0, 0, 1, 0], [], []>, transpose_lhs_hint = false} : vector<128x256xf32>, vector<64x256xf32>, vector<128x64xf32> -> vector<128x64xf32>
    %dot_general3A_190 = arith.constant dense<0.000000e+00> : vector<128x64xf32>
    %dot_general3A_191 = tpu.matmul %convert_element_type3A_13, %slice3A_187, %dot_general3A_190 {dimension_numbers = #tpu.dot_dimension_numbers<[1], [1], [0], [0], [0, 0, 1, 0], [], []>, transpose_lhs_hint = false} : vector<128x256xf32>, vector<64x256xf32>, vector<128x64xf32> -> vector<128x64xf32>
    %swap3A_192 = arith.constant 2048 : index
    %swap3A_193 = arith.constant 0 : index
    %swap3A_194 = vector.load %arg2[%swap3A_192, %swap3A_193] : memref<14336x128xf32, #tpu.memory_space<vmem>>, vector<128x64xf32>
    tpu.vector_store %arg2[%swap3A_192, %swap3A_193], %dot_general3A_189 {strides = array<i32>} : memref<14336x128xf32, #tpu.memory_space<vmem>>, vector<128x64xf32>,
    %swap3A_195 = arith.constant 2048 : index
    %swap3A_196 = arith.constant 64 : index
    %swap3A_197 = vector.load %arg2[%swap3A_195, %swap3A_196] : memref<14336x128xf32, #tpu.memory_space<vmem>>, vector<128x64xf32>
    tpu.vector_store %arg2[%swap3A_195, %swap3A_196], %dot_general3A_191 {strides = array<i32>} : memref<14336x128xf32, #tpu.memory_space<vmem>>, vector<128x64xf32>,
    %slice3A_198 = vector.extract_strided_slice %get3A_1 {offsets = [0, 4352], sizes = [64, 256], strides = [1, 1]} : vector<64x28672xf32> to vector<64x256xf32>
    %dot_general3A_199 = arith.constant dense<0.000000e+00> : vector<128x64xf32>
    %dot_general3A_200 = tpu.matmul %convert_element_type3A_5, %slice3A_198, %dot_general3A_199 {dimension_numbers = #tpu.dot_dimension_numbers<[1], [1], [0], [0], [0, 0, 1, 0], [], []>, transpose_lhs_hint = false} : vector<128x256xf32>, vector<64x256xf32>, vector<128x64xf32> -> vector<128x64xf32>
    %dot_general3A_201 = arith.constant dense<0.000000e+00> : vector<128x64xf32>
    %dot_general3A_202 = tpu.matmul %convert_element_type3A_13, %slice3A_198, %dot_general3A_201 {dimension_numbers = #tpu.dot_dimension_numbers<[1], [1], [0], [0], [0, 0, 1, 0], [], []>, transpose_lhs_hint = false} : vector<128x256xf32>, vector<64x256xf32>, vector<128x64xf32> -> vector<128x64xf32>
    %swap3A_203 = arith.constant 2176 : index
    %swap3A_204 = arith.constant 0 : index
    %swap3A_205 = vector.load %arg2[%swap3A_203, %swap3A_204] : memref<14336x128xf32, #tpu.memory_space<vmem>>, vector<128x64xf32>
    tpu.vector_store %arg2[%swap3A_203, %swap3A_204], %dot_general3A_200 {strides = array<i32>} : memref<14336x128xf32, #tpu.memory_space<vmem>>, vector<128x64xf32>,
    %swap3A_206 = arith.constant 2176 : index
    %swap3A_207 = arith.constant 64 : index
    %swap3A_208 = vector.load %arg2[%swap3A_206, %swap3A_207] : memref<14336x128xf32, #tpu.memory_space<vmem>>, vector<128x64xf32>
    tpu.vector_store %arg2[%swap3A_206, %swap3A_207], %dot_general3A_202 {strides = array<i32>} : memref<14336x128xf32, #tpu.memory_space<vmem>>, vector<128x64xf32>,
    %slice3A_209 = vector.extract_strided_slice %get3A_1 {offsets = [0, 4608], sizes = [64, 256], strides = [1, 1]} : vector<64x28672xf32> to vector<64x256xf32>
    %dot_general3A_210 = arith.constant dense<0.000000e+00> : vector<128x64xf32>
    %dot_general3A_211 = tpu.matmul %convert_element_type3A_5, %slice3A_209, %dot_general3A_210 {dimension_numbers = #tpu.dot_dimension_numbers<[1], [1], [0], [0], [0, 0, 1, 0], [], []>, transpose_lhs_hint = false} : vector<128x256xf32>, vector<64x256xf32>, vector<128x64xf32> -> vector<128x64xf32>
    %dot_general3A_212 = arith.constant dense<0.000000e+00> : vector<128x64xf32>
    %dot_general3A_213 = tpu.matmul %convert_element_type3A_13, %slice3A_209, %dot_general3A_212 {dimension_numbers = #tpu.dot_dimension_numbers<[1], [1], [0], [0], [0, 0, 1, 0], [], []>, transpose_lhs_hint = false} : vector<128x256xf32>, vector<64x256xf32>, vector<128x64xf32> -> vector<128x64xf32>
    %swap3A_214 = arith.constant 2304 : index
    %swap3A_215 = arith.constant 0 : index
    %swap3A_216 = vector.load %arg2[%swap3A_214, %swap3A_215] : memref<14336x128xf32, #tpu.memory_space<vmem>>, vector<128x64xf32>
    tpu.vector_store %arg2[%swap3A_214, %swap3A_215], %dot_general3A_211 {strides = array<i32>} : memref<14336x128xf32, #tpu.memory_space<vmem>>, vector<128x64xf32>,
    %swap3A_217 = arith.constant 2304 : index
    %swap3A_218 = arith.constant 64 : index
    %swap3A_219 = vector.load %arg2[%swap3A_217, %swap3A_218] : memref<14336x128xf32, #tpu.memory_space<vmem>>, vector<128x64xf32>
    tpu.vector_store %arg2[%swap3A_217, %swap3A_218], %dot_general3A_213 {strides = array<i32>} : memref<14336x128xf32, #tpu.memory_space<vmem>>, vector<128x64xf32>,
    %slice3A_220 = vector.extract_strided_slice %get3A_1 {offsets = [0, 4864], sizes = [64, 256], strides = [1, 1]} : vector<64x28672xf32> to vector<64x256xf32>
    %dot_general3A_221 = arith.constant dense<0.000000e+00> : vector<128x64xf32>
    %dot_general3A_222 = tpu.matmul %convert_element_type3A_5, %slice3A_220, %dot_general3A_221 {dimension_numbers = #tpu.dot_dimension_numbers<[1], [1], [0], [0], [0, 0, 1, 0], [], []>, transpose_lhs_hint = false} : vector<128x256xf32>, vector<64x256xf32>, vector<128x64xf32> -> vector<128x64xf32>
    %dot_general3A_223 = arith.constant dense<0.000000e+00> : vector<128x64xf32>
    %dot_general3A_224 = tpu.matmul %convert_element_type3A_13, %slice3A_220, %dot_general3A_223 {dimension_numbers = #tpu.dot_dimension_numbers<[1], [1], [0], [0], [0, 0, 1, 0], [], []>, transpose_lhs_hint = false} : vector<128x256xf32>, vector<64x256xf32>, vector<128x64xf32> -> vector<128x64xf32>
    %swap3A_225 = arith.constant 2432 : index
    %swap3A_226 = arith.constant 0 : index
    %swap3A_227 = vector.load %arg2[%swap3A_225, %swap3A_226] : memref<14336x128xf32, #tpu.memory_space<vmem>>, vector<128x64xf32>
    tpu.vector_store %arg2[%swap3A_225, %swap3A_226], %dot_general3A_222 {strides = array<i32>} : memref<14336x128xf32, #tpu.memory_space<vmem>>, vector<128x64xf32>,
    %swap3A_228 = arith.constant 2432 : index
    %swap3A_229 = arith.constant 64 : index
    %swap3A_230 = vector.load %arg2[%swap3A_228, %swap3A_229] : memref<14336x128xf32, #tpu.memory_space<vmem>>, vector<128x64xf32>
    tpu.vector_store %arg2[%swap3A_228, %swap3A_229], %dot_general3A_224 {strides = array<i32>} : memref<14336x128xf32, #tpu.memory_space<vmem>>, vector<128x64xf32>,
    %slice3A_231 = vector.extract_strided_slice %get3A_1 {offsets = [0, 5120], sizes = [64, 256], strides = [1, 1]} : vector<64x28672xf32> to vector<64x256xf32>
    %dot_general3A_232 = arith.constant dense<0.000000e+00> : vector<128x64xf32>
    %dot_general3A_233 = tpu.matmul %convert_element_type3A_5, %slice3A_231, %dot_general3A_232 {dimension_numbers = #tpu.dot_dimension_numbers<[1], [1], [0], [0], [0, 0, 1, 0], [], []>, transpose_lhs_hint = false} : vector<128x256xf32>, vector<64x256xf32>, vector<128x64xf32> -> vector<128x64xf32>
    %dot_general3A_234 = arith.constant dense<0.000000e+00> : vector<128x64xf32>
    %dot_general3A_235 = tpu.matmul %convert_element_type3A_13, %slice3A_231, %dot_general3A_234 {dimension_numbers = #tpu.dot_dimension_numbers<[1], [1], [0], [0], [0, 0, 1, 0], [], []>, transpose_lhs_hint = false} : vector<128x256xf32>, vector<64x256xf32>, vector<128x64xf32> -> vector<128x64xf32>
    %swap3A_236 = arith.constant 2560 : index
    %swap3A_237 = arith.constant 0 : index
    %swap3A_238 = vector.load %arg2[%swap3A_236, %swap3A_237] : memref<14336x128xf32, #tpu.memory_space<vmem>>, vector<128x64xf32>
    tpu.vector_store %arg2[%swap3A_236, %swap3A_237], %dot_general3A_233 {strides = array<i32>} : memref<14336x128xf32, #tpu.memory_space<vmem>>, vector<128x64xf32>,
    %swap3A_239 = arith.constant 2560 : index
    %swap3A_240 = arith.constant 64 : index
    %swap3A_241 = vector.load %arg2[%swap3A_239, %swap3A_240] : memref<14336x128xf32, #tpu.memory_space<vmem>>, vector<128x64xf32>
    tpu.vector_store %arg2[%swap3A_239, %swap3A_240], %dot_general3A_235 {strides = array<i32>} : memref<14336x128xf32, #tpu.memory_space<vmem>>, vector<128x64xf32>,
    %slice3A_242 = vector.extract_strided_slice %get3A_1 {offsets = [0, 5376], sizes = [64, 256], strides = [1, 1]} : vector<64x28672xf32> to vector<64x256xf32>
    %dot_general3A_243 = arith.constant dense<0.000000e+00> : vector<128x64xf32>
    %dot_general3A_244 = tpu.matmul %convert_element_type3A_5, %slice3A_242, %dot_general3A_243 {dimension_numbers = #tpu.dot_dimension_numbers<[1], [1], [0], [0], [0, 0, 1, 0], [], []>, transpose_lhs_hint = false} : vector<128x256xf32>, vector<64x256xf32>, vector<128x64xf32> -> vector<128x64xf32>
    %dot_general3A_245 = arith.constant dense<0.000000e+00> : vector<128x64xf32>
    %dot_general3A_246 = tpu.matmul %convert_element_type3A_13, %slice3A_242, %dot_general3A_245 {dimension_numbers = #tpu.dot_dimension_numbers<[1], [1], [0], [0], [0, 0, 1, 0], [], []>, transpose_lhs_hint = false} : vector<128x256xf32>, vector<64x256xf32>, vector<128x64xf32> -> vector<128x64xf32>
    %swap3A_247 = arith.constant 2688 : index
    %swap3A_248 = arith.constant 0 : index
    %swap3A_249 = vector.load %arg2[%swap3A_247, %swap3A_248] : memref<14336x128xf32, #tpu.memory_space<vmem>>, vector<128x64xf32>
    tpu.vector_store %arg2[%swap3A_247, %swap3A_248], %dot_general3A_244 {strides = array<i32>} : memref<14336x128xf32, #tpu.memory_space<vmem>>, vector<128x64xf32>,
    %swap3A_250 = arith.constant 2688 : index
    %swap3A_251 = arith.constant 64 : index
    %swap3A_252 = vector.load %arg2[%swap3A_250, %swap3A_251] : memref<14336x128xf32, #tpu.memory_space<vmem>>, vector<128x64xf32>
    tpu.vector_store %arg2[%swap3A_250, %swap3A_251], %dot_general3A_246 {strides = array<i32>} : memref<14336x128xf32, #tpu.memory_space<vmem>>, vector<128x64xf32>,
    %slice3A_253 = vector.extract_strided_slice %get3A_1 {offsets = [0, 5632], sizes = [64, 256], strides = [1, 1]} : vector<64x28672xf32> to vector<64x256xf32>
    %dot_general3A_254 = arith.constant dense<0.000000e+00> : vector<128x64xf32>
    %dot_general3A_255 = tpu.matmul %convert_element_type3A_5, %slice3A_253, %dot_general3A_254 {dimension_numbers = #tpu.dot_dimension_numbers<[1], [1], [0], [0], [0, 0, 1, 0], [], []>, transpose_lhs_hint = false} : vector<128x256xf32>, vector<64x256xf32>, vector<128x64xf32> -> vector<128x64xf32>
    %dot_general3A_256 = arith.constant dense<0.000000e+00> : vector<128x64xf32>
    %dot_general3A_257 = tpu.matmul %convert_element_type3A_13, %slice3A_253, %dot_general3A_256 {dimension_numbers = #tpu.dot_dimension_numbers<[1], [1], [0], [0], [0, 0, 1, 0], [], []>, transpose_lhs_hint = false} : vector<128x256xf32>, vector<64x256xf32>, vector<128x64xf32> -> vector<128x64xf32>
    %swap3A_258 = arith.constant 2816 : index
    %swap3A_259 = arith.constant 0 : index
    %swap3A_260 = vector.load %arg2[%swap3A_258, %swap3A_259] : memref<14336x128xf32, #tpu.memory_space<vmem>>, vector<128x64xf32>
    tpu.vector_store %arg2[%swap3A_258, %swap3A_259], %dot_general3A_255 {strides = array<i32>} : memref<14336x128xf32, #tpu.memory_space<vmem>>, vector<128x64xf32>,
    %swap3A_261 = arith.constant 2816 : index
    %swap3A_262 = arith.constant 64 : index
    %swap3A_263 = vector.load %arg2[%swap3A_261, %swap3A_262] : memref<14336x128xf32, #tpu.memory_space<vmem>>, vector<128x64xf32>
    tpu.vector_store %arg2[%swap3A_261, %swap3A_262], %dot_general3A_257 {strides = array<i32>} : memref<14336x128xf32, #tpu.memory_space<vmem>>, vector<128x64xf32>,
    %slice3A_264 = vector.extract_strided_slice %get3A_1 {offsets = [0, 5888], sizes = [64, 256], strides = [1, 1]} : vector<64x28672xf32> to vector<64x256xf32>
    %dot_general3A_265 = arith.constant dense<0.000000e+00> : vector<128x64xf32>
    %dot_general3A_266 = tpu.matmul %convert_element_type3A_5, %slice3A_264, %dot_general3A_265 {dimension_numbers = #tpu.dot_dimension_numbers<[1], [1], [0], [0], [0, 0, 1, 0], [], []>, transpose_lhs_hint = false} : vector<128x256xf32>, vector<64x256xf32>, vector<128x64xf32> -> vector<128x64xf32>
    %dot_general3A_267 = arith.constant dense<0.000000e+00> : vector<128x64xf32>
    %dot_general3A_268 = tpu.matmul %convert_element_type3A_13, %slice3A_264, %dot_general3A_267 {dimension_numbers = #tpu.dot_dimension_numbers<[1], [1], [0], [0], [0, 0, 1, 0], [], []>, transpose_lhs_hint = false} : vector<128x256xf32>, vector<64x256xf32>, vector<128x64xf32> -> vector<128x64xf32>
    %swap3A_269 = arith.constant 2944 : index
    %swap3A_270 = arith.constant 0 : index
    %swap3A_271 = vector.load %arg2[%swap3A_269, %swap3A_270] : memref<14336x128xf32, #tpu.memory_space<vmem>>, vector<128x64xf32>
    tpu.vector_store %arg2[%swap3A_269, %swap3A_270], %dot_general3A_266 {strides = array<i32>} : memref<14336x128xf32, #tpu.memory_space<vmem>>, vector<128x64xf32>,
    %swap3A_272 = arith.constant 2944 : index
    %swap3A_273 = arith.constant 64 : index
    %swap3A_274 = vector.load %arg2[%swap3A_272, %swap3A_273] : memref<14336x128xf32, #tpu.memory_space<vmem>>, vector<128x64xf32>
    tpu.vector_store %arg2[%swap3A_272, %swap3A_273], %dot_general3A_268 {strides = array<i32>} : memref<14336x128xf32, #tpu.memory_space<vmem>>, vector<128x64xf32>,
    %slice3A_275 = vector.extract_strided_slice %get3A_1 {offsets = [0, 6144], sizes = [64, 256], strides = [1, 1]} : vector<64x28672xf32> to vector<64x256xf32>
    %dot_general3A_276 = arith.constant dense<0.000000e+00> : vector<128x64xf32>
    %dot_general3A_277 = tpu.matmul %convert_element_type3A_5, %slice3A_275, %dot_general3A_276 {dimension_numbers = #tpu.dot_dimension_numbers<[1], [1], [0], [0], [0, 0, 1, 0], [], []>, transpose_lhs_hint = false} : vector<128x256xf32>, vector<64x256xf32>, vector<128x64xf32> -> vector<128x64xf32>
    %dot_general3A_278 = arith.constant dense<0.000000e+00> : vector<128x64xf32>
    %dot_general3A_279 = tpu.matmul %convert_element_type3A_13, %slice3A_275, %dot_general3A_278 {dimension_numbers = #tpu.dot_dimension_numbers<[1], [1], [0], [0], [0, 0, 1, 0], [], []>, transpose_lhs_hint = false} : vector<128x256xf32>, vector<64x256xf32>, vector<128x64xf32> -> vector<128x64xf32>
    %swap3A_280 = arith.constant 3072 : index
    %swap3A_281 = arith.constant 0 : index
    %swap3A_282 = vector.load %arg2[%swap3A_280, %swap3A_281] : memref<14336x128xf32, #tpu.memory_space<vmem>>, vector<128x64xf32>
    tpu.vector_store %arg2[%swap3A_280, %swap3A_281], %dot_general3A_277 {strides = array<i32>} : memref<14336x128xf32, #tpu.memory_space<vmem>>, vector<128x64xf32>,
    %swap3A_283 = arith.constant 3072 : index
    %swap3A_284 = arith.constant 64 : index
    %swap3A_285 = vector.load %arg2[%swap3A_283, %swap3A_284] : memref<14336x128xf32, #tpu.memory_space<vmem>>, vector<128x64xf32>
    tpu.vector_store %arg2[%swap3A_283, %swap3A_284], %dot_general3A_279 {strides = array<i32>} : memref<14336x128xf32, #tpu.memory_space<vmem>>, vector<128x64xf32>,
    %slice3A_286 = vector.extract_strided_slice %get3A_1 {offsets = [0, 6400], sizes = [64, 256], strides = [1, 1]} : vector<64x28672xf32> to vector<64x256xf32>
    %dot_general3A_287 = arith.constant dense<0.000000e+00> : vector<128x64xf32>
    %dot_general3A_288 = tpu.matmul %convert_element_type3A_5, %slice3A_286, %dot_general3A_287 {dimension_numbers = #tpu.dot_dimension_numbers<[1], [1], [0], [0], [0, 0, 1, 0], [], []>, transpose_lhs_hint = false} : vector<128x256xf32>, vector<64x256xf32>, vector<128x64xf32> -> vector<128x64xf32>
    %dot_general3A_289 = arith.constant dense<0.000000e+00> : vector<128x64xf32>
    %dot_general3A_290 = tpu.matmul %convert_element_type3A_13, %slice3A_286, %dot_general3A_289 {dimension_numbers = #tpu.dot_dimension_numbers<[1], [1], [0], [0], [0, 0, 1, 0], [], []>, transpose_lhs_hint = false} : vector<128x256xf32>, vector<64x256xf32>, vector<128x64xf32> -> vector<128x64xf32>
    %swap3A_291 = arith.constant 3200 : index
    %swap3A_292 = arith.constant 0 : index
    %swap3A_293 = vector.load %arg2[%swap3A_291, %swap3A_292] : memref<14336x128xf32, #tpu.memory_space<vmem>>, vector<128x64xf32>
    tpu.vector_store %arg2[%swap3A_291, %swap3A_292], %dot_general3A_288 {strides = array<i32>} : memref<14336x128xf32, #tpu.memory_space<vmem>>, vector<128x64xf32>,
    %swap3A_294 = arith.constant 3200 : index
    %swap3A_295 = arith.constant 64 : index
    %swap3A_296 = vector.load %arg2[%swap3A_294, %swap3A_295] : memref<14336x128xf32, #tpu.memory_space<vmem>>, vector<128x64xf32>
    tpu.vector_store %arg2[%swap3A_294, %swap3A_295], %dot_general3A_290 {strides = array<i32>} : memref<14336x128xf32, #tpu.memory_space<vmem>>, vector<128x64xf32>,
    %slice3A_297 = vector.extract_strided_slice %get3A_1 {offsets = [0, 6656], sizes = [64, 256], strides = [1, 1]} : vector<64x28672xf32> to vector<64x256xf32>
    %dot_general3A_298 = arith.constant dense<0.000000e+00> : vector<128x64xf32>
    %dot_general3A_299 = tpu.matmul %convert_element_type3A_5, %slice3A_297, %dot_general3A_298 {dimension_numbers = #tpu.dot_dimension_numbers<[1], [1], [0], [0], [0, 0, 1, 0], [], []>, transpose_lhs_hint = false} : vector<128x256xf32>, vector<64x256xf32>, vector<128x64xf32> -> vector<128x64xf32>
    %dot_general3A_300 = arith.constant dense<0.000000e+00> : vector<128x64xf32>
    %dot_general3A_301 = tpu.matmul %convert_element_type3A_13, %slice3A_297, %dot_general3A_300 {dimension_numbers = #tpu.dot_dimension_numbers<[1], [1], [0], [0], [0, 0, 1, 0], [], []>, transpose_lhs_hint = false} : vector<128x256xf32>, vector<64x256xf32>, vector<128x64xf32> -> vector<128x64xf32>
    %swap3A_302 = arith.constant 3328 : index
    %swap3A_303 = arith.constant 0 : index
    %swap3A_304 = vector.load %arg2[%swap3A_302, %swap3A_303] : memref<14336x128xf32, #tpu.memory_space<vmem>>, vector<128x64xf32>
    tpu.vector_store %arg2[%swap3A_302, %swap3A_303], %dot_general3A_299 {strides = array<i32>} : memref<14336x128xf32, #tpu.memory_space<vmem>>, vector<128x64xf32>,
    %swap3A_305 = arith.constant 3328 : index
    %swap3A_306 = arith.constant 64 : index
    %swap3A_307 = vector.load %arg2[%swap3A_305, %swap3A_306] : memref<14336x128xf32, #tpu.memory_space<vmem>>, vector<128x64xf32>
    tpu.vector_store %arg2[%swap3A_305, %swap3A_306], %dot_general3A_301 {strides = array<i32>} : memref<14336x128xf32, #tpu.memory_space<vmem>>, vector<128x64xf32>,
    %slice3A_308 = vector.extract_strided_slice %get3A_1 {offsets = [0, 6912], sizes = [64, 256], strides = [1, 1]} : vector<64x28672xf32> to vector<64x256xf32>
    %dot_general3A_309 = arith.constant dense<0.000000e+00> : vector<128x64xf32>
    %dot_general3A_310 = tpu.matmul %convert_element_type3A_5, %slice3A_308, %dot_general3A_309 {dimension_numbers = #tpu.dot_dimension_numbers<[1], [1], [0], [0], [0, 0, 1, 0], [], []>, transpose_lhs_hint = false} : vector<128x256xf32>, vector<64x256xf32>, vector<128x64xf32> -> vector<128x64xf32>
    %dot_general3A_311 = arith.constant dense<0.000000e+00> : vector<128x64xf32>
    %dot_general3A_312 = tpu.matmul %convert_element_type3A_13, %slice3A_308, %dot_general3A_311 {dimension_numbers = #tpu.dot_dimension_numbers<[1], [1], [0], [0], [0, 0, 1, 0], [], []>, transpose_lhs_hint = false} : vector<128x256xf32>, vector<64x256xf32>, vector<128x64xf32> -> vector<128x64xf32>
    %swap3A_313 = arith.constant 3456 : index
    %swap3A_314 = arith.constant 0 : index
    %swap3A_315 = vector.load %arg2[%swap3A_313, %swap3A_314] : memref<14336x128xf32, #tpu.memory_space<vmem>>, vector<128x64xf32>
    tpu.vector_store %arg2[%swap3A_313, %swap3A_314], %dot_general3A_310 {strides = array<i32>} : memref<14336x128xf32, #tpu.memory_space<vmem>>, vector<128x64xf32>,
    %swap3A_316 = arith.constant 3456 : index
    %swap3A_317 = arith.constant 64 : index
    %swap3A_318 = vector.load %arg2[%swap3A_316, %swap3A_317] : memref<14336x128xf32, #tpu.memory_space<vmem>>, vector<128x64xf32>
    tpu.vector_store %arg2[%swap3A_316, %swap3A_317], %dot_general3A_312 {strides = array<i32>} : memref<14336x128xf32, #tpu.memory_space<vmem>>, vector<128x64xf32>,
    %slice3A_319 = vector.extract_strided_slice %get3A_1 {offsets = [0, 7168], sizes = [64, 256], strides = [1, 1]} : vector<64x28672xf32> to vector<64x256xf32>
    %dot_general3A_320 = arith.constant dense<0.000000e+00> : vector<128x64xf32>
    %dot_general3A_321 = tpu.matmul %convert_element_type3A_5, %slice3A_319, %dot_general3A_320 {dimension_numbers = #tpu.dot_dimension_numbers<[1], [1], [0], [0], [0, 0, 1, 0], [], []>, transpose_lhs_hint = false} : vector<128x256xf32>, vector<64x256xf32>, vector<128x64xf32> -> vector<128x64xf32>
    %dot_general3A_322 = arith.constant dense<0.000000e+00> : vector<128x64xf32>
    %dot_general3A_323 = tpu.matmul %convert_element_type3A_13, %slice3A_319, %dot_general3A_322 {dimension_numbers = #tpu.dot_dimension_numbers<[1], [1], [0], [0], [0, 0, 1, 0], [], []>, transpose_lhs_hint = false} : vector<128x256xf32>, vector<64x256xf32>, vector<128x64xf32> -> vector<128x64xf32>
    %swap3A_324 = arith.constant 3584 : index
    %swap3A_325 = arith.constant 0 : index
    %swap3A_326 = vector.load %arg2[%swap3A_324, %swap3A_325] : memref<14336x128xf32, #tpu.memory_space<vmem>>, vector<128x64xf32>
    tpu.vector_store %arg2[%swap3A_324, %swap3A_325], %dot_general3A_321 {strides = array<i32>} : memref<14336x128xf32, #tpu.memory_space<vmem>>, vector<128x64xf32>,
    %swap3A_327 = arith.constant 3584 : index
    %swap3A_328 = arith.constant 64 : index
    %swap3A_329 = vector.load %arg2[%swap3A_327, %swap3A_328] : memref<14336x128xf32, #tpu.memory_space<vmem>>, vector<128x64xf32>
    tpu.vector_store %arg2[%swap3A_327, %swap3A_328], %dot_general3A_323 {strides = array<i32>} : memref<14336x128xf32, #tpu.memory_space<vmem>>, vector<128x64xf32>,
    %slice3A_330 = vector.extract_strided_slice %get3A_1 {offsets = [0, 7424], sizes = [64, 256], strides = [1, 1]} : vector<64x28672xf32> to vector<64x256xf32>
    %dot_general3A_331 = arith.constant dense<0.000000e+00> : vector<128x64xf32>
    %dot_general3A_332 = tpu.matmul %convert_element_type3A_5, %slice3A_330, %dot_general3A_331 {dimension_numbers = #tpu.dot_dimension_numbers<[1], [1], [0], [0], [0, 0, 1, 0], [], []>, transpose_lhs_hint = false} : vector<128x256xf32>, vector<64x256xf32>, vector<128x64xf32> -> vector<128x64xf32>
    %dot_general3A_333 = arith.constant dense<0.000000e+00> : vector<128x64xf32>
    %dot_general3A_334 = tpu.matmul %convert_element_type3A_13, %slice3A_330, %dot_general3A_333 {dimension_numbers = #tpu.dot_dimension_numbers<[1], [1], [0], [0], [0, 0, 1, 0], [], []>, transpose_lhs_hint = false} : vector<128x256xf32>, vector<64x256xf32>, vector<128x64xf32> -> vector<128x64xf32>
    %swap3A_335 = arith.constant 3712 : index
    %swap3A_336 = arith.constant 0 : index
    %swap3A_337 = vector.load %arg2[%swap3A_335, %swap3A_336] : memref<14336x128xf32, #tpu.memory_space<vmem>>, vector<128x64xf32>
    tpu.vector_store %arg2[%swap3A_335, %swap3A_336], %dot_general3A_332 {strides = array<i32>} : memref<14336x128xf32, #tpu.memory_space<vmem>>, vector<128x64xf32>,
    %swap3A_338 = arith.constant 3712 : index
    %swap3A_339 = arith.constant 64 : index
    %swap3A_340 = vector.load %arg2[%swap3A_338, %swap3A_339] : memref<14336x128xf32, #tpu.memory_space<vmem>>, vector<128x64xf32>
    tpu.vector_store %arg2[%swap3A_338, %swap3A_339], %dot_general3A_334 {strides = array<i32>} : memref<14336x128xf32, #tpu.memory_space<vmem>>, vector<128x64xf32>,
    %slice3A_341 = vector.extract_strided_slice %get3A_1 {offsets = [0, 7680], sizes = [64, 256], strides = [1, 1]} : vector<64x28672xf32> to vector<64x256xf32>
    %dot_general3A_342 = arith.constant dense<0.000000e+00> : vector<128x64xf32>
    %dot_general3A_343 = tpu.matmul %convert_element_type3A_5, %slice3A_341, %dot_general3A_342 {dimension_numbers = #tpu.dot_dimension_numbers<[1], [1], [0], [0], [0, 0, 1, 0], [], []>, transpose_lhs_hint = false} : vector<128x256xf32>, vector<64x256xf32>, vector<128x64xf32> -> vector<128x64xf32>
    %dot_general3A_344 = arith.constant dense<0.000000e+00> : vector<128x64xf32>
    %dot_general3A_345 = tpu.matmul %convert_element_type3A_13, %slice3A_341, %dot_general3A_344 {dimension_numbers = #tpu.dot_dimension_numbers<[1], [1], [0], [0], [0, 0, 1, 0], [], []>, transpose_lhs_hint = false} : vector<128x256xf32>, vector<64x256xf32>, vector<128x64xf32> -> vector<128x64xf32>
    %swap3A_346 = arith.constant 3840 : index
    %swap3A_347 = arith.constant 0 : index
    %swap3A_348 = vector.load %arg2[%swap3A_346, %swap3A_347] : memref<14336x128xf32, #tpu.memory_space<vmem>>, vector<128x64xf32>
    tpu.vector_store %arg2[%swap3A_346, %swap3A_347], %dot_general3A_343 {strides = array<i32>} : memref<14336x128xf32, #tpu.memory_space<vmem>>, vector<128x64xf32>,
    %swap3A_349 = arith.constant 3840 : index
    %swap3A_350 = arith.constant 64 : index
    %swap3A_351 = vector.load %arg2[%swap3A_349, %swap3A_350] : memref<14336x128xf32, #tpu.memory_space<vmem>>, vector<128x64xf32>
    tpu.vector_store %arg2[%swap3A_349, %swap3A_350], %dot_general3A_345 {strides = array<i32>} : memref<14336x128xf32, #tpu.memory_space<vmem>>, vector<128x64xf32>,
    %slice3A_352 = vector.extract_strided_slice %get3A_1 {offsets = [0, 7936], sizes = [64, 256], strides = [1, 1]} : vector<64x28672xf32> to vector<64x256xf32>
    %dot_general3A_353 = arith.constant dense<0.000000e+00> : vector<128x64xf32>
    %dot_general3A_354 = tpu.matmul %convert_element_type3A_5, %slice3A_352, %dot_general3A_353 {dimension_numbers = #tpu.dot_dimension_numbers<[1], [1], [0], [0], [0, 0, 1, 0], [], []>, transpose_lhs_hint = false} : vector<128x256xf32>, vector<64x256xf32>, vector<128x64xf32> -> vector<128x64xf32>
    %dot_general3A_355 = arith.constant dense<0.000000e+00> : vector<128x64xf32>
    %dot_general3A_356 = tpu.matmul %convert_element_type3A_13, %slice3A_352, %dot_general3A_355 {dimension_numbers = #tpu.dot_dimension_numbers<[1], [1], [0], [0], [0, 0, 1, 0], [], []>, transpose_lhs_hint = false} : vector<128x256xf32>, vector<64x256xf32>, vector<128x64xf32> -> vector<128x64xf32>
    %swap3A_357 = arith.constant 3968 : index
    %swap3A_358 = arith.constant 0 : index
    %swap3A_359 = vector.load %arg2[%swap3A_357, %swap3A_358] : memref<14336x128xf32, #tpu.memory_space<vmem>>, vector<128x64xf32>
    tpu.vector_store %arg2[%swap3A_357, %swap3A_358], %dot_general3A_354 {strides = array<i32>} : memref<14336x128xf32, #tpu.memory_space<vmem>>, vector<128x64xf32>,
    %swap3A_360 = arith.constant 3968 : index
    %swap3A_361 = arith.constant 64 : index
    %swap3A_362 = vector.load %arg2[%swap3A_360, %swap3A_361] : memref<14336x128xf32, #tpu.memory_space<vmem>>, vector<128x64xf32>
    tpu.vector_store %arg2[%swap3A_360, %swap3A_361], %dot_general3A_356 {strides = array<i32>} : memref<14336x128xf32, #tpu.memory_space<vmem>>, vector<128x64xf32>,
    %slice3A_363 = vector.extract_strided_slice %get3A_1 {offsets = [0, 8192], sizes = [64, 256], strides = [1, 1]} : vector<64x28672xf32> to vector<64x256xf32>
    %dot_general3A_364 = arith.constant dense<0.000000e+00> : vector<128x64xf32>
    %dot_general3A_365 = tpu.matmul %convert_element_type3A_5, %slice3A_363, %dot_general3A_364 {dimension_numbers = #tpu.dot_dimension_numbers<[1], [1], [0], [0], [0, 0, 1, 0], [], []>, transpose_lhs_hint = false} : vector<128x256xf32>, vector<64x256xf32>, vector<128x64xf32> -> vector<128x64xf32>
    %dot_general3A_366 = arith.constant dense<0.000000e+00> : vector<128x64xf32>
    %dot_general3A_367 = tpu.matmul %convert_element_type3A_13, %slice3A_363, %dot_general3A_366 {dimension_numbers = #tpu.dot_dimension_numbers<[1], [1], [0], [0], [0, 0, 1, 0], [], []>, transpose_lhs_hint = false} : vector<128x256xf32>, vector<64x256xf32>, vector<128x64xf32> -> vector<128x64xf32>
    %swap3A_368 = arith.constant 4096 : index
    %swap3A_369 = arith.constant 0 : index
    %swap3A_370 = vector.load %arg2[%swap3A_368, %swap3A_369] : memref<14336x128xf32, #tpu.memory_space<vmem>>, vector<128x64xf32>
    tpu.vector_store %arg2[%swap3A_368, %swap3A_369], %dot_general3A_365 {strides = array<i32>} : memref<14336x128xf32, #tpu.memory_space<vmem>>, vector<128x64xf32>,
    %swap3A_371 = arith.constant 4096 : index
    %swap3A_372 = arith.constant 64 : index
    %swap3A_373 = vector.load %arg2[%swap3A_371, %swap3A_372] : memref<14336x128xf32, #tpu.memory_space<vmem>>, vector<128x64xf32>
    tpu.vector_store %arg2[%swap3A_371, %swap3A_372], %dot_general3A_367 {strides = array<i32>} : memref<14336x128xf32, #tpu.memory_space<vmem>>, vector<128x64xf32>,
    %slice3A_374 = vector.extract_strided_slice %get3A_1 {offsets = [0, 8448], sizes = [64, 256], strides = [1, 1]} : vector<64x28672xf32> to vector<64x256xf32>
    %dot_general3A_375 = arith.constant dense<0.000000e+00> : vector<128x64xf32>
    %dot_general3A_376 = tpu.matmul %convert_element_type3A_5, %slice3A_374, %dot_general3A_375 {dimension_numbers = #tpu.dot_dimension_numbers<[1], [1], [0], [0], [0, 0, 1, 0], [], []>, transpose_lhs_hint = false} : vector<128x256xf32>, vector<64x256xf32>, vector<128x64xf32> -> vector<128x64xf32>
    %dot_general3A_377 = arith.constant dense<0.000000e+00> : vector<128x64xf32>
    %dot_general3A_378 = tpu.matmul %convert_element_type3A_13, %slice3A_374, %dot_general3A_377 {dimension_numbers = #tpu.dot_dimension_numbers<[1], [1], [0], [0], [0, 0, 1, 0], [], []>, transpose_lhs_hint = false} : vector<128x256xf32>, vector<64x256xf32>, vector<128x64xf32> -> vector<128x64xf32>
    %swap3A_379 = arith.constant 4224 : index
    %swap3A_380 = arith.constant 0 : index
    %swap3A_381 = vector.load %arg2[%swap3A_379, %swap3A_380] : memref<14336x128xf32, #tpu.memory_space<vmem>>, vector<128x64xf32>
    tpu.vector_store %arg2[%swap3A_379, %swap3A_380], %dot_general3A_376 {strides = array<i32>} : memref<14336x128xf32, #tpu.memory_space<vmem>>, vector<128x64xf32>,
    %swap3A_382 = arith.constant 4224 : index
    %swap3A_383 = arith.constant 64 : index
    %swap3A_384 = vector.load %arg2[%swap3A_382, %swap3A_383] : memref<14336x128xf32, #tpu.memory_space<vmem>>, vector<128x64xf32>
    tpu.vector_store %arg2[%swap3A_382, %swap3A_383], %dot_general3A_378 {strides = array<i32>} : memref<14336x128xf32, #tpu.memory_space<vmem>>, vector<128x64xf32>,
    %slice3A_385 = vector.extract_strided_slice %get3A_1 {offsets = [0, 8704], sizes = [64, 256], strides = [1, 1]} : vector<64x28672xf32> to vector<64x256xf32>
    %dot_general3A_386 = arith.constant dense<0.000000e+00> : vector<128x64xf32>
    %dot_general3A_387 = tpu.matmul %convert_element_type3A_5, %slice3A_385, %dot_general3A_386 {dimension_numbers = #tpu.dot_dimension_numbers<[1], [1], [0], [0], [0, 0, 1, 0], [], []>, transpose_lhs_hint = false} : vector<128x256xf32>, vector<64x256xf32>, vector<128x64xf32> -> vector<128x64xf32>
    %dot_general3A_388 = arith.constant dense<0.000000e+00> : vector<128x64xf32>
    %dot_general3A_389 = tpu.matmul %convert_element_type3A_13, %slice3A_385, %dot_general3A_388 {dimension_numbers = #tpu.dot_dimension_numbers<[1], [1], [0], [0], [0, 0, 1, 0], [], []>, transpose_lhs_hint = false} : vector<128x256xf32>, vector<64x256xf32>, vector<128x64xf32> -> vector<128x64xf32>
    %swap3A_390 = arith.constant 4352 : index
    %swap3A_391 = arith.constant 0 : index
    %swap3A_392 = vector.load %arg2[%swap3A_390, %swap3A_391] : memref<14336x128xf32, #tpu.memory_space<vmem>>, vector<128x64xf32>
    tpu.vector_store %arg2[%swap3A_390, %swap3A_391], %dot_general3A_387 {strides = array<i32>} : memref<14336x128xf32, #tpu.memory_space<vmem>>, vector<128x64xf32>,
    %swap3A_393 = arith.constant 4352 : index
    %swap3A_394 = arith.constant 64 : index
    %swap3A_395 = vector.load %arg2[%swap3A_393, %swap3A_394] : memref<14336x128xf32, #tpu.memory_space<vmem>>, vector<128x64xf32>
    tpu.vector_store %arg2[%swap3A_393, %swap3A_394], %dot_general3A_389 {strides = array<i32>} : memref<14336x128xf32, #tpu.memory_space<vmem>>, vector<128x64xf32>,
    %slice3A_396 = vector.extract_strided_slice %get3A_1 {offsets = [0, 8960], sizes = [64, 256], strides = [1, 1]} : vector<64x28672xf32> to vector<64x256xf32>
    %dot_general3A_397 = arith.constant dense<0.000000e+00> : vector<128x64xf32>
    %dot_general3A_398 = tpu.matmul %convert_element_type3A_5, %slice3A_396, %dot_general3A_397 {dimension_numbers = #tpu.dot_dimension_numbers<[1], [1], [0], [0], [0, 0, 1, 0], [], []>, transpose_lhs_hint = false} : vector<128x256xf32>, vector<64x256xf32>, vector<128x64xf32> -> vector<128x64xf32>
    %dot_general3A_399 = arith.constant dense<0.000000e+00> : vector<128x64xf32>
    %dot_general3A_400 = tpu.matmul %convert_element_type3A_13, %slice3A_396, %dot_general3A_399 {dimension_numbers = #tpu.dot_dimension_numbers<[1], [1], [0], [0], [0, 0, 1, 0], [], []>, transpose_lhs_hint = false} : vector<128x256xf32>, vector<64x256xf32>, vector<128x64xf32> -> vector<128x64xf32>
    %swap3A_401 = arith.constant 4480 : index
    %swap3A_402 = arith.constant 0 : index
    %swap3A_403 = vector.load %arg2[%swap3A_401, %swap3A_402] : memref<14336x128xf32, #tpu.memory_space<vmem>>, vector<128x64xf32>
    tpu.vector_store %arg2[%swap3A_401, %swap3A_402], %dot_general3A_398 {strides = array<i32>} : memref<14336x128xf32, #tpu.memory_space<vmem>>, vector<128x64xf32>,
    %swap3A_404 = arith.constant 4480 : index
    %swap3A_405 = arith.constant 64 : index
    %swap3A_406 = vector.load %arg2[%swap3A_404, %swap3A_405] : memref<14336x128xf32, #tpu.memory_space<vmem>>, vector<128x64xf32>
    tpu.vector_store %arg2[%swap3A_404, %swap3A_405], %dot_general3A_400 {strides = array<i32>} : memref<14336x128xf32, #tpu.memory_space<vmem>>, vector<128x64xf32>,
    %slice3A_407 = vector.extract_strided_slice %get3A_1 {offsets = [0, 9216], sizes = [64, 256], strides = [1, 1]} : vector<64x28672xf32> to vector<64x256xf32>
    %dot_general3A_408 = arith.constant dense<0.000000e+00> : vector<128x64xf32>
    %dot_general3A_409 = tpu.matmul %convert_element_type3A_5, %slice3A_407, %dot_general3A_408 {dimension_numbers = #tpu.dot_dimension_numbers<[1], [1], [0], [0], [0, 0, 1, 0], [], []>, transpose_lhs_hint = false} : vector<128x256xf32>, vector<64x256xf32>, vector<128x64xf32> -> vector<128x64xf32>
    %dot_general3A_410 = arith.constant dense<0.000000e+00> : vector<128x64xf32>
    %dot_general3A_411 = tpu.matmul %convert_element_type3A_13, %slice3A_407, %dot_general3A_410 {dimension_numbers = #tpu.dot_dimension_numbers<[1], [1], [0], [0], [0, 0, 1, 0], [], []>, transpose_lhs_hint = false} : vector<128x256xf32>, vector<64x256xf32>, vector<128x64xf32> -> vector<128x64xf32>
    %swap3A_412 = arith.constant 4608 : index
    %swap3A_413 = arith.constant 0 : index
    %swap3A_414 = vector.load %arg2[%swap3A_412, %swap3A_413] : memref<14336x128xf32, #tpu.memory_space<vmem>>, vector<128x64xf32>
    tpu.vector_store %arg2[%swap3A_412, %swap3A_413], %dot_general3A_409 {strides = array<i32>} : memref<14336x128xf32, #tpu.memory_space<vmem>>, vector<128x64xf32>,
    %swap3A_415 = arith.constant 4608 : index
    %swap3A_416 = arith.constant 64 : index
    %swap3A_417 = vector.load %arg2[%swap3A_415, %swap3A_416] : memref<14336x128xf32, #tpu.memory_space<vmem>>, vector<128x64xf32>
    tpu.vector_store %arg2[%swap3A_415, %swap3A_416], %dot_general3A_411 {strides = array<i32>} : memref<14336x128xf32, #tpu.memory_space<vmem>>, vector<128x64xf32>,
    %slice3A_418 = vector.extract_strided_slice %get3A_1 {offsets = [0, 9472], sizes = [64, 256], strides = [1, 1]} : vector<64x28672xf32> to vector<64x256xf32>
    %dot_general3A_419 = arith.constant dense<0.000000e+00> : vector<128x64xf32>
    %dot_general3A_420 = tpu.matmul %convert_element_type3A_5, %slice3A_418, %dot_general3A_419 {dimension_numbers = #tpu.dot_dimension_numbers<[1], [1], [0], [0], [0, 0, 1, 0], [], []>, transpose_lhs_hint = false} : vector<128x256xf32>, vector<64x256xf32>, vector<128x64xf32> -> vector<128x64xf32>
    %dot_general3A_421 = arith.constant dense<0.000000e+00> : vector<128x64xf32>
    %dot_general3A_422 = tpu.matmul %convert_element_type3A_13, %slice3A_418, %dot_general3A_421 {dimension_numbers = #tpu.dot_dimension_numbers<[1], [1], [0], [0], [0, 0, 1, 0], [], []>, transpose_lhs_hint = false} : vector<128x256xf32>, vector<64x256xf32>, vector<128x64xf32> -> vector<128x64xf32>
    %swap3A_423 = arith.constant 4736 : index
    %swap3A_424 = arith.constant 0 : index
    %swap3A_425 = vector.load %arg2[%swap3A_423, %swap3A_424] : memref<14336x128xf32, #tpu.memory_space<vmem>>, vector<128x64xf32>
    tpu.vector_store %arg2[%swap3A_423, %swap3A_424], %dot_general3A_420 {strides = array<i32>} : memref<14336x128xf32, #tpu.memory_space<vmem>>, vector<128x64xf32>,
    %swap3A_426 = arith.constant 4736 : index
    %swap3A_427 = arith.constant 64 : index
    %swap3A_428 = vector.load %arg2[%swap3A_426, %swap3A_427] : memref<14336x128xf32, #tpu.memory_space<vmem>>, vector<128x64xf32>
    tpu.vector_store %arg2[%swap3A_426, %swap3A_427], %dot_general3A_422 {strides = array<i32>} : memref<14336x128xf32, #tpu.memory_space<vmem>>, vector<128x64xf32>,
    %slice3A_429 = vector.extract_strided_slice %get3A_1 {offsets = [0, 9728], sizes = [64, 256], strides = [1, 1]} : vector<64x28672xf32> to vector<64x256xf32>
    %dot_general3A_430 = arith.constant dense<0.000000e+00> : vector<128x64xf32>
    %dot_general3A_431 = tpu.matmul %convert_element_type3A_5, %slice3A_429, %dot_general3A_430 {dimension_numbers = #tpu.dot_dimension_numbers<[1], [1], [0], [0], [0, 0, 1, 0], [], []>, transpose_lhs_hint = false} : vector<128x256xf32>, vector<64x256xf32>, vector<128x64xf32> -> vector<128x64xf32>
    %dot_general3A_432 = arith.constant dense<0.000000e+00> : vector<128x64xf32>
    %dot_general3A_433 = tpu.matmul %convert_element_type3A_13, %slice3A_429, %dot_general3A_432 {dimension_numbers = #tpu.dot_dimension_numbers<[1], [1], [0], [0], [0, 0, 1, 0], [], []>, transpose_lhs_hint = false} : vector<128x256xf32>, vector<64x256xf32>, vector<128x64xf32> -> vector<128x64xf32>
    %swap3A_434 = arith.constant 4864 : index
    %swap3A_435 = arith.constant 0 : index
    %swap3A_436 = vector.load %arg2[%swap3A_434, %swap3A_435] : memref<14336x128xf32, #tpu.memory_space<vmem>>, vector<128x64xf32>
    tpu.vector_store %arg2[%swap3A_434, %swap3A_435], %dot_general3A_431 {strides = array<i32>} : memref<14336x128xf32, #tpu.memory_space<vmem>>, vector<128x64xf32>,
    %swap3A_437 = arith.constant 4864 : index
    %swap3A_438 = arith.constant 64 : index
    %swap3A_439 = vector.load %arg2[%swap3A_437, %swap3A_438] : memref<14336x128xf32, #tpu.memory_space<vmem>>, vector<128x64xf32>
    tpu.vector_store %arg2[%swap3A_437, %swap3A_438], %dot_general3A_433 {strides = array<i32>} : memref<14336x128xf32, #tpu.memory_space<vmem>>, vector<128x64xf32>,
    %slice3A_440 = vector.extract_strided_slice %get3A_1 {offsets = [0, 9984], sizes = [64, 256], strides = [1, 1]} : vector<64x28672xf32> to vector<64x256xf32>
    %dot_general3A_441 = arith.constant dense<0.000000e+00> : vector<128x64xf32>
    %dot_general3A_442 = tpu.matmul %convert_element_type3A_5, %slice3A_440, %dot_general3A_441 {dimension_numbers = #tpu.dot_dimension_numbers<[1], [1], [0], [0], [0, 0, 1, 0], [], []>, transpose_lhs_hint = false} : vector<128x256xf32>, vector<64x256xf32>, vector<128x64xf32> -> vector<128x64xf32>
    %dot_general3A_443 = arith.constant dense<0.000000e+00> : vector<128x64xf32>
    %dot_general3A_444 = tpu.matmul %convert_element_type3A_13, %slice3A_440, %dot_general3A_443 {dimension_numbers = #tpu.dot_dimension_numbers<[1], [1], [0], [0], [0, 0, 1, 0], [], []>, transpose_lhs_hint = false} : vector<128x256xf32>, vector<64x256xf32>, vector<128x64xf32> -> vector<128x64xf32>
    %swap3A_445 = arith.constant 4992 : index
    %swap3A_446 = arith.constant 0 : index
    %swap3A_447 = vector.load %arg2[%swap3A_445, %swap3A_446] : memref<14336x128xf32, #tpu.memory_space<vmem>>, vector<128x64xf32>
    tpu.vector_store %arg2[%swap3A_445, %swap3A_446], %dot_general3A_442 {strides = array<i32>} : memref<14336x128xf32, #tpu.memory_space<vmem>>, vector<128x64xf32>,
    %swap3A_448 = arith.constant 4992 : index
    %swap3A_449 = arith.constant 64 : index
    %swap3A_450 = vector.load %arg2[%swap3A_448, %swap3A_449] : memref<14336x128xf32, #tpu.memory_space<vmem>>, vector<128x64xf32>
    tpu.vector_store %arg2[%swap3A_448, %swap3A_449], %dot_general3A_444 {strides = array<i32>} : memref<14336x128xf32, #tpu.memory_space<vmem>>, vector<128x64xf32>,
    %slice3A_451 = vector.extract_strided_slice %get3A_1 {offsets = [0, 10240], sizes = [64, 256], strides = [1, 1]} : vector<64x28672xf32> to vector<64x256xf32>
    %dot_general3A_452 = arith.constant dense<0.000000e+00> : vector<128x64xf32>
    %dot_general3A_453 = tpu.matmul %convert_element_type3A_5, %slice3A_451, %dot_general3A_452 {dimension_numbers = #tpu.dot_dimension_numbers<[1], [1], [0], [0], [0, 0, 1, 0], [], []>, transpose_lhs_hint = false} : vector<128x256xf32>, vector<64x256xf32>, vector<128x64xf32> -> vector<128x64xf32>
    %dot_general3A_454 = arith.constant dense<0.000000e+00> : vector<128x64xf32>
    %dot_general3A_455 = tpu.matmul %convert_element_type3A_13, %slice3A_451, %dot_general3A_454 {dimension_numbers = #tpu.dot_dimension_numbers<[1], [1], [0], [0], [0, 0, 1, 0], [], []>, transpose_lhs_hint = false} : vector<128x256xf32>, vector<64x256xf32>, vector<128x64xf32> -> vector<128x64xf32>
    %swap3A_456 = arith.constant 5120 : index
    %swap3A_457 = arith.constant 0 : index
    %swap3A_458 = vector.load %arg2[%swap3A_456, %swap3A_457] : memref<14336x128xf32, #tpu.memory_space<vmem>>, vector<128x64xf32>
    tpu.vector_store %arg2[%swap3A_456, %swap3A_457], %dot_general3A_453 {strides = array<i32>} : memref<14336x128xf32, #tpu.memory_space<vmem>>, vector<128x64xf32>,
    %swap3A_459 = arith.constant 5120 : index
    %swap3A_460 = arith.constant 64 : index
    %swap3A_461 = vector.load %arg2[%swap3A_459, %swap3A_460] : memref<14336x128xf32, #tpu.memory_space<vmem>>, vector<128x64xf32>
    tpu.vector_store %arg2[%swap3A_459, %swap3A_460], %dot_general3A_455 {strides = array<i32>} : memref<14336x128xf32, #tpu.memory_space<vmem>>, vector<128x64xf32>,
    %slice3A_462 = vector.extract_strided_slice %get3A_1 {offsets = [0, 10496], sizes = [64, 256], strides = [1, 1]} : vector<64x28672xf32> to vector<64x256xf32>
    %dot_general3A_463 = arith.constant dense<0.000000e+00> : vector<128x64xf32>
    %dot_general3A_464 = tpu.matmul %convert_element_type3A_5, %slice3A_462, %dot_general3A_463 {dimension_numbers = #tpu.dot_dimension_numbers<[1], [1], [0], [0], [0, 0, 1, 0], [], []>, transpose_lhs_hint = false} : vector<128x256xf32>, vector<64x256xf32>, vector<128x64xf32> -> vector<128x64xf32>
    %dot_general3A_465 = arith.constant dense<0.000000e+00> : vector<128x64xf32>
    %dot_general3A_466 = tpu.matmul %convert_element_type3A_13, %slice3A_462, %dot_general3A_465 {dimension_numbers = #tpu.dot_dimension_numbers<[1], [1], [0], [0], [0, 0, 1, 0], [], []>, transpose_lhs_hint = false} : vector<128x256xf32>, vector<64x256xf32>, vector<128x64xf32> -> vector<128x64xf32>
    %swap3A_467 = arith.constant 5248 : index
    %swap3A_468 = arith.constant 0 : index
    %swap3A_469 = vector.load %arg2[%swap3A_467, %swap3A_468] : memref<14336x128xf32, #tpu.memory_space<vmem>>, vector<128x64xf32>
    tpu.vector_store %arg2[%swap3A_467, %swap3A_468], %dot_general3A_464 {strides = array<i32>} : memref<14336x128xf32, #tpu.memory_space<vmem>>, vector<128x64xf32>,
    %swap3A_470 = arith.constant 5248 : index
    %swap3A_471 = arith.constant 64 : index
    %swap3A_472 = vector.load %arg2[%swap3A_470, %swap3A_471] : memref<14336x128xf32, #tpu.memory_space<vmem>>, vector<128x64xf32>
    tpu.vector_store %arg2[%swap3A_470, %swap3A_471], %dot_general3A_466 {strides = array<i32>} : memref<14336x128xf32, #tpu.memory_space<vmem>>, vector<128x64xf32>,
    %slice3A_473 = vector.extract_strided_slice %get3A_1 {offsets = [0, 10752], sizes = [64, 256], strides = [1, 1]} : vector<64x28672xf32> to vector<64x256xf32>
    %dot_general3A_474 = arith.constant dense<0.000000e+00> : vector<128x64xf32>
    %dot_general3A_475 = tpu.matmul %convert_element_type3A_5, %slice3A_473, %dot_general3A_474 {dimension_numbers = #tpu.dot_dimension_numbers<[1], [1], [0], [0], [0, 0, 1, 0], [], []>, transpose_lhs_hint = false} : vector<128x256xf32>, vector<64x256xf32>, vector<128x64xf32> -> vector<128x64xf32>
    %dot_general3A_476 = arith.constant dense<0.000000e+00> : vector<128x64xf32>
    %dot_general3A_477 = tpu.matmul %convert_element_type3A_13, %slice3A_473, %dot_general3A_476 {dimension_numbers = #tpu.dot_dimension_numbers<[1], [1], [0], [0], [0, 0, 1, 0], [], []>, transpose_lhs_hint = false} : vector<128x256xf32>, vector<64x256xf32>, vector<128x64xf32> -> vector<128x64xf32>
    %swap3A_478 = arith.constant 5376 : index
    %swap3A_479 = arith.constant 0 : index
    %swap3A_480 = vector.load %arg2[%swap3A_478, %swap3A_479] : memref<14336x128xf32, #tpu.memory_space<vmem>>, vector<128x64xf32>
    tpu.vector_store %arg2[%swap3A_478, %swap3A_479], %dot_general3A_475 {strides = array<i32>} : memref<14336x128xf32, #tpu.memory_space<vmem>>, vector<128x64xf32>,
    %swap3A_481 = arith.constant 5376 : index
    %swap3A_482 = arith.constant 64 : index
    %swap3A_483 = vector.load %arg2[%swap3A_481, %swap3A_482] : memref<14336x128xf32, #tpu.memory_space<vmem>>, vector<128x64xf32>
    tpu.vector_store %arg2[%swap3A_481, %swap3A_482], %dot_general3A_477 {strides = array<i32>} : memref<14336x128xf32, #tpu.memory_space<vmem>>, vector<128x64xf32>,
    %slice3A_484 = vector.extract_strided_slice %get3A_1 {offsets = [0, 11008], sizes = [64, 256], strides = [1, 1]} : vector<64x28672xf32> to vector<64x256xf32>
    %dot_general3A_485 = arith.constant dense<0.000000e+00> : vector<128x64xf32>
    %dot_general3A_486 = tpu.matmul %convert_element_type3A_5, %slice3A_484, %dot_general3A_485 {dimension_numbers = #tpu.dot_dimension_numbers<[1], [1], [0], [0], [0, 0, 1, 0], [], []>, transpose_lhs_hint = false} : vector<128x256xf32>, vector<64x256xf32>, vector<128x64xf32> -> vector<128x64xf32>
    %dot_general3A_487 = arith.constant dense<0.000000e+00> : vector<128x64xf32>
    %dot_general3A_488 = tpu.matmul %convert_element_type3A_13, %slice3A_484, %dot_general3A_487 {dimension_numbers = #tpu.dot_dimension_numbers<[1], [1], [0], [0], [0, 0, 1, 0], [], []>, transpose_lhs_hint = false} : vector<128x256xf32>, vector<64x256xf32>, vector<128x64xf32> -> vector<128x64xf32>
    %swap3A_489 = arith.constant 5504 : index
    %swap3A_490 = arith.constant 0 : index
    %swap3A_491 = vector.load %arg2[%swap3A_489, %swap3A_490] : memref<14336x128xf32, #tpu.memory_space<vmem>>, vector<128x64xf32>
    tpu.vector_store %arg2[%swap3A_489, %swap3A_490], %dot_general3A_486 {strides = array<i32>} : memref<14336x128xf32, #tpu.memory_space<vmem>>, vector<128x64xf32>,
    %swap3A_492 = arith.constant 5504 : index
    %swap3A_493 = arith.constant 64 : index
    %swap3A_494 = vector.load %arg2[%swap3A_492, %swap3A_493] : memref<14336x128xf32, #tpu.memory_space<vmem>>, vector<128x64xf32>
    tpu.vector_store %arg2[%swap3A_492, %swap3A_493], %dot_general3A_488 {strides = array<i32>} : memref<14336x128xf32, #tpu.memory_space<vmem>>, vector<128x64xf32>,
    %slice3A_495 = vector.extract_strided_slice %get3A_1 {offsets = [0, 11264], sizes = [64, 256], strides = [1, 1]} : vector<64x28672xf32> to vector<64x256xf32>
    %dot_general3A_496 = arith.constant dense<0.000000e+00> : vector<128x64xf32>
    %dot_general3A_497 = tpu.matmul %convert_element_type3A_5, %slice3A_495, %dot_general3A_496 {dimension_numbers = #tpu.dot_dimension_numbers<[1], [1], [0], [0], [0, 0, 1, 0], [], []>, transpose_lhs_hint = false} : vector<128x256xf32>, vector<64x256xf32>, vector<128x64xf32> -> vector<128x64xf32>
    %dot_general3A_498 = arith.constant dense<0.000000e+00> : vector<128x64xf32>
    %dot_general3A_499 = tpu.matmul %convert_element_type3A_13, %slice3A_495, %dot_general3A_498 {dimension_numbers = #tpu.dot_dimension_numbers<[1], [1], [0], [0], [0, 0, 1, 0], [], []>, transpose_lhs_hint = false} : vector<128x256xf32>, vector<64x256xf32>, vector<128x64xf32> -> vector<128x64xf32>
    %swap3A_500 = arith.constant 5632 : index
    %swap3A_501 = arith.constant 0 : index
    %swap3A_502 = vector.load %arg2[%swap3A_500, %swap3A_501] : memref<14336x128xf32, #tpu.memory_space<vmem>>, vector<128x64xf32>
    tpu.vector_store %arg2[%swap3A_500, %swap3A_501], %dot_general3A_497 {strides = array<i32>} : memref<14336x128xf32, #tpu.memory_space<vmem>>, vector<128x64xf32>,
    %swap3A_503 = arith.constant 5632 : index
    %swap3A_504 = arith.constant 64 : index
    %swap3A_505 = vector.load %arg2[%swap3A_503, %swap3A_504] : memref<14336x128xf32, #tpu.memory_space<vmem>>, vector<128x64xf32>
    tpu.vector_store %arg2[%swap3A_503, %swap3A_504], %dot_general3A_499 {strides = array<i32>} : memref<14336x128xf32, #tpu.memory_space<vmem>>, vector<128x64xf32>,
    %slice3A_506 = vector.extract_strided_slice %get3A_1 {offsets = [0, 11520], sizes = [64, 256], strides = [1, 1]} : vector<64x28672xf32> to vector<64x256xf32>
    %dot_general3A_507 = arith.constant dense<0.000000e+00> : vector<128x64xf32>
    %dot_general3A_508 = tpu.matmul %convert_element_type3A_5, %slice3A_506, %dot_general3A_507 {dimension_numbers = #tpu.dot_dimension_numbers<[1], [1], [0], [0], [0, 0, 1, 0], [], []>, transpose_lhs_hint = false} : vector<128x256xf32>, vector<64x256xf32>, vector<128x64xf32> -> vector<128x64xf32>
    %dot_general3A_509 = arith.constant dense<0.000000e+00> : vector<128x64xf32>
    %dot_general3A_510 = tpu.matmul %convert_element_type3A_13, %slice3A_506, %dot_general3A_509 {dimension_numbers = #tpu.dot_dimension_numbers<[1], [1], [0], [0], [0, 0, 1, 0], [], []>, transpose_lhs_hint = false} : vector<128x256xf32>, vector<64x256xf32>, vector<128x64xf32> -> vector<128x64xf32>
    %swap3A_511 = arith.constant 5760 : index
    %swap3A_512 = arith.constant 0 : index
    %swap3A_513 = vector.load %arg2[%swap3A_511, %swap3A_512] : memref<14336x128xf32, #tpu.memory_space<vmem>>, vector<128x64xf32>
    tpu.vector_store %arg2[%swap3A_511, %swap3A_512], %dot_general3A_508 {strides = array<i32>} : memref<14336x128xf32, #tpu.memory_space<vmem>>, vector<128x64xf32>,
    %swap3A_514 = arith.constant 5760 : index
    %swap3A_515 = arith.constant 64 : index
    %swap3A_516 = vector.load %arg2[%swap3A_514, %swap3A_515] : memref<14336x128xf32, #tpu.memory_space<vmem>>, vector<128x64xf32>
    tpu.vector_store %arg2[%swap3A_514, %swap3A_515], %dot_general3A_510 {strides = array<i32>} : memref<14336x128xf32, #tpu.memory_space<vmem>>, vector<128x64xf32>,
    %slice3A_517 = vector.extract_strided_slice %get3A_1 {offsets = [0, 11776], sizes = [64, 256], strides = [1, 1]} : vector<64x28672xf32> to vector<64x256xf32>
    %dot_general3A_518 = arith.constant dense<0.000000e+00> : vector<128x64xf32>
    %dot_general3A_519 = tpu.matmul %convert_element_type3A_5, %slice3A_517, %dot_general3A_518 {dimension_numbers = #tpu.dot_dimension_numbers<[1], [1], [0], [0], [0, 0, 1, 0], [], []>, transpose_lhs_hint = false} : vector<128x256xf32>, vector<64x256xf32>, vector<128x64xf32> -> vector<128x64xf32>
    %dot_general3A_520 = arith.constant dense<0.000000e+00> : vector<128x64xf32>
    %dot_general3A_521 = tpu.matmul %convert_element_type3A_13, %slice3A_517, %dot_general3A_520 {dimension_numbers = #tpu.dot_dimension_numbers<[1], [1], [0], [0], [0, 0, 1, 0], [], []>, transpose_lhs_hint = false} : vector<128x256xf32>, vector<64x256xf32>, vector<128x64xf32> -> vector<128x64xf32>
    %swap3A_522 = arith.constant 5888 : index
    %swap3A_523 = arith.constant 0 : index
    %swap3A_524 = vector.load %arg2[%swap3A_522, %swap3A_523] : memref<14336x128xf32, #tpu.memory_space<vmem>>, vector<128x64xf32>
    tpu.vector_store %arg2[%swap3A_522, %swap3A_523], %dot_general3A_519 {strides = array<i32>} : memref<14336x128xf32, #tpu.memory_space<vmem>>, vector<128x64xf32>,
    %swap3A_525 = arith.constant 5888 : index
    %swap3A_526 = arith.constant 64 : index
    %swap3A_527 = vector.load %arg2[%swap3A_525, %swap3A_526] : memref<14336x128xf32, #tpu.memory_space<vmem>>, vector<128x64xf32>
    tpu.vector_store %arg2[%swap3A_525, %swap3A_526], %dot_general3A_521 {strides = array<i32>} : memref<14336x128xf32, #tpu.memory_space<vmem>>, vector<128x64xf32>,
    %slice3A_528 = vector.extract_strided_slice %get3A_1 {offsets = [0, 12032], sizes = [64, 256], strides = [1, 1]} : vector<64x28672xf32> to vector<64x256xf32>
    %dot_general3A_529 = arith.constant dense<0.000000e+00> : vector<128x64xf32>
    %dot_general3A_530 = tpu.matmul %convert_element_type3A_5, %slice3A_528, %dot_general3A_529 {dimension_numbers = #tpu.dot_dimension_numbers<[1], [1], [0], [0], [0, 0, 1, 0], [], []>, transpose_lhs_hint = false} : vector<128x256xf32>, vector<64x256xf32>, vector<128x64xf32> -> vector<128x64xf32>
    %dot_general3A_531 = arith.constant dense<0.000000e+00> : vector<128x64xf32>
    %dot_general3A_532 = tpu.matmul %convert_element_type3A_13, %slice3A_528, %dot_general3A_531 {dimension_numbers = #tpu.dot_dimension_numbers<[1], [1], [0], [0], [0, 0, 1, 0], [], []>, transpose_lhs_hint = false} : vector<128x256xf32>, vector<64x256xf32>, vector<128x64xf32> -> vector<128x64xf32>
    %swap3A_533 = arith.constant 6016 : index
    %swap3A_534 = arith.constant 0 : index
    %swap3A_535 = vector.load %arg2[%swap3A_533, %swap3A_534] : memref<14336x128xf32, #tpu.memory_space<vmem>>, vector<128x64xf32>
    tpu.vector_store %arg2[%swap3A_533, %swap3A_534], %dot_general3A_530 {strides = array<i32>} : memref<14336x128xf32, #tpu.memory_space<vmem>>, vector<128x64xf32>,
    %swap3A_536 = arith.constant 6016 : index
    %swap3A_537 = arith.constant 64 : index
    %swap3A_538 = vector.load %arg2[%swap3A_536, %swap3A_537] : memref<14336x128xf32, #tpu.memory_space<vmem>>, vector<128x64xf32>
    tpu.vector_store %arg2[%swap3A_536, %swap3A_537], %dot_general3A_532 {strides = array<i32>} : memref<14336x128xf32, #tpu.memory_space<vmem>>, vector<128x64xf32>,
    %slice3A_539 = vector.extract_strided_slice %get3A_1 {offsets = [0, 12288], sizes = [64, 256], strides = [1, 1]} : vector<64x28672xf32> to vector<64x256xf32>
    %dot_general3A_540 = arith.constant dense<0.000000e+00> : vector<128x64xf32>
    %dot_general3A_541 = tpu.matmul %convert_element_type3A_5, %slice3A_539, %dot_general3A_540 {dimension_numbers = #tpu.dot_dimension_numbers<[1], [1], [0], [0], [0, 0, 1, 0], [], []>, transpose_lhs_hint = false} : vector<128x256xf32>, vector<64x256xf32>, vector<128x64xf32> -> vector<128x64xf32>
    %dot_general3A_542 = arith.constant dense<0.000000e+00> : vector<128x64xf32>
    %dot_general3A_543 = tpu.matmul %convert_element_type3A_13, %slice3A_539, %dot_general3A_542 {dimension_numbers = #tpu.dot_dimension_numbers<[1], [1], [0], [0], [0, 0, 1, 0], [], []>, transpose_lhs_hint = false} : vector<128x256xf32>, vector<64x256xf32>, vector<128x64xf32> -> vector<128x64xf32>
    %swap3A_544 = arith.constant 6144 : index
    %swap3A_545 = arith.constant 0 : index
    %swap3A_546 = vector.load %arg2[%swap3A_544, %swap3A_545] : memref<14336x128xf32, #tpu.memory_space<vmem>>, vector<128x64xf32>
    tpu.vector_store %arg2[%swap3A_544, %swap3A_545], %dot_general3A_541 {strides = array<i32>} : memref<14336x128xf32, #tpu.memory_space<vmem>>, vector<128x64xf32>,
    %swap3A_547 = arith.constant 6144 : index
    %swap3A_548 = arith.constant 64 : index
    %swap3A_549 = vector.load %arg2[%swap3A_547, %swap3A_548] : memref<14336x128xf32, #tpu.memory_space<vmem>>, vector<128x64xf32>
    tpu.vector_store %arg2[%swap3A_547, %swap3A_548], %dot_general3A_543 {strides = array<i32>} : memref<14336x128xf32, #tpu.memory_space<vmem>>, vector<128x64xf32>,
    %slice3A_550 = vector.extract_strided_slice %get3A_1 {offsets = [0, 12544], sizes = [64, 256], strides = [1, 1]} : vector<64x28672xf32> to vector<64x256xf32>
    %dot_general3A_551 = arith.constant dense<0.000000e+00> : vector<128x64xf32>
    %dot_general3A_552 = tpu.matmul %convert_element_type3A_5, %slice3A_550, %dot_general3A_551 {dimension_numbers = #tpu.dot_dimension_numbers<[1], [1], [0], [0], [0, 0, 1, 0], [], []>, transpose_lhs_hint = false} : vector<128x256xf32>, vector<64x256xf32>, vector<128x64xf32> -> vector<128x64xf32>
    %dot_general3A_553 = arith.constant dense<0.000000e+00> : vector<128x64xf32>
    %dot_general3A_554 = tpu.matmul %convert_element_type3A_13, %slice3A_550, %dot_general3A_553 {dimension_numbers = #tpu.dot_dimension_numbers<[1], [1], [0], [0], [0, 0, 1, 0], [], []>, transpose_lhs_hint = false} : vector<128x256xf32>, vector<64x256xf32>, vector<128x64xf32> -> vector<128x64xf32>
    %swap3A_555 = arith.constant 6272 : index
    %swap3A_556 = arith.constant 0 : index
    %swap3A_557 = vector.load %arg2[%swap3A_555, %swap3A_556] : memref<14336x128xf32, #tpu.memory_space<vmem>>, vector<128x64xf32>
    tpu.vector_store %arg2[%swap3A_555, %swap3A_556], %dot_general3A_552 {strides = array<i32>} : memref<14336x128xf32, #tpu.memory_space<vmem>>, vector<128x64xf32>,
    %swap3A_558 = arith.constant 6272 : index
    %swap3A_559 = arith.constant 64 : index
    %swap3A_560 = vector.load %arg2[%swap3A_558, %swap3A_559] : memref<14336x128xf32, #tpu.memory_space<vmem>>, vector<128x64xf32>
    tpu.vector_store %arg2[%swap3A_558, %swap3A_559], %dot_general3A_554 {strides = array<i32>} : memref<14336x128xf32, #tpu.memory_space<vmem>>, vector<128x64xf32>,
    %slice3A_561 = vector.extract_strided_slice %get3A_1 {offsets = [0, 12800], sizes = [64, 256], strides = [1, 1]} : vector<64x28672xf32> to vector<64x256xf32>
    %dot_general3A_562 = arith.constant dense<0.000000e+00> : vector<128x64xf32>
    %dot_general3A_563 = tpu.matmul %convert_element_type3A_5, %slice3A_561, %dot_general3A_562 {dimension_numbers = #tpu.dot_dimension_numbers<[1], [1], [0], [0], [0, 0, 1, 0], [], []>, transpose_lhs_hint = false} : vector<128x256xf32>, vector<64x256xf32>, vector<128x64xf32> -> vector<128x64xf32>
    %dot_general3A_564 = arith.constant dense<0.000000e+00> : vector<128x64xf32>
    %dot_general3A_565 = tpu.matmul %convert_element_type3A_13, %slice3A_561, %dot_general3A_564 {dimension_numbers = #tpu.dot_dimension_numbers<[1], [1], [0], [0], [0, 0, 1, 0], [], []>, transpose_lhs_hint = false} : vector<128x256xf32>, vector<64x256xf32>, vector<128x64xf32> -> vector<128x64xf32>
    %swap3A_566 = arith.constant 6400 : index
    %swap3A_567 = arith.constant 0 : index
    %swap3A_568 = vector.load %arg2[%swap3A_566, %swap3A_567] : memref<14336x128xf32, #tpu.memory_space<vmem>>, vector<128x64xf32>
    tpu.vector_store %arg2[%swap3A_566, %swap3A_567], %dot_general3A_563 {strides = array<i32>} : memref<14336x128xf32, #tpu.memory_space<vmem>>, vector<128x64xf32>,
    %swap3A_569 = arith.constant 6400 : index
    %swap3A_570 = arith.constant 64 : index
    %swap3A_571 = vector.load %arg2[%swap3A_569, %swap3A_570] : memref<14336x128xf32, #tpu.memory_space<vmem>>, vector<128x64xf32>
    tpu.vector_store %arg2[%swap3A_569, %swap3A_570], %dot_general3A_565 {strides = array<i32>} : memref<14336x128xf32, #tpu.memory_space<vmem>>, vector<128x64xf32>,
    %slice3A_572 = vector.extract_strided_slice %get3A_1 {offsets = [0, 13056], sizes = [64, 256], strides = [1, 1]} : vector<64x28672xf32> to vector<64x256xf32>
    %dot_general3A_573 = arith.constant dense<0.000000e+00> : vector<128x64xf32>
    %dot_general3A_574 = tpu.matmul %convert_element_type3A_5, %slice3A_572, %dot_general3A_573 {dimension_numbers = #tpu.dot_dimension_numbers<[1], [1], [0], [0], [0, 0, 1, 0], [], []>, transpose_lhs_hint = false} : vector<128x256xf32>, vector<64x256xf32>, vector<128x64xf32> -> vector<128x64xf32>
    %dot_general3A_575 = arith.constant dense<0.000000e+00> : vector<128x64xf32>
    %dot_general3A_576 = tpu.matmul %convert_element_type3A_13, %slice3A_572, %dot_general3A_575 {dimension_numbers = #tpu.dot_dimension_numbers<[1], [1], [0], [0], [0, 0, 1, 0], [], []>, transpose_lhs_hint = false} : vector<128x256xf32>, vector<64x256xf32>, vector<128x64xf32> -> vector<128x64xf32>
    %swap3A_577 = arith.constant 6528 : index
    %swap3A_578 = arith.constant 0 : index
    %swap3A_579 = vector.load %arg2[%swap3A_577, %swap3A_578] : memref<14336x128xf32, #tpu.memory_space<vmem>>, vector<128x64xf32>
    tpu.vector_store %arg2[%swap3A_577, %swap3A_578], %dot_general3A_574 {strides = array<i32>} : memref<14336x128xf32, #tpu.memory_space<vmem>>, vector<128x64xf32>,
    %swap3A_580 = arith.constant 6528 : index
    %swap3A_581 = arith.constant 64 : index
    %swap3A_582 = vector.load %arg2[%swap3A_580, %swap3A_581] : memref<14336x128xf32, #tpu.memory_space<vmem>>, vector<128x64xf32>
    tpu.vector_store %arg2[%swap3A_580, %swap3A_581], %dot_general3A_576 {strides = array<i32>} : memref<14336x128xf32, #tpu.memory_space<vmem>>, vector<128x64xf32>,
    %slice3A_583 = vector.extract_strided_slice %get3A_1 {offsets = [0, 13312], sizes = [64, 256], strides = [1, 1]} : vector<64x28672xf32> to vector<64x256xf32>
    %dot_general3A_584 = arith.constant dense<0.000000e+00> : vector<128x64xf32>
    %dot_general3A_585 = tpu.matmul %convert_element_type3A_5, %slice3A_583, %dot_general3A_584 {dimension_numbers = #tpu.dot_dimension_numbers<[1], [1], [0], [0], [0, 0, 1, 0], [], []>, transpose_lhs_hint = false} : vector<128x256xf32>, vector<64x256xf32>, vector<128x64xf32> -> vector<128x64xf32>
    %dot_general3A_586 = arith.constant dense<0.000000e+00> : vector<128x64xf32>
    %dot_general3A_587 = tpu.matmul %convert_element_type3A_13, %slice3A_583, %dot_general3A_586 {dimension_numbers = #tpu.dot_dimension_numbers<[1], [1], [0], [0], [0, 0, 1, 0], [], []>, transpose_lhs_hint = false} : vector<128x256xf32>, vector<64x256xf32>, vector<128x64xf32> -> vector<128x64xf32>
    %swap3A_588 = arith.constant 6656 : index
    %swap3A_589 = arith.constant 0 : index
    %swap3A_590 = vector.load %arg2[%swap3A_588, %swap3A_589] : memref<14336x128xf32, #tpu.memory_space<vmem>>, vector<128x64xf32>
    tpu.vector_store %arg2[%swap3A_588, %swap3A_589], %dot_general3A_585 {strides = array<i32>} : memref<14336x128xf32, #tpu.memory_space<vmem>>, vector<128x64xf32>,
    %swap3A_591 = arith.constant 6656 : index
    %swap3A_592 = arith.constant 64 : index
    %swap3A_593 = vector.load %arg2[%swap3A_591, %swap3A_592] : memref<14336x128xf32, #tpu.memory_space<vmem>>, vector<128x64xf32>
    tpu.vector_store %arg2[%swap3A_591, %swap3A_592], %dot_general3A_587 {strides = array<i32>} : memref<14336x128xf32, #tpu.memory_space<vmem>>, vector<128x64xf32>,
    %slice3A_594 = vector.extract_strided_slice %get3A_1 {offsets = [0, 13568], sizes = [64, 256], strides = [1, 1]} : vector<64x28672xf32> to vector<64x256xf32>
    %dot_general3A_595 = arith.constant dense<0.000000e+00> : vector<128x64xf32>
    %dot_general3A_596 = tpu.matmul %convert_element_type3A_5, %slice3A_594, %dot_general3A_595 {dimension_numbers = #tpu.dot_dimension_numbers<[1], [1], [0], [0], [0, 0, 1, 0], [], []>, transpose_lhs_hint = false} : vector<128x256xf32>, vector<64x256xf32>, vector<128x64xf32> -> vector<128x64xf32>
    %dot_general3A_597 = arith.constant dense<0.000000e+00> : vector<128x64xf32>
    %dot_general3A_598 = tpu.matmul %convert_element_type3A_13, %slice3A_594, %dot_general3A_597 {dimension_numbers = #tpu.dot_dimension_numbers<[1], [1], [0], [0], [0, 0, 1, 0], [], []>, transpose_lhs_hint = false} : vector<128x256xf32>, vector<64x256xf32>, vector<128x64xf32> -> vector<128x64xf32>
    %swap3A_599 = arith.constant 6784 : index
    %swap3A_600 = arith.constant 0 : index
    %swap3A_601 = vector.load %arg2[%swap3A_599, %swap3A_600] : memref<14336x128xf32, #tpu.memory_space<vmem>>, vector<128x64xf32>
    tpu.vector_store %arg2[%swap3A_599, %swap3A_600], %dot_general3A_596 {strides = array<i32>} : memref<14336x128xf32, #tpu.memory_space<vmem>>, vector<128x64xf32>,
    %swap3A_602 = arith.constant 6784 : index
    %swap3A_603 = arith.constant 64 : index
    %swap3A_604 = vector.load %arg2[%swap3A_602, %swap3A_603] : memref<14336x128xf32, #tpu.memory_space<vmem>>, vector<128x64xf32>
    tpu.vector_store %arg2[%swap3A_602, %swap3A_603], %dot_general3A_598 {strides = array<i32>} : memref<14336x128xf32, #tpu.memory_space<vmem>>, vector<128x64xf32>,
    %slice3A_605 = vector.extract_strided_slice %get3A_1 {offsets = [0, 13824], sizes = [64, 256], strides = [1, 1]} : vector<64x28672xf32> to vector<64x256xf32>
    %dot_general3A_606 = arith.constant dense<0.000000e+00> : vector<128x64xf32>
    %dot_general3A_607 = tpu.matmul %convert_element_type3A_5, %slice3A_605, %dot_general3A_606 {dimension_numbers = #tpu.dot_dimension_numbers<[1], [1], [0], [0], [0, 0, 1, 0], [], []>, transpose_lhs_hint = false} : vector<128x256xf32>, vector<64x256xf32>, vector<128x64xf32> -> vector<128x64xf32>
    %dot_general3A_608 = arith.constant dense<0.000000e+00> : vector<128x64xf32>
    %dot_general3A_609 = tpu.matmul %convert_element_type3A_13, %slice3A_605, %dot_general3A_608 {dimension_numbers = #tpu.dot_dimension_numbers<[1], [1], [0], [0], [0, 0, 1, 0], [], []>, transpose_lhs_hint = false} : vector<128x256xf32>, vector<64x256xf32>, vector<128x64xf32> -> vector<128x64xf32>
    %swap3A_610 = arith.constant 6912 : index
    %swap3A_611 = arith.constant 0 : index
    %swap3A_612 = vector.load %arg2[%swap3A_610, %swap3A_611] : memref<14336x128xf32, #tpu.memory_space<vmem>>, vector<128x64xf32>
    tpu.vector_store %arg2[%swap3A_610, %swap3A_611], %dot_general3A_607 {strides = array<i32>} : memref<14336x128xf32, #tpu.memory_space<vmem>>, vector<128x64xf32>,
    %swap3A_613 = arith.constant 6912 : index
    %swap3A_614 = arith.constant 64 : index
    %swap3A_615 = vector.load %arg2[%swap3A_613, %swap3A_614] : memref<14336x128xf32, #tpu.memory_space<vmem>>, vector<128x64xf32>
    tpu.vector_store %arg2[%swap3A_613, %swap3A_614], %dot_general3A_609 {strides = array<i32>} : memref<14336x128xf32, #tpu.memory_space<vmem>>, vector<128x64xf32>,
    %slice3A_616 = vector.extract_strided_slice %get3A_1 {offsets = [0, 14080], sizes = [64, 256], strides = [1, 1]} : vector<64x28672xf32> to vector<64x256xf32>
    %dot_general3A_617 = arith.constant dense<0.000000e+00> : vector<128x64xf32>
    %dot_general3A_618 = tpu.matmul %convert_element_type3A_5, %slice3A_616, %dot_general3A_617 {dimension_numbers = #tpu.dot_dimension_numbers<[1], [1], [0], [0], [0, 0, 1, 0], [], []>, transpose_lhs_hint = false} : vector<128x256xf32>, vector<64x256xf32>, vector<128x64xf32> -> vector<128x64xf32>
    %dot_general3A_619 = arith.constant dense<0.000000e+00> : vector<128x64xf32>
    %dot_general3A_620 = tpu.matmul %convert_element_type3A_13, %slice3A_616, %dot_general3A_619 {dimension_numbers = #tpu.dot_dimension_numbers<[1], [1], [0], [0], [0, 0, 1, 0], [], []>, transpose_lhs_hint = false} : vector<128x256xf32>, vector<64x256xf32>, vector<128x64xf32> -> vector<128x64xf32>
    %swap3A_621 = arith.constant 7040 : index
    %swap3A_622 = arith.constant 0 : index
    %swap3A_623 = vector.load %arg2[%swap3A_621, %swap3A_622] : memref<14336x128xf32, #tpu.memory_space<vmem>>, vector<128x64xf32>
    tpu.vector_store %arg2[%swap3A_621, %swap3A_622], %dot_general3A_618 {strides = array<i32>} : memref<14336x128xf32, #tpu.memory_space<vmem>>, vector<128x64xf32>,
    %swap3A_624 = arith.constant 7040 : index
    %swap3A_625 = arith.constant 64 : index
    %swap3A_626 = vector.load %arg2[%swap3A_624, %swap3A_625] : memref<14336x128xf32, #tpu.memory_space<vmem>>, vector<128x64xf32>
    tpu.vector_store %arg2[%swap3A_624, %swap3A_625], %dot_general3A_620 {strides = array<i32>} : memref<14336x128xf32, #tpu.memory_space<vmem>>, vector<128x64xf32>,
    %slice3A_627 = vector.extract_strided_slice %get3A_1 {offsets = [0, 14336], sizes = [64, 256], strides = [1, 1]} : vector<64x28672xf32> to vector<64x256xf32>
    %dot_general3A_628 = arith.constant dense<0.000000e+00> : vector<128x64xf32>
    %dot_general3A_629 = tpu.matmul %convert_element_type3A_5, %slice3A_627, %dot_general3A_628 {dimension_numbers = #tpu.dot_dimension_numbers<[1], [1], [0], [0], [0, 0, 1, 0], [], []>, transpose_lhs_hint = false} : vector<128x256xf32>, vector<64x256xf32>, vector<128x64xf32> -> vector<128x64xf32>
    %dot_general3A_630 = arith.constant dense<0.000000e+00> : vector<128x64xf32>
    %dot_general3A_631 = tpu.matmul %convert_element_type3A_13, %slice3A_627, %dot_general3A_630 {dimension_numbers = #tpu.dot_dimension_numbers<[1], [1], [0], [0], [0, 0, 1, 0], [], []>, transpose_lhs_hint = false} : vector<128x256xf32>, vector<64x256xf32>, vector<128x64xf32> -> vector<128x64xf32>
    %swap3A_632 = arith.constant 7168 : index
    %swap3A_633 = arith.constant 0 : index
    %swap3A_634 = vector.load %arg2[%swap3A_632, %swap3A_633] : memref<14336x128xf32, #tpu.memory_space<vmem>>, vector<128x64xf32>
    tpu.vector_store %arg2[%swap3A_632, %swap3A_633], %dot_general3A_629 {strides = array<i32>} : memref<14336x128xf32, #tpu.memory_space<vmem>>, vector<128x64xf32>,
    %swap3A_635 = arith.constant 7168 : index
    %swap3A_636 = arith.constant 64 : index
    %swap3A_637 = vector.load %arg2[%swap3A_635, %swap3A_636] : memref<14336x128xf32, #tpu.memory_space<vmem>>, vector<128x64xf32>
    tpu.vector_store %arg2[%swap3A_635, %swap3A_636], %dot_general3A_631 {strides = array<i32>} : memref<14336x128xf32, #tpu.memory_space<vmem>>, vector<128x64xf32>,
    %slice3A_638 = vector.extract_strided_slice %get3A_1 {offsets = [0, 14592], sizes = [64, 256], strides = [1, 1]} : vector<64x28672xf32> to vector<64x256xf32>
    %dot_general3A_639 = arith.constant dense<0.000000e+00> : vector<128x64xf32>
    %dot_general3A_640 = tpu.matmul %convert_element_type3A_5, %slice3A_638, %dot_general3A_639 {dimension_numbers = #tpu.dot_dimension_numbers<[1], [1], [0], [0], [0, 0, 1, 0], [], []>, transpose_lhs_hint = false} : vector<128x256xf32>, vector<64x256xf32>, vector<128x64xf32> -> vector<128x64xf32>
    %dot_general3A_641 = arith.constant dense<0.000000e+00> : vector<128x64xf32>
    %dot_general3A_642 = tpu.matmul %convert_element_type3A_13, %slice3A_638, %dot_general3A_641 {dimension_numbers = #tpu.dot_dimension_numbers<[1], [1], [0], [0], [0, 0, 1, 0], [], []>, transpose_lhs_hint = false} : vector<128x256xf32>, vector<64x256xf32>, vector<128x64xf32> -> vector<128x64xf32>
    %swap3A_643 = arith.constant 7296 : index
    %swap3A_644 = arith.constant 0 : index
    %swap3A_645 = vector.load %arg2[%swap3A_643, %swap3A_644] : memref<14336x128xf32, #tpu.memory_space<vmem>>, vector<128x64xf32>
    tpu.vector_store %arg2[%swap3A_643, %swap3A_644], %dot_general3A_640 {strides = array<i32>} : memref<14336x128xf32, #tpu.memory_space<vmem>>, vector<128x64xf32>,
    %swap3A_646 = arith.constant 7296 : index
    %swap3A_647 = arith.constant 64 : index
    %swap3A_648 = vector.load %arg2[%swap3A_646, %swap3A_647] : memref<14336x128xf32, #tpu.memory_space<vmem>>, vector<128x64xf32>
    tpu.vector_store %arg2[%swap3A_646, %swap3A_647], %dot_general3A_642 {strides = array<i32>} : memref<14336x128xf32, #tpu.memory_space<vmem>>, vector<128x64xf32>,
    %slice3A_649 = vector.extract_strided_slice %get3A_1 {offsets = [0, 14848], sizes = [64, 256], strides = [1, 1]} : vector<64x28672xf32> to vector<64x256xf32>
    %dot_general3A_650 = arith.constant dense<0.000000e+00> : vector<128x64xf32>
    %dot_general3A_651 = tpu.matmul %convert_element_type3A_5, %slice3A_649, %dot_general3A_650 {dimension_numbers = #tpu.dot_dimension_numbers<[1], [1], [0], [0], [0, 0, 1, 0], [], []>, transpose_lhs_hint = false} : vector<128x256xf32>, vector<64x256xf32>, vector<128x64xf32> -> vector<128x64xf32>
    %dot_general3A_652 = arith.constant dense<0.000000e+00> : vector<128x64xf32>
    %dot_general3A_653 = tpu.matmul %convert_element_type3A_13, %slice3A_649, %dot_general3A_652 {dimension_numbers = #tpu.dot_dimension_numbers<[1], [1], [0], [0], [0, 0, 1, 0], [], []>, transpose_lhs_hint = false} : vector<128x256xf32>, vector<64x256xf32>, vector<128x64xf32> -> vector<128x64xf32>
    %swap3A_654 = arith.constant 7424 : index
    %swap3A_655 = arith.constant 0 : index
    %swap3A_656 = vector.load %arg2[%swap3A_654, %swap3A_655] : memref<14336x128xf32, #tpu.memory_space<vmem>>, vector<128x64xf32>
    tpu.vector_store %arg2[%swap3A_654, %swap3A_655], %dot_general3A_651 {strides = array<i32>} : memref<14336x128xf32, #tpu.memory_space<vmem>>, vector<128x64xf32>,
    %swap3A_657 = arith.constant 7424 : index
    %swap3A_658 = arith.constant 64 : index
    %swap3A_659 = vector.load %arg2[%swap3A_657, %swap3A_658] : memref<14336x128xf32, #tpu.memory_space<vmem>>, vector<128x64xf32>
    tpu.vector_store %arg2[%swap3A_657, %swap3A_658], %dot_general3A_653 {strides = array<i32>} : memref<14336x128xf32, #tpu.memory_space<vmem>>, vector<128x64xf32>,
    %slice3A_660 = vector.extract_strided_slice %get3A_1 {offsets = [0, 15104], sizes = [64, 256], strides = [1, 1]} : vector<64x28672xf32> to vector<64x256xf32>
    %dot_general3A_661 = arith.constant dense<0.000000e+00> : vector<128x64xf32>
    %dot_general3A_662 = tpu.matmul %convert_element_type3A_5, %slice3A_660, %dot_general3A_661 {dimension_numbers = #tpu.dot_dimension_numbers<[1], [1], [0], [0], [0, 0, 1, 0], [], []>, transpose_lhs_hint = false} : vector<128x256xf32>, vector<64x256xf32>, vector<128x64xf32> -> vector<128x64xf32>
    %dot_general3A_663 = arith.constant dense<0.000000e+00> : vector<128x64xf32>
    %dot_general3A_664 = tpu.matmul %convert_element_type3A_13, %slice3A_660, %dot_general3A_663 {dimension_numbers = #tpu.dot_dimension_numbers<[1], [1], [0], [0], [0, 0, 1, 0], [], []>, transpose_lhs_hint = false} : vector<128x256xf32>, vector<64x256xf32>, vector<128x64xf32> -> vector<128x64xf32>
    %swap3A_665 = arith.constant 7552 : index
    %swap3A_666 = arith.constant 0 : index
    %swap3A_667 = vector.load %arg2[%swap3A_665, %swap3A_666] : memref<14336x128xf32, #tpu.memory_space<vmem>>, vector<128x64xf32>
    tpu.vector_store %arg2[%swap3A_665, %swap3A_666], %dot_general3A_662 {strides = array<i32>} : memref<14336x128xf32, #tpu.memory_space<vmem>>, vector<128x64xf32>,
    %swap3A_668 = arith.constant 7552 : index
    %swap3A_669 = arith.constant 64 : index
    %swap3A_670 = vector.load %arg2[%swap3A_668, %swap3A_669] : memref<14336x128xf32, #tpu.memory_space<vmem>>, vector<128x64xf32>
    tpu.vector_store %arg2[%swap3A_668, %swap3A_669], %dot_general3A_664 {strides = array<i32>} : memref<14336x128xf32, #tpu.memory_space<vmem>>, vector<128x64xf32>,
    %slice3A_671 = vector.extract_strided_slice %get3A_1 {offsets = [0, 15360], sizes = [64, 256], strides = [1, 1]} : vector<64x28672xf32> to vector<64x256xf32>
    %dot_general3A_672 = arith.constant dense<0.000000e+00> : vector<128x64xf32>
    %dot_general3A_673 = tpu.matmul %convert_element_type3A_5, %slice3A_671, %dot_general3A_672 {dimension_numbers = #tpu.dot_dimension_numbers<[1], [1], [0], [0], [0, 0, 1, 0], [], []>, transpose_lhs_hint = false} : vector<128x256xf32>, vector<64x256xf32>, vector<128x64xf32> -> vector<128x64xf32>
    %dot_general3A_674 = arith.constant dense<0.000000e+00> : vector<128x64xf32>
    %dot_general3A_675 = tpu.matmul %convert_element_type3A_13, %slice3A_671, %dot_general3A_674 {dimension_numbers = #tpu.dot_dimension_numbers<[1], [1], [0], [0], [0, 0, 1, 0], [], []>, transpose_lhs_hint = false} : vector<128x256xf32>, vector<64x256xf32>, vector<128x64xf32> -> vector<128x64xf32>
    %swap3A_676 = arith.constant 7680 : index
    %swap3A_677 = arith.constant 0 : index
    %swap3A_678 = vector.load %arg2[%swap3A_676, %swap3A_677] : memref<14336x128xf32, #tpu.memory_space<vmem>>, vector<128x64xf32>
    tpu.vector_store %arg2[%swap3A_676, %swap3A_677], %dot_general3A_673 {strides = array<i32>} : memref<14336x128xf32, #tpu.memory_space<vmem>>, vector<128x64xf32>,
    %swap3A_679 = arith.constant 7680 : index
    %swap3A_680 = arith.constant 64 : index
    %swap3A_681 = vector.load %arg2[%swap3A_679, %swap3A_680] : memref<14336x128xf32, #tpu.memory_space<vmem>>, vector<128x64xf32>
    tpu.vector_store %arg2[%swap3A_679, %swap3A_680], %dot_general3A_675 {strides = array<i32>} : memref<14336x128xf32, #tpu.memory_space<vmem>>, vector<128x64xf32>,
    %slice3A_682 = vector.extract_strided_slice %get3A_1 {offsets = [0, 15616], sizes = [64, 256], strides = [1, 1]} : vector<64x28672xf32> to vector<64x256xf32>
    %dot_general3A_683 = arith.constant dense<0.000000e+00> : vector<128x64xf32>
    %dot_general3A_684 = tpu.matmul %convert_element_type3A_5, %slice3A_682, %dot_general3A_683 {dimension_numbers = #tpu.dot_dimension_numbers<[1], [1], [0], [0], [0, 0, 1, 0], [], []>, transpose_lhs_hint = false} : vector<128x256xf32>, vector<64x256xf32>, vector<128x64xf32> -> vector<128x64xf32>
    %dot_general3A_685 = arith.constant dense<0.000000e+00> : vector<128x64xf32>
    %dot_general3A_686 = tpu.matmul %convert_element_type3A_13, %slice3A_682, %dot_general3A_685 {dimension_numbers = #tpu.dot_dimension_numbers<[1], [1], [0], [0], [0, 0, 1, 0], [], []>, transpose_lhs_hint = false} : vector<128x256xf32>, vector<64x256xf32>, vector<128x64xf32> -> vector<128x64xf32>
    %swap3A_687 = arith.constant 7808 : index
    %swap3A_688 = arith.constant 0 : index
    %swap3A_689 = vector.load %arg2[%swap3A_687, %swap3A_688] : memref<14336x128xf32, #tpu.memory_space<vmem>>, vector<128x64xf32>
    tpu.vector_store %arg2[%swap3A_687, %swap3A_688], %dot_general3A_684 {strides = array<i32>} : memref<14336x128xf32, #tpu.memory_space<vmem>>, vector<128x64xf32>,
    %swap3A_690 = arith.constant 7808 : index
    %swap3A_691 = arith.constant 64 : index
    %swap3A_692 = vector.load %arg2[%swap3A_690, %swap3A_691] : memref<14336x128xf32, #tpu.memory_space<vmem>>, vector<128x64xf32>
    tpu.vector_store %arg2[%swap3A_690, %swap3A_691], %dot_general3A_686 {strides = array<i32>} : memref<14336x128xf32, #tpu.memory_space<vmem>>, vector<128x64xf32>,
    %slice3A_693 = vector.extract_strided_slice %get3A_1 {offsets = [0, 15872], sizes = [64, 256], strides = [1, 1]} : vector<64x28672xf32> to vector<64x256xf32>
    %dot_general3A_694 = arith.constant dense<0.000000e+00> : vector<128x64xf32>
    %dot_general3A_695 = tpu.matmul %convert_element_type3A_5, %slice3A_693, %dot_general3A_694 {dimension_numbers = #tpu.dot_dimension_numbers<[1], [1], [0], [0], [0, 0, 1, 0], [], []>, transpose_lhs_hint = false} : vector<128x256xf32>, vector<64x256xf32>, vector<128x64xf32> -> vector<128x64xf32>
    %dot_general3A_696 = arith.constant dense<0.000000e+00> : vector<128x64xf32>
    %dot_general3A_697 = tpu.matmul %convert_element_type3A_13, %slice3A_693, %dot_general3A_696 {dimension_numbers = #tpu.dot_dimension_numbers<[1], [1], [0], [0], [0, 0, 1, 0], [], []>, transpose_lhs_hint = false} : vector<128x256xf32>, vector<64x256xf32>, vector<128x64xf32> -> vector<128x64xf32>
    %swap3A_698 = arith.constant 7936 : index
    %swap3A_699 = arith.constant 0 : index
    %swap3A_700 = vector.load %arg2[%swap3A_698, %swap3A_699] : memref<14336x128xf32, #tpu.memory_space<vmem>>, vector<128x64xf32>
    tpu.vector_store %arg2[%swap3A_698, %swap3A_699], %dot_general3A_695 {strides = array<i32>} : memref<14336x128xf32, #tpu.memory_space<vmem>>, vector<128x64xf32>,
    %swap3A_701 = arith.constant 7936 : index
    %swap3A_702 = arith.constant 64 : index
    %swap3A_703 = vector.load %arg2[%swap3A_701, %swap3A_702] : memref<14336x128xf32, #tpu.memory_space<vmem>>, vector<128x64xf32>
    tpu.vector_store %arg2[%swap3A_701, %swap3A_702], %dot_general3A_697 {strides = array<i32>} : memref<14336x128xf32, #tpu.memory_space<vmem>>, vector<128x64xf32>,
    %slice3A_704 = vector.extract_strided_slice %get3A_1 {offsets = [0, 16128], sizes = [64, 256], strides = [1, 1]} : vector<64x28672xf32> to vector<64x256xf32>
    %dot_general3A_705 = arith.constant dense<0.000000e+00> : vector<128x64xf32>
    %dot_general3A_706 = tpu.matmul %convert_element_type3A_5, %slice3A_704, %dot_general3A_705 {dimension_numbers = #tpu.dot_dimension_numbers<[1], [1], [0], [0], [0, 0, 1, 0], [], []>, transpose_lhs_hint = false} : vector<128x256xf32>, vector<64x256xf32>, vector<128x64xf32> -> vector<128x64xf32>
    %dot_general3A_707 = arith.constant dense<0.000000e+00> : vector<128x64xf32>
    %dot_general3A_708 = tpu.matmul %convert_element_type3A_13, %slice3A_704, %dot_general3A_707 {dimension_numbers = #tpu.dot_dimension_numbers<[1], [1], [0], [0], [0, 0, 1, 0], [], []>, transpose_lhs_hint = false} : vector<128x256xf32>, vector<64x256xf32>, vector<128x64xf32> -> vector<128x64xf32>
    %swap3A_709 = arith.constant 8064 : index
    %swap3A_710 = arith.constant 0 : index
    %swap3A_711 = vector.load %arg2[%swap3A_709, %swap3A_710] : memref<14336x128xf32, #tpu.memory_space<vmem>>, vector<128x64xf32>
    tpu.vector_store %arg2[%swap3A_709, %swap3A_710], %dot_general3A_706 {strides = array<i32>} : memref<14336x128xf32, #tpu.memory_space<vmem>>, vector<128x64xf32>,
    %swap3A_712 = arith.constant 8064 : index
    %swap3A_713 = arith.constant 64 : index
    %swap3A_714 = vector.load %arg2[%swap3A_712, %swap3A_713] : memref<14336x128xf32, #tpu.memory_space<vmem>>, vector<128x64xf32>
    tpu.vector_store %arg2[%swap3A_712, %swap3A_713], %dot_general3A_708 {strides = array<i32>} : memref<14336x128xf32, #tpu.memory_space<vmem>>, vector<128x64xf32>,
    %slice3A_715 = vector.extract_strided_slice %get3A_1 {offsets = [0, 16384], sizes = [64, 256], strides = [1, 1]} : vector<64x28672xf32> to vector<64x256xf32>
    %dot_general3A_716 = arith.constant dense<0.000000e+00> : vector<128x64xf32>
    %dot_general3A_717 = tpu.matmul %convert_element_type3A_5, %slice3A_715, %dot_general3A_716 {dimension_numbers = #tpu.dot_dimension_numbers<[1], [1], [0], [0], [0, 0, 1, 0], [], []>, transpose_lhs_hint = false} : vector<128x256xf32>, vector<64x256xf32>, vector<128x64xf32> -> vector<128x64xf32>
    %dot_general3A_718 = arith.constant dense<0.000000e+00> : vector<128x64xf32>
    %dot_general3A_719 = tpu.matmul %convert_element_type3A_13, %slice3A_715, %dot_general3A_718 {dimension_numbers = #tpu.dot_dimension_numbers<[1], [1], [0], [0], [0, 0, 1, 0], [], []>, transpose_lhs_hint = false} : vector<128x256xf32>, vector<64x256xf32>, vector<128x64xf32> -> vector<128x64xf32>
    %swap3A_720 = arith.constant 8192 : index
    %swap3A_721 = arith.constant 0 : index
    %swap3A_722 = vector.load %arg2[%swap3A_720, %swap3A_721] : memref<14336x128xf32, #tpu.memory_space<vmem>>, vector<128x64xf32>
    tpu.vector_store %arg2[%swap3A_720, %swap3A_721], %dot_general3A_717 {strides = array<i32>} : memref<14336x128xf32, #tpu.memory_space<vmem>>, vector<128x64xf32>,
    %swap3A_723 = arith.constant 8192 : index
    %swap3A_724 = arith.constant 64 : index
    %swap3A_725 = vector.load %arg2[%swap3A_723, %swap3A_724] : memref<14336x128xf32, #tpu.memory_space<vmem>>, vector<128x64xf32>
    tpu.vector_store %arg2[%swap3A_723, %swap3A_724], %dot_general3A_719 {strides = array<i32>} : memref<14336x128xf32, #tpu.memory_space<vmem>>, vector<128x64xf32>,
    %slice3A_726 = vector.extract_strided_slice %get3A_1 {offsets = [0, 16640], sizes = [64, 256], strides = [1, 1]} : vector<64x28672xf32> to vector<64x256xf32>
    %dot_general3A_727 = arith.constant dense<0.000000e+00> : vector<128x64xf32>
    %dot_general3A_728 = tpu.matmul %convert_element_type3A_5, %slice3A_726, %dot_general3A_727 {dimension_numbers = #tpu.dot_dimension_numbers<[1], [1], [0], [0], [0, 0, 1, 0], [], []>, transpose_lhs_hint = false} : vector<128x256xf32>, vector<64x256xf32>, vector<128x64xf32> -> vector<128x64xf32>
    %dot_general3A_729 = arith.constant dense<0.000000e+00> : vector<128x64xf32>
    %dot_general3A_730 = tpu.matmul %convert_element_type3A_13, %slice3A_726, %dot_general3A_729 {dimension_numbers = #tpu.dot_dimension_numbers<[1], [1], [0], [0], [0, 0, 1, 0], [], []>, transpose_lhs_hint = false} : vector<128x256xf32>, vector<64x256xf32>, vector<128x64xf32> -> vector<128x64xf32>
    %swap3A_731 = arith.constant 8320 : index
    %swap3A_732 = arith.constant 0 : index
    %swap3A_733 = vector.load %arg2[%swap3A_731, %swap3A_732] : memref<14336x128xf32, #tpu.memory_space<vmem>>, vector<128x64xf32>
    tpu.vector_store %arg2[%swap3A_731, %swap3A_732], %dot_general3A_728 {strides = array<i32>} : memref<14336x128xf32, #tpu.memory_space<vmem>>, vector<128x64xf32>,
    %swap3A_734 = arith.constant 8320 : index
    %swap3A_735 = arith.constant 64 : index
    %swap3A_736 = vector.load %arg2[%swap3A_734, %swap3A_735] : memref<14336x128xf32, #tpu.memory_space<vmem>>, vector<128x64xf32>
    tpu.vector_store %arg2[%swap3A_734, %swap3A_735], %dot_general3A_730 {strides = array<i32>} : memref<14336x128xf32, #tpu.memory_space<vmem>>, vector<128x64xf32>,
    %slice3A_737 = vector.extract_strided_slice %get3A_1 {offsets = [0, 16896], sizes = [64, 256], strides = [1, 1]} : vector<64x28672xf32> to vector<64x256xf32>
    %dot_general3A_738 = arith.constant dense<0.000000e+00> : vector<128x64xf32>
    %dot_general3A_739 = tpu.matmul %convert_element_type3A_5, %slice3A_737, %dot_general3A_738 {dimension_numbers = #tpu.dot_dimension_numbers<[1], [1], [0], [0], [0, 0, 1, 0], [], []>, transpose_lhs_hint = false} : vector<128x256xf32>, vector<64x256xf32>, vector<128x64xf32> -> vector<128x64xf32>
    %dot_general3A_740 = arith.constant dense<0.000000e+00> : vector<128x64xf32>
    %dot_general3A_741 = tpu.matmul %convert_element_type3A_13, %slice3A_737, %dot_general3A_740 {dimension_numbers = #tpu.dot_dimension_numbers<[1], [1], [0], [0], [0, 0, 1, 0], [], []>, transpose_lhs_hint = false} : vector<128x256xf32>, vector<64x256xf32>, vector<128x64xf32> -> vector<128x64xf32>
    %swap3A_742 = arith.constant 8448 : index
    %swap3A_743 = arith.constant 0 : index
    %swap3A_744 = vector.load %arg2[%swap3A_742, %swap3A_743] : memref<14336x128xf32, #tpu.memory_space<vmem>>, vector<128x64xf32>
    tpu.vector_store %arg2[%swap3A_742, %swap3A_743], %dot_general3A_739 {strides = array<i32>} : memref<14336x128xf32, #tpu.memory_space<vmem>>, vector<128x64xf32>,
    %swap3A_745 = arith.constant 8448 : index
    %swap3A_746 = arith.constant 64 : index
    %swap3A_747 = vector.load %arg2[%swap3A_745, %swap3A_746] : memref<14336x128xf32, #tpu.memory_space<vmem>>, vector<128x64xf32>
    tpu.vector_store %arg2[%swap3A_745, %swap3A_746], %dot_general3A_741 {strides = array<i32>} : memref<14336x128xf32, #tpu.memory_space<vmem>>, vector<128x64xf32>,
    %slice3A_748 = vector.extract_strided_slice %get3A_1 {offsets = [0, 17152], sizes = [64, 256], strides = [1, 1]} : vector<64x28672xf32> to vector<64x256xf32>
    %dot_general3A_749 = arith.constant dense<0.000000e+00> : vector<128x64xf32>
    %dot_general3A_750 = tpu.matmul %convert_element_type3A_5, %slice3A_748, %dot_general3A_749 {dimension_numbers = #tpu.dot_dimension_numbers<[1], [1], [0], [0], [0, 0, 1, 0], [], []>, transpose_lhs_hint = false} : vector<128x256xf32>, vector<64x256xf32>, vector<128x64xf32> -> vector<128x64xf32>
    %dot_general3A_751 = arith.constant dense<0.000000e+00> : vector<128x64xf32>
    %dot_general3A_752 = tpu.matmul %convert_element_type3A_13, %slice3A_748, %dot_general3A_751 {dimension_numbers = #tpu.dot_dimension_numbers<[1], [1], [0], [0], [0, 0, 1, 0], [], []>, transpose_lhs_hint = false} : vector<128x256xf32>, vector<64x256xf32>, vector<128x64xf32> -> vector<128x64xf32>
    %swap3A_753 = arith.constant 8576 : index
    %swap3A_754 = arith.constant 0 : index
    %swap3A_755 = vector.load %arg2[%swap3A_753, %swap3A_754] : memref<14336x128xf32, #tpu.memory_space<vmem>>, vector<128x64xf32>
    tpu.vector_store %arg2[%swap3A_753, %swap3A_754], %dot_general3A_750 {strides = array<i32>} : memref<14336x128xf32, #tpu.memory_space<vmem>>, vector<128x64xf32>,
    %swap3A_756 = arith.constant 8576 : index
    %swap3A_757 = arith.constant 64 : index
    %swap3A_758 = vector.load %arg2[%swap3A_756, %swap3A_757] : memref<14336x128xf32, #tpu.memory_space<vmem>>, vector<128x64xf32>
    tpu.vector_store %arg2[%swap3A_756, %swap3A_757], %dot_general3A_752 {strides = array<i32>} : memref<14336x128xf32, #tpu.memory_space<vmem>>, vector<128x64xf32>,
    %slice3A_759 = vector.extract_strided_slice %get3A_1 {offsets = [0, 17408], sizes = [64, 256], strides = [1, 1]} : vector<64x28672xf32> to vector<64x256xf32>
    %dot_general3A_760 = arith.constant dense<0.000000e+00> : vector<128x64xf32>
    %dot_general3A_761 = tpu.matmul %convert_element_type3A_5, %slice3A_759, %dot_general3A_760 {dimension_numbers = #tpu.dot_dimension_numbers<[1], [1], [0], [0], [0, 0, 1, 0], [], []>, transpose_lhs_hint = false} : vector<128x256xf32>, vector<64x256xf32>, vector<128x64xf32> -> vector<128x64xf32>
    %dot_general3A_762 = arith.constant dense<0.000000e+00> : vector<128x64xf32>
    %dot_general3A_763 = tpu.matmul %convert_element_type3A_13, %slice3A_759, %dot_general3A_762 {dimension_numbers = #tpu.dot_dimension_numbers<[1], [1], [0], [0], [0, 0, 1, 0], [], []>, transpose_lhs_hint = false} : vector<128x256xf32>, vector<64x256xf32>, vector<128x64xf32> -> vector<128x64xf32>
    %swap3A_764 = arith.constant 8704 : index
    %swap3A_765 = arith.constant 0 : index
    %swap3A_766 = vector.load %arg2[%swap3A_764, %swap3A_765] : memref<14336x128xf32, #tpu.memory_space<vmem>>, vector<128x64xf32>
    tpu.vector_store %arg2[%swap3A_764, %swap3A_765], %dot_general3A_761 {strides = array<i32>} : memref<14336x128xf32, #tpu.memory_space<vmem>>, vector<128x64xf32>,
    %swap3A_767 = arith.constant 8704 : index
    %swap3A_768 = arith.constant 64 : index
    %swap3A_769 = vector.load %arg2[%swap3A_767, %swap3A_768] : memref<14336x128xf32, #tpu.memory_space<vmem>>, vector<128x64xf32>
    tpu.vector_store %arg2[%swap3A_767, %swap3A_768], %dot_general3A_763 {strides = array<i32>} : memref<14336x128xf32, #tpu.memory_space<vmem>>, vector<128x64xf32>,
    %slice3A_770 = vector.extract_strided_slice %get3A_1 {offsets = [0, 17664], sizes = [64, 256], strides = [1, 1]} : vector<64x28672xf32> to vector<64x256xf32>
    %dot_general3A_771 = arith.constant dense<0.000000e+00> : vector<128x64xf32>
    %dot_general3A_772 = tpu.matmul %convert_element_type3A_5, %slice3A_770, %dot_general3A_771 {dimension_numbers = #tpu.dot_dimension_numbers<[1], [1], [0], [0], [0, 0, 1, 0], [], []>, transpose_lhs_hint = false} : vector<128x256xf32>, vector<64x256xf32>, vector<128x64xf32> -> vector<128x64xf32>
    %dot_general3A_773 = arith.constant dense<0.000000e+00> : vector<128x64xf32>
    %dot_general3A_774 = tpu.matmul %convert_element_type3A_13, %slice3A_770, %dot_general3A_773 {dimension_numbers = #tpu.dot_dimension_numbers<[1], [1], [0], [0], [0, 0, 1, 0], [], []>, transpose_lhs_hint = false} : vector<128x256xf32>, vector<64x256xf32>, vector<128x64xf32> -> vector<128x64xf32>
    %swap3A_775 = arith.constant 8832 : index
    %swap3A_776 = arith.constant 0 : index
    %swap3A_777 = vector.load %arg2[%swap3A_775, %swap3A_776] : memref<14336x128xf32, #tpu.memory_space<vmem>>, vector<128x64xf32>
    tpu.vector_store %arg2[%swap3A_775, %swap3A_776], %dot_general3A_772 {strides = array<i32>} : memref<14336x128xf32, #tpu.memory_space<vmem>>, vector<128x64xf32>,
    %swap3A_778 = arith.constant 8832 : index
    %swap3A_779 = arith.constant 64 : index
    %swap3A_780 = vector.load %arg2[%swap3A_778, %swap3A_779] : memref<14336x128xf32, #tpu.memory_space<vmem>>, vector<128x64xf32>
    tpu.vector_store %arg2[%swap3A_778, %swap3A_779], %dot_general3A_774 {strides = array<i32>} : memref<14336x128xf32, #tpu.memory_space<vmem>>, vector<128x64xf32>,
    %slice3A_781 = vector.extract_strided_slice %get3A_1 {offsets = [0, 17920], sizes = [64, 256], strides = [1, 1]} : vector<64x28672xf32> to vector<64x256xf32>
    %dot_general3A_782 = arith.constant dense<0.000000e+00> : vector<128x64xf32>
    %dot_general3A_783 = tpu.matmul %convert_element_type3A_5, %slice3A_781, %dot_general3A_782 {dimension_numbers = #tpu.dot_dimension_numbers<[1], [1], [0], [0], [0, 0, 1, 0], [], []>, transpose_lhs_hint = false} : vector<128x256xf32>, vector<64x256xf32>, vector<128x64xf32> -> vector<128x64xf32>
    %dot_general3A_784 = arith.constant dense<0.000000e+00> : vector<128x64xf32>
    %dot_general3A_785 = tpu.matmul %convert_element_type3A_13, %slice3A_781, %dot_general3A_784 {dimension_numbers = #tpu.dot_dimension_numbers<[1], [1], [0], [0], [0, 0, 1, 0], [], []>, transpose_lhs_hint = false} : vector<128x256xf32>, vector<64x256xf32>, vector<128x64xf32> -> vector<128x64xf32>
    %swap3A_786 = arith.constant 8960 : index
    %swap3A_787 = arith.constant 0 : index
    %swap3A_788 = vector.load %arg2[%swap3A_786, %swap3A_787] : memref<14336x128xf32, #tpu.memory_space<vmem>>, vector<128x64xf32>
    tpu.vector_store %arg2[%swap3A_786, %swap3A_787], %dot_general3A_783 {strides = array<i32>} : memref<14336x128xf32, #tpu.memory_space<vmem>>, vector<128x64xf32>,
    %swap3A_789 = arith.constant 8960 : index
    %swap3A_790 = arith.constant 64 : index
    %swap3A_791 = vector.load %arg2[%swap3A_789, %swap3A_790] : memref<14336x128xf32, #tpu.memory_space<vmem>>, vector<128x64xf32>
    tpu.vector_store %arg2[%swap3A_789, %swap3A_790], %dot_general3A_785 {strides = array<i32>} : memref<14336x128xf32, #tpu.memory_space<vmem>>, vector<128x64xf32>,
    %slice3A_792 = vector.extract_strided_slice %get3A_1 {offsets = [0, 18176], sizes = [64, 256], strides = [1, 1]} : vector<64x28672xf32> to vector<64x256xf32>
    %dot_general3A_793 = arith.constant dense<0.000000e+00> : vector<128x64xf32>
    %dot_general3A_794 = tpu.matmul %convert_element_type3A_5, %slice3A_792, %dot_general3A_793 {dimension_numbers = #tpu.dot_dimension_numbers<[1], [1], [0], [0], [0, 0, 1, 0], [], []>, transpose_lhs_hint = false} : vector<128x256xf32>, vector<64x256xf32>, vector<128x64xf32> -> vector<128x64xf32>
    %dot_general3A_795 = arith.constant dense<0.000000e+00> : vector<128x64xf32>
    %dot_general3A_796 = tpu.matmul %convert_element_type3A_13, %slice3A_792, %dot_general3A_795 {dimension_numbers = #tpu.dot_dimension_numbers<[1], [1], [0], [0], [0, 0, 1, 0], [], []>, transpose_lhs_hint = false} : vector<128x256xf32>, vector<64x256xf32>, vector<128x64xf32> -> vector<128x64xf32>
    %swap3A_797 = arith.constant 9088 : index
    %swap3A_798 = arith.constant 0 : index
    %swap3A_799 = vector.load %arg2[%swap3A_797, %swap3A_798] : memref<14336x128xf32, #tpu.memory_space<vmem>>, vector<128x64xf32>
    tpu.vector_store %arg2[%swap3A_797, %swap3A_798], %dot_general3A_794 {strides = array<i32>} : memref<14336x128xf32, #tpu.memory_space<vmem>>, vector<128x64xf32>,
    %swap3A_800 = arith.constant 9088 : index
    %swap3A_801 = arith.constant 64 : index
    %swap3A_802 = vector.load %arg2[%swap3A_800, %swap3A_801] : memref<14336x128xf32, #tpu.memory_space<vmem>>, vector<128x64xf32>
    tpu.vector_store %arg2[%swap3A_800, %swap3A_801], %dot_general3A_796 {strides = array<i32>} : memref<14336x128xf32, #tpu.memory_space<vmem>>, vector<128x64xf32>,
    %slice3A_803 = vector.extract_strided_slice %get3A_1 {offsets = [0, 18432], sizes = [64, 256], strides = [1, 1]} : vector<64x28672xf32> to vector<64x256xf32>
    %dot_general3A_804 = arith.constant dense<0.000000e+00> : vector<128x64xf32>
    %dot_general3A_805 = tpu.matmul %convert_element_type3A_5, %slice3A_803, %dot_general3A_804 {dimension_numbers = #tpu.dot_dimension_numbers<[1], [1], [0], [0], [0, 0, 1, 0], [], []>, transpose_lhs_hint = false} : vector<128x256xf32>, vector<64x256xf32>, vector<128x64xf32> -> vector<128x64xf32>
    %dot_general3A_806 = arith.constant dense<0.000000e+00> : vector<128x64xf32>
    %dot_general3A_807 = tpu.matmul %convert_element_type3A_13, %slice3A_803, %dot_general3A_806 {dimension_numbers = #tpu.dot_dimension_numbers<[1], [1], [0], [0], [0, 0, 1, 0], [], []>, transpose_lhs_hint = false} : vector<128x256xf32>, vector<64x256xf32>, vector<128x64xf32> -> vector<128x64xf32>
    %swap3A_808 = arith.constant 9216 : index
    %swap3A_809 = arith.constant 0 : index
    %swap3A_810 = vector.load %arg2[%swap3A_808, %swap3A_809] : memref<14336x128xf32, #tpu.memory_space<vmem>>, vector<128x64xf32>
    tpu.vector_store %arg2[%swap3A_808, %swap3A_809], %dot_general3A_805 {strides = array<i32>} : memref<14336x128xf32, #tpu.memory_space<vmem>>, vector<128x64xf32>,
    %swap3A_811 = arith.constant 9216 : index
    %swap3A_812 = arith.constant 64 : index
    %swap3A_813 = vector.load %arg2[%swap3A_811, %swap3A_812] : memref<14336x128xf32, #tpu.memory_space<vmem>>, vector<128x64xf32>
    tpu.vector_store %arg2[%swap3A_811, %swap3A_812], %dot_general3A_807 {strides = array<i32>} : memref<14336x128xf32, #tpu.memory_space<vmem>>, vector<128x64xf32>,
    %slice3A_814 = vector.extract_strided_slice %get3A_1 {offsets = [0, 18688], sizes = [64, 256], strides = [1, 1]} : vector<64x28672xf32> to vector<64x256xf32>
    %dot_general3A_815 = arith.constant dense<0.000000e+00> : vector<128x64xf32>
    %dot_general3A_816 = tpu.matmul %convert_element_type3A_5, %slice3A_814, %dot_general3A_815 {dimension_numbers = #tpu.dot_dimension_numbers<[1], [1], [0], [0], [0, 0, 1, 0], [], []>, transpose_lhs_hint = false} : vector<128x256xf32>, vector<64x256xf32>, vector<128x64xf32> -> vector<128x64xf32>
    %dot_general3A_817 = arith.constant dense<0.000000e+00> : vector<128x64xf32>
    %dot_general3A_818 = tpu.matmul %convert_element_type3A_13, %slice3A_814, %dot_general3A_817 {dimension_numbers = #tpu.dot_dimension_numbers<[1], [1], [0], [0], [0, 0, 1, 0], [], []>, transpose_lhs_hint = false} : vector<128x256xf32>, vector<64x256xf32>, vector<128x64xf32> -> vector<128x64xf32>
    %swap3A_819 = arith.constant 9344 : index
    %swap3A_820 = arith.constant 0 : index
    %swap3A_821 = vector.load %arg2[%swap3A_819, %swap3A_820] : memref<14336x128xf32, #tpu.memory_space<vmem>>, vector<128x64xf32>
    tpu.vector_store %arg2[%swap3A_819, %swap3A_820], %dot_general3A_816 {strides = array<i32>} : memref<14336x128xf32, #tpu.memory_space<vmem>>, vector<128x64xf32>,
    %swap3A_822 = arith.constant 9344 : index
    %swap3A_823 = arith.constant 64 : index
    %swap3A_824 = vector.load %arg2[%swap3A_822, %swap3A_823] : memref<14336x128xf32, #tpu.memory_space<vmem>>, vector<128x64xf32>
    tpu.vector_store %arg2[%swap3A_822, %swap3A_823], %dot_general3A_818 {strides = array<i32>} : memref<14336x128xf32, #tpu.memory_space<vmem>>, vector<128x64xf32>,
    %slice3A_825 = vector.extract_strided_slice %get3A_1 {offsets = [0, 18944], sizes = [64, 256], strides = [1, 1]} : vector<64x28672xf32> to vector<64x256xf32>
    %dot_general3A_826 = arith.constant dense<0.000000e+00> : vector<128x64xf32>
    %dot_general3A_827 = tpu.matmul %convert_element_type3A_5, %slice3A_825, %dot_general3A_826 {dimension_numbers = #tpu.dot_dimension_numbers<[1], [1], [0], [0], [0, 0, 1, 0], [], []>, transpose_lhs_hint = false} : vector<128x256xf32>, vector<64x256xf32>, vector<128x64xf32> -> vector<128x64xf32>
    %dot_general3A_828 = arith.constant dense<0.000000e+00> : vector<128x64xf32>
    %dot_general3A_829 = tpu.matmul %convert_element_type3A_13, %slice3A_825, %dot_general3A_828 {dimension_numbers = #tpu.dot_dimension_numbers<[1], [1], [0], [0], [0, 0, 1, 0], [], []>, transpose_lhs_hint = false} : vector<128x256xf32>, vector<64x256xf32>, vector<128x64xf32> -> vector<128x64xf32>
    %swap3A_830 = arith.constant 9472 : index
    %swap3A_831 = arith.constant 0 : index
    %swap3A_832 = vector.load %arg2[%swap3A_830, %swap3A_831] : memref<14336x128xf32, #tpu.memory_space<vmem>>, vector<128x64xf32>
    tpu.vector_store %arg2[%swap3A_830, %swap3A_831], %dot_general3A_827 {strides = array<i32>} : memref<14336x128xf32, #tpu.memory_space<vmem>>, vector<128x64xf32>,
    %swap3A_833 = arith.constant 9472 : index
    %swap3A_834 = arith.constant 64 : index
    %swap3A_835 = vector.load %arg2[%swap3A_833, %swap3A_834] : memref<14336x128xf32, #tpu.memory_space<vmem>>, vector<128x64xf32>
    tpu.vector_store %arg2[%swap3A_833, %swap3A_834], %dot_general3A_829 {strides = array<i32>} : memref<14336x128xf32, #tpu.memory_space<vmem>>, vector<128x64xf32>,
    %slice3A_836 = vector.extract_strided_slice %get3A_1 {offsets = [0, 19200], sizes = [64, 256], strides = [1, 1]} : vector<64x28672xf32> to vector<64x256xf32>
    %dot_general3A_837 = arith.constant dense<0.000000e+00> : vector<128x64xf32>
    %dot_general3A_838 = tpu.matmul %convert_element_type3A_5, %slice3A_836, %dot_general3A_837 {dimension_numbers = #tpu.dot_dimension_numbers<[1], [1], [0], [0], [0, 0, 1, 0], [], []>, transpose_lhs_hint = false} : vector<128x256xf32>, vector<64x256xf32>, vector<128x64xf32> -> vector<128x64xf32>
    %dot_general3A_839 = arith.constant dense<0.000000e+00> : vector<128x64xf32>
    %dot_general3A_840 = tpu.matmul %convert_element_type3A_13, %slice3A_836, %dot_general3A_839 {dimension_numbers = #tpu.dot_dimension_numbers<[1], [1], [0], [0], [0, 0, 1, 0], [], []>, transpose_lhs_hint = false} : vector<128x256xf32>, vector<64x256xf32>, vector<128x64xf32> -> vector<128x64xf32>
    %swap3A_841 = arith.constant 9600 : index
    %swap3A_842 = arith.constant 0 : index
    %swap3A_843 = vector.load %arg2[%swap3A_841, %swap3A_842] : memref<14336x128xf32, #tpu.memory_space<vmem>>, vector<128x64xf32>
    tpu.vector_store %arg2[%swap3A_841, %swap3A_842], %dot_general3A_838 {strides = array<i32>} : memref<14336x128xf32, #tpu.memory_space<vmem>>, vector<128x64xf32>,
    %swap3A_844 = arith.constant 9600 : index
    %swap3A_845 = arith.constant 64 : index
    %swap3A_846 = vector.load %arg2[%swap3A_844, %swap3A_845] : memref<14336x128xf32, #tpu.memory_space<vmem>>, vector<128x64xf32>
    tpu.vector_store %arg2[%swap3A_844, %swap3A_845], %dot_general3A_840 {strides = array<i32>} : memref<14336x128xf32, #tpu.memory_space<vmem>>, vector<128x64xf32>,
    %slice3A_847 = vector.extract_strided_slice %get3A_1 {offsets = [0, 19456], sizes = [64, 256], strides = [1, 1]} : vector<64x28672xf32> to vector<64x256xf32>
    %dot_general3A_848 = arith.constant dense<0.000000e+00> : vector<128x64xf32>
    %dot_general3A_849 = tpu.matmul %convert_element_type3A_5, %slice3A_847, %dot_general3A_848 {dimension_numbers = #tpu.dot_dimension_numbers<[1], [1], [0], [0], [0, 0, 1, 0], [], []>, transpose_lhs_hint = false} : vector<128x256xf32>, vector<64x256xf32>, vector<128x64xf32> -> vector<128x64xf32>
    %dot_general3A_850 = arith.constant dense<0.000000e+00> : vector<128x64xf32>
    %dot_general3A_851 = tpu.matmul %convert_element_type3A_13, %slice3A_847, %dot_general3A_850 {dimension_numbers = #tpu.dot_dimension_numbers<[1], [1], [0], [0], [0, 0, 1, 0], [], []>, transpose_lhs_hint = false} : vector<128x256xf32>, vector<64x256xf32>, vector<128x64xf32> -> vector<128x64xf32>
    %swap3A_852 = arith.constant 9728 : index
    %swap3A_853 = arith.constant 0 : index
    %swap3A_854 = vector.load %arg2[%swap3A_852, %swap3A_853] : memref<14336x128xf32, #tpu.memory_space<vmem>>, vector<128x64xf32>
    tpu.vector_store %arg2[%swap3A_852, %swap3A_853], %dot_general3A_849 {strides = array<i32>} : memref<14336x128xf32, #tpu.memory_space<vmem>>, vector<128x64xf32>,
    %swap3A_855 = arith.constant 9728 : index
    %swap3A_856 = arith.constant 64 : index
    %swap3A_857 = vector.load %arg2[%swap3A_855, %swap3A_856] : memref<14336x128xf32, #tpu.memory_space<vmem>>, vector<128x64xf32>
    tpu.vector_store %arg2[%swap3A_855, %swap3A_856], %dot_general3A_851 {strides = array<i32>} : memref<14336x128xf32, #tpu.memory_space<vmem>>, vector<128x64xf32>,
    %slice3A_858 = vector.extract_strided_slice %get3A_1 {offsets = [0, 19712], sizes = [64, 256], strides = [1, 1]} : vector<64x28672xf32> to vector<64x256xf32>
    %dot_general3A_859 = arith.constant dense<0.000000e+00> : vector<128x64xf32>
    %dot_general3A_860 = tpu.matmul %convert_element_type3A_5, %slice3A_858, %dot_general3A_859 {dimension_numbers = #tpu.dot_dimension_numbers<[1], [1], [0], [0], [0, 0, 1, 0], [], []>, transpose_lhs_hint = false} : vector<128x256xf32>, vector<64x256xf32>, vector<128x64xf32> -> vector<128x64xf32>
    %dot_general3A_861 = arith.constant dense<0.000000e+00> : vector<128x64xf32>
    %dot_general3A_862 = tpu.matmul %convert_element_type3A_13, %slice3A_858, %dot_general3A_861 {dimension_numbers = #tpu.dot_dimension_numbers<[1], [1], [0], [0], [0, 0, 1, 0], [], []>, transpose_lhs_hint = false} : vector<128x256xf32>, vector<64x256xf32>, vector<128x64xf32> -> vector<128x64xf32>
    %swap3A_863 = arith.constant 9856 : index
    %swap3A_864 = arith.constant 0 : index
    %swap3A_865 = vector.load %arg2[%swap3A_863, %swap3A_864] : memref<14336x128xf32, #tpu.memory_space<vmem>>, vector<128x64xf32>
    tpu.vector_store %arg2[%swap3A_863, %swap3A_864], %dot_general3A_860 {strides = array<i32>} : memref<14336x128xf32, #tpu.memory_space<vmem>>, vector<128x64xf32>,
    %swap3A_866 = arith.constant 9856 : index
    %swap3A_867 = arith.constant 64 : index
    %swap3A_868 = vector.load %arg2[%swap3A_866, %swap3A_867] : memref<14336x128xf32, #tpu.memory_space<vmem>>, vector<128x64xf32>
    tpu.vector_store %arg2[%swap3A_866, %swap3A_867], %dot_general3A_862 {strides = array<i32>} : memref<14336x128xf32, #tpu.memory_space<vmem>>, vector<128x64xf32>,
    %slice3A_869 = vector.extract_strided_slice %get3A_1 {offsets = [0, 19968], sizes = [64, 256], strides = [1, 1]} : vector<64x28672xf32> to vector<64x256xf32>
    %dot_general3A_870 = arith.constant dense<0.000000e+00> : vector<128x64xf32>
    %dot_general3A_871 = tpu.matmul %convert_element_type3A_5, %slice3A_869, %dot_general3A_870 {dimension_numbers = #tpu.dot_dimension_numbers<[1], [1], [0], [0], [0, 0, 1, 0], [], []>, transpose_lhs_hint = false} : vector<128x256xf32>, vector<64x256xf32>, vector<128x64xf32> -> vector<128x64xf32>
    %dot_general3A_872 = arith.constant dense<0.000000e+00> : vector<128x64xf32>
    %dot_general3A_873 = tpu.matmul %convert_element_type3A_13, %slice3A_869, %dot_general3A_872 {dimension_numbers = #tpu.dot_dimension_numbers<[1], [1], [0], [0], [0, 0, 1, 0], [], []>, transpose_lhs_hint = false} : vector<128x256xf32>, vector<64x256xf32>, vector<128x64xf32> -> vector<128x64xf32>
    %swap3A_874 = arith.constant 9984 : index
    %swap3A_875 = arith.constant 0 : index
    %swap3A_876 = vector.load %arg2[%swap3A_874, %swap3A_875] : memref<14336x128xf32, #tpu.memory_space<vmem>>, vector<128x64xf32>
    tpu.vector_store %arg2[%swap3A_874, %swap3A_875], %dot_general3A_871 {strides = array<i32>} : memref<14336x128xf32, #tpu.memory_space<vmem>>, vector<128x64xf32>,
    %swap3A_877 = arith.constant 9984 : index
    %swap3A_878 = arith.constant 64 : index
    %swap3A_879 = vector.load %arg2[%swap3A_877, %swap3A_878] : memref<14336x128xf32, #tpu.memory_space<vmem>>, vector<128x64xf32>
    tpu.vector_store %arg2[%swap3A_877, %swap3A_878], %dot_general3A_873 {strides = array<i32>} : memref<14336x128xf32, #tpu.memory_space<vmem>>, vector<128x64xf32>,
    %slice3A_880 = vector.extract_strided_slice %get3A_1 {offsets = [0, 20224], sizes = [64, 256], strides = [1, 1]} : vector<64x28672xf32> to vector<64x256xf32>
    %dot_general3A_881 = arith.constant dense<0.000000e+00> : vector<128x64xf32>
    %dot_general3A_882 = tpu.matmul %convert_element_type3A_5, %slice3A_880, %dot_general3A_881 {dimension_numbers = #tpu.dot_dimension_numbers<[1], [1], [0], [0], [0, 0, 1, 0], [], []>, transpose_lhs_hint = false} : vector<128x256xf32>, vector<64x256xf32>, vector<128x64xf32> -> vector<128x64xf32>
    %dot_general3A_883 = arith.constant dense<0.000000e+00> : vector<128x64xf32>
    %dot_general3A_884 = tpu.matmul %convert_element_type3A_13, %slice3A_880, %dot_general3A_883 {dimension_numbers = #tpu.dot_dimension_numbers<[1], [1], [0], [0], [0, 0, 1, 0], [], []>, transpose_lhs_hint = false} : vector<128x256xf32>, vector<64x256xf32>, vector<128x64xf32> -> vector<128x64xf32>
    %swap3A_885 = arith.constant 10112 : index
    %swap3A_886 = arith.constant 0 : index
    %swap3A_887 = vector.load %arg2[%swap3A_885, %swap3A_886] : memref<14336x128xf32, #tpu.memory_space<vmem>>, vector<128x64xf32>
    tpu.vector_store %arg2[%swap3A_885, %swap3A_886], %dot_general3A_882 {strides = array<i32>} : memref<14336x128xf32, #tpu.memory_space<vmem>>, vector<128x64xf32>,
    %swap3A_888 = arith.constant 10112 : index
    %swap3A_889 = arith.constant 64 : index
    %swap3A_890 = vector.load %arg2[%swap3A_888, %swap3A_889] : memref<14336x128xf32, #tpu.memory_space<vmem>>, vector<128x64xf32>
    tpu.vector_store %arg2[%swap3A_888, %swap3A_889], %dot_general3A_884 {strides = array<i32>} : memref<14336x128xf32, #tpu.memory_space<vmem>>, vector<128x64xf32>,
    %slice3A_891 = vector.extract_strided_slice %get3A_1 {offsets = [0, 20480], sizes = [64, 256], strides = [1, 1]} : vector<64x28672xf32> to vector<64x256xf32>
    %dot_general3A_892 = arith.constant dense<0.000000e+00> : vector<128x64xf32>
    %dot_general3A_893 = tpu.matmul %convert_element_type3A_5, %slice3A_891, %dot_general3A_892 {dimension_numbers = #tpu.dot_dimension_numbers<[1], [1], [0], [0], [0, 0, 1, 0], [], []>, transpose_lhs_hint = false} : vector<128x256xf32>, vector<64x256xf32>, vector<128x64xf32> -> vector<128x64xf32>
    %dot_general3A_894 = arith.constant dense<0.000000e+00> : vector<128x64xf32>
    %dot_general3A_895 = tpu.matmul %convert_element_type3A_13, %slice3A_891, %dot_general3A_894 {dimension_numbers = #tpu.dot_dimension_numbers<[1], [1], [0], [0], [0, 0, 1, 0], [], []>, transpose_lhs_hint = false} : vector<128x256xf32>, vector<64x256xf32>, vector<128x64xf32> -> vector<128x64xf32>
    %swap3A_896 = arith.constant 10240 : index
    %swap3A_897 = arith.constant 0 : index
    %swap3A_898 = vector.load %arg2[%swap3A_896, %swap3A_897] : memref<14336x128xf32, #tpu.memory_space<vmem>>, vector<128x64xf32>
    tpu.vector_store %arg2[%swap3A_896, %swap3A_897], %dot_general3A_893 {strides = array<i32>} : memref<14336x128xf32, #tpu.memory_space<vmem>>, vector<128x64xf32>,
    %swap3A_899 = arith.constant 10240 : index
    %swap3A_900 = arith.constant 64 : index
    %swap3A_901 = vector.load %arg2[%swap3A_899, %swap3A_900] : memref<14336x128xf32, #tpu.memory_space<vmem>>, vector<128x64xf32>
    tpu.vector_store %arg2[%swap3A_899, %swap3A_900], %dot_general3A_895 {strides = array<i32>} : memref<14336x128xf32, #tpu.memory_space<vmem>>, vector<128x64xf32>,
    %slice3A_902 = vector.extract_strided_slice %get3A_1 {offsets = [0, 20736], sizes = [64, 256], strides = [1, 1]} : vector<64x28672xf32> to vector<64x256xf32>
    %dot_general3A_903 = arith.constant dense<0.000000e+00> : vector<128x64xf32>
    %dot_general3A_904 = tpu.matmul %convert_element_type3A_5, %slice3A_902, %dot_general3A_903 {dimension_numbers = #tpu.dot_dimension_numbers<[1], [1], [0], [0], [0, 0, 1, 0], [], []>, transpose_lhs_hint = false} : vector<128x256xf32>, vector<64x256xf32>, vector<128x64xf32> -> vector<128x64xf32>
    %dot_general3A_905 = arith.constant dense<0.000000e+00> : vector<128x64xf32>
    %dot_general3A_906 = tpu.matmul %convert_element_type3A_13, %slice3A_902, %dot_general3A_905 {dimension_numbers = #tpu.dot_dimension_numbers<[1], [1], [0], [0], [0, 0, 1, 0], [], []>, transpose_lhs_hint = false} : vector<128x256xf32>, vector<64x256xf32>, vector<128x64xf32> -> vector<128x64xf32>
    %swap3A_907 = arith.constant 10368 : index
    %swap3A_908 = arith.constant 0 : index
    %swap3A_909 = vector.load %arg2[%swap3A_907, %swap3A_908] : memref<14336x128xf32, #tpu.memory_space<vmem>>, vector<128x64xf32>
    tpu.vector_store %arg2[%swap3A_907, %swap3A_908], %dot_general3A_904 {strides = array<i32>} : memref<14336x128xf32, #tpu.memory_space<vmem>>, vector<128x64xf32>,
    %swap3A_910 = arith.constant 10368 : index
    %swap3A_911 = arith.constant 64 : index
    %swap3A_912 = vector.load %arg2[%swap3A_910, %swap3A_911] : memref<14336x128xf32, #tpu.memory_space<vmem>>, vector<128x64xf32>
    tpu.vector_store %arg2[%swap3A_910, %swap3A_911], %dot_general3A_906 {strides = array<i32>} : memref<14336x128xf32, #tpu.memory_space<vmem>>, vector<128x64xf32>,
    %slice3A_913 = vector.extract_strided_slice %get3A_1 {offsets = [0, 20992], sizes = [64, 256], strides = [1, 1]} : vector<64x28672xf32> to vector<64x256xf32>
    %dot_general3A_914 = arith.constant dense<0.000000e+00> : vector<128x64xf32>
    %dot_general3A_915 = tpu.matmul %convert_element_type3A_5, %slice3A_913, %dot_general3A_914 {dimension_numbers = #tpu.dot_dimension_numbers<[1], [1], [0], [0], [0, 0, 1, 0], [], []>, transpose_lhs_hint = false} : vector<128x256xf32>, vector<64x256xf32>, vector<128x64xf32> -> vector<128x64xf32>
    %dot_general3A_916 = arith.constant dense<0.000000e+00> : vector<128x64xf32>
    %dot_general3A_917 = tpu.matmul %convert_element_type3A_13, %slice3A_913, %dot_general3A_916 {dimension_numbers = #tpu.dot_dimension_numbers<[1], [1], [0], [0], [0, 0, 1, 0], [], []>, transpose_lhs_hint = false} : vector<128x256xf32>, vector<64x256xf32>, vector<128x64xf32> -> vector<128x64xf32>
    %swap3A_918 = arith.constant 10496 : index
    %swap3A_919 = arith.constant 0 : index
    %swap3A_920 = vector.load %arg2[%swap3A_918, %swap3A_919] : memref<14336x128xf32, #tpu.memory_space<vmem>>, vector<128x64xf32>
    tpu.vector_store %arg2[%swap3A_918, %swap3A_919], %dot_general3A_915 {strides = array<i32>} : memref<14336x128xf32, #tpu.memory_space<vmem>>, vector<128x64xf32>,
    %swap3A_921 = arith.constant 10496 : index
    %swap3A_922 = arith.constant 64 : index
    %swap3A_923 = vector.load %arg2[%swap3A_921, %swap3A_922] : memref<14336x128xf32, #tpu.memory_space<vmem>>, vector<128x64xf32>
    tpu.vector_store %arg2[%swap3A_921, %swap3A_922], %dot_general3A_917 {strides = array<i32>} : memref<14336x128xf32, #tpu.memory_space<vmem>>, vector<128x64xf32>,
    %slice3A_924 = vector.extract_strided_slice %get3A_1 {offsets = [0, 21248], sizes = [64, 256], strides = [1, 1]} : vector<64x28672xf32> to vector<64x256xf32>
    %dot_general3A_925 = arith.constant dense<0.000000e+00> : vector<128x64xf32>
    %dot_general3A_926 = tpu.matmul %convert_element_type3A_5, %slice3A_924, %dot_general3A_925 {dimension_numbers = #tpu.dot_dimension_numbers<[1], [1], [0], [0], [0, 0, 1, 0], [], []>, transpose_lhs_hint = false} : vector<128x256xf32>, vector<64x256xf32>, vector<128x64xf32> -> vector<128x64xf32>
    %dot_general3A_927 = arith.constant dense<0.000000e+00> : vector<128x64xf32>
    %dot_general3A_928 = tpu.matmul %convert_element_type3A_13, %slice3A_924, %dot_general3A_927 {dimension_numbers = #tpu.dot_dimension_numbers<[1], [1], [0], [0], [0, 0, 1, 0], [], []>, transpose_lhs_hint = false} : vector<128x256xf32>, vector<64x256xf32>, vector<128x64xf32> -> vector<128x64xf32>
    %swap3A_929 = arith.constant 10624 : index
    %swap3A_930 = arith.constant 0 : index
    %swap3A_931 = vector.load %arg2[%swap3A_929, %swap3A_930] : memref<14336x128xf32, #tpu.memory_space<vmem>>, vector<128x64xf32>
    tpu.vector_store %arg2[%swap3A_929, %swap3A_930], %dot_general3A_926 {strides = array<i32>} : memref<14336x128xf32, #tpu.memory_space<vmem>>, vector<128x64xf32>,
    %swap3A_932 = arith.constant 10624 : index
    %swap3A_933 = arith.constant 64 : index
    %swap3A_934 = vector.load %arg2[%swap3A_932, %swap3A_933] : memref<14336x128xf32, #tpu.memory_space<vmem>>, vector<128x64xf32>
    tpu.vector_store %arg2[%swap3A_932, %swap3A_933], %dot_general3A_928 {strides = array<i32>} : memref<14336x128xf32, #tpu.memory_space<vmem>>, vector<128x64xf32>,
    %slice3A_935 = vector.extract_strided_slice %get3A_1 {offsets = [0, 21504], sizes = [64, 256], strides = [1, 1]} : vector<64x28672xf32> to vector<64x256xf32>
    %dot_general3A_936 = arith.constant dense<0.000000e+00> : vector<128x64xf32>
    %dot_general3A_937 = tpu.matmul %convert_element_type3A_5, %slice3A_935, %dot_general3A_936 {dimension_numbers = #tpu.dot_dimension_numbers<[1], [1], [0], [0], [0, 0, 1, 0], [], []>, transpose_lhs_hint = false} : vector<128x256xf32>, vector<64x256xf32>, vector<128x64xf32> -> vector<128x64xf32>
    %dot_general3A_938 = arith.constant dense<0.000000e+00> : vector<128x64xf32>
    %dot_general3A_939 = tpu.matmul %convert_element_type3A_13, %slice3A_935, %dot_general3A_938 {dimension_numbers = #tpu.dot_dimension_numbers<[1], [1], [0], [0], [0, 0, 1, 0], [], []>, transpose_lhs_hint = false} : vector<128x256xf32>, vector<64x256xf32>, vector<128x64xf32> -> vector<128x64xf32>
    %swap3A_940 = arith.constant 10752 : index
    %swap3A_941 = arith.constant 0 : index
    %swap3A_942 = vector.load %arg2[%swap3A_940, %swap3A_941] : memref<14336x128xf32, #tpu.memory_space<vmem>>, vector<128x64xf32>
    tpu.vector_store %arg2[%swap3A_940, %swap3A_941], %dot_general3A_937 {strides = array<i32>} : memref<14336x128xf32, #tpu.memory_space<vmem>>, vector<128x64xf32>,
    %swap3A_943 = arith.constant 10752 : index
    %swap3A_944 = arith.constant 64 : index
    %swap3A_945 = vector.load %arg2[%swap3A_943, %swap3A_944] : memref<14336x128xf32, #tpu.memory_space<vmem>>, vector<128x64xf32>
    tpu.vector_store %arg2[%swap3A_943, %swap3A_944], %dot_general3A_939 {strides = array<i32>} : memref<14336x128xf32, #tpu.memory_space<vmem>>, vector<128x64xf32>,
    %slice3A_946 = vector.extract_strided_slice %get3A_1 {offsets = [0, 21760], sizes = [64, 256], strides = [1, 1]} : vector<64x28672xf32> to vector<64x256xf32>
    %dot_general3A_947 = arith.constant dense<0.000000e+00> : vector<128x64xf32>
    %dot_general3A_948 = tpu.matmul %convert_element_type3A_5, %slice3A_946, %dot_general3A_947 {dimension_numbers = #tpu.dot_dimension_numbers<[1], [1], [0], [0], [0, 0, 1, 0], [], []>, transpose_lhs_hint = false} : vector<128x256xf32>, vector<64x256xf32>, vector<128x64xf32> -> vector<128x64xf32>
    %dot_general3A_949 = arith.constant dense<0.000000e+00> : vector<128x64xf32>
    %dot_general3A_950 = tpu.matmul %convert_element_type3A_13, %slice3A_946, %dot_general3A_949 {dimension_numbers = #tpu.dot_dimension_numbers<[1], [1], [0], [0], [0, 0, 1, 0], [], []>, transpose_lhs_hint = false} : vector<128x256xf32>, vector<64x256xf32>, vector<128x64xf32> -> vector<128x64xf32>
    %swap3A_951 = arith.constant 10880 : index
    %swap3A_952 = arith.constant 0 : index
    %swap3A_953 = vector.load %arg2[%swap3A_951, %swap3A_952] : memref<14336x128xf32, #tpu.memory_space<vmem>>, vector<128x64xf32>
    tpu.vector_store %arg2[%swap3A_951, %swap3A_952], %dot_general3A_948 {strides = array<i32>} : memref<14336x128xf32, #tpu.memory_space<vmem>>, vector<128x64xf32>,
    %swap3A_954 = arith.constant 10880 : index
    %swap3A_955 = arith.constant 64 : index
    %swap3A_956 = vector.load %arg2[%swap3A_954, %swap3A_955] : memref<14336x128xf32, #tpu.memory_space<vmem>>, vector<128x64xf32>
    tpu.vector_store %arg2[%swap3A_954, %swap3A_955], %dot_general3A_950 {strides = array<i32>} : memref<14336x128xf32, #tpu.memory_space<vmem>>, vector<128x64xf32>,
    %slice3A_957 = vector.extract_strided_slice %get3A_1 {offsets = [0, 22016], sizes = [64, 256], strides = [1, 1]} : vector<64x28672xf32> to vector<64x256xf32>
    %dot_general3A_958 = arith.constant dense<0.000000e+00> : vector<128x64xf32>
    %dot_general3A_959 = tpu.matmul %convert_element_type3A_5, %slice3A_957, %dot_general3A_958 {dimension_numbers = #tpu.dot_dimension_numbers<[1], [1], [0], [0], [0, 0, 1, 0], [], []>, transpose_lhs_hint = false} : vector<128x256xf32>, vector<64x256xf32>, vector<128x64xf32> -> vector<128x64xf32>
    %dot_general3A_960 = arith.constant dense<0.000000e+00> : vector<128x64xf32>
    %dot_general3A_961 = tpu.matmul %convert_element_type3A_13, %slice3A_957, %dot_general3A_960 {dimension_numbers = #tpu.dot_dimension_numbers<[1], [1], [0], [0], [0, 0, 1, 0], [], []>, transpose_lhs_hint = false} : vector<128x256xf32>, vector<64x256xf32>, vector<128x64xf32> -> vector<128x64xf32>
    %swap3A_962 = arith.constant 11008 : index
    %swap3A_963 = arith.constant 0 : index
    %swap3A_964 = vector.load %arg2[%swap3A_962, %swap3A_963] : memref<14336x128xf32, #tpu.memory_space<vmem>>, vector<128x64xf32>
    tpu.vector_store %arg2[%swap3A_962, %swap3A_963], %dot_general3A_959 {strides = array<i32>} : memref<14336x128xf32, #tpu.memory_space<vmem>>, vector<128x64xf32>,
    %swap3A_965 = arith.constant 11008 : index
    %swap3A_966 = arith.constant 64 : index
    %swap3A_967 = vector.load %arg2[%swap3A_965, %swap3A_966] : memref<14336x128xf32, #tpu.memory_space<vmem>>, vector<128x64xf32>
    tpu.vector_store %arg2[%swap3A_965, %swap3A_966], %dot_general3A_961 {strides = array<i32>} : memref<14336x128xf32, #tpu.memory_space<vmem>>, vector<128x64xf32>,
    %slice3A_968 = vector.extract_strided_slice %get3A_1 {offsets = [0, 22272], sizes = [64, 256], strides = [1, 1]} : vector<64x28672xf32> to vector<64x256xf32>
    %dot_general3A_969 = arith.constant dense<0.000000e+00> : vector<128x64xf32>
    %dot_general3A_970 = tpu.matmul %convert_element_type3A_5, %slice3A_968, %dot_general3A_969 {dimension_numbers = #tpu.dot_dimension_numbers<[1], [1], [0], [0], [0, 0, 1, 0], [], []>, transpose_lhs_hint = false} : vector<128x256xf32>, vector<64x256xf32>, vector<128x64xf32> -> vector<128x64xf32>
    %dot_general3A_971 = arith.constant dense<0.000000e+00> : vector<128x64xf32>
    %dot_general3A_972 = tpu.matmul %convert_element_type3A_13, %slice3A_968, %dot_general3A_971 {dimension_numbers = #tpu.dot_dimension_numbers<[1], [1], [0], [0], [0, 0, 1, 0], [], []>, transpose_lhs_hint = false} : vector<128x256xf32>, vector<64x256xf32>, vector<128x64xf32> -> vector<128x64xf32>
    %swap3A_973 = arith.constant 11136 : index
    %swap3A_974 = arith.constant 0 : index
    %swap3A_975 = vector.load %arg2[%swap3A_973, %swap3A_974] : memref<14336x128xf32, #tpu.memory_space<vmem>>, vector<128x64xf32>
    tpu.vector_store %arg2[%swap3A_973, %swap3A_974], %dot_general3A_970 {strides = array<i32>} : memref<14336x128xf32, #tpu.memory_space<vmem>>, vector<128x64xf32>,
    %swap3A_976 = arith.constant 11136 : index
    %swap3A_977 = arith.constant 64 : index
    %swap3A_978 = vector.load %arg2[%swap3A_976, %swap3A_977] : memref<14336x128xf32, #tpu.memory_space<vmem>>, vector<128x64xf32>
    tpu.vector_store %arg2[%swap3A_976, %swap3A_977], %dot_general3A_972 {strides = array<i32>} : memref<14336x128xf32, #tpu.memory_space<vmem>>, vector<128x64xf32>,
    %slice3A_979 = vector.extract_strided_slice %get3A_1 {offsets = [0, 22528], sizes = [64, 256], strides = [1, 1]} : vector<64x28672xf32> to vector<64x256xf32>
    %dot_general3A_980 = arith.constant dense<0.000000e+00> : vector<128x64xf32>
    %dot_general3A_981 = tpu.matmul %convert_element_type3A_5, %slice3A_979, %dot_general3A_980 {dimension_numbers = #tpu.dot_dimension_numbers<[1], [1], [0], [0], [0, 0, 1, 0], [], []>, transpose_lhs_hint = false} : vector<128x256xf32>, vector<64x256xf32>, vector<128x64xf32> -> vector<128x64xf32>
    %dot_general3A_982 = arith.constant dense<0.000000e+00> : vector<128x64xf32>
    %dot_general3A_983 = tpu.matmul %convert_element_type3A_13, %slice3A_979, %dot_general3A_982 {dimension_numbers = #tpu.dot_dimension_numbers<[1], [1], [0], [0], [0, 0, 1, 0], [], []>, transpose_lhs_hint = false} : vector<128x256xf32>, vector<64x256xf32>, vector<128x64xf32> -> vector<128x64xf32>
    %swap3A_984 = arith.constant 11264 : index
    %swap3A_985 = arith.constant 0 : index
    %swap3A_986 = vector.load %arg2[%swap3A_984, %swap3A_985] : memref<14336x128xf32, #tpu.memory_space<vmem>>, vector<128x64xf32>
    tpu.vector_store %arg2[%swap3A_984, %swap3A_985], %dot_general3A_981 {strides = array<i32>} : memref<14336x128xf32, #tpu.memory_space<vmem>>, vector<128x64xf32>,
    %swap3A_987 = arith.constant 11264 : index
    %swap3A_988 = arith.constant 64 : index
    %swap3A_989 = vector.load %arg2[%swap3A_987, %swap3A_988] : memref<14336x128xf32, #tpu.memory_space<vmem>>, vector<128x64xf32>
    tpu.vector_store %arg2[%swap3A_987, %swap3A_988], %dot_general3A_983 {strides = array<i32>} : memref<14336x128xf32, #tpu.memory_space<vmem>>, vector<128x64xf32>,
    %slice3A_990 = vector.extract_strided_slice %get3A_1 {offsets = [0, 22784], sizes = [64, 256], strides = [1, 1]} : vector<64x28672xf32> to vector<64x256xf32>
    %dot_general3A_991 = arith.constant dense<0.000000e+00> : vector<128x64xf32>
    %dot_general3A_992 = tpu.matmul %convert_element_type3A_5, %slice3A_990, %dot_general3A_991 {dimension_numbers = #tpu.dot_dimension_numbers<[1], [1], [0], [0], [0, 0, 1, 0], [], []>, transpose_lhs_hint = false} : vector<128x256xf32>, vector<64x256xf32>, vector<128x64xf32> -> vector<128x64xf32>
    %dot_general3A_993 = arith.constant dense<0.000000e+00> : vector<128x64xf32>
    %dot_general3A_994 = tpu.matmul %convert_element_type3A_13, %slice3A_990, %dot_general3A_993 {dimension_numbers = #tpu.dot_dimension_numbers<[1], [1], [0], [0], [0, 0, 1, 0], [], []>, transpose_lhs_hint = false} : vector<128x256xf32>, vector<64x256xf32>, vector<128x64xf32> -> vector<128x64xf32>
    %swap3A_995 = arith.constant 11392 : index
    %swap3A_996 = arith.constant 0 : index
    %swap3A_997 = vector.load %arg2[%swap3A_995, %swap3A_996] : memref<14336x128xf32, #tpu.memory_space<vmem>>, vector<128x64xf32>
    tpu.vector_store %arg2[%swap3A_995, %swap3A_996], %dot_general3A_992 {strides = array<i32>} : memref<14336x128xf32, #tpu.memory_space<vmem>>, vector<128x64xf32>,
    %swap3A_998 = arith.constant 11392 : index
    %swap3A_999 = arith.constant 64 : index
    %swap3A_1000 = vector.load %arg2[%swap3A_998, %swap3A_999] : memref<14336x128xf32, #tpu.memory_space<vmem>>, vector<128x64xf32>
    tpu.vector_store %arg2[%swap3A_998, %swap3A_999], %dot_general3A_994 {strides = array<i32>} : memref<14336x128xf32, #tpu.memory_space<vmem>>, vector<128x64xf32>,
    %slice3A_1001 = vector.extract_strided_slice %get3A_1 {offsets = [0, 23040], sizes = [64, 256], strides = [1, 1]} : vector<64x28672xf32> to vector<64x256xf32>
    %dot_general3A_1002 = arith.constant dense<0.000000e+00> : vector<128x64xf32>
    %dot_general3A_1003 = tpu.matmul %convert_element_type3A_5, %slice3A_1001, %dot_general3A_1002 {dimension_numbers = #tpu.dot_dimension_numbers<[1], [1], [0], [0], [0, 0, 1, 0], [], []>, transpose_lhs_hint = false} : vector<128x256xf32>, vector<64x256xf32>, vector<128x64xf32> -> vector<128x64xf32>
    %dot_general3A_1004 = arith.constant dense<0.000000e+00> : vector<128x64xf32>
    %dot_general3A_1005 = tpu.matmul %convert_element_type3A_13, %slice3A_1001, %dot_general3A_1004 {dimension_numbers = #tpu.dot_dimension_numbers<[1], [1], [0], [0], [0, 0, 1, 0], [], []>, transpose_lhs_hint = false} : vector<128x256xf32>, vector<64x256xf32>, vector<128x64xf32> -> vector<128x64xf32>
    %swap3A_1006 = arith.constant 11520 : index
    %swap3A_1007 = arith.constant 0 : index
    %swap3A_1008 = vector.load %arg2[%swap3A_1006, %swap3A_1007] : memref<14336x128xf32, #tpu.memory_space<vmem>>, vector<128x64xf32>
    tpu.vector_store %arg2[%swap3A_1006, %swap3A_1007], %dot_general3A_1003 {strides = array<i32>} : memref<14336x128xf32, #tpu.memory_space<vmem>>, vector<128x64xf32>,
    %swap3A_1009 = arith.constant 11520 : index
    %swap3A_1010 = arith.constant 64 : index
    %swap3A_1011 = vector.load %arg2[%swap3A_1009, %swap3A_1010] : memref<14336x128xf32, #tpu.memory_space<vmem>>, vector<128x64xf32>
    tpu.vector_store %arg2[%swap3A_1009, %swap3A_1010], %dot_general3A_1005 {strides = array<i32>} : memref<14336x128xf32, #tpu.memory_space<vmem>>, vector<128x64xf32>,
    %slice3A_1012 = vector.extract_strided_slice %get3A_1 {offsets = [0, 23296], sizes = [64, 256], strides = [1, 1]} : vector<64x28672xf32> to vector<64x256xf32>
    %dot_general3A_1013 = arith.constant dense<0.000000e+00> : vector<128x64xf32>
    %dot_general3A_1014 = tpu.matmul %convert_element_type3A_5, %slice3A_1012, %dot_general3A_1013 {dimension_numbers = #tpu.dot_dimension_numbers<[1], [1], [0], [0], [0, 0, 1, 0], [], []>, transpose_lhs_hint = false} : vector<128x256xf32>, vector<64x256xf32>, vector<128x64xf32> -> vector<128x64xf32>
    %dot_general3A_1015 = arith.constant dense<0.000000e+00> : vector<128x64xf32>
    %dot_general3A_1016 = tpu.matmul %convert_element_type3A_13, %slice3A_1012, %dot_general3A_1015 {dimension_numbers = #tpu.dot_dimension_numbers<[1], [1], [0], [0], [0, 0, 1, 0], [], []>, transpose_lhs_hint = false} : vector<128x256xf32>, vector<64x256xf32>, vector<128x64xf32> -> vector<128x64xf32>
    %swap3A_1017 = arith.constant 11648 : index
    %swap3A_1018 = arith.constant 0 : index
    %swap3A_1019 = vector.load %arg2[%swap3A_1017, %swap3A_1018] : memref<14336x128xf32, #tpu.memory_space<vmem>>, vector<128x64xf32>
    tpu.vector_store %arg2[%swap3A_1017, %swap3A_1018], %dot_general3A_1014 {strides = array<i32>} : memref<14336x128xf32, #tpu.memory_space<vmem>>, vector<128x64xf32>,
    %swap3A_1020 = arith.constant 11648 : index
    %swap3A_1021 = arith.constant 64 : index
    %swap3A_1022 = vector.load %arg2[%swap3A_1020, %swap3A_1021] : memref<14336x128xf32, #tpu.memory_space<vmem>>, vector<128x64xf32>
    tpu.vector_store %arg2[%swap3A_1020, %swap3A_1021], %dot_general3A_1016 {strides = array<i32>} : memref<14336x128xf32, #tpu.memory_space<vmem>>, vector<128x64xf32>,
    %slice3A_1023 = vector.extract_strided_slice %get3A_1 {offsets = [0, 23552], sizes = [64, 256], strides = [1, 1]} : vector<64x28672xf32> to vector<64x256xf32>
    %dot_general3A_1024 = arith.constant dense<0.000000e+00> : vector<128x64xf32>
    %dot_general3A_1025 = tpu.matmul %convert_element_type3A_5, %slice3A_1023, %dot_general3A_1024 {dimension_numbers = #tpu.dot_dimension_numbers<[1], [1], [0], [0], [0, 0, 1, 0], [], []>, transpose_lhs_hint = false} : vector<128x256xf32>, vector<64x256xf32>, vector<128x64xf32> -> vector<128x64xf32>
    %dot_general3A_1026 = arith.constant dense<0.000000e+00> : vector<128x64xf32>
    %dot_general3A_1027 = tpu.matmul %convert_element_type3A_13, %slice3A_1023, %dot_general3A_1026 {dimension_numbers = #tpu.dot_dimension_numbers<[1], [1], [0], [0], [0, 0, 1, 0], [], []>, transpose_lhs_hint = false} : vector<128x256xf32>, vector<64x256xf32>, vector<128x64xf32> -> vector<128x64xf32>
    %swap3A_1028 = arith.constant 11776 : index
    %swap3A_1029 = arith.constant 0 : index
    %swap3A_1030 = vector.load %arg2[%swap3A_1028, %swap3A_1029] : memref<14336x128xf32, #tpu.memory_space<vmem>>, vector<128x64xf32>
    tpu.vector_store %arg2[%swap3A_1028, %swap3A_1029], %dot_general3A_1025 {strides = array<i32>} : memref<14336x128xf32, #tpu.memory_space<vmem>>, vector<128x64xf32>,
    %swap3A_1031 = arith.constant 11776 : index
    %swap3A_1032 = arith.constant 64 : index
    %swap3A_1033 = vector.load %arg2[%swap3A_1031, %swap3A_1032] : memref<14336x128xf32, #tpu.memory_space<vmem>>, vector<128x64xf32>
    tpu.vector_store %arg2[%swap3A_1031, %swap3A_1032], %dot_general3A_1027 {strides = array<i32>} : memref<14336x128xf32, #tpu.memory_space<vmem>>, vector<128x64xf32>,
    %slice3A_1034 = vector.extract_strided_slice %get3A_1 {offsets = [0, 23808], sizes = [64, 256], strides = [1, 1]} : vector<64x28672xf32> to vector<64x256xf32>
    %dot_general3A_1035 = arith.constant dense<0.000000e+00> : vector<128x64xf32>
    %dot_general3A_1036 = tpu.matmul %convert_element_type3A_5, %slice3A_1034, %dot_general3A_1035 {dimension_numbers = #tpu.dot_dimension_numbers<[1], [1], [0], [0], [0, 0, 1, 0], [], []>, transpose_lhs_hint = false} : vector<128x256xf32>, vector<64x256xf32>, vector<128x64xf32> -> vector<128x64xf32>
    %dot_general3A_1037 = arith.constant dense<0.000000e+00> : vector<128x64xf32>
    %dot_general3A_1038 = tpu.matmul %convert_element_type3A_13, %slice3A_1034, %dot_general3A_1037 {dimension_numbers = #tpu.dot_dimension_numbers<[1], [1], [0], [0], [0, 0, 1, 0], [], []>, transpose_lhs_hint = false} : vector<128x256xf32>, vector<64x256xf32>, vector<128x64xf32> -> vector<128x64xf32>
    %swap3A_1039 = arith.constant 11904 : index
    %swap3A_1040 = arith.constant 0 : index
    %swap3A_1041 = vector.load %arg2[%swap3A_1039, %swap3A_1040] : memref<14336x128xf32, #tpu.memory_space<vmem>>, vector<128x64xf32>
    tpu.vector_store %arg2[%swap3A_1039, %swap3A_1040], %dot_general3A_1036 {strides = array<i32>} : memref<14336x128xf32, #tpu.memory_space<vmem>>, vector<128x64xf32>,
    %swap3A_1042 = arith.constant 11904 : index
    %swap3A_1043 = arith.constant 64 : index
    %swap3A_1044 = vector.load %arg2[%swap3A_1042, %swap3A_1043] : memref<14336x128xf32, #tpu.memory_space<vmem>>, vector<128x64xf32>
    tpu.vector_store %arg2[%swap3A_1042, %swap3A_1043], %dot_general3A_1038 {strides = array<i32>} : memref<14336x128xf32, #tpu.memory_space<vmem>>, vector<128x64xf32>,
    %slice3A_1045 = vector.extract_strided_slice %get3A_1 {offsets = [0, 24064], sizes = [64, 256], strides = [1, 1]} : vector<64x28672xf32> to vector<64x256xf32>
    %dot_general3A_1046 = arith.constant dense<0.000000e+00> : vector<128x64xf32>
    %dot_general3A_1047 = tpu.matmul %convert_element_type3A_5, %slice3A_1045, %dot_general3A_1046 {dimension_numbers = #tpu.dot_dimension_numbers<[1], [1], [0], [0], [0, 0, 1, 0], [], []>, transpose_lhs_hint = false} : vector<128x256xf32>, vector<64x256xf32>, vector<128x64xf32> -> vector<128x64xf32>
    %dot_general3A_1048 = arith.constant dense<0.000000e+00> : vector<128x64xf32>
    %dot_general3A_1049 = tpu.matmul %convert_element_type3A_13, %slice3A_1045, %dot_general3A_1048 {dimension_numbers = #tpu.dot_dimension_numbers<[1], [1], [0], [0], [0, 0, 1, 0], [], []>, transpose_lhs_hint = false} : vector<128x256xf32>, vector<64x256xf32>, vector<128x64xf32> -> vector<128x64xf32>
    %swap3A_1050 = arith.constant 12032 : index
    %swap3A_1051 = arith.constant 0 : index
    %swap3A_1052 = vector.load %arg2[%swap3A_1050, %swap3A_1051] : memref<14336x128xf32, #tpu.memory_space<vmem>>, vector<128x64xf32>
    tpu.vector_store %arg2[%swap3A_1050, %swap3A_1051], %dot_general3A_1047 {strides = array<i32>} : memref<14336x128xf32, #tpu.memory_space<vmem>>, vector<128x64xf32>,
    %swap3A_1053 = arith.constant 12032 : index
    %swap3A_1054 = arith.constant 64 : index
    %swap3A_1055 = vector.load %arg2[%swap3A_1053, %swap3A_1054] : memref<14336x128xf32, #tpu.memory_space<vmem>>, vector<128x64xf32>
    tpu.vector_store %arg2[%swap3A_1053, %swap3A_1054], %dot_general3A_1049 {strides = array<i32>} : memref<14336x128xf32, #tpu.memory_space<vmem>>, vector<128x64xf32>,
    %slice3A_1056 = vector.extract_strided_slice %get3A_1 {offsets = [0, 24320], sizes = [64, 256], strides = [1, 1]} : vector<64x28672xf32> to vector<64x256xf32>
    %dot_general3A_1057 = arith.constant dense<0.000000e+00> : vector<128x64xf32>
    %dot_general3A_1058 = tpu.matmul %convert_element_type3A_5, %slice3A_1056, %dot_general3A_1057 {dimension_numbers = #tpu.dot_dimension_numbers<[1], [1], [0], [0], [0, 0, 1, 0], [], []>, transpose_lhs_hint = false} : vector<128x256xf32>, vector<64x256xf32>, vector<128x64xf32> -> vector<128x64xf32>
    %dot_general3A_1059 = arith.constant dense<0.000000e+00> : vector<128x64xf32>
    %dot_general3A_1060 = tpu.matmul %convert_element_type3A_13, %slice3A_1056, %dot_general3A_1059 {dimension_numbers = #tpu.dot_dimension_numbers<[1], [1], [0], [0], [0, 0, 1, 0], [], []>, transpose_lhs_hint = false} : vector<128x256xf32>, vector<64x256xf32>, vector<128x64xf32> -> vector<128x64xf32>
    %swap3A_1061 = arith.constant 12160 : index
    %swap3A_1062 = arith.constant 0 : index
    %swap3A_1063 = vector.load %arg2[%swap3A_1061, %swap3A_1062] : memref<14336x128xf32, #tpu.memory_space<vmem>>, vector<128x64xf32>
    tpu.vector_store %arg2[%swap3A_1061, %swap3A_1062], %dot_general3A_1058 {strides = array<i32>} : memref<14336x128xf32, #tpu.memory_space<vmem>>, vector<128x64xf32>,
    %swap3A_1064 = arith.constant 12160 : index
    %swap3A_1065 = arith.constant 64 : index
    %swap3A_1066 = vector.load %arg2[%swap3A_1064, %swap3A_1065] : memref<14336x128xf32, #tpu.memory_space<vmem>>, vector<128x64xf32>
    tpu.vector_store %arg2[%swap3A_1064, %swap3A_1065], %dot_general3A_1060 {strides = array<i32>} : memref<14336x128xf32, #tpu.memory_space<vmem>>, vector<128x64xf32>,
    %slice3A_1067 = vector.extract_strided_slice %get3A_1 {offsets = [0, 24576], sizes = [64, 256], strides = [1, 1]} : vector<64x28672xf32> to vector<64x256xf32>
    %dot_general3A_1068 = arith.constant dense<0.000000e+00> : vector<128x64xf32>
    %dot_general3A_1069 = tpu.matmul %convert_element_type3A_5, %slice3A_1067, %dot_general3A_1068 {dimension_numbers = #tpu.dot_dimension_numbers<[1], [1], [0], [0], [0, 0, 1, 0], [], []>, transpose_lhs_hint = false} : vector<128x256xf32>, vector<64x256xf32>, vector<128x64xf32> -> vector<128x64xf32>
    %dot_general3A_1070 = arith.constant dense<0.000000e+00> : vector<128x64xf32>
    %dot_general3A_1071 = tpu.matmul %convert_element_type3A_13, %slice3A_1067, %dot_general3A_1070 {dimension_numbers = #tpu.dot_dimension_numbers<[1], [1], [0], [0], [0, 0, 1, 0], [], []>, transpose_lhs_hint = false} : vector<128x256xf32>, vector<64x256xf32>, vector<128x64xf32> -> vector<128x64xf32>
    %swap3A_1072 = arith.constant 12288 : index
    %swap3A_1073 = arith.constant 0 : index
    %swap3A_1074 = vector.load %arg2[%swap3A_1072, %swap3A_1073] : memref<14336x128xf32, #tpu.memory_space<vmem>>, vector<128x64xf32>
    tpu.vector_store %arg2[%swap3A_1072, %swap3A_1073], %dot_general3A_1069 {strides = array<i32>} : memref<14336x128xf32, #tpu.memory_space<vmem>>, vector<128x64xf32>,
    %swap3A_1075 = arith.constant 12288 : index
    %swap3A_1076 = arith.constant 64 : index
    %swap3A_1077 = vector.load %arg2[%swap3A_1075, %swap3A_1076] : memref<14336x128xf32, #tpu.memory_space<vmem>>, vector<128x64xf32>
    tpu.vector_store %arg2[%swap3A_1075, %swap3A_1076], %dot_general3A_1071 {strides = array<i32>} : memref<14336x128xf32, #tpu.memory_space<vmem>>, vector<128x64xf32>,
    %slice3A_1078 = vector.extract_strided_slice %get3A_1 {offsets = [0, 24832], sizes = [64, 256], strides = [1, 1]} : vector<64x28672xf32> to vector<64x256xf32>
    %dot_general3A_1079 = arith.constant dense<0.000000e+00> : vector<128x64xf32>
    %dot_general3A_1080 = tpu.matmul %convert_element_type3A_5, %slice3A_1078, %dot_general3A_1079 {dimension_numbers = #tpu.dot_dimension_numbers<[1], [1], [0], [0], [0, 0, 1, 0], [], []>, transpose_lhs_hint = false} : vector<128x256xf32>, vector<64x256xf32>, vector<128x64xf32> -> vector<128x64xf32>
    %dot_general3A_1081 = arith.constant dense<0.000000e+00> : vector<128x64xf32>
    %dot_general3A_1082 = tpu.matmul %convert_element_type3A_13, %slice3A_1078, %dot_general3A_1081 {dimension_numbers = #tpu.dot_dimension_numbers<[1], [1], [0], [0], [0, 0, 1, 0], [], []>, transpose_lhs_hint = false} : vector<128x256xf32>, vector<64x256xf32>, vector<128x64xf32> -> vector<128x64xf32>
    %swap3A_1083 = arith.constant 12416 : index
    %swap3A_1084 = arith.constant 0 : index
    %swap3A_1085 = vector.load %arg2[%swap3A_1083, %swap3A_1084] : memref<14336x128xf32, #tpu.memory_space<vmem>>, vector<128x64xf32>
    tpu.vector_store %arg2[%swap3A_1083, %swap3A_1084], %dot_general3A_1080 {strides = array<i32>} : memref<14336x128xf32, #tpu.memory_space<vmem>>, vector<128x64xf32>,
    %swap3A_1086 = arith.constant 12416 : index
    %swap3A_1087 = arith.constant 64 : index
    %swap3A_1088 = vector.load %arg2[%swap3A_1086, %swap3A_1087] : memref<14336x128xf32, #tpu.memory_space<vmem>>, vector<128x64xf32>
    tpu.vector_store %arg2[%swap3A_1086, %swap3A_1087], %dot_general3A_1082 {strides = array<i32>} : memref<14336x128xf32, #tpu.memory_space<vmem>>, vector<128x64xf32>,
    %slice3A_1089 = vector.extract_strided_slice %get3A_1 {offsets = [0, 25088], sizes = [64, 256], strides = [1, 1]} : vector<64x28672xf32> to vector<64x256xf32>
    %dot_general3A_1090 = arith.constant dense<0.000000e+00> : vector<128x64xf32>
    %dot_general3A_1091 = tpu.matmul %convert_element_type3A_5, %slice3A_1089, %dot_general3A_1090 {dimension_numbers = #tpu.dot_dimension_numbers<[1], [1], [0], [0], [0, 0, 1, 0], [], []>, transpose_lhs_hint = false} : vector<128x256xf32>, vector<64x256xf32>, vector<128x64xf32> -> vector<128x64xf32>
    %dot_general3A_1092 = arith.constant dense<0.000000e+00> : vector<128x64xf32>
    %dot_general3A_1093 = tpu.matmul %convert_element_type3A_13, %slice3A_1089, %dot_general3A_1092 {dimension_numbers = #tpu.dot_dimension_numbers<[1], [1], [0], [0], [0, 0, 1, 0], [], []>, transpose_lhs_hint = false} : vector<128x256xf32>, vector<64x256xf32>, vector<128x64xf32> -> vector<128x64xf32>
    %swap3A_1094 = arith.constant 12544 : index
    %swap3A_1095 = arith.constant 0 : index
    %swap3A_1096 = vector.load %arg2[%swap3A_1094, %swap3A_1095] : memref<14336x128xf32, #tpu.memory_space<vmem>>, vector<128x64xf32>
    tpu.vector_store %arg2[%swap3A_1094, %swap3A_1095], %dot_general3A_1091 {strides = array<i32>} : memref<14336x128xf32, #tpu.memory_space<vmem>>, vector<128x64xf32>,
    %swap3A_1097 = arith.constant 12544 : index
    %swap3A_1098 = arith.constant 64 : index
    %swap3A_1099 = vector.load %arg2[%swap3A_1097, %swap3A_1098] : memref<14336x128xf32, #tpu.memory_space<vmem>>, vector<128x64xf32>
    tpu.vector_store %arg2[%swap3A_1097, %swap3A_1098], %dot_general3A_1093 {strides = array<i32>} : memref<14336x128xf32, #tpu.memory_space<vmem>>, vector<128x64xf32>,
    %slice3A_1100 = vector.extract_strided_slice %get3A_1 {offsets = [0, 25344], sizes = [64, 256], strides = [1, 1]} : vector<64x28672xf32> to vector<64x256xf32>
    %dot_general3A_1101 = arith.constant dense<0.000000e+00> : vector<128x64xf32>
    %dot_general3A_1102 = tpu.matmul %convert_element_type3A_5, %slice3A_1100, %dot_general3A_1101 {dimension_numbers = #tpu.dot_dimension_numbers<[1], [1], [0], [0], [0, 0, 1, 0], [], []>, transpose_lhs_hint = false} : vector<128x256xf32>, vector<64x256xf32>, vector<128x64xf32> -> vector<128x64xf32>
    %dot_general3A_1103 = arith.constant dense<0.000000e+00> : vector<128x64xf32>
    %dot_general3A_1104 = tpu.matmul %convert_element_type3A_13, %slice3A_1100, %dot_general3A_1103 {dimension_numbers = #tpu.dot_dimension_numbers<[1], [1], [0], [0], [0, 0, 1, 0], [], []>, transpose_lhs_hint = false} : vector<128x256xf32>, vector<64x256xf32>, vector<128x64xf32> -> vector<128x64xf32>
    %swap3A_1105 = arith.constant 12672 : index
    %swap3A_1106 = arith.constant 0 : index
    %swap3A_1107 = vector.load %arg2[%swap3A_1105, %swap3A_1106] : memref<14336x128xf32, #tpu.memory_space<vmem>>, vector<128x64xf32>
    tpu.vector_store %arg2[%swap3A_1105, %swap3A_1106], %dot_general3A_1102 {strides = array<i32>} : memref<14336x128xf32, #tpu.memory_space<vmem>>, vector<128x64xf32>,
    %swap3A_1108 = arith.constant 12672 : index
    %swap3A_1109 = arith.constant 64 : index
    %swap3A_1110 = vector.load %arg2[%swap3A_1108, %swap3A_1109] : memref<14336x128xf32, #tpu.memory_space<vmem>>, vector<128x64xf32>
    tpu.vector_store %arg2[%swap3A_1108, %swap3A_1109], %dot_general3A_1104 {strides = array<i32>} : memref<14336x128xf32, #tpu.memory_space<vmem>>, vector<128x64xf32>,
    %slice3A_1111 = vector.extract_strided_slice %get3A_1 {offsets = [0, 25600], sizes = [64, 256], strides = [1, 1]} : vector<64x28672xf32> to vector<64x256xf32>
    %dot_general3A_1112 = arith.constant dense<0.000000e+00> : vector<128x64xf32>
    %dot_general3A_1113 = tpu.matmul %convert_element_type3A_5, %slice3A_1111, %dot_general3A_1112 {dimension_numbers = #tpu.dot_dimension_numbers<[1], [1], [0], [0], [0, 0, 1, 0], [], []>, transpose_lhs_hint = false} : vector<128x256xf32>, vector<64x256xf32>, vector<128x64xf32> -> vector<128x64xf32>
    %dot_general3A_1114 = arith.constant dense<0.000000e+00> : vector<128x64xf32>
    %dot_general3A_1115 = tpu.matmul %convert_element_type3A_13, %slice3A_1111, %dot_general3A_1114 {dimension_numbers = #tpu.dot_dimension_numbers<[1], [1], [0], [0], [0, 0, 1, 0], [], []>, transpose_lhs_hint = false} : vector<128x256xf32>, vector<64x256xf32>, vector<128x64xf32> -> vector<128x64xf32>
    %swap3A_1116 = arith.constant 12800 : index
    %swap3A_1117 = arith.constant 0 : index
    %swap3A_1118 = vector.load %arg2[%swap3A_1116, %swap3A_1117] : memref<14336x128xf32, #tpu.memory_space<vmem>>, vector<128x64xf32>
    tpu.vector_store %arg2[%swap3A_1116, %swap3A_1117], %dot_general3A_1113 {strides = array<i32>} : memref<14336x128xf32, #tpu.memory_space<vmem>>, vector<128x64xf32>,
    %swap3A_1119 = arith.constant 12800 : index
    %swap3A_1120 = arith.constant 64 : index
    %swap3A_1121 = vector.load %arg2[%swap3A_1119, %swap3A_1120] : memref<14336x128xf32, #tpu.memory_space<vmem>>, vector<128x64xf32>
    tpu.vector_store %arg2[%swap3A_1119, %swap3A_1120], %dot_general3A_1115 {strides = array<i32>} : memref<14336x128xf32, #tpu.memory_space<vmem>>, vector<128x64xf32>,
    %slice3A_1122 = vector.extract_strided_slice %get3A_1 {offsets = [0, 25856], sizes = [64, 256], strides = [1, 1]} : vector<64x28672xf32> to vector<64x256xf32>
    %dot_general3A_1123 = arith.constant dense<0.000000e+00> : vector<128x64xf32>
    %dot_general3A_1124 = tpu.matmul %convert_element_type3A_5, %slice3A_1122, %dot_general3A_1123 {dimension_numbers = #tpu.dot_dimension_numbers<[1], [1], [0], [0], [0, 0, 1, 0], [], []>, transpose_lhs_hint = false} : vector<128x256xf32>, vector<64x256xf32>, vector<128x64xf32> -> vector<128x64xf32>
    %dot_general3A_1125 = arith.constant dense<0.000000e+00> : vector<128x64xf32>
    %dot_general3A_1126 = tpu.matmul %convert_element_type3A_13, %slice3A_1122, %dot_general3A_1125 {dimension_numbers = #tpu.dot_dimension_numbers<[1], [1], [0], [0], [0, 0, 1, 0], [], []>, transpose_lhs_hint = false} : vector<128x256xf32>, vector<64x256xf32>, vector<128x64xf32> -> vector<128x64xf32>
    %swap3A_1127 = arith.constant 12928 : index
    %swap3A_1128 = arith.constant 0 : index
    %swap3A_1129 = vector.load %arg2[%swap3A_1127, %swap3A_1128] : memref<14336x128xf32, #tpu.memory_space<vmem>>, vector<128x64xf32>
    tpu.vector_store %arg2[%swap3A_1127, %swap3A_1128], %dot_general3A_1124 {strides = array<i32>} : memref<14336x128xf32, #tpu.memory_space<vmem>>, vector<128x64xf32>,
    %swap3A_1130 = arith.constant 12928 : index
    %swap3A_1131 = arith.constant 64 : index
    %swap3A_1132 = vector.load %arg2[%swap3A_1130, %swap3A_1131] : memref<14336x128xf32, #tpu.memory_space<vmem>>, vector<128x64xf32>
    tpu.vector_store %arg2[%swap3A_1130, %swap3A_1131], %dot_general3A_1126 {strides = array<i32>} : memref<14336x128xf32, #tpu.memory_space<vmem>>, vector<128x64xf32>,
    %slice3A_1133 = vector.extract_strided_slice %get3A_1 {offsets = [0, 26112], sizes = [64, 256], strides = [1, 1]} : vector<64x28672xf32> to vector<64x256xf32>
    %dot_general3A_1134 = arith.constant dense<0.000000e+00> : vector<128x64xf32>
    %dot_general3A_1135 = tpu.matmul %convert_element_type3A_5, %slice3A_1133, %dot_general3A_1134 {dimension_numbers = #tpu.dot_dimension_numbers<[1], [1], [0], [0], [0, 0, 1, 0], [], []>, transpose_lhs_hint = false} : vector<128x256xf32>, vector<64x256xf32>, vector<128x64xf32> -> vector<128x64xf32>
    %dot_general3A_1136 = arith.constant dense<0.000000e+00> : vector<128x64xf32>
    %dot_general3A_1137 = tpu.matmul %convert_element_type3A_13, %slice3A_1133, %dot_general3A_1136 {dimension_numbers = #tpu.dot_dimension_numbers<[1], [1], [0], [0], [0, 0, 1, 0], [], []>, transpose_lhs_hint = false} : vector<128x256xf32>, vector<64x256xf32>, vector<128x64xf32> -> vector<128x64xf32>
    %swap3A_1138 = arith.constant 13056 : index
    %swap3A_1139 = arith.constant 0 : index
    %swap3A_1140 = vector.load %arg2[%swap3A_1138, %swap3A_1139] : memref<14336x128xf32, #tpu.memory_space<vmem>>, vector<128x64xf32>
    tpu.vector_store %arg2[%swap3A_1138, %swap3A_1139], %dot_general3A_1135 {strides = array<i32>} : memref<14336x128xf32, #tpu.memory_space<vmem>>, vector<128x64xf32>,
    %swap3A_1141 = arith.constant 13056 : index
    %swap3A_1142 = arith.constant 64 : index
    %swap3A_1143 = vector.load %arg2[%swap3A_1141, %swap3A_1142] : memref<14336x128xf32, #tpu.memory_space<vmem>>, vector<128x64xf32>
    tpu.vector_store %arg2[%swap3A_1141, %swap3A_1142], %dot_general3A_1137 {strides = array<i32>} : memref<14336x128xf32, #tpu.memory_space<vmem>>, vector<128x64xf32>,
    %slice3A_1144 = vector.extract_strided_slice %get3A_1 {offsets = [0, 26368], sizes = [64, 256], strides = [1, 1]} : vector<64x28672xf32> to vector<64x256xf32>
    %dot_general3A_1145 = arith.constant dense<0.000000e+00> : vector<128x64xf32>
    %dot_general3A_1146 = tpu.matmul %convert_element_type3A_5, %slice3A_1144, %dot_general3A_1145 {dimension_numbers = #tpu.dot_dimension_numbers<[1], [1], [0], [0], [0, 0, 1, 0], [], []>, transpose_lhs_hint = false} : vector<128x256xf32>, vector<64x256xf32>, vector<128x64xf32> -> vector<128x64xf32>
    %dot_general3A_1147 = arith.constant dense<0.000000e+00> : vector<128x64xf32>
    %dot_general3A_1148 = tpu.matmul %convert_element_type3A_13, %slice3A_1144, %dot_general3A_1147 {dimension_numbers = #tpu.dot_dimension_numbers<[1], [1], [0], [0], [0, 0, 1, 0], [], []>, transpose_lhs_hint = false} : vector<128x256xf32>, vector<64x256xf32>, vector<128x64xf32> -> vector<128x64xf32>
    %swap3A_1149 = arith.constant 13184 : index
    %swap3A_1150 = arith.constant 0 : index
    %swap3A_1151 = vector.load %arg2[%swap3A_1149, %swap3A_1150] : memref<14336x128xf32, #tpu.memory_space<vmem>>, vector<128x64xf32>
    tpu.vector_store %arg2[%swap3A_1149, %swap3A_1150], %dot_general3A_1146 {strides = array<i32>} : memref<14336x128xf32, #tpu.memory_space<vmem>>, vector<128x64xf32>,
    %swap3A_1152 = arith.constant 13184 : index
    %swap3A_1153 = arith.constant 64 : index
    %swap3A_1154 = vector.load %arg2[%swap3A_1152, %swap3A_1153] : memref<14336x128xf32, #tpu.memory_space<vmem>>, vector<128x64xf32>
    tpu.vector_store %arg2[%swap3A_1152, %swap3A_1153], %dot_general3A_1148 {strides = array<i32>} : memref<14336x128xf32, #tpu.memory_space<vmem>>, vector<128x64xf32>,
    %slice3A_1155 = vector.extract_strided_slice %get3A_1 {offsets = [0, 26624], sizes = [64, 256], strides = [1, 1]} : vector<64x28672xf32> to vector<64x256xf32>
    %dot_general3A_1156 = arith.constant dense<0.000000e+00> : vector<128x64xf32>
    %dot_general3A_1157 = tpu.matmul %convert_element_type3A_5, %slice3A_1155, %dot_general3A_1156 {dimension_numbers = #tpu.dot_dimension_numbers<[1], [1], [0], [0], [0, 0, 1, 0], [], []>, transpose_lhs_hint = false} : vector<128x256xf32>, vector<64x256xf32>, vector<128x64xf32> -> vector<128x64xf32>
    %dot_general3A_1158 = arith.constant dense<0.000000e+00> : vector<128x64xf32>
    %dot_general3A_1159 = tpu.matmul %convert_element_type3A_13, %slice3A_1155, %dot_general3A_1158 {dimension_numbers = #tpu.dot_dimension_numbers<[1], [1], [0], [0], [0, 0, 1, 0], [], []>, transpose_lhs_hint = false} : vector<128x256xf32>, vector<64x256xf32>, vector<128x64xf32> -> vector<128x64xf32>
    %swap3A_1160 = arith.constant 13312 : index
    %swap3A_1161 = arith.constant 0 : index
    %swap3A_1162 = vector.load %arg2[%swap3A_1160, %swap3A_1161] : memref<14336x128xf32, #tpu.memory_space<vmem>>, vector<128x64xf32>
    tpu.vector_store %arg2[%swap3A_1160, %swap3A_1161], %dot_general3A_1157 {strides = array<i32>} : memref<14336x128xf32, #tpu.memory_space<vmem>>, vector<128x64xf32>,
    %swap3A_1163 = arith.constant 13312 : index
    %swap3A_1164 = arith.constant 64 : index
    %swap3A_1165 = vector.load %arg2[%swap3A_1163, %swap3A_1164] : memref<14336x128xf32, #tpu.memory_space<vmem>>, vector<128x64xf32>
    tpu.vector_store %arg2[%swap3A_1163, %swap3A_1164], %dot_general3A_1159 {strides = array<i32>} : memref<14336x128xf32, #tpu.memory_space<vmem>>, vector<128x64xf32>,
    %slice3A_1166 = vector.extract_strided_slice %get3A_1 {offsets = [0, 26880], sizes = [64, 256], strides = [1, 1]} : vector<64x28672xf32> to vector<64x256xf32>
    %dot_general3A_1167 = arith.constant dense<0.000000e+00> : vector<128x64xf32>
    %dot_general3A_1168 = tpu.matmul %convert_element_type3A_5, %slice3A_1166, %dot_general3A_1167 {dimension_numbers = #tpu.dot_dimension_numbers<[1], [1], [0], [0], [0, 0, 1, 0], [], []>, transpose_lhs_hint = false} : vector<128x256xf32>, vector<64x256xf32>, vector<128x64xf32> -> vector<128x64xf32>
    %dot_general3A_1169 = arith.constant dense<0.000000e+00> : vector<128x64xf32>
    %dot_general3A_1170 = tpu.matmul %convert_element_type3A_13, %slice3A_1166, %dot_general3A_1169 {dimension_numbers = #tpu.dot_dimension_numbers<[1], [1], [0], [0], [0, 0, 1, 0], [], []>, transpose_lhs_hint = false} : vector<128x256xf32>, vector<64x256xf32>, vector<128x64xf32> -> vector<128x64xf32>
    %swap3A_1171 = arith.constant 13440 : index
    %swap3A_1172 = arith.constant 0 : index
    %swap3A_1173 = vector.load %arg2[%swap3A_1171, %swap3A_1172] : memref<14336x128xf32, #tpu.memory_space<vmem>>, vector<128x64xf32>
    tpu.vector_store %arg2[%swap3A_1171, %swap3A_1172], %dot_general3A_1168 {strides = array<i32>} : memref<14336x128xf32, #tpu.memory_space<vmem>>, vector<128x64xf32>,
    %swap3A_1174 = arith.constant 13440 : index
    %swap3A_1175 = arith.constant 64 : index
    %swap3A_1176 = vector.load %arg2[%swap3A_1174, %swap3A_1175] : memref<14336x128xf32, #tpu.memory_space<vmem>>, vector<128x64xf32>
    tpu.vector_store %arg2[%swap3A_1174, %swap3A_1175], %dot_general3A_1170 {strides = array<i32>} : memref<14336x128xf32, #tpu.memory_space<vmem>>, vector<128x64xf32>,
    %slice3A_1177 = vector.extract_strided_slice %get3A_1 {offsets = [0, 27136], sizes = [64, 256], strides = [1, 1]} : vector<64x28672xf32> to vector<64x256xf32>
    %dot_general3A_1178 = arith.constant dense<0.000000e+00> : vector<128x64xf32>
    %dot_general3A_1179 = tpu.matmul %convert_element_type3A_5, %slice3A_1177, %dot_general3A_1178 {dimension_numbers = #tpu.dot_dimension_numbers<[1], [1], [0], [0], [0, 0, 1, 0], [], []>, transpose_lhs_hint = false} : vector<128x256xf32>, vector<64x256xf32>, vector<128x64xf32> -> vector<128x64xf32>
    %dot_general3A_1180 = arith.constant dense<0.000000e+00> : vector<128x64xf32>
    %dot_general3A_1181 = tpu.matmul %convert_element_type3A_13, %slice3A_1177, %dot_general3A_1180 {dimension_numbers = #tpu.dot_dimension_numbers<[1], [1], [0], [0], [0, 0, 1, 0], [], []>, transpose_lhs_hint = false} : vector<128x256xf32>, vector<64x256xf32>, vector<128x64xf32> -> vector<128x64xf32>
    %swap3A_1182 = arith.constant 13568 : index
    %swap3A_1183 = arith.constant 0 : index
    %swap3A_1184 = vector.load %arg2[%swap3A_1182, %swap3A_1183] : memref<14336x128xf32, #tpu.memory_space<vmem>>, vector<128x64xf32>
    tpu.vector_store %arg2[%swap3A_1182, %swap3A_1183], %dot_general3A_1179 {strides = array<i32>} : memref<14336x128xf32, #tpu.memory_space<vmem>>, vector<128x64xf32>,
    %swap3A_1185 = arith.constant 13568 : index
    %swap3A_1186 = arith.constant 64 : index
    %swap3A_1187 = vector.load %arg2[%swap3A_1185, %swap3A_1186] : memref<14336x128xf32, #tpu.memory_space<vmem>>, vector<128x64xf32>
    tpu.vector_store %arg2[%swap3A_1185, %swap3A_1186], %dot_general3A_1181 {strides = array<i32>} : memref<14336x128xf32, #tpu.memory_space<vmem>>, vector<128x64xf32>,
    %slice3A_1188 = vector.extract_strided_slice %get3A_1 {offsets = [0, 27392], sizes = [64, 256], strides = [1, 1]} : vector<64x28672xf32> to vector<64x256xf32>
    %dot_general3A_1189 = arith.constant dense<0.000000e+00> : vector<128x64xf32>
    %dot_general3A_1190 = tpu.matmul %convert_element_type3A_5, %slice3A_1188, %dot_general3A_1189 {dimension_numbers = #tpu.dot_dimension_numbers<[1], [1], [0], [0], [0, 0, 1, 0], [], []>, transpose_lhs_hint = false} : vector<128x256xf32>, vector<64x256xf32>, vector<128x64xf32> -> vector<128x64xf32>
    %dot_general3A_1191 = arith.constant dense<0.000000e+00> : vector<128x64xf32>
    %dot_general3A_1192 = tpu.matmul %convert_element_type3A_13, %slice3A_1188, %dot_general3A_1191 {dimension_numbers = #tpu.dot_dimension_numbers<[1], [1], [0], [0], [0, 0, 1, 0], [], []>, transpose_lhs_hint = false} : vector<128x256xf32>, vector<64x256xf32>, vector<128x64xf32> -> vector<128x64xf32>
    %swap3A_1193 = arith.constant 13696 : index
    %swap3A_1194 = arith.constant 0 : index
    %swap3A_1195 = vector.load %arg2[%swap3A_1193, %swap3A_1194] : memref<14336x128xf32, #tpu.memory_space<vmem>>, vector<128x64xf32>
    tpu.vector_store %arg2[%swap3A_1193, %swap3A_1194], %dot_general3A_1190 {strides = array<i32>} : memref<14336x128xf32, #tpu.memory_space<vmem>>, vector<128x64xf32>,
    %swap3A_1196 = arith.constant 13696 : index
    %swap3A_1197 = arith.constant 64 : index
    %swap3A_1198 = vector.load %arg2[%swap3A_1196, %swap3A_1197] : memref<14336x128xf32, #tpu.memory_space<vmem>>, vector<128x64xf32>
    tpu.vector_store %arg2[%swap3A_1196, %swap3A_1197], %dot_general3A_1192 {strides = array<i32>} : memref<14336x128xf32, #tpu.memory_space<vmem>>, vector<128x64xf32>,
    %slice3A_1199 = vector.extract_strided_slice %get3A_1 {offsets = [0, 27648], sizes = [64, 256], strides = [1, 1]} : vector<64x28672xf32> to vector<64x256xf32>
    %dot_general3A_1200 = arith.constant dense<0.000000e+00> : vector<128x64xf32>
    %dot_general3A_1201 = tpu.matmul %convert_element_type3A_5, %slice3A_1199, %dot_general3A_1200 {dimension_numbers = #tpu.dot_dimension_numbers<[1], [1], [0], [0], [0, 0, 1, 0], [], []>, transpose_lhs_hint = false} : vector<128x256xf32>, vector<64x256xf32>, vector<128x64xf32> -> vector<128x64xf32>
    %dot_general3A_1202 = arith.constant dense<0.000000e+00> : vector<128x64xf32>
    %dot_general3A_1203 = tpu.matmul %convert_element_type3A_13, %slice3A_1199, %dot_general3A_1202 {dimension_numbers = #tpu.dot_dimension_numbers<[1], [1], [0], [0], [0, 0, 1, 0], [], []>, transpose_lhs_hint = false} : vector<128x256xf32>, vector<64x256xf32>, vector<128x64xf32> -> vector<128x64xf32>
    %swap3A_1204 = arith.constant 13824 : index
    %swap3A_1205 = arith.constant 0 : index
    %swap3A_1206 = vector.load %arg2[%swap3A_1204, %swap3A_1205] : memref<14336x128xf32, #tpu.memory_space<vmem>>, vector<128x64xf32>
    tpu.vector_store %arg2[%swap3A_1204, %swap3A_1205], %dot_general3A_1201 {strides = array<i32>} : memref<14336x128xf32, #tpu.memory_space<vmem>>, vector<128x64xf32>,
    %swap3A_1207 = arith.constant 13824 : index
    %swap3A_1208 = arith.constant 64 : index
    %swap3A_1209 = vector.load %arg2[%swap3A_1207, %swap3A_1208] : memref<14336x128xf32, #tpu.memory_space<vmem>>, vector<128x64xf32>
    tpu.vector_store %arg2[%swap3A_1207, %swap3A_1208], %dot_general3A_1203 {strides = array<i32>} : memref<14336x128xf32, #tpu.memory_space<vmem>>, vector<128x64xf32>,
    %slice3A_1210 = vector.extract_strided_slice %get3A_1 {offsets = [0, 27904], sizes = [64, 256], strides = [1, 1]} : vector<64x28672xf32> to vector<64x256xf32>
    %dot_general3A_1211 = arith.constant dense<0.000000e+00> : vector<128x64xf32>
    %dot_general3A_1212 = tpu.matmul %convert_element_type3A_5, %slice3A_1210, %dot_general3A_1211 {dimension_numbers = #tpu.dot_dimension_numbers<[1], [1], [0], [0], [0, 0, 1, 0], [], []>, transpose_lhs_hint = false} : vector<128x256xf32>, vector<64x256xf32>, vector<128x64xf32> -> vector<128x64xf32>
    %dot_general3A_1213 = arith.constant dense<0.000000e+00> : vector<128x64xf32>
    %dot_general3A_1214 = tpu.matmul %convert_element_type3A_13, %slice3A_1210, %dot_general3A_1213 {dimension_numbers = #tpu.dot_dimension_numbers<[1], [1], [0], [0], [0, 0, 1, 0], [], []>, transpose_lhs_hint = false} : vector<128x256xf32>, vector<64x256xf32>, vector<128x64xf32> -> vector<128x64xf32>
    %swap3A_1215 = arith.constant 13952 : index
    %swap3A_1216 = arith.constant 0 : index
    %swap3A_1217 = vector.load %arg2[%swap3A_1215, %swap3A_1216] : memref<14336x128xf32, #tpu.memory_space<vmem>>, vector<128x64xf32>
    tpu.vector_store %arg2[%swap3A_1215, %swap3A_1216], %dot_general3A_1212 {strides = array<i32>} : memref<14336x128xf32, #tpu.memory_space<vmem>>, vector<128x64xf32>,
    %swap3A_1218 = arith.constant 13952 : index
    %swap3A_1219 = arith.constant 64 : index
    %swap3A_1220 = vector.load %arg2[%swap3A_1218, %swap3A_1219] : memref<14336x128xf32, #tpu.memory_space<vmem>>, vector<128x64xf32>
    tpu.vector_store %arg2[%swap3A_1218, %swap3A_1219], %dot_general3A_1214 {strides = array<i32>} : memref<14336x128xf32, #tpu.memory_space<vmem>>, vector<128x64xf32>,
    %slice3A_1221 = vector.extract_strided_slice %get3A_1 {offsets = [0, 28160], sizes = [64, 256], strides = [1, 1]} : vector<64x28672xf32> to vector<64x256xf32>
    %dot_general3A_1222 = arith.constant dense<0.000000e+00> : vector<128x64xf32>
    %dot_general3A_1223 = tpu.matmul %convert_element_type3A_5, %slice3A_1221, %dot_general3A_1222 {dimension_numbers = #tpu.dot_dimension_numbers<[1], [1], [0], [0], [0, 0, 1, 0], [], []>, transpose_lhs_hint = false} : vector<128x256xf32>, vector<64x256xf32>, vector<128x64xf32> -> vector<128x64xf32>
    %dot_general3A_1224 = arith.constant dense<0.000000e+00> : vector<128x64xf32>
    %dot_general3A_1225 = tpu.matmul %convert_element_type3A_13, %slice3A_1221, %dot_general3A_1224 {dimension_numbers = #tpu.dot_dimension_numbers<[1], [1], [0], [0], [0, 0, 1, 0], [], []>, transpose_lhs_hint = false} : vector<128x256xf32>, vector<64x256xf32>, vector<128x64xf32> -> vector<128x64xf32>
    %swap3A_1226 = arith.constant 14080 : index
    %swap3A_1227 = arith.constant 0 : index
    %swap3A_1228 = vector.load %arg2[%swap3A_1226, %swap3A_1227] : memref<14336x128xf32, #tpu.memory_space<vmem>>, vector<128x64xf32>
    tpu.vector_store %arg2[%swap3A_1226, %swap3A_1227], %dot_general3A_1223 {strides = array<i32>} : memref<14336x128xf32, #tpu.memory_space<vmem>>, vector<128x64xf32>,
    %swap3A_1229 = arith.constant 14080 : index
    %swap3A_1230 = arith.constant 64 : index
    %swap3A_1231 = vector.load %arg2[%swap3A_1229, %swap3A_1230] : memref<14336x128xf32, #tpu.memory_space<vmem>>, vector<128x64xf32>
    tpu.vector_store %arg2[%swap3A_1229, %swap3A_1230], %dot_general3A_1225 {strides = array<i32>} : memref<14336x128xf32, #tpu.memory_space<vmem>>, vector<128x64xf32>,
    %slice3A_1232 = vector.extract_strided_slice %get3A_1 {offsets = [0, 28416], sizes = [64, 256], strides = [1, 1]} : vector<64x28672xf32> to vector<64x256xf32>
    %dot_general3A_1233 = arith.constant dense<0.000000e+00> : vector<128x64xf32>
    %dot_general3A_1234 = tpu.matmul %convert_element_type3A_5, %slice3A_1232, %dot_general3A_1233 {dimension_numbers = #tpu.dot_dimension_numbers<[1], [1], [0], [0], [0, 0, 1, 0], [], []>, transpose_lhs_hint = false} : vector<128x256xf32>, vector<64x256xf32>, vector<128x64xf32> -> vector<128x64xf32>
    %dot_general3A_1235 = arith.constant dense<0.000000e+00> : vector<128x64xf32>
    %dot_general3A_1236 = tpu.matmul %convert_element_type3A_13, %slice3A_1232, %dot_general3A_1235 {dimension_numbers = #tpu.dot_dimension_numbers<[1], [1], [0], [0], [0, 0, 1, 0], [], []>, transpose_lhs_hint = false} : vector<128x256xf32>, vector<64x256xf32>, vector<128x64xf32> -> vector<128x64xf32>
    %swap3A_1237 = arith.constant 14208 : index
    %swap3A_1238 = arith.constant 0 : index
    %swap3A_1239 = vector.load %arg2[%swap3A_1237, %swap3A_1238] : memref<14336x128xf32, #tpu.memory_space<vmem>>, vector<128x64xf32>
    tpu.vector_store %arg2[%swap3A_1237, %swap3A_1238], %dot_general3A_1234 {strides = array<i32>} : memref<14336x128xf32, #tpu.memory_space<vmem>>, vector<128x64xf32>,
    %swap3A_1240 = arith.constant 14208 : index
    %swap3A_1241 = arith.constant 64 : index
    %swap3A_1242 = vector.load %arg2[%swap3A_1240, %swap3A_1241] : memref<14336x128xf32, #tpu.memory_space<vmem>>, vector<128x64xf32>
    tpu.vector_store %arg2[%swap3A_1240, %swap3A_1241], %dot_general3A_1236 {strides = array<i32>} : memref<14336x128xf32, #tpu.memory_space<vmem>>, vector<128x64xf32>,
    return
  }
  func.func @transform_0(%arg0: i32) -> (i32, i32) {
    %c0_i32 = arith.constant 0 : i32
    %c0_i32_0 = arith.constant 0 : i32
    return %c0_i32, %arg0 : i32, i32
  }
  func.func @transform_1(%arg0: i32) -> (i32, i32) {
    %c0_i32 = arith.constant 0 : i32
    %c0_i32_0 = arith.constant 0 : i32
    return %arg0, %c0_i32 : i32, i32
  }
}

</mosaic_0001>

<sc_bundles>
// kernel: kernel.4.cloned.1.call-start
scs
__scs_entry_jumppad:
0x0: {  	(pc) =	sbr.rel $0x88, $3  }
0x1: {  	(tag) =	ssettag $0x0;
	lr =	simm.s32 $0x1  }
0x2: {  	[smem:$0x3F9F] =	sst lr;
	_ =	strace $0xD0000000  }
0x3: {  	_ = 	snop  }
0x4: {  	_ = 	snop  }
0x5: {  	_ = 	snop  }
0x6: {  	_ = 	snop  }
0x7: {  	_ = 	snop  }
__scs_overlays_trampoline_lowered:
0x8: {  	[smem:$0x3FAE] =	sst s0  }
0x9: {  	[smem:$0x3FAF] =	sst s1  }
0xa: {  	[smem:$0x3FB0] =	sst s2  }
0xb: {  	[smem:$0x3FB1] =	sst s3  }
0xc: {  	[smem:$0x3FB2] =	sst s4  }
0xd: {  	[smem:$0x3FB3] =	sst s5  }
0xe: {  	[smem:$0x3FB4] =	sst s6  }
0xf: {  	[smem:$0x3FB5] =	sst s7  }
0x10: {  	[smem:$0x3FB6] =	sst s8  }
0x11: {  	[smem:$0x3FB7] =	sst s9;
	s0 =	simm.s32 @!p0 $0x0  }
0x12: {  	s1 =	sld [smem:$0x3F9D];
	s0 =	simm.s32 @p0 $0x1  }
0x13: {  	[smem:$0x3FB8] =	sst s0;
	s0 =	simm.s32 @!p1 $0x0  }
0x14: {  	s2 =	sld [smem:$0x3F9C];
	s0 =	simm.s32 @p1 $0x1  }
0x15: {  	[smem:$0x3FB9] =	sst s0;
	s0 =	simm.s32 @!p2 $0x0  }
0x16: {  	s3 =	sld [smem:$0x3FDB];
	s0 =	simm.s32 @p2 $0x1  }
0x17: {  	s4 =	simm.s32 $0x1BF5;
	[smem:$0x3FBB] =	sst s0  }
0x18: {  	s0 =	sld [smem:$0x3F9E];
	_ =	swait.ge [sflag:s4], $0x0  }
0x19: {  	s7 =	sld [smem:$0x3F9F]  }
0x1a: {  	s8 =	sadd.s32 $0xFFFFE003, lr  }
0x1b: {  	s9 =	sadd.s32 $0xFFFFFEF7, lr;
	s5 =	simm.s32 $0xFFFFFFFF;
	p2 =	slt.u32 s8, $0xFFFFF086  }
0x1c: {  	p1 =	slt.u32 s9, $0xF7A;
	s5 =	simm.s32 @!p2 $0x0  }
0x1d: {  	s5 =	simm.s32 @p1 $0x1;
	p0 =	seq.s32 s7, s2  }
0x1e: {  	s7 =	smul.u32 @!p0 $0xF7A, s2;
	p2 =	seq.s32 @!p0 s5, $0x0  }
0x1f: {  	s9 =	smul.u32 $0xF7A, s1;
	s8 =	simm.s32 @!p0 $0x1BF5;
	p2 =	por !p2, p0  }
0x20: {  	[sflag:s8] =	ssyncset.s32 @!p0 $0xFFFFF086;
	s6 =	sadd.s32 @!p0 s3, s7;
	s7 =	simm.s32 @!p0 $0x108  }
0x21: {  	s3 =	sadd.s32 s3, s9;
	s6 =	sadd.s32 @!p0 $0x88, s6;
	s7 =	simm.s32 @p2 $0x1082  }
0x22: {  	[simem:s7], [sflag:s8] =	dma.local @!p0 [hbm:s6], $0xF7A  }
0x23: {  	s9 =	sor.u32 $0xD0000000, s2;
	s6 =	simm.s32 $0x108;
	_ =	swait.ge @!p0 [sflag:s8], $0x0  }
0x24: {  	s3 =	sadd.s32 $0x88, s3;
	s6 =	simm.s32 @!p1 $0x1082;
	[sflag:s4] =	ssyncset.s32 $0xFFFFF086  }
0x25: {  	[simem:s6], [sflag:s4] =	dma.local [hbm:s3], $0xF7A  }
0x26: {  	[smem:$0x3F9F] =	sst s1;
	(tag) =	ssettag s2;
	_ =	strace s9  }
0x27: {  	s1 =	sld [smem:$0x3FAF]  }
0x28: {  	s2 =	sld [smem:$0x3FB0]  }
0x29: {  	s4 =	sld [smem:$0x3FB2]  }
0x2a: {  	p0 =	seq.s32 s5, $0x0;
	s5 =	sld [smem:$0x3FB3]  }
0x2b: {  	s6 =	sld [smem:$0x3FB4]  }
0x2c: {  	s7 =	sld [smem:$0x3FB5]  }
0x2d: {  	s3 =	simm.s32 $0x108;
	s8 =	sld [smem:$0x3FB6]  }
0x2e: {  	s3 =	simm.s32 @!p0 $0x1082;
	s9 =	sld [smem:$0x3FB7]  }
0x2f: {  	lr =	sadd.s32 s0, s3;
	s0 =	sld [smem:$0x3FAE]  }
0x30: {  	s3 =	sld [smem:$0x3FB1]  }
0x31: {  	[smem:$0x3FBA] =	sst s10  }
0x32: {  	s10 =	sld [smem:$0x3FB8];
	_ =	sdelay $0x3  }
0x33: {  	p0 =	seq.s32 s10, $0x1;
	s10 =	sld [smem:$0x3FBA];
	_ =	sdelay $0x3  }
0x34: {  	[smem:$0x3FBA] =	sst s10  }
0x35: {  	s10 =	sld [smem:$0x3FB9];
	_ =	sdelay $0x3  }
0x36: {  	p1 =	seq.s32 s10, $0x1;
	s10 =	sld [smem:$0x3FBA];
	_ =	sdelay $0x3  }
0x37: {  	[smem:$0x3FBA] =	sst s10  }
0x38: {  	s10 =	sld [smem:$0x3FBB]  }
0x39: {  	_ = 	snop;
	(pc) =	sbr.ind lr, $3  }
0x3a: {  	_ = 	snop  }
0x3b: {  	_ = 	snop  }
0x3c: {  	p2 =	seq.s32 s10, $0x1;
	s10 =	sld [smem:$0x3FBA]  }
0x3d: {  	_ =	shalt  }
0x3e: {  	_ =	shalt  }
0x3f: {  	_ =	shalt  }
0x40: {  	_ =	shalt  }
0x41: {  	_ =	shalt  }
0x42: {  	_ =	shalt  }
0x43: {  	_ =	shalt  }
0x44: {  	_ =	shalt  }
0x45: {  	_ =	shalt  }
0x46: {  	_ =	shalt  }
0x47: {  	_ =	shalt  }
0x48: {  	_ =	shalt  }
0x49: {  	_ =	shalt  }
0x4a: {  	_ =	shalt  }
0x4b: {  	_ =	shalt  }
0x4c: {  	_ =	shalt  }
0x4d: {  	_ =	shalt  }
0x4e: {  	_ =	shalt  }
0x4f: {  	_ =	shalt  }
0x50: {  	_ =	shalt  }
0x51: {  	_ =	shalt  }
0x52: {  	_ =	shalt  }
0x53: {  	_ =	shalt  }
0x54: {  	_ =	shalt  }
0x55: {  	_ =	shalt  }
0x56: {  	_ =	shalt  }
0x57: {  	_ =	shalt  }
0x58: {  	_ =	shalt  }
0x59: {  	_ =	shalt  }
0x5a: {  	_ =	shalt  }
0x5b: {  	_ =	shalt  }
0x5c: {  	_ =	shalt  }
0x5d: {  	_ =	shalt  }
0x5e: {  	_ =	shalt  }
0x5f: {  	_ =	shalt  }
0x60: {  	_ =	shalt  }
0x61: {  	_ =	shalt  }
0x62: {  	_ =	shalt  }
0x63: {  	_ =	shalt  }
0x64: {  	_ =	shalt  }
0x65: {  	_ =	shalt  }
0x66: {  	_ =	shalt  }
0x67: {  	_ =	shalt  }
0x68: {  	_ =	shalt  }
0x69: {  	_ =	shalt  }
0x6a: {  	_ =	shalt  }
0x6b: {  	_ =	shalt  }
0x6c: {  	_ =	shalt  }
0x6d: {  	_ =	shalt  }
0x6e: {  	_ =	shalt  }
0x6f: {  	_ =	shalt  }
0x70: {  	_ =	shalt  }
0x71: {  	_ =	shalt  }
0x72: {  	_ =	shalt  }
0x73: {  	_ =	shalt  }
0x74: {  	_ =	shalt  }
0x75: {  	_ =	shalt  }
0x76: {  	_ =	shalt  }
0x77: {  	_ =	shalt  }
0x78: {  	_ =	shalt  }
0x79: {  	_ =	shalt  }
0x7a: {  	_ =	shalt  }
0x7b: {  	_ =	shalt  }
0x7c: {  	_ =	shalt  }
0x7d: {  	_ =	shalt  }
0x7e: {  	_ =	shalt  }
0x7f: {  	_ =	shalt  }
0x80: {  	_ =	shalt  }
0x81: {  	_ =	shalt  }
0x82: {  	_ =	shalt  }
0x83: {  	_ =	shalt  }
0x84: {  	_ =	shalt  }
0x85: {  	_ =	shalt  }
0x86: {  	_ =	shalt  }
0x87: {  	_ =	shalt  }
.Lfunc_end0:
.L_simem_size_0:
called_computation_lowered:
.L_overlay_start_0:
0x88: {  	s2 =	sld [smem:$0x3FD9]  }
0x89: {  	s3 =	sld [smem:$0x3FFE];
	_ =	sdelay $0x1  }
0x8a: {  	s1 =	srdreg.scid  }
0x8b: {  	s0 =	sand.u32 $0x1, s1  }
0x8c: {  	s17 =	sshll.u32 s0, $0xA;
	s2 =	sadd.s32 s3, s2  }
0x8d: {  	s2 =	sadd.s32 s2, s17  }
0x8e: {  	[smem:$0x3FC6] =	sst s2  }
0x8f: {  	_ = 	snop  }
0x90: {  	s2 =	sld [smem:$0x3FD0];
	(tm) =	ssettm $0x1  }
0x91: {  	s18 =	sld [smem:$0x3FFB];
	_ =	sdelay $0x3  }
0x92: {  	_ =	strace s18  }
0x93: {  	s3 =	sld [smem:$0x3FFC];
	_ =	sdelay $0x3  }
0x94: {  	_ =	strace s3  }
0x95: {  	s3 =	sld [smem:$0x3FFD];
	_ =	sdelay $0x3  }
0x96: {  	_ =	strace s3  }
0x97: {  	_ =	strace $0x8FFFFFFF  }
0x98: {  	s19 =	sld [smem:$0x3FDB];
	_ =	sdelay $0x1  }
0x99: {  	s4 =	simm.s32 $_scs_section_size  }
0x9a: {  	s5 =	simm.s32 $_size__tile_overlayer_lowered;
	s6 =	simm.s32 $_tile_overlayer_lowered  }
0x9b: {  	s22 =	simm.s32 $0x1BFF;
	s21 =	sshll.u32 s6, $0x1;
	s3 =	sadd.s32 s4, s19  }
0x9c: {  	s7 =	simm.s32 $0x0;
	s20 =	sshll.u32 s5, $0x1;
	s5 =	sadd.s32 s21, s3  }
0x9d: {  	[timem:s7], [sflag:s22] =	dma.local [hbm:s5], s20  }
0x9e: {  	_ =	swait.ge [sflag:s22], s20  }
0x9f: {  	s4 =	ssub.s32 $0x0, s20;
	[sflag:s22] =	ssyncset.done $0x0  }
0xa0: {  	[sflag:s22] =	ssyncadd.s32 s4;
	_ =	sdelay $0x1  }
0xa1: {  	s23 =	simm.s32 $0x1B8B  }
0xa2: {  	_ =	swait.ge [sflag:s23], $0x1  }
0xa3: {  	[sflag:s23] =	ssyncset.done $0x0  }
0xa4: {  	s25 =	simm.s32 $0x1B8E;
	s24 =	sld [smem:$0x3FFE];
	[sflag:s23] =	ssyncadd.s32 $0xFFFFFFFF  }
0xa5: {  	s26 =	simm.s32 $execute0_lowered;
	[smem:$0x3FD2] =	sst s25  }
0xa6: {  	s5 =	sshll.u32 s26, $0x1;
	_ =	strace $0x80000046;
	[dreg:$0x1] =	wrdreg $0xFFFFFFFF  }
0xa7: {  	s28 =	simm.s32 $_size_execute0_lowered;
	s3 =	sadd.s32 s3, s5;
	[dreg:$0x0] =	wrdreg $0x0  }
0xa8: {  	s5 =	sshll.u32 s28, $0x1;
	[dreg:$0x2] =	wrdreg s3  }
0xa9: {  	[dreg:$0x3] =	wrdreg s5  }
0xaa: {  	[dreg:$0x4] =	wrdreg $0xC0  }
0xab: {  	_ =	task [dreg:s7], $0x5FFFF  }
0xac: {  	[dreg:$0x1] =	wrdreg $0xFFFFFFFF  }
0xad: {  	[dreg:$0x0] =	wrdreg $0x60  }
0xae: {  	[dreg:$0x2] =	wrdreg s24  }
0xaf: {  	[dreg:$0x3] =	wrdreg s2  }
0xb0: {  	[dreg:$0x4] =	wrdreg $0x9  }
0xb1: {  	_ =	task.clear_ibuf [dreg:s7], $0x5FFFF;
	_ =	strace $0x90000046  }
0xb2: {  	s29 =	simm.s32 $0x9;
	_ =	strace $0x80000048  }
0xb3: {  	_ =	swait.ge [sflag:s29], $0x1  }
0xb4: {  	[sflag:s29] =	ssyncadd.s32 $0xFFFFFFFF  }
0xb5: {  	_ =	strace $0x90000048  }
0xb6: {  	_ =	sfence  }
0xb7: {  	s30 =	sld [smem:$0x0];
	_ =	sdelay $0x2  }
0xb8: {  	s31 =	sshll.u32 s1, $0xD;
	s1 =	sshrl.u32 s1, $0x2  }
0xb9: {  	s3 =	sand.u32 $0x4000, s31;
	s1 =	sadd.s32 s1, s30  }
0xba: {  	s0 =	sor.u32 s3, s0;
	s1 =	sshll.u32 s1, $0x11  }
0xbb: {  	s0 =	sor.u32 s1, s0  }
0xbc: {  	s0 =	sadd.s32 $0x8F2B, s0  }
0xbd: {  	[sflag:s0] =	ssyncadd.remote.s32 $0x1  }
0xbe: {  	_ =	sfence.sel $0xFFFF  }
0xbf: {  	[dreg:$0x0] =	wrdreg $0xFFFFFFFF;
	(pc) =	sbr.abs _section_cstart, $3  }
0xc0: {  	[dreg:$0x1] =	wrdreg $0xFFFFFFFF  }
0xc1: {  	_ =	task.clear_ibuf [dreg:s7], $0x2FFFF;
	_ =	strace $0x9FFFFFFF  }
0xc2: {  	(tm) =	ssettm $0x7FFFFFFF  }
0xc3: {  	_ =	shalt  }
tec
execute0_lowered:
.L_overlay_start_1:
0x0: {  	(tag) =	ssettag $0x1  }
0x1: {  	v0 =	vlaneseq.u32  }
0x2: {  	v0 =	vmul.u32 $0x88, v0;
	_ =	sdelay $0x1  }
0x3: {  	v1 =	vadd.s32 $0x80, v0  }
0x4: {  	v4 =	vadd.s32 $0x901, v0;
	v5 =	vadd.s32 $0x1180, v0;
	v6 =	vadd.s32 $0x1181, v0  }
0x5: {  	s0 =	srdreg.scid;
	s1 =	rddreg [dreg:$0x0];
	v7 =	vadd.s32 $0x1A00, v0;
	v8 =	vadd.s32 $0x1A01, v0;
	v9 =	vadd.s32 $0x2280, v0  }
0x6: {  	s2 =	stileid.u32;
	s4 =	rddreg [dreg:$0x1];
	v10 =	vadd.s32 $0x2281, v0;
	v11 =	vadd.s32 $0x2B00, v0;
	v12 =	vadd.s32 $0x2B01, v0  }
0x7: {  	s28 =	simm.s32 $0x180;
	s29 =	simm.s32 $0x380;
	s31 =	simm.s32 $0x8600;
	v13 =	vadd.s32 $0x3380, v0;
	v14 =	vadd.s32 $0x3381, v0;
	v15 =	vadd.s32 $0x3C00, v0  }
0x8: {  	s30 =	simm.s32 $0x3;
	s0 =	sand.u32 $0x1, s0;
	s5 =	sshll.u32 s2, $0x9;
	v16 =	vadd.s32 $0x3C01, v0;
	v17 =	vadd.s32 $0x4480, v0;
	v18 =	vadd.s32 $0x4481, v0  }
0x9: {  	s2 =	simm.s32 $0x0;
	s3 =	sshll.u32 s0, $0xD;
	s0 =	ssub.s32 $0x2, s0;
	v19 =	vadd.s32 $0x4D00, v0;
	v20 =	vadd.s32 $0x4D01, v0;
	v21 =	vadd.s32 $0x5580, v0  }
0xa: {  	[smem:$0x7FF] =	sst s2;
	s5 =	sor.u32 s5, s3;
	s7 =	sshrl.u32 s0, $0x1;
	v22 =	vadd.s32 $0x5581, v0;
	v23 =	vadd.s32 $0x5E00, v0;
	v24 =	vadd.s32 $0x5E01, v0  }
0xb: {  	v25 =	vadd.s32 $0x6680, v0;
	v26 =	vadd.s32 $0x6681, v0;
	v27 =	vadd.s32 $0x6F00, v0;
	s3 =	sshrl.u32 s5, $0x3;
	s0 =	ssub.s32 s0, s7;
	s26 =	smul.u32 $0x11, s5  }
0xc: {  	v28 =	vadd.s32 $0x6F01, v0;
	v29 =	vadd.s32 $0x7780, v0;
	[tilespmem:$0x1FFD0] =	vst v1;
	v1 =	vadd.s32 $0x81, v0;
	s5 =	simm.s32 $0x4;
	s6 =	sadd.s32 s3, s1;
	s3 =	sadd.s32 $0x1C00, s1  }
0xd: {  	v30 =	vadd.s32 $0x7781, v0;
	v31 =	vor.u32 $0x8000, v0;
	[tilespmem:$0x1FFE0] =	vst v1;
	v1 =	vadd.s32 $0x900, v0;
	s17 =	smax.u32 s0, $0x1;
	s1 =	simm.s32 $0x600;
	s0 =	simm.s32 $0x4600  }
0xe: {  	v32 =	vor.u32 $0x8001, v0;
	v33 =	vadd.s32 $0x8880, v0;
	[tilespmem:$0x1FFF0] =	vst v1;
	s18 =	sadd.s32 $0x400, s6;
	s19 =	sadd.s32 $0xC00, s6;
	s20 =	sadd.s32 $0x1400, s6  }
0xf: {  	v34 =	vadd.s32 $0x8881, v0;
	v35 =	vadd.s32 $0x9100, v0;
	v36 =	vadd.s32 $0x9101, v0;
	s21 =	sadd.s32 $0x410, s6;
	_ =	strace $0x80000047;
	[dreg:$0x3] =	wrdreg s18  }
0x10: {  	v37 =	vadd.s32 $0x9980, v0;
	v38 =	vadd.s32 $0x9981, v0;
	v39 =	vadd.s32 $0xA200, v0;
	s22 =	sadd.s32 $0xC10, s6;
	s23 =	sadd.s32 $0x1410, s6;
	[dreg:$0x4] =	wrdreg s19  }
0x11: {  	v40 =	vadd.s32 $0xA201, v0;
	v41 =	vadd.s32 $0xAA80, v0;
	v42 =	vadd.s32 $0xAA81, v0;
	s24 =	sadd.s32 $0x420, s6;
	s25 =	sadd.s32 $0xC20, s6;
	[dreg:$0x5] =	wrdreg s20  }
0x12: {  	v43 =	vadd.s32 $0xB300, v0;
	v44 =	vadd.s32 $0xB301, v0;
	v45 =	vadd.s32 $0xBB80, v0;
	s12 =	sadd.s32 $0x1420, s6;
	s13 =	sadd.s32 $0x430, s6;
	[dreg:$0x6] =	wrdreg s21  }
0x13: {  	v46 =	vadd.s32 $0xBB81, v0;
	v47 =	vadd.s32 $0xC400, v0;
	v48 =	vadd.s32 $0xC401, v0;
	s14 =	sadd.s32 $0xC30, s6;
	s15 =	sadd.s32 $0x1430, s6;
	[dreg:$0x7] =	wrdreg s22  }
0x14: {  	v49 =	vadd.s32 $0xCC80, v0;
	v50 =	vadd.s32 $0xCC81, v0;
	v51 =	vadd.s32 $0xD500, v0;
	s16 =	sadd.s32 s4, s26;
	s26 =	simm.s32 $0x1;
	[dreg:$0x8] =	wrdreg s23  }
0x15: {  	v52 =	vadd.s32 $0xD501, v0;
	v53 =	vadd.s32 $0xDD80, v0;
	v54 =	vadd.s32 $0xDD81, v0;
	s4 =	simm.s32 $0x2;
	s6 =	simm.s32 $0x0;
	[dreg:$0x9] =	wrdreg s24  }
0x16: {  	v55 =	vadd.s32 $0xE600, v0;
	v56 =	vadd.s32 $0xE601, v0;
	v57 =	vadd.s32 $0xEE80, v0;
	[dreg:$0xa] =	wrdreg s25;
	s18 =	simm.s32 $0x5;
	s19 =	simm.s32 $0x200  }
0x17: {  	v58 =	vadd.s32 $0xEE81, v0;
	v59 =	vadd.s32 $0xF700, v0;
	v60 =	vadd.s32 $0xF701, v0;
	s21 =	simm.s32 $0x80;
	s22 =	simm.s32 $0x280;
	s24 =	simm.s32 $0x100  }
0x18: {  	v61 =	vadd.s32 $0xFF80, v0;
	v62 =	vadd.s32 $0xFF81, v0;
	v63 =	vor.u32 $0x10800, v0;
	s25 =	simm.s32 $0x300;
	s20 =	simm.s32 $0x2600;
	s23 =	simm.s32 $0x6600  }
.LBB2_1:
0x19: {  	s7 =	rddreg [dreg:$0x3]  }
0x1a: {  	[tilespmem:s2], [sflag:$0x5] =	stream.linear.gather [hbm4b:s7+s2], $0x80, $0x38;
	[tilespmem:$0x19600] =	vst v63  }
0x1b: {  	_ =	swait.ge [sflag:s18], $0x80  }
0x1c: {  	[sflag:s18] =	ssyncset.done $0x0  }
0x1d: {  	s9 =	rddreg [dreg:$0x4];
	[sflag:s18] =	ssyncadd.s32 $0xFFFFFF80  }
0x1e: {  	[tilespmem:s19], [sflag:$0x5] =	stream.linear.gather [hbm4b:s9+s2], $0x80, $0x38;
	[tilespmem:$0x19600] =	vst v63  }
0x1f: {  	_ =	swait.ge [sflag:s18], $0x80  }
0x20: {  	[sflag:s18] =	ssyncset.done $0x0  }
0x21: {  	s8 =	simm.s32 $0x400;
	s10 =	rddreg [dreg:$0x5];
	[sflag:s18] =	ssyncadd.s32 $0xFFFFFF80  }
0x22: {  	[tilespmem:s8], [sflag:$0x5] =	stream.linear.gather [hbm4b:s10+s2], $0x80, $0x38;
	[tilespmem:$0x19600] =	vst v63  }
0x23: {  	_ =	swait.ge [sflag:s18], $0x80  }
0x24: {  	[sflag:s18] =	ssyncset.done $0x0  }
0x25: {  	s11 =	rddreg [dreg:$0x6];
	[sflag:s18] =	ssyncadd.s32 $0xFFFFFF80  }
0x26: {  	[tilespmem:s21], [sflag:$0x5] =	stream.linear.gather [hbm4b:s11+s2], $0x80, $0x38;
	[tilespmem:$0x19600] =	vst v63  }
0x27: {  	_ =	swait.ge [sflag:s18], $0x80  }
0x28: {  	[sflag:s18] =	ssyncset.done $0x0  }
0x29: {  	s8 =	rddreg [dreg:$0x7];
	[sflag:s18] =	ssyncadd.s32 $0xFFFFFF80  }
0x2a: {  	[tilespmem:s22], [sflag:$0x5] =	stream.linear.gather [hbm4b:s8+s2], $0x80, $0x38;
	[tilespmem:$0x19600] =	vst v63  }
0x2b: {  	_ =	swait.ge [sflag:s18], $0x80  }
0x2c: {  	[sflag:s18] =	ssyncset.done $0x0  }
0x2d: {  	s10 =	simm.s32 $0x480;
	s9 =	rddreg [dreg:$0x8];
	[sflag:s18] =	ssyncadd.s32 $0xFFFFFF80  }
0x2e: {  	[tilespmem:s10], [sflag:$0x5] =	stream.linear.gather [hbm4b:s9+s2], $0x80, $0x38;
	[tilespmem:$0x19600] =	vst v63  }
0x2f: {  	_ =	swait.ge [sflag:s18], $0x80  }
0x30: {  	[sflag:s18] =	ssyncset.done $0x0  }
0x31: {  	s11 =	rddreg [dreg:$0x9];
	[sflag:s18] =	ssyncadd.s32 $0xFFFFFF80  }
0x32: {  	[tilespmem:s24], [sflag:$0x5] =	stream.linear.gather [hbm4b:s11+s2], $0x80, $0x38;
	[tilespmem:$0x19600] =	vst v63  }
0x33: {  	_ =	swait.ge [sflag:s18], $0x80  }
0x34: {  	[sflag:s18] =	ssyncset.done $0x0  }
0x35: {  	s8 =	rddreg [dreg:$0xa];
	[sflag:s18] =	ssyncadd.s32 $0xFFFFFF80  }
0x36: {  	[tilespmem:s25], [sflag:$0x5] =	stream.linear.gather [hbm4b:s8+s2], $0x80, $0x38;
	[tilespmem:$0x19600] =	vst v63  }
0x37: {  	_ =	swait.ge [sflag:s18], $0x80  }
0x38: {  	[sflag:s18] =	ssyncset.done $0x0  }
0x39: {  	s9 =	simm.s32 $0x500;
	[sflag:s18] =	ssyncadd.s32 $0xFFFFFF80  }
0x3a: {  	[tilespmem:s9], [sflag:$0x5] =	stream.linear.gather [hbm4b:s12+s2], $0x80, $0x38;
	[tilespmem:$0x19600] =	vst v63  }
0x3b: {  	_ =	swait.ge [sflag:s18], $0x80  }
0x3c: {  	[sflag:s18] =	ssyncset.done $0x0  }
0x3d: {  	[sflag:s18] =	ssyncadd.s32 $0xFFFFFF80  }
0x3e: {  	[tilespmem:s28], [sflag:$0x5] =	stream.linear.gather [hbm4b:s13+s2], $0x80, $0x38;
	[tilespmem:$0x19600] =	vst v63  }
0x3f: {  	_ =	swait.ge [sflag:s18], $0x80  }
0x40: {  	[sflag:s18] =	ssyncset.done $0x0  }
0x41: {  	[sflag:s18] =	ssyncadd.s32 $0xFFFFFF80  }
0x42: {  	[tilespmem:s29], [sflag:$0x5] =	stream.linear.gather [hbm4b:s14+s2], $0x80, $0x38;
	[tilespmem:$0x19600] =	vst v63  }
0x43: {  	_ =	swait.ge [sflag:s18], $0x80  }
0x44: {  	[sflag:s18] =	ssyncset.done $0x0  }
0x45: {  	s10 =	simm.s32 $0x580;
	[sflag:s18] =	ssyncadd.s32 $0xFFFFFF80  }
0x46: {  	[tilespmem:s10], [sflag:$0x5] =	stream.linear.gather [hbm4b:s15+s2], $0x80, $0x38;
	[tilespmem:$0x19600] =	vst v63  }
0x47: {  	_ =	swait.ge [sflag:s18], $0x80  }
0x48: {  	[sflag:s18] =	ssyncset.done $0x0  }
0x49: {  	v3 =	vld [tilespmem:$0x1FFD0];
	[sflag:s18] =	ssyncadd.s32 $0xFFFFFF80  }
0x4a: {  	v1 =	vld [tilespmem:$0x400];
	_ =	sdelay $0x4  }
0x4b: {  	v1 =	vcvt.s32.f32 v1  }
0x4c: {  	v2 =	vld [tilespmem:$0x0]  }
0x4d: {  	[tilespmem:v3+s31+$0x0] =	vst.idx.msk $0xffff, v1;
	v1 =	vld [tilespmem:$0x1FFE0];
	_ =	sdelay $0x5  }
0x4e: {  	v2 =	vcvt.s32.f32 v2;
	_ =	sdelay $0x1  }
0x4f: {  	v3 =	vld [tilespmem:$0x1FFF0];
	[tilespmem:v1+s31+$0x0] =	vst.idx.msk $0xffff, v2  }
0x50: {  	v1 =	vld [tilespmem:$0x410]  }
0x51: {  	v2 =	vld [tilespmem:$0x10];
	_ =	sdelay $0x3  }
0x52: {  	v1 =	vcvt.s32.f32 v1  }
0x53: {  	v2 =	vcvt.s32.f32 v2  }
0x54: {  	[tilespmem:v3+s31+$0x0] =	vst.idx.msk $0xffff, v1  }
0x55: {  	[tilespmem:v4+s31+$0x0] =	vst.idx.msk $0xffff, v2  }
0x56: {  	v1 =	vld [tilespmem:$0x420]  }
0x57: {  	v2 =	vld [tilespmem:$0x20];
	_ =	sdelay $0x3  }
0x58: {  	v1 =	vcvt.s32.f32 v1  }
0x59: {  	v2 =	vcvt.s32.f32 v2  }
0x5a: {  	[tilespmem:v5+s31+$0x0] =	vst.idx.msk $0xffff, v1  }
0x5b: {  	[tilespmem:v6+s31+$0x0] =	vst.idx.msk $0xffff, v2  }
0x5c: {  	v1 =	vld [tilespmem:$0x430]  }
0x5d: {  	v2 =	vld [tilespmem:$0x30];
	_ =	sdelay $0x3  }
0x5e: {  	v1 =	vcvt.s32.f32 v1  }
0x5f: {  	v2 =	vcvt.s32.f32 v2  }
0x60: {  	[tilespmem:v7+s31+$0x0] =	vst.idx.msk $0xffff, v1  }
0x61: {  	[tilespmem:v8+s31+$0x0] =	vst.idx.msk $0xffff, v2  }
0x62: {  	v1 =	vld [tilespmem:$0x440]  }
0x63: {  	v2 =	vld [tilespmem:$0x40];
	_ =	sdelay $0x3  }
0x64: {  	v1 =	vcvt.s32.f32 v1  }
0x65: {  	v2 =	vcvt.s32.f32 v2  }
0x66: {  	[tilespmem:v9+s31+$0x0] =	vst.idx.msk $0xffff, v1  }
0x67: {  	[tilespmem:v10+s31+$0x0] =	vst.idx.msk $0xffff, v2  }
0x68: {  	v1 =	vld [tilespmem:$0x450]  }
0x69: {  	v2 =	vld [tilespmem:$0x50];
	_ =	sdelay $0x3  }
0x6a: {  	v1 =	vcvt.s32.f32 v1  }
0x6b: {  	v2 =	vcvt.s32.f32 v2  }
0x6c: {  	[tilespmem:v11+s31+$0x0] =	vst.idx.msk $0xffff, v1  }
0x6d: {  	[tilespmem:v12+s31+$0x0] =	vst.idx.msk $0xffff, v2  }
0x6e: {  	v1 =	vld [tilespmem:$0x460]  }
0x6f: {  	v2 =	vld [tilespmem:$0x60];
	_ =	sdelay $0x3  }
0x70: {  	v1 =	vcvt.s32.f32 v1  }
0x71: {  	v2 =	vcvt.s32.f32 v2  }
0x72: {  	[tilespmem:v13+s31+$0x0] =	vst.idx.msk $0xffff, v1  }
0x73: {  	[tilespmem:v14+s31+$0x0] =	vst.idx.msk $0xffff, v2  }
0x74: {  	v1 =	vld [tilespmem:$0x470]  }
0x75: {  	v2 =	vld [tilespmem:$0x70];
	_ =	sdelay $0x3  }
0x76: {  	v1 =	vcvt.s32.f32 v1  }
0x77: {  	v2 =	vcvt.s32.f32 v2  }
0x78: {  	[tilespmem:v15+s31+$0x0] =	vst.idx.msk $0xffff, v1  }
0x79: {  	[tilespmem:v16+s31+$0x0] =	vst.idx.msk $0xffff, v2  }
0x7a: {  	v1 =	vld [tilespmem:$0x480]  }
0x7b: {  	v2 =	vld [tilespmem:$0x80];
	_ =	sdelay $0x3  }
0x7c: {  	v1 =	vcvt.s32.f32 v1  }
0x7d: {  	v2 =	vcvt.s32.f32 v2  }
0x7e: {  	[tilespmem:v17+s31+$0x0] =	vst.idx.msk $0xffff, v1  }
0x7f: {  	[tilespmem:v18+s31+$0x0] =	vst.idx.msk $0xffff, v2  }
0x80: {  	v1 =	vld [tilespmem:$0x490]  }
0x81: {  	v2 =	vld [tilespmem:$0x90];
	_ =	sdelay $0x3  }
0x82: {  	v1 =	vcvt.s32.f32 v1  }
0x83: {  	v2 =	vcvt.s32.f32 v2  }
0x84: {  	[tilespmem:v19+s31+$0x0] =	vst.idx.msk $0xffff, v1  }
0x85: {  	[tilespmem:v20+s31+$0x0] =	vst.idx.msk $0xffff, v2  }
0x86: {  	v1 =	vld [tilespmem:$0x4A0]  }
0x87: {  	v2 =	vld [tilespmem:$0xA0];
	_ =	sdelay $0x3  }
0x88: {  	v1 =	vcvt.s32.f32 v1  }
0x89: {  	v2 =	vcvt.s32.f32 v2  }
0x8a: {  	[tilespmem:v21+s31+$0x0] =	vst.idx.msk $0xffff, v1  }
0x8b: {  	[tilespmem:v22+s31+$0x0] =	vst.idx.msk $0xffff, v2  }
0x8c: {  	v1 =	vld [tilespmem:$0x4B0]  }
0x8d: {  	v2 =	vld [tilespmem:$0xB0];
	_ =	sdelay $0x3  }
0x8e: {  	v1 =	vcvt.s32.f32 v1  }
0x8f: {  	v2 =	vcvt.s32.f32 v2  }
0x90: {  	[tilespmem:v23+s31+$0x0] =	vst.idx.msk $0xffff, v1  }
0x91: {  	[tilespmem:v24+s31+$0x0] =	vst.idx.msk $0xffff, v2  }
0x92: {  	v1 =	vld [tilespmem:$0x4C0]  }
0x93: {  	v2 =	vld [tilespmem:$0xC0];
	_ =	sdelay $0x3  }
0x94: {  	v1 =	vcvt.s32.f32 v1  }
0x95: {  	v2 =	vcvt.s32.f32 v2  }
0x96: {  	[tilespmem:v25+s31+$0x0] =	vst.idx.msk $0xffff, v1  }
0x97: {  	[tilespmem:v26+s31+$0x0] =	vst.idx.msk $0xffff, v2  }
0x98: {  	v1 =	vld [tilespmem:$0x4D0]  }
0x99: {  	v2 =	vld [tilespmem:$0xD0];
	_ =	sdelay $0x3  }
0x9a: {  	v1 =	vcvt.s32.f32 v1  }
0x9b: {  	v2 =	vcvt.s32.f32 v2  }
0x9c: {  	[tilespmem:v27+s31+$0x0] =	vst.idx.msk $0xffff, v1  }
0x9d: {  	[tilespmem:v28+s31+$0x0] =	vst.idx.msk $0xffff, v2  }
0x9e: {  	v1 =	vld [tilespmem:$0x4E0]  }
0x9f: {  	v2 =	vld [tilespmem:$0xE0];
	_ =	sdelay $0x3  }
0xa0: {  	v1 =	vcvt.s32.f32 v1  }
0xa1: {  	v2 =	vcvt.s32.f32 v2  }
0xa2: {  	[tilespmem:v29+s31+$0x0] =	vst.idx.msk $0xffff, v1  }
0xa3: {  	[tilespmem:v30+s31+$0x0] =	vst.idx.msk $0xffff, v2  }
0xa4: {  	v1 =	vld [tilespmem:$0x4F0]  }
0xa5: {  	v2 =	vld [tilespmem:$0xF0];
	_ =	sdelay $0x3  }
0xa6: {  	v1 =	vcvt.s32.f32 v1  }
0xa7: {  	v2 =	vcvt.s32.f32 v2  }
0xa8: {  	[tilespmem:v31+s31+$0x0] =	vst.idx.msk $0xffff, v1  }
0xa9: {  	[tilespmem:v32+s31+$0x0] =	vst.idx.msk $0xffff, v2  }
0xaa: {  	v1 =	vld [tilespmem:$0x500]  }
0xab: {  	v2 =	vld [tilespmem:$0x100];
	_ =	sdelay $0x3  }
0xac: {  	v1 =	vcvt.s32.f32 v1  }
0xad: {  	v2 =	vcvt.s32.f32 v2  }
0xae: {  	[tilespmem:v33+s31+$0x0] =	vst.idx.msk $0xffff, v1  }
0xaf: {  	[tilespmem:v34+s31+$0x0] =	vst.idx.msk $0xffff, v2  }
0xb0: {  	v1 =	vld [tilespmem:$0x510]  }
0xb1: {  	v2 =	vld [tilespmem:$0x110];
	_ =	sdelay $0x3  }
0xb2: {  	v1 =	vcvt.s32.f32 v1  }
0xb3: {  	v2 =	vcvt.s32.f32 v2  }
0xb4: {  	[tilespmem:v35+s31+$0x0] =	vst.idx.msk $0xffff, v1  }
0xb5: {  	[tilespmem:v36+s31+$0x0] =	vst.idx.msk $0xffff, v2  }
0xb6: {  	v1 =	vld [tilespmem:$0x520]  }
0xb7: {  	v2 =	vld [tilespmem:$0x120];
	_ =	sdelay $0x3  }
0xb8: {  	v1 =	vcvt.s32.f32 v1  }
0xb9: {  	v2 =	vcvt.s32.f32 v2  }
0xba: {  	[tilespmem:v37+s31+$0x0] =	vst.idx.msk $0xffff, v1  }
0xbb: {  	[tilespmem:v38+s31+$0x0] =	vst.idx.msk $0xffff, v2  }
0xbc: {  	v1 =	vld [tilespmem:$0x530]  }
0xbd: {  	v2 =	vld [tilespmem:$0x130];
	_ =	sdelay $0x3  }
0xbe: {  	v1 =	vcvt.s32.f32 v1  }
0xbf: {  	v2 =	vcvt.s32.f32 v2  }
0xc0: {  	[tilespmem:v39+s31+$0x0] =	vst.idx.msk $0xffff, v1  }
0xc1: {  	[tilespmem:v40+s31+$0x0] =	vst.idx.msk $0xffff, v2  }
0xc2: {  	v1 =	vld [tilespmem:$0x540]  }
0xc3: {  	v2 =	vld [tilespmem:$0x140];
	_ =	sdelay $0x3  }
0xc4: {  	v1 =	vcvt.s32.f32 v1  }
0xc5: {  	v2 =	vcvt.s32.f32 v2  }
0xc6: {  	[tilespmem:v41+s31+$0x0] =	vst.idx.msk $0xffff, v1  }
0xc7: {  	[tilespmem:v42+s31+$0x0] =	vst.idx.msk $0xffff, v2  }
0xc8: {  	v1 =	vld [tilespmem:$0x550]  }
0xc9: {  	v2 =	vld [tilespmem:$0x150];
	_ =	sdelay $0x3  }
0xca: {  	v1 =	vcvt.s32.f32 v1  }
0xcb: {  	v2 =	vcvt.s32.f32 v2  }
0xcc: {  	[tilespmem:v43+s31+$0x0] =	vst.idx.msk $0xffff, v1  }
0xcd: {  	[tilespmem:v44+s31+$0x0] =	vst.idx.msk $0xffff, v2  }
0xce: {  	v1 =	vld [tilespmem:$0x560]  }
0xcf: {  	v2 =	vld [tilespmem:$0x160];
	_ =	sdelay $0x3  }
0xd0: {  	v1 =	vcvt.s32.f32 v1  }
0xd1: {  	v2 =	vcvt.s32.f32 v2  }
0xd2: {  	[tilespmem:v45+s31+$0x0] =	vst.idx.msk $0xffff, v1  }
0xd3: {  	[tilespmem:v46+s31+$0x0] =	vst.idx.msk $0xffff, v2  }
0xd4: {  	v1 =	vld [tilespmem:$0x570]  }
0xd5: {  	v2 =	vld [tilespmem:$0x170];
	_ =	sdelay $0x3  }
0xd6: {  	v1 =	vcvt.s32.f32 v1  }
0xd7: {  	v2 =	vcvt.s32.f32 v2  }
0xd8: {  	[tilespmem:v47+s31+$0x0] =	vst.idx.msk $0xffff, v1  }
0xd9: {  	[tilespmem:v48+s31+$0x0] =	vst.idx.msk $0xffff, v2  }
0xda: {  	v1 =	vld [tilespmem:$0x580]  }
0xdb: {  	v2 =	vld [tilespmem:$0x180];
	_ =	sdelay $0x3  }
0xdc: {  	v1 =	vcvt.s32.f32 v1  }
0xdd: {  	v2 =	vcvt.s32.f32 v2  }
0xde: {  	[tilespmem:v49+s31+$0x0] =	vst.idx.msk $0xffff, v1  }
0xdf: {  	[tilespmem:v50+s31+$0x0] =	vst.idx.msk $0xffff, v2  }
0xe0: {  	v1 =	vld [tilespmem:$0x590]  }
0xe1: {  	v2 =	vld [tilespmem:$0x190];
	_ =	sdelay $0x3  }
0xe2: {  	v1 =	vcvt.s32.f32 v1  }
0xe3: {  	v2 =	vcvt.s32.f32 v2  }
0xe4: {  	[tilespmem:v51+s31+$0x0] =	vst.idx.msk $0xffff, v1  }
0xe5: {  	[tilespmem:v52+s31+$0x0] =	vst.idx.msk $0xffff, v2  }
0xe6: {  	v1 =	vld [tilespmem:$0x5A0]  }
0xe7: {  	v2 =	vld [tilespmem:$0x1A0];
	_ =	sdelay $0x3  }
0xe8: {  	v1 =	vcvt.s32.f32 v1  }
0xe9: {  	v2 =	vcvt.s32.f32 v2  }
0xea: {  	[tilespmem:v53+s31+$0x0] =	vst.idx.msk $0xffff, v1  }
0xeb: {  	[tilespmem:v54+s31+$0x0] =	vst.idx.msk $0xffff, v2  }
0xec: {  	v1 =	vld [tilespmem:$0x5B0]  }
0xed: {  	v2 =	vld [tilespmem:$0x1B0];
	_ =	sdelay $0x3  }
0xee: {  	v1 =	vcvt.s32.f32 v1  }
0xef: {  	v2 =	vcvt.s32.f32 v2  }
0xf0: {  	[tilespmem:v55+s31+$0x0] =	vst.idx.msk $0xffff, v1  }
0xf1: {  	[tilespmem:v56+s31+$0x0] =	vst.idx.msk $0xffff, v2  }
0xf2: {  	v1 =	vld [tilespmem:$0x5C0]  }
0xf3: {  	v2 =	vld [tilespmem:$0x1C0];
	_ =	sdelay $0x3  }
0xf4: {  	v1 =	vcvt.s32.f32 v1  }
0xf5: {  	v2 =	vcvt.s32.f32 v2  }
0xf6: {  	[tilespmem:v57+s31+$0x0] =	vst.idx.msk $0xffff, v1  }
0xf7: {  	[tilespmem:v58+s31+$0x0] =	vst.idx.msk $0xffff, v2  }
0xf8: {  	v1 =	vld [tilespmem:$0x5D0]  }
0xf9: {  	v2 =	vld [tilespmem:$0x1D0];
	_ =	sdelay $0x3  }
0xfa: {  	v1 =	vcvt.s32.f32 v1  }
0xfb: {  	v2 =	vcvt.s32.f32 v2  }
0xfc: {  	[tilespmem:v59+s31+$0x0] =	vst.idx.msk $0xffff, v1  }
0xfd: {  	[tilespmem:v60+s31+$0x0] =	vst.idx.msk $0xffff, v2  }
0xfe: {  	v1 =	vld [tilespmem:$0x5E0]  }
0xff: {  	v2 =	vld [tilespmem:$0x1E0];
	_ =	sdelay $0x3  }
0x100: {  	v1 =	vcvt.s32.f32 v1  }
0x101: {  	v2 =	vcvt.s32.f32 v2  }
0x102: {  	[tilespmem:v61+s31+$0x0] =	vst.idx.msk $0xffff, v1  }
0x103: {  	[tilespmem:v62+s31+$0x0] =	vst.idx.msk $0xffff, v2  }
0x104: {  	v1 =	vld [tilespmem:$0x5F0]  }
0x105: {  	v2 =	vld [tilespmem:$0x1F0];
	_ =	sdelay $0x1  }
0x106: {  	v3 =	vor.u32 $0x10801, v0;
	_ =	sdelay $0x1  }
0x107: {  	v1 =	vcvt.s32.f32 v1  }
0x108: {  	v2 =	vcvt.s32.f32 v2  }
0x109: {  	[tilespmem:v63+s31+$0x0] =	vst.idx.msk $0xffff, v1  }
0x10a: {  	[tilespmem:v3+s31+$0x0] =	vst.idx.msk $0xffff, v2  }
0x10b: {  	[tilespmem:s1], [sflag:$0x1] =	stream.indirect.gather [hbm4b:s3+s21], $0x40, s2, s21, $0xb8;
	[tilespmem:$0x19600] =	vst v63  }
0x10c: {  	_ = 	snop  }
0x10d: {  	[tilespmem:s0], [sflag:$0x3] =	stream.indirect.gather [hbm4b:s3+s21], $0x40, s19, s21, $0xb8;
	[tilespmem:$0x19600] =	vst v63  }
0x10e: {  	_ = 	snop  }
0x10f: {  	[tilespmem:s20], [sflag:$0x2] =	stream.indirect.gather [hbm4b:s3+s21], $0x40, s21, s21, $0xb8;
	[tilespmem:$0x19600] =	vst v63  }
0x110: {  	_ = 	snop  }
0x111: {  	[tilespmem:s23], [sflag:$0x4] =	stream.indirect.gather [hbm4b:s3+s21], $0x40, s22, s21, $0xb8;
	[tilespmem:$0x19600] =	vst v63  }
0x112: {  	_ =	swait.ge [sflag:s26], $0x2000  }
0x113: {  	[sflag:s26] =	ssyncset.done $0x0  }
0x114: {  	[sflag:s26] =	ssyncadd.s32 $0xFFFFE000  }
0x115: {  	_ =	swait.ge [sflag:s30], $0x2000  }
0x116: {  	[sflag:s30] =	ssyncset.done $0x0  }
0x117: {  	s11 =	simm.s32 $0x0;
	[sflag:s30] =	ssyncadd.s32 $0xFFFFE000  }
0x118: {  	v1 =	vld [tilespmem:s11+$0x600];
	_ =	sdelay $0x3  }
0x119: {  	s7 =	simm.s32 $0x8640  }
0x11a: {  	[tilespmem:s7+$0xFFFFFFC0] =	vst v1  }
0x11b: {  	v1 =	vld [tilespmem:s11+$0x610];
	_ =	sdelay $0x4  }
0x11c: {  	[tilespmem:s7+$0xFFFFFFD0] =	vst v1  }
0x11d: {  	v1 =	vld [tilespmem:s11+$0x620];
	_ =	sdelay $0x4  }
0x11e: {  	[tilespmem:s7+$0xFFFFFFE0] =	vst v1  }
0x11f: {  	v1 =	vld [tilespmem:s11+$0x630];
	_ =	sdelay $0x4  }
0x120: {  	[tilespmem:s7+$0xFFFFFFF0] =	vst v1  }
0x121: {  	v1 =	vld [tilespmem:s11+$0x4600];
	_ =	sdelay $0x4  }
0x122: {  	[tilespmem:s7+$0x0] =	vst v1  }
0x123: {  	v1 =	vld [tilespmem:s11+$0x4610];
	_ =	sdelay $0x4  }
0x124: {  	[tilespmem:s7+$0x10] =	vst v1  }
0x125: {  	v1 =	vld [tilespmem:s11+$0x4620];
	_ =	sdelay $0x4  }
0x126: {  	[tilespmem:s7+$0x20] =	vst v1  }
0x127: {  	v1 =	vld [tilespmem:s11+$0x4630];
	_ =	sdelay $0x4  }
0x128: {  	s8 =	simm.s32 $0x40;
	s9 =	simm.s32 $0x200;
	[tilespmem:s7+$0x30] =	vst v1  }
.LBB2_2:
0x129: {  	p0 =	sne.s32 s9, $0x7F00;
	v1 =	vld [tilespmem:s8+$0x600];
	_ =	sdelay $0x3  }
0x12a: {  	s7 =	sadd.s32 $0x88, s7  }
0x12b: {  	[tilespmem:s7+$0xFFFFFFC0] =	vst v1  }
0x12c: {  	v1 =	vld [tilespmem:s8+$0x610];
	_ =	sdelay $0x4  }
0x12d: {  	[tilespmem:s7+$0xFFFFFFD0] =	vst v1  }
0x12e: {  	v1 =	vld [tilespmem:s8+$0x620];
	_ =	sdelay $0x4  }
0x12f: {  	[tilespmem:s7+$0xFFFFFFE0] =	vst v1  }
0x130: {  	v1 =	vld [tilespmem:s8+$0x630];
	_ =	sdelay $0x4  }
0x131: {  	[tilespmem:s7+$0xFFFFFFF0] =	vst v1  }
0x132: {  	v1 =	vld [tilespmem:s8+$0x4600];
	_ =	sdelay $0x4  }
0x133: {  	[tilespmem:s7+$0x0] =	vst v1  }
0x134: {  	v1 =	vld [tilespmem:s8+$0x4610];
	_ =	sdelay $0x4  }
0x135: {  	[tilespmem:s7+$0x10] =	vst v1  }
0x136: {  	v1 =	vld [tilespmem:s8+$0x4620];
	_ =	sdelay $0x4  }
0x137: {  	[tilespmem:s7+$0x20] =	vst v1  }
0x138: {  	v1 =	vld [tilespmem:s8+$0x4630]  }
.Ltmp0:
0x139: {  	(pc) =	sbr.rel @p0 .LBB2_2-.Ltmp0, $2  }
0x13a: {  	_ =	sdelay $0x2  }
0x13b: {  	s8 =	sshra.s32 s9, $0x2;
	s9 =	sadd.s32 $0x100, s9;
	[tilespmem:s7+$0x30] =	vst v1  }
0x13c: {  	v1 =	vld [tilespmem:s8+$0x600];
	_ =	sdelay $0x3  }
0x13d: {  	s7 =	sadd.s32 $0x88, s7  }
0x13e: {  	[tilespmem:s7+$0xFFFFFFC0] =	vst v1  }
0x13f: {  	v1 =	vld [tilespmem:s8+$0x610];
	_ =	sdelay $0x4  }
0x140: {  	[tilespmem:s7+$0xFFFFFFD0] =	vst v1  }
0x141: {  	v1 =	vld [tilespmem:s8+$0x620];
	_ =	sdelay $0x4  }
0x142: {  	[tilespmem:s7+$0xFFFFFFE0] =	vst v1  }
0x143: {  	v1 =	vld [tilespmem:s8+$0x630];
	_ =	sdelay $0x4  }
0x144: {  	[tilespmem:s7+$0xFFFFFFF0] =	vst v1  }
0x145: {  	v1 =	vld [tilespmem:s8+$0x4600];
	_ =	sdelay $0x4  }
0x146: {  	[tilespmem:s7+$0x0] =	vst v1  }
0x147: {  	v1 =	vld [tilespmem:s8+$0x4610];
	_ =	sdelay $0x4  }
0x148: {  	[tilespmem:s7+$0x10] =	vst v1  }
0x149: {  	v1 =	vld [tilespmem:s8+$0x4620];
	_ =	sdelay $0x4  }
0x14a: {  	[tilespmem:s7+$0x20] =	vst v1  }
0x14b: {  	v1 =	vld [tilespmem:s8+$0x4630];
	_ =	sdelay $0x4  }
0x14c: {  	[tilespmem:s7+$0x30] =	vst v1  }
0x14d: {  	[tilespmem:s1], [sflag:$0x1] =	stream.indirect.gather [hbm4b:s3+s21], $0x40, s24, s21, $0xb8;
	[tilespmem:$0x19600] =	vst v63  }
0x14e: {  	_ = 	snop  }
0x14f: {  	[tilespmem:s0], [sflag:$0x3] =	stream.indirect.gather [hbm4b:s3+s21], $0x40, s25, s21, $0xb8;
	[tilespmem:$0x19600] =	vst v63  }
0x150: {  	_ =	swait.ge [sflag:s4], $0x2000  }
0x151: {  	[sflag:s4] =	ssyncset.done $0x0  }
0x152: {  	[sflag:s4] =	ssyncadd.s32 $0xFFFFE000  }
0x153: {  	_ =	swait.ge [sflag:s5], $0x2000  }
0x154: {  	[sflag:s5] =	ssyncset.done $0x0  }
0x155: {  	s10 =	simm.s32 $0x2630;
	[sflag:s5] =	ssyncadd.s32 $0xFFFFE000  }
0x156: {  	v1 =	vld [tilespmem:s10+$0xFFFFFFD0];
	_ =	sdelay $0x3  }
0x157: {  	s11 =	simm.s32 $0x0  }
0x158: {  	[tilespmem:s11+$0xCA00] =	vst v1  }
0x159: {  	v1 =	vld [tilespmem:s10+$0xFFFFFFE0];
	_ =	sdelay $0x4  }
0x15a: {  	[tilespmem:s11+$0xCA10] =	vst v1  }
0x15b: {  	v1 =	vld [tilespmem:s10+$0xFFFFFFF0];
	_ =	sdelay $0x4  }
0x15c: {  	[tilespmem:s11+$0xCA20] =	vst v1  }
0x15d: {  	v1 =	vld [tilespmem:s10+$0x0];
	_ =	sdelay $0x4  }
0x15e: {  	s7 =	simm.s32 $0x6630;
	[tilespmem:s11+$0xCA30] =	vst v1  }
0x15f: {  	v1 =	vld [tilespmem:s7+$0xFFFFFFD0];
	_ =	sdelay $0x4  }
0x160: {  	[tilespmem:s11+$0xCA40] =	vst v1  }
0x161: {  	v1 =	vld [tilespmem:s7+$0xFFFFFFE0];
	_ =	sdelay $0x4  }
0x162: {  	[tilespmem:s11+$0xCA50] =	vst v1  }
0x163: {  	v1 =	vld [tilespmem:s7+$0xFFFFFFF0];
	_ =	sdelay $0x4  }
0x164: {  	[tilespmem:s11+$0xCA60] =	vst v1  }
0x165: {  	v1 =	vld [tilespmem:s7+$0x0];
	_ =	sdelay $0x4  }
0x166: {  	s8 =	simm.s32 $0x2670;
	[tilespmem:s11+$0xCA70] =	vst v1  }
0x167: {  	s9 =	simm.s32 $0x220;
	s10 =	simm.s32 $0x440;
	v1 =	vld [tilespmem:s8+$0xFFFFFFD0]  }
.LBB2_4:
0x168: {  	p0 =	sne.s32 s10, $0x10DE0;
	_ =	sdelay $0x2  }
0x169: {  	s11 =	sshra.s32 s9, $0x2;
	s9 =	smov.u32 s10  }
0x16a: {  	[tilespmem:s11+$0xCA00] =	vst v1  }
0x16b: {  	v1 =	vld [tilespmem:s8+$0xFFFFFFE0];
	_ =	sdelay $0x4  }
0x16c: {  	[tilespmem:s11+$0xCA10] =	vst v1  }
0x16d: {  	v1 =	vld [tilespmem:s8+$0xFFFFFFF0];
	_ =	sdelay $0x4  }
0x16e: {  	[tilespmem:s11+$0xCA20] =	vst v1  }
0x16f: {  	v1 =	vld [tilespmem:s8+$0x0];
	_ =	sdelay $0x4  }
0x170: {  	s7 =	sadd.s32 $0x40, s7;
	[tilespmem:s11+$0xCA30] =	vst v1  }
0x171: {  	v1 =	vld [tilespmem:s7+$0xFFFFFFD0];
	_ =	sdelay $0x4  }
0x172: {  	[tilespmem:s11+$0xCA40] =	vst v1  }
0x173: {  	v1 =	vld [tilespmem:s7+$0xFFFFFFE0];
	_ =	sdelay $0x4  }
0x174: {  	[tilespmem:s11+$0xCA50] =	vst v1  }
0x175: {  	v1 =	vld [tilespmem:s7+$0xFFFFFFF0];
	_ =	sdelay $0x4  }
0x176: {  	[tilespmem:s11+$0xCA60] =	vst v1  }
0x177: {  	v1 =	vld [tilespmem:s7+$0x0];
	_ =	sdelay $0x1  }
.Ltmp1:
0x178: {  	(pc) =	sbr.rel @p0 .LBB2_4-.Ltmp1, $3  }
0x179: {  	_ =	sdelay $0x1  }
0x17a: {  	s8 =	sadd.s32 $0x40, s8;
	[tilespmem:s11+$0xCA70] =	vst v1  }
0x17b: {  	s10 =	sadd.s32 $0x220, s10;
	v1 =	vld [tilespmem:s8+$0xFFFFFFD0]  }
0x17c: {  	_ =	sdelay $0x2  }
0x17d: {  	s9 =	sshra.s32 s9, $0x2  }
0x17e: {  	[tilespmem:s9+$0xCA00] =	vst v1  }
0x17f: {  	v1 =	vld [tilespmem:s8+$0xFFFFFFE0];
	_ =	sdelay $0x4  }
0x180: {  	[tilespmem:s9+$0xCA10] =	vst v1  }
0x181: {  	v1 =	vld [tilespmem:s8+$0xFFFFFFF0];
	_ =	sdelay $0x4  }
0x182: {  	[tilespmem:s9+$0xCA20] =	vst v1  }
0x183: {  	v1 =	vld [tilespmem:s8+$0x0];
	_ =	sdelay $0x4  }
0x184: {  	s7 =	sadd.s32 $0x40, s7;
	[tilespmem:s9+$0xCA30] =	vst v1  }
0x185: {  	v1 =	vld [tilespmem:s7+$0xFFFFFFD0];
	_ =	sdelay $0x4  }
0x186: {  	[tilespmem:s9+$0xCA40] =	vst v1  }
0x187: {  	v1 =	vld [tilespmem:s7+$0xFFFFFFE0];
	_ =	sdelay $0x4  }
0x188: {  	[tilespmem:s9+$0xCA50] =	vst v1  }
0x189: {  	v1 =	vld [tilespmem:s7+$0xFFFFFFF0];
	_ =	sdelay $0x4  }
0x18a: {  	[tilespmem:s9+$0xCA60] =	vst v1  }
0x18b: {  	v1 =	vld [tilespmem:s7+$0x0];
	_ =	sdelay $0x4  }
0x18c: {  	[tilespmem:s9+$0xCA70] =	vst v1  }
0x18d: {  	[tilespmem:s20], [sflag:$0x2] =	stream.indirect.gather [hbm4b:s3+s21], $0x40, s28, s21, $0xb8;
	[tilespmem:$0x19600] =	vst v63  }
0x18e: {  	_ = 	snop  }
0x18f: {  	[tilespmem:s23], [sflag:$0x4] =	stream.indirect.gather [hbm4b:s3+s21], $0x40, s29, s21, $0xb8;
	[tilespmem:$0x19600] =	vst v63  }
0x190: {  	_ =	swait.ge [sflag:s26], $0x2000  }
0x191: {  	[sflag:s26] =	ssyncset.done $0x0  }
0x192: {  	[sflag:s26] =	ssyncadd.s32 $0xFFFFE000  }
0x193: {  	_ =	swait.ge [sflag:s30], $0x2000  }
0x194: {  	[sflag:s30] =	ssyncset.done $0x0  }
0x195: {  	s10 =	simm.s32 $0x620;
	[sflag:s30] =	ssyncadd.s32 $0xFFFFE000  }
0x196: {  	v1 =	vld [tilespmem:s10+$0xFFFFFFE0];
	_ =	sdelay $0x3  }
0x197: {  	s11 =	simm.s32 $0x0  }
0x198: {  	[tilespmem:s11+$0x10E00] =	vst v1  }
0x199: {  	v1 =	vld [tilespmem:s10+$0xFFFFFFF0];
	_ =	sdelay $0x4  }
0x19a: {  	[tilespmem:s11+$0x10E10] =	vst v1  }
0x19b: {  	v1 =	vld [tilespmem:s10+$0x0];
	_ =	sdelay $0x4  }
0x19c: {  	[tilespmem:s11+$0x10E20] =	vst v1  }
0x19d: {  	v1 =	vld [tilespmem:s10+$0x10];
	_ =	sdelay $0x4  }
0x19e: {  	s7 =	simm.s32 $0x4620;
	[tilespmem:s11+$0x10E30] =	vst v1  }
0x19f: {  	v1 =	vld [tilespmem:s7+$0xFFFFFFE0];
	_ =	sdelay $0x4  }
0x1a0: {  	[tilespmem:s11+$0x10E40] =	vst v1  }
0x1a1: {  	v1 =	vld [tilespmem:s7+$0xFFFFFFF0];
	_ =	sdelay $0x4  }
0x1a2: {  	[tilespmem:s11+$0x10E50] =	vst v1  }
0x1a3: {  	v1 =	vld [tilespmem:s7+$0x0];
	_ =	sdelay $0x4  }
0x1a4: {  	[tilespmem:s11+$0x10E60] =	vst v1  }
0x1a5: {  	v1 =	vld [tilespmem:s7+$0x10];
	_ =	sdelay $0x4  }
0x1a6: {  	s8 =	simm.s32 $0x660;
	[tilespmem:s11+$0x10E70] =	vst v1  }
0x1a7: {  	s9 =	simm.s32 $0x220;
	s10 =	simm.s32 $0x440;
	v1 =	vld [tilespmem:s8+$0xFFFFFFE0]  }
.LBB2_6:
0x1a8: {  	p0 =	sne.s32 s10, $0x10DE0;
	_ =	sdelay $0x2  }
0x1a9: {  	s11 =	sshra.s32 s9, $0x2;
	s9 =	smov.u32 s10  }
0x1aa: {  	[tilespmem:s11+$0x10E00] =	vst v1  }
0x1ab: {  	v1 =	vld [tilespmem:s8+$0xFFFFFFF0];
	_ =	sdelay $0x4  }
0x1ac: {  	[tilespmem:s11+$0x10E10] =	vst v1  }
0x1ad: {  	v1 =	vld [tilespmem:s8+$0x0];
	_ =	sdelay $0x4  }
0x1ae: {  	[tilespmem:s11+$0x10E20] =	vst v1  }
0x1af: {  	v1 =	vld [tilespmem:s8+$0x10];
	_ =	sdelay $0x4  }
0x1b0: {  	s7 =	sadd.s32 $0x40, s7;
	[tilespmem:s11+$0x10E30] =	vst v1  }
0x1b1: {  	v1 =	vld [tilespmem:s7+$0xFFFFFFE0];
	_ =	sdelay $0x4  }
0x1b2: {  	[tilespmem:s11+$0x10E40] =	vst v1  }
0x1b3: {  	v1 =	vld [tilespmem:s7+$0xFFFFFFF0];
	_ =	sdelay $0x4  }
0x1b4: {  	[tilespmem:s11+$0x10E50] =	vst v1  }
0x1b5: {  	v1 =	vld [tilespmem:s7+$0x0];
	_ =	sdelay $0x4  }
0x1b6: {  	[tilespmem:s11+$0x10E60] =	vst v1  }
0x1b7: {  	v1 =	vld [tilespmem:s7+$0x10];
	_ =	sdelay $0x1  }
.Ltmp2:
0x1b8: {  	(pc) =	sbr.rel @p0 .LBB2_6-.Ltmp2, $3  }
0x1b9: {  	_ =	sdelay $0x1  }
0x1ba: {  	s8 =	sadd.s32 $0x40, s8;
	[tilespmem:s11+$0x10E70] =	vst v1  }
0x1bb: {  	s10 =	sadd.s32 $0x220, s10;
	v1 =	vld [tilespmem:s8+$0xFFFFFFE0]  }
0x1bc: {  	_ =	sdelay $0x2  }
0x1bd: {  	s9 =	sshra.s32 s9, $0x2  }
0x1be: {  	[tilespmem:s9+$0x10E00] =	vst v1  }
0x1bf: {  	v1 =	vld [tilespmem:s8+$0xFFFFFFF0];
	_ =	sdelay $0x4  }
0x1c0: {  	[tilespmem:s9+$0x10E10] =	vst v1  }
0x1c1: {  	v1 =	vld [tilespmem:s8+$0x0];
	_ =	sdelay $0x4  }
0x1c2: {  	[tilespmem:s9+$0x10E20] =	vst v1  }
0x1c3: {  	v1 =	vld [tilespmem:s8+$0x10];
	_ =	sdelay $0x4  }
0x1c4: {  	s7 =	sadd.s32 $0x40, s7;
	[tilespmem:s9+$0x10E30] =	vst v1  }
0x1c5: {  	v1 =	vld [tilespmem:s7+$0xFFFFFFE0];
	_ =	sdelay $0x4  }
0x1c6: {  	[tilespmem:s9+$0x10E40] =	vst v1  }
0x1c7: {  	v1 =	vld [tilespmem:s7+$0xFFFFFFF0];
	_ =	sdelay $0x4  }
0x1c8: {  	[tilespmem:s9+$0x10E50] =	vst v1  }
0x1c9: {  	v1 =	vld [tilespmem:s7+$0x0];
	_ =	sdelay $0x4  }
0x1ca: {  	[tilespmem:s9+$0x10E60] =	vst v1  }
0x1cb: {  	v1 =	vld [tilespmem:s7+$0x10];
	_ =	sdelay $0x4  }
0x1cc: {  	[tilespmem:s9+$0x10E70] =	vst v1  }
0x1cd: {  	_ =	swait.ge [sflag:s4], $0x2000  }
0x1ce: {  	[sflag:s4] =	ssyncset.done $0x0  }
0x1cf: {  	[sflag:s4] =	ssyncadd.s32 $0xFFFFE000  }
0x1d0: {  	_ =	swait.ge [sflag:s5], $0x2000  }
0x1d1: {  	[sflag:s5] =	ssyncset.done $0x0  }
0x1d2: {  	s10 =	simm.s32 $0x2630;
	[sflag:s5] =	ssyncadd.s32 $0xFFFFE000  }
0x1d3: {  	v1 =	vld [tilespmem:s10+$0xFFFFFFD0];
	_ =	sdelay $0x3  }
0x1d4: {  	s11 =	simm.s32 $0x0  }
0x1d5: {  	[tilespmem:s11+$0x15200] =	vst v1  }
0x1d6: {  	v1 =	vld [tilespmem:s10+$0xFFFFFFE0];
	_ =	sdelay $0x4  }
0x1d7: {  	[tilespmem:s11+$0x15210] =	vst v1  }
0x1d8: {  	v1 =	vld [tilespmem:s10+$0xFFFFFFF0];
	_ =	sdelay $0x4  }
0x1d9: {  	[tilespmem:s11+$0x15220] =	vst v1  }
0x1da: {  	v1 =	vld [tilespmem:s10+$0x0];
	_ =	sdelay $0x4  }
0x1db: {  	s7 =	simm.s32 $0x6630;
	[tilespmem:s11+$0x15230] =	vst v1  }
0x1dc: {  	v1 =	vld [tilespmem:s7+$0xFFFFFFD0];
	_ =	sdelay $0x4  }
0x1dd: {  	[tilespmem:s11+$0x15240] =	vst v1  }
0x1de: {  	v1 =	vld [tilespmem:s7+$0xFFFFFFE0];
	_ =	sdelay $0x4  }
0x1df: {  	[tilespmem:s11+$0x15250] =	vst v1  }
0x1e0: {  	v1 =	vld [tilespmem:s7+$0xFFFFFFF0];
	_ =	sdelay $0x4  }
0x1e1: {  	[tilespmem:s11+$0x15260] =	vst v1  }
0x1e2: {  	v1 =	vld [tilespmem:s7+$0x0];
	_ =	sdelay $0x4  }
0x1e3: {  	s8 =	simm.s32 $0x2670;
	[tilespmem:s11+$0x15270] =	vst v1  }
0x1e4: {  	s9 =	simm.s32 $0x220;
	s10 =	simm.s32 $0x440;
	v1 =	vld [tilespmem:s8+$0xFFFFFFD0]  }
.LBB2_8:
0x1e5: {  	p0 =	sne.s32 s10, $0x10DE0;
	_ =	sdelay $0x2  }
0x1e6: {  	s11 =	sshra.s32 s9, $0x2;
	s9 =	smov.u32 s10  }
0x1e7: {  	[tilespmem:s11+$0x15200] =	vst v1  }
0x1e8: {  	v1 =	vld [tilespmem:s8+$0xFFFFFFE0];
	_ =	sdelay $0x4  }
0x1e9: {  	[tilespmem:s11+$0x15210] =	vst v1  }
0x1ea: {  	v1 =	vld [tilespmem:s8+$0xFFFFFFF0];
	_ =	sdelay $0x4  }
0x1eb: {  	[tilespmem:s11+$0x15220] =	vst v1  }
0x1ec: {  	v1 =	vld [tilespmem:s8+$0x0];
	_ =	sdelay $0x4  }
0x1ed: {  	s7 =	sadd.s32 $0x40, s7;
	[tilespmem:s11+$0x15230] =	vst v1  }
0x1ee: {  	v1 =	vld [tilespmem:s7+$0xFFFFFFD0];
	_ =	sdelay $0x4  }
0x1ef: {  	[tilespmem:s11+$0x15240] =	vst v1  }
0x1f0: {  	v1 =	vld [tilespmem:s7+$0xFFFFFFE0];
	_ =	sdelay $0x4  }
0x1f1: {  	[tilespmem:s11+$0x15250] =	vst v1  }
0x1f2: {  	v1 =	vld [tilespmem:s7+$0xFFFFFFF0];
	_ =	sdelay $0x4  }
0x1f3: {  	[tilespmem:s11+$0x15260] =	vst v1  }
0x1f4: {  	v1 =	vld [tilespmem:s7+$0x0];
	_ =	sdelay $0x1  }
.Ltmp3:
0x1f5: {  	(pc) =	sbr.rel @p0 .LBB2_8-.Ltmp3, $3  }
0x1f6: {  	_ =	sdelay $0x1  }
0x1f7: {  	s8 =	sadd.s32 $0x40, s8;
	[tilespmem:s11+$0x15270] =	vst v1  }
0x1f8: {  	s10 =	sadd.s32 $0x220, s10;
	v1 =	vld [tilespmem:s8+$0xFFFFFFD0]  }
0x1f9: {  	_ =	sdelay $0x2  }
0x1fa: {  	s9 =	sshra.s32 s9, $0x2  }
0x1fb: {  	[tilespmem:s9+$0x15200] =	vst v1  }
0x1fc: {  	v1 =	vld [tilespmem:s8+$0xFFFFFFE0];
	_ =	sdelay $0x4  }
0x1fd: {  	[tilespmem:s9+$0x15210] =	vst v1  }
0x1fe: {  	v1 =	vld [tilespmem:s8+$0xFFFFFFF0];
	_ =	sdelay $0x4  }
0x1ff: {  	[tilespmem:s9+$0x15220] =	vst v1  }
0x200: {  	v1 =	vld [tilespmem:s8+$0x0];
	_ =	sdelay $0x4  }
0x201: {  	s7 =	sadd.s32 $0x40, s7;
	[tilespmem:s9+$0x15230] =	vst v1  }
0x202: {  	v1 =	vld [tilespmem:s7+$0xFFFFFFD0];
	_ =	sdelay $0x4  }
0x203: {  	[tilespmem:s9+$0x15240] =	vst v1  }
0x204: {  	v1 =	vld [tilespmem:s7+$0xFFFFFFE0];
	_ =	sdelay $0x4  }
0x205: {  	[tilespmem:s9+$0x15250] =	vst v1  }
0x206: {  	v1 =	vld [tilespmem:s7+$0xFFFFFFF0];
	_ =	sdelay $0x4  }
0x207: {  	[tilespmem:s9+$0x15260] =	vst v1  }
0x208: {  	v1 =	vld [tilespmem:s7+$0x0];
	_ =	sdelay $0x2  }
0x209: {  	s6 =	sadd.s32 $0x1, s6  }
0x20a: {  	p0 =	sne.s32 s6, s17  }
.Ltmp4:
0x20b: {  	[tilespmem:s9+$0x15270] =	vst v1;
	(pc) =	sbr.rel @p0 .LBB2_1-.Ltmp4, $4  }
0x20c: {  	[hbm4b:s16+s2] =	stream.linear.scatter [tilespmem:s31], [sflag:$0x5], $0x11000, $0x38;
	[tilespmem:$0x19600] =	vst v63  }
0x20d: {  	_ =	swait.ge [sflag:s18], $0x11000  }
0x20e: {  	[sflag:s18] =	ssyncset.done $0x0  }
0x20f: {  	[sflag:s18] =	ssyncadd.s32 $0xFFFEF000  }
0x210: {  	_ =	sfence.sel $0x180000  }
0x211: {  	[bflag:$0x0] =	sbarrier.arrive $0xFFFF  }
0x212: {  	_ =	strace $0x90000047  }
0x213: {  	s0 =	stileid.u32;
	[bflag:$0x2] =	sbarrier.arrive $0xFFFF  }
0x214: {  	p0 =	sne.s32 s0, $0x0;
	s0 =	rddreg [dreg:$0x2]  }
0x215: {  	s0 =	sadd.s32 @!p0 $0x100000, s0  }
0x216: {  	[sflag:s0] =	ssyncadd.tile.s32 @!p0 $0x1;
	_ =	shalt  }
.Lfunc_end2:
_tile_overlayer_lowered:
.L_overlay_start_2:
0x217: {  	(tag) =	ssettag $0x2  }
0x218: {  	s0 =	rddreg [dreg:$0x0];
	s2 =	stileid.u32  }
0x219: {  	s1 =	rddreg [dreg:$0x1];
	p0 =	sne.s32 s2, $0x0  }
0x21a: {  	s3 =	rddreg [dreg:$0x2];
	[bflag:$0x3] =	sbarrier.arrive $0xFFFF;
	s2 =	simm.s32 @!p0 $0x1C05  }
0x21b: {  	[timem:s3], [sflag:s2] =	dma.local @!p0 [hbm:s0], s1  }
0x21c: {  	s0 =	simm.s32 @!p0 $0x5  }
0x21d: {  	_ =	swait.ge @!p0 [sflag:s0], s1  }
0x21e: {  	s1 =	ssub.s32 @!p0 $0x0, s1;
	[sflag:s0] =	ssyncset.done @!p0 $0x0  }
0x21f: {  	[sflag:s0] =	ssyncadd.s32 @!p0 s1  }
0x220: {  	[bflag:$0x3] =	sbarrier.arrive $0xFFFF  }
0x221: {  	_ =	shalt  }

</sc_bundles>
